<compile_context>
chip_gen: v7x
topology: tpu7x:2x2x1
jax: 0.10.2.dev20260603
libtpu: 0.0.44.dev20260713+nightly
codegen_flags: <defaults>
</compile_context>

<pallas_src>
import functools

import jax
import jax.numpy as jnp
from jax import lax
from jax.experimental import pallas as pl
from jax.experimental.pallas import tpu as pltpu
from jax.experimental.pallas import tpu_sc as plsc

_NC = 2
_NS = 16
_NW = _NC * _NS
_L = 16

_FCB = 256
_PCB = 1024

_PARAMS = pltpu.CompilerParams(needs_layout_passes=False,
                               use_tc_tiling_on_sc=False)


def _rsqrt(x, steps=3):
    i = plsc.bitcast(x, jnp.int32)
    y = plsc.bitcast(jnp.int32(0x5F3759DF) - (i >> 1), jnp.float32)
    xh = x * 0.5
    for _ in range(steps):
        y = y * (1.5 - xh * y * y)
    return y


def _col(c):
    return jnp.full((_L,), c, jnp.int32)


def _pack2(a, b):
    ia = plsc.bitcast(a, jnp.int32)
    ia = ia + 0x7FFF + ((ia >> 16) & 1)
    ib = plsc.bitcast(b, jnp.int32)
    ib = ib + 0x7FFF + ((ib >> 16) & 1)
    word = (ia & jnp.int32(-65536)) | ((ib >> 16) & 0xFFFF)
    return plsc.bitcast(word, jnp.float32)


def _unpack2(w):
    i = plsc.bitcast(w, jnp.int32)
    hi = plsc.bitcast(i & jnp.int32(-65536), jnp.float32)
    lo = plsc.bitcast(i << 16, jnp.float32)
    return hi, lo


def _maybe(pred, fn):
    if isinstance(pred, bool):
        if pred:
            fn()
    else:
        pl.when(pred)(fn)


def _make_facetab_kernel(f_pad):
    nchunk = f_pad // (_NW * _FCB)
    mesh = plsc.VectorSubcoreMesh(core_axis_name="c", subcore_axis_name="s")

    @functools.partial(
        pl.kernel,
        out_type=jax.ShapeDtypeStruct((f_pad * 8,), jnp.float32),
        mesh=mesh,
        compiler_params=_PARAMS,
        scratch_types=[
            pltpu.VMEM((_FCB * 3,), jnp.int32),
            pltpu.VMEM((_FCB * 3,), jnp.int32),
            pltpu.VMEM((_FCB * 3, 8), jnp.float32),
            pltpu.VMEM((_FCB * 3, 8), jnp.float32),
            pltpu.VMEM((_FCB * 8,), jnp.float32),
            pltpu.SemaphoreType.DMA,
            pltpu.SemaphoreType.DMA,
            pltpu.SemaphoreType.DMA,
            pltpu.SemaphoreType.DMA,
        ],
    )
    def facetab_kernel(verts_hbm, faces_hbm, ftab_hbm, fidx0, fidx1, vrows0,
                       vrows1, fout_v, si0, si1, sg0, sg1):
        fidxs, vrows = (fidx0, fidx1), (vrows0, vrows1)
        sin, sg = (si0, si1), (sg0, sg1)
        wid = lax.axis_index("c") * _NS + lax.axis_index("s")
        iota = lax.iota(jnp.int32, _L)
        iota8 = iota * 8
        tec_base = wid * (nchunk * _FCB)

        def start_in(ch, b):
            fbase = tec_base + ch * _FCB
            for j in range(3):
                pltpu.async_copy(
                    faces_hbm.at[pl.ds(j * f_pad + fbase, _FCB)],
                    fidxs[b].at[pl.ds(j * _FCB, _FCB)], sin[b])

        def wait_in(b):
            pltpu.make_async_copy(faces_hbm.at[pl.ds(0, _FCB * 3)],
                                  fidxs[b], sin[b]).wait()

        halfa = (_FCB * 3) // 2

        def start_gather(b):
            pltpu.async_copy(verts_hbm.at[fidxs[b].at[pl.ds(0, halfa)]],
                             vrows[b].at[pl.ds(0, halfa)], sg[b])
            pltpu.async_copy(verts_hbm.at[fidxs[b].at[pl.ds(halfa, halfa)]],
                             vrows[b].at[pl.ds(halfa, halfa)], sg[b])

        def wait_gather(b):
            pltpu.make_async_copy(verts_hbm.at[fidxs[b]], vrows[b],
                                  sg[b]).wait()

        def do_chunk(ch, b, pred_next, pred_next2):
            q = 1 - b

            def _next():
                wait_in(q)
                start_gather(q)
            _maybe(pred_next, _next)
            wait_gather(b)

            def group_body(g, c2):
                v = []
                for j in range(3):
                    row = j * _FCB + g * 16 + iota
                    v.append([plsc.load_gather(vrows[b], [row, _col(m)])
                              for m in range(3)])
                e1 = [v[1][m] - v[0][m] for m in range(3)]
                e2 = [v[2][m] - v[0][m] for m in range(3)]
                n = [e1[1] * e2[2] - e1[2] * e2[1],
                     e1[2] * e2[0] - e1[0] * e2[2],
                     e1[0] * e2[1] - e1[1] * e2[0]]
                len2 = jnp.maximum(n[0] * n[0] + n[1] * n[1] + n[2] * n[2],
                                   1e-24)
                r = _rsqrt(len2)
                nrm = [n[m] * r for m in range(3)]
                words = [_pack2(v[0][0], v[0][1]), _pack2(v[0][2], v[1][0]),
                         _pack2(v[1][1], v[1][2]), _pack2(v[2][0], v[2][1]),
                         _pack2(v[2][2], nrm[0]), _pack2(nrm[1], nrm[2])]
                obase = g * 128 + iota8
                for wi in range(6):
                    plsc.store_scatter(fout_v, [obase + wi], words[wi])
                return c2

            lax.fori_loop(0, _FCB // _L, group_body, 0)
            fbase = tec_base + ch * _FCB
            pltpu.sync_copy(fout_v, ftab_hbm.at[pl.ds(fbase * 8, _FCB * 8)])
            _maybe(pred_next2, lambda: start_in(ch + 2, b))

        start_in(0, 0)
        wait_in(0)
        start_gather(0)
        start_in(1, 1)

        def pair_body(cp, carry):
            for b in (0, 1):
                ch = cp * 2 + b
                do_chunk(ch, b, ch + 1 < nchunk, ch + 2 < nchunk)
            return carry

        lax.fori_loop(0, nchunk // 2, pair_body, 0)
        if nchunk % 2:
            do_chunk(nchunk - 1, (nchunk - 1) % 2, False, False)

    return facetab_kernel


def _make_shade_kernel(np_pix, f_pad, pix_per_batch):
    nchunk = np_pix // (_NW * _PCB)
    mesh = plsc.VectorSubcoreMesh(core_axis_name="c", subcore_axis_name="s")
    out = jax.ShapeDtypeStruct((np_pix,), jnp.float32)

    @functools.partial(
        pl.kernel,
        out_type=(out, out, out),
        mesh=mesh,
        compiler_params=_PARAMS,
        scratch_types=[
            pltpu.VMEM((_PCB * 3,), jnp.int32),
            pltpu.VMEM((_PCB * 3,), jnp.int32),
            pltpu.VMEM((_PCB * 9,), jnp.float32),
            pltpu.VMEM((_PCB * 9,), jnp.float32),
            pltpu.VMEM((_PCB * 3, 8), jnp.float32),
            pltpu.VMEM((_PCB * 3, 8), jnp.float32),
            pltpu.VMEM((_PCB,), jnp.float32),
            pltpu.VMEM((_PCB,), jnp.float32),
            pltpu.VMEM((_PCB,), jnp.float32),
            pltpu.VMEM((16,), jnp.float32),
            pltpu.SemaphoreType.DMA,
            pltpu.SemaphoreType.DMA,
            pltpu.SemaphoreType.DMA,
            pltpu.SemaphoreType.DMA,
        ],
    )
    def shade_kernel(ftab_hbm, p2f_hbm, bary_hbm, cam_hbm, o0_hbm, o1_hbm,
                     o2_hbm, idx0, idx1, bry0, bry1, rows0, rows1, o0_v, o1_v,
                     o2_v, cam_v, si0, si1, sg0, sg1):
        idxs, brys, rows = (idx0, idx1), (bry0, bry1), (rows0, rows1)
        sin, sg = (si0, si1), (sg0, sg1)
        wid = lax.axis_index("c") * _NS + lax.axis_index("s")
        iota = lax.iota(jnp.int32, _L)
        tec_base = wid * (nchunk * _PCB)
        pltpu.sync_copy(cam_hbm, cam_v)
        outs = (o0_v, o1_v, o2_v)
        out_hbms = (o0_hbm, o1_hbm, o2_hbm)

        def start_in(ch, b):
            pbase = tec_base + ch * _PCB
            n = pbase // pix_per_batch
            pp = pbase - n * pix_per_batch
            for k in range(3):
                pltpu.async_copy(
                    p2f_hbm.at[pl.ds((n * 3 + k) * pix_per_batch + pp, _PCB)],
                    idxs[b].at[pl.ds(k * _PCB, _PCB)], sin[b])
            for kc in range(9):
                pltpu.async_copy(
                    bary_hbm.at[pl.ds((n * 9 + kc) * pix_per_batch + pp,
                                      _PCB)],
                    brys[b].at[pl.ds(kc * _PCB, _PCB)], sin[b])

        def wait_in(b):
            pltpu.make_async_copy(p2f_hbm.at[pl.ds(0, _PCB * 3)],
                                  idxs[b], sin[b]).wait()
            pltpu.make_async_copy(bary_hbm.at[pl.ds(0, _PCB * 9)],
                                  brys[b], sin[b]).wait()

        half = (_PCB * 3) // 2

        def start_gather(b):
            pltpu.async_copy(ftab_hbm.at[idxs[b].at[pl.ds(0, half)]],
                             rows[b].at[pl.ds(0, half)], sg[b])
            pltpu.async_copy(ftab_hbm.at[idxs[b].at[pl.ds(half, half)]],
                             rows[b].at[pl.ds(half, half)], sg[b])

        def wait_gather(b):
            pltpu.make_async_copy(ftab_hbm.at[idxs[b]], rows[b], sg[b]).wait()

        def do_chunk(ch, b, pred_next, pred_next2):
            q = 1 - b
            pbase = tec_base + ch * _PCB
            bidx = pbase // pix_per_batch
            zero16 = jnp.zeros((_L,), jnp.int32)
            cam = [plsc.load_gather(cam_v, [zero16 + (bidx * 3 + m)])
                   for m in range(3)]

            def _next():
                wait_in(q)
                start_gather(q)
            _maybe(pred_next, _next)
            wait_gather(b)

            def group_body(g, c2):
                for k in range(3):
                    row = k * _PCB + g * 16 + iota
                    w = [plsc.load_gather(rows[b], [row, _col(wi)])
                         for wi in range(6)]
                    v0x, v0y = _unpack2(w[0])
                    v0z, v1x = _unpack2(w[1])
                    v1y, v1z = _unpack2(w[2])
                    v2x, v2y = _unpack2(w[3])
                    v2z, n0 = _unpack2(w[4])
                    n1, n2 = _unpack2(w[5])
                    vv = [[v0x, v0y, v0z], [v1x, v1y, v1z], [v2x, v2y, v2z]]
                    nn = [n0, n1, n2]
                    bb = [brys[b][pl.ds((k * 3 + j) * _PCB + g * 16, 16)]
                          for j in range(3)]
                    pts = [bb[0] * vv[0][m] + bb[1] * vv[1][m]
                           + bb[2] * vv[2][m] for m in range(3)]
                    view = [pts[m] - cam[m] for m in range(3)]
                    len2 = jnp.maximum(view[0] * view[0] + view[1] * view[1]
                                       + view[2] * view[2], 1e-24)
                    r = _rsqrt(len2, steps=2)
                    d = (nn[0] * view[0] + nn[1] * view[1]
                         + nn[2] * view[2]) * r
                    outs[k][pl.ds(g * 16, 16)] = d
                return c2

            lax.fori_loop(0, _PCB // _L, group_body, 0)
            for k in range(3):
                pltpu.sync_copy(outs[k], out_hbms[k].at[pl.ds(pbase, _PCB)])
            _maybe(pred_next2, lambda: start_in(ch + 2, b))

        start_in(0, 0)
        wait_in(0)
        start_gather(0)
        start_in(1, 1)

        def pair_body(cp, carry):
            for b in (0, 1):
                ch = cp * 2 + b
                do_chunk(ch, b, ch + 1 < nchunk, ch + 2 < nchunk)
            return carry

        lax.fori_loop(0, nchunk // 2, pair_body, 0)
        if nchunk % 2:
            do_chunk(nchunk - 1, (nchunk - 1) % 2, False, False)

    return shade_kernel


def kernel(pix_to_face, bary_coords, verts, faces, cam_origin):
    n, h, w, k = pix_to_face.shape
    np_pix = n * h * w
    v_cnt = verts.shape[0]
    f_cnt = faces.shape[0]
    align = _NW * _FCB
    f_pad = ((f_cnt + align - 1) // align) * align

    verts_pad = jnp.pad(verts, ((0, 0), (0, 5)))
    faces_flat = jnp.pad(faces, ((0, f_pad - f_cnt), (0, 0))).T.reshape(-1)
    p2f_flat = pix_to_face.transpose(0, 3, 1, 2).reshape(-1)
    bary_flat = bary_coords.transpose(0, 3, 4, 1, 2).reshape(-1)
    cam_pad = jnp.zeros((16,), jnp.float32).at[: n * 3].set(
        cam_origin.reshape(-1))

    ftab = _make_facetab_kernel(f_pad)(verts_pad, faces_flat)
    o0, o1, o2 = _make_shade_kernel(np_pix, f_pad, h * w)(
        ftab.reshape(f_pad, 8), p2f_flat, bary_flat, cam_pad)
    return tuple(o.reshape(n, h, w, 1) for o in (o0, o1, o2))

# --- scband reference (transcript-rebuilt; emitter-appended) ---
"""Pipeline reference for scband-normal-angle-shader-26628797235878 (READ-ONLY COPY).

The authoritative reference and input builder live on the scoring server;
editing this copy changes nothing except your own understanding.
"""

import jax, jax.numpy as jnp
import numpy as np


def _normalize(x, eps=1e-12):
    n = jnp.linalg.norm(x, axis=-1, keepdims=True)
    return x / jnp.maximum(n, eps)


def setup_inputs(seed: int = 0) -> dict:
    key = jax.random.key(seed)
    k1, k2, k3, k4, k5 = jax.random.split(key, 5)
    N, H, W, K = 2, 512, 512, 3
    V, F = 100000, 200000
    pix_to_face = jax.random.randint(k1, (N, H, W, K), 0, F, dtype=jnp.int32)
    bary_coords = jax.random.uniform(k2, (N, H, W, K, 3), dtype=jnp.float32)
    verts = jax.random.normal(k3, (V, 3), dtype=jnp.float32)
    faces = jax.random.randint(k4, (F, 3), 0, V, dtype=jnp.int32)
    cam_origin = jax.random.normal(k5, (N, 3), dtype=jnp.float32)
    return {"pix_to_face": pix_to_face, "bary_coords": bary_coords, "verts": verts, "faces": faces, "cam_origin": cam_origin}


def reference(pix_to_face, bary_coords, verts, faces, cam_origin):
    max_hits = 3
    # faces_verts: gather vertex positions for every face -> [F, 3, 3]
    faces_verts = verts[faces]
    face_normals = jnp.cross(faces_verts[:, 1] - faces_verts[:, 0], faces_verts[:, 2] - faces_verts[:, 0], axis=-1)
    face_normals = _normalize(face_normals)
    cam = cam_origin[:, None, None, :]  # [N,1,1,3]
    N, H, W, K = pix_to_face.shape
    pixel_faces = pix_to_face.reshape(N, -1, K)            # [N, P, K]
    pixel_bary = bary_coords.reshape(N, -1, K, 3)          # [N, P, K, 3]
    pixel_verts = faces_verts[pixel_faces]                 # [N, P, K, 3, 3]
    bary = pixel_bary[..., None]                           # [N, P, K, 3, 1]
    pts = (pixel_verts * bary).sum(axis=-2)                # [N, P, K, 3]
    pixel_normals = face_normals[pixel_faces]              # [N, P, K, 3]
    view_vec = _normalize(pts - cam)                       # [N, P, K, 3]
    all_dot = []
    for i in range(max_hits):
        normal = pixel_normals[:, :, i, :]
        view = view_vec[:, :, i, :]
        dot = (normal * view).sum(axis=-1)
        dot = dot.reshape(N, H, W, 1)
        all_dot.append(dot)
    return tuple(all_dot)

if __name__ == "__main__":
    import jax
    _d = setup_inputs()
    print(jax.jit(kernel)(*tuple(_d.values())))

</pallas_src>

<mosaic_0001>
#map = affine_map<(d0, d1) -> (0, 0)>
#map1 = affine_map<(d0, d1) -> (0)>
module attributes {stable_mosaic.version = 14 : i64} {
  func.func @facetab_kernel(%arg0: i32, %arg1: i32, %arg2: memref<100000x8xf32, #tpu.memory_space<hbm>>, %arg3: memref<614400xi32, #tpu.memory_space<hbm>>, %arg4: memref<1638400xf32, #tpu.memory_space<hbm>>, %arg5: memref<768xi32, #tpu.memory_space<vmem>>, %arg6: memref<768xi32, #tpu.memory_space<vmem>>, %arg7: memref<768x8xf32, #tpu.memory_space<vmem>>, %arg8: memref<768x8xf32, #tpu.memory_space<vmem>>, %arg9: memref<2048xf32, #tpu.memory_space<vmem>>, %arg10: memref<!tpu.dma_semaphore, #tpu.memory_space<semaphore_mem>>, %arg11: memref<!tpu.dma_semaphore, #tpu.memory_space<semaphore_mem>>, %arg12: memref<!tpu.dma_semaphore, #tpu.memory_space<semaphore_mem>>, %arg13: memref<!tpu.dma_semaphore, #tpu.memory_space<semaphore_mem>>) attributes {dimension_semantics = [#tpu.dimension_semantics<core_parallel>, #tpu.dimension_semantics<subcore_parallel>], iteration_bounds = array<i64: 2, 16>, scalar_prefetch = 0 : i64, scratch_operands = 9 : i64, tpu.core_type = #tpu.core_type<sc_vector_subcore>, window_params = [{transform_indices = #map}, {transform_indices = #map1}, {transform_indices = #map1}]} {
    %mul3A = arith.constant 16 : i32
    %mul3A_0 = arith.muli %arg0, %mul3A : i32
    %add3A = arith.addi %mul3A_0, %arg1 : i32
    %iota3A = tpu.iota {dimensions = array<i32: 0>} : vector<16xi32>
    %mul3A_1 = arith.constant 8 : i32
    %mul3A_2 = vector.broadcast %mul3A_1 : i32 to vector<16xi32>
    %mul3A_3 = arith.muli %iota3A, %mul3A_2 : vector<16xi32>
    %mul3A_4 = arith.constant 6400 : i32
    %mul3A_5 = arith.muli %add3A, %mul3A_4 : i32
    %add3A_6 = arith.constant 0 : i32
    %add3A_7 = arith.addi %mul3A_5, %add3A_6 : i32
    %add3A_8 = arith.constant 0 : i32
    %add3A_9 = arith.addi %add3A_8, %add3A_7 : i32
    %dma_start3A = arith.constant 0 : i32
    %dma_start3A_10 = tpu.memref_slice %arg5[%dma_start3A] : memref<768xi32, #tpu.memory_space<vmem>> -> memref<256xi32, #tpu.memory_space<vmem>>
    %dma_start3A_11 = tpu.memref_slice %arg3[%add3A_9] : memref<614400xi32, #tpu.memory_space<hbm>> -> memref<256xi32, #tpu.memory_space<hbm>>
    %dma_start3A_12 = arith.constant 0 : i32
    %dma_start3A_13 = tpu.memref_slice %arg5[%dma_start3A_12] : memref<768xi32, #tpu.memory_space<vmem>> -> memref<256xi32, #tpu.memory_space<vmem>>
    %dma_start3A_14 = tpu.memref_slice %arg3[%add3A_9] : memref<614400xi32, #tpu.memory_space<hbm>> -> memref<256xi32, #tpu.memory_space<hbm>>
    tpu.enqueue_dma source(%dma_start3A_14 : memref<256xi32, #tpu.memory_space<hbm>>) target(%dma_start3A_13 : memref<256xi32, #tpu.memory_space<vmem>>) target_semaphore(%arg10 : memref<!tpu.dma_semaphore, #tpu.memory_space<semaphore_mem>>)
    %add3A_15 = arith.constant 204800 : i32
    %add3A_16 = arith.addi %add3A_15, %add3A_7 : i32
    %dma_start3A_17 = arith.constant 256 : i32
    %dma_start3A_18 = tpu.memref_slice %arg5[%dma_start3A_17] : memref<768xi32, #tpu.memory_space<vmem>> -> memref<256xi32, #tpu.memory_space<vmem>>
    %dma_start3A_19 = tpu.memref_slice %arg3[%add3A_16] : memref<614400xi32, #tpu.memory_space<hbm>> -> memref<256xi32, #tpu.memory_space<hbm>>
    %dma_start3A_20 = arith.constant 256 : i32
    %dma_start3A_21 = tpu.memref_slice %arg5[%dma_start3A_20] : memref<768xi32, #tpu.memory_space<vmem>> -> memref<256xi32, #tpu.memory_space<vmem>>
    %dma_start3A_22 = tpu.memref_slice %arg3[%add3A_16] : memref<614400xi32, #tpu.memory_space<hbm>> -> memref<256xi32, #tpu.memory_space<hbm>>
    tpu.enqueue_dma source(%dma_start3A_22 : memref<256xi32, #tpu.memory_space<hbm>>) target(%dma_start3A_21 : memref<256xi32, #tpu.memory_space<vmem>>) target_semaphore(%arg10 : memref<!tpu.dma_semaphore, #tpu.memory_space<semaphore_mem>>)
    %add3A_23 = arith.constant 409600 : i32
    %add3A_24 = arith.addi %add3A_23, %add3A_7 : i32
    %dma_start3A_25 = arith.constant 512 : i32
    %dma_start3A_26 = tpu.memref_slice %arg5[%dma_start3A_25] : memref<768xi32, #tpu.memory_space<vmem>> -> memref<256xi32, #tpu.memory_space<vmem>>
    %dma_start3A_27 = tpu.memref_slice %arg3[%add3A_24] : memref<614400xi32, #tpu.memory_space<hbm>> -> memref<256xi32, #tpu.memory_space<hbm>>
    %dma_start3A_28 = arith.constant 512 : i32
    %dma_start3A_29 = tpu.memref_slice %arg5[%dma_start3A_28] : memref<768xi32, #tpu.memory_space<vmem>> -> memref<256xi32, #tpu.memory_space<vmem>>
    %dma_start3A_30 = tpu.memref_slice %arg3[%add3A_24] : memref<614400xi32, #tpu.memory_space<hbm>> -> memref<256xi32, #tpu.memory_space<hbm>>
    tpu.enqueue_dma source(%dma_start3A_30 : memref<256xi32, #tpu.memory_space<hbm>>) target(%dma_start3A_29 : memref<256xi32, #tpu.memory_space<vmem>>) target_semaphore(%arg10 : memref<!tpu.dma_semaphore, #tpu.memory_space<semaphore_mem>>)
    %dma_wait3A = arith.constant 0 : i32
    %dma_wait3A_31 = tpu.memref_slice %arg3[%dma_wait3A] : memref<614400xi32, #tpu.memory_space<hbm>> -> memref<768xi32, #tpu.memory_space<hbm>>
    %dma_wait3A_32 = arith.constant 0 : i32
    %dma_wait3A_33 = tpu.memref_slice %arg3[%dma_wait3A_32] : memref<614400xi32, #tpu.memory_space<hbm>> -> memref<768xi32, #tpu.memory_space<hbm>>
    tpu.wait_dma2 semaphore(%arg10 : memref<!tpu.dma_semaphore, #tpu.memory_space<semaphore_mem>>) src(%dma_wait3A_33 : memref<768xi32, #tpu.memory_space<hbm>>) dst(%arg5 : memref<768xi32, #tpu.memory_space<vmem>>)
    %dma_start3A_34 = arith.constant 0 : i32
    %dma_start3A_35 = arith.constant 0 : i32
    %dma_start3A_36 = tpu.memref_slice %arg7[%dma_start3A_34, %dma_start3A_35] : memref<768x8xf32, #tpu.memory_space<vmem>> -> memref<384x8xf32, #tpu.memory_space<vmem>>
    %dma_start3A_37 = arith.constant 0 : i32
    %dma_start3A_38 = tpu.memref_slice %arg5[%dma_start3A_37] : memref<768xi32, #tpu.memory_space<vmem>> -> memref<384xi32, #tpu.memory_space<vmem>>
    %dma_start3A_39 = arith.constant 0 : i32
    %dma_start3A_40 = arith.constant 0 : i32
    %dma_start3A_41 = tpu.memref_slice %arg2[%dma_start3A_39, %dma_start3A_40] : memref<100000x8xf32, #tpu.memory_space<hbm>> -> memref<100000x8xf32, #tpu.memory_space<hbm>>
    tpu.enqueue_indirect_dma source(%dma_start3A_41 : memref<100000x8xf32, #tpu.memory_space<hbm>>) target(%dma_start3A_36 : memref<384x8xf32, #tpu.memory_space<vmem>>) offsets(%dma_start3A_38 : memref<384xi32, #tpu.memory_space<vmem>>) semaphore(%arg12 : memref<!tpu.dma_semaphore, #tpu.memory_space<semaphore_mem>>)
    %dma_start3A_42 = arith.constant 384 : i32
    %dma_start3A_43 = arith.constant 0 : i32
    %dma_start3A_44 = tpu.memref_slice %arg7[%dma_start3A_42, %dma_start3A_43] : memref<768x8xf32, #tpu.memory_space<vmem>> -> memref<384x8xf32, #tpu.memory_space<vmem>>
    %dma_start3A_45 = arith.constant 384 : i32
    %dma_start3A_46 = tpu.memref_slice %arg5[%dma_start3A_45] : memref<768xi32, #tpu.memory_space<vmem>> -> memref<384xi32, #tpu.memory_space<vmem>>
    %dma_start3A_47 = arith.constant 0 : i32
    %dma_start3A_48 = arith.constant 0 : i32
    %dma_start3A_49 = tpu.memref_slice %arg2[%dma_start3A_47, %dma_start3A_48] : memref<100000x8xf32, #tpu.memory_space<hbm>> -> memref<100000x8xf32, #tpu.memory_space<hbm>>
    tpu.enqueue_indirect_dma source(%dma_start3A_49 : memref<100000x8xf32, #tpu.memory_space<hbm>>) target(%dma_start3A_44 : memref<384x8xf32, #tpu.memory_space<vmem>>) offsets(%dma_start3A_46 : memref<384xi32, #tpu.memory_space<vmem>>) semaphore(%arg12 : memref<!tpu.dma_semaphore, #tpu.memory_space<semaphore_mem>>)
    %add3A_50 = arith.constant 256 : i32
    %add3A_51 = arith.addi %mul3A_5, %add3A_50 : i32
    %add3A_52 = arith.constant 0 : i32
    %add3A_53 = arith.addi %add3A_52, %add3A_51 : i32
    %dma_start3A_54 = arith.constant 0 : i32
    %dma_start3A_55 = tpu.memref_slice %arg6[%dma_start3A_54] : memref<768xi32, #tpu.memory_space<vmem>> -> memref<256xi32, #tpu.memory_space<vmem>>
    %dma_start3A_56 = tpu.memref_slice %arg3[%add3A_53] : memref<614400xi32, #tpu.memory_space<hbm>> -> memref<256xi32, #tpu.memory_space<hbm>>
    %dma_start3A_57 = arith.constant 0 : i32
    %dma_start3A_58 = tpu.memref_slice %arg6[%dma_start3A_57] : memref<768xi32, #tpu.memory_space<vmem>> -> memref<256xi32, #tpu.memory_space<vmem>>
    %dma_start3A_59 = tpu.memref_slice %arg3[%add3A_53] : memref<614400xi32, #tpu.memory_space<hbm>> -> memref<256xi32, #tpu.memory_space<hbm>>
    tpu.enqueue_dma source(%dma_start3A_59 : memref<256xi32, #tpu.memory_space<hbm>>) target(%dma_start3A_58 : memref<256xi32, #tpu.memory_space<vmem>>) target_semaphore(%arg11 : memref<!tpu.dma_semaphore, #tpu.memory_space<semaphore_mem>>)
    %add3A_60 = arith.constant 204800 : i32
    %add3A_61 = arith.addi %add3A_60, %add3A_51 : i32
    %dma_start3A_62 = arith.constant 256 : i32
    %dma_start3A_63 = tpu.memref_slice %arg6[%dma_start3A_62] : memref<768xi32, #tpu.memory_space<vmem>> -> memref<256xi32, #tpu.memory_space<vmem>>
    %dma_start3A_64 = tpu.memref_slice %arg3[%add3A_61] : memref<614400xi32, #tpu.memory_space<hbm>> -> memref<256xi32, #tpu.memory_space<hbm>>
    %dma_start3A_65 = arith.constant 256 : i32
    %dma_start3A_66 = tpu.memref_slice %arg6[%dma_start3A_65] : memref<768xi32, #tpu.memory_space<vmem>> -> memref<256xi32, #tpu.memory_space<vmem>>
    %dma_start3A_67 = tpu.memref_slice %arg3[%add3A_61] : memref<614400xi32, #tpu.memory_space<hbm>> -> memref<256xi32, #tpu.memory_space<hbm>>
    tpu.enqueue_dma source(%dma_start3A_67 : memref<256xi32, #tpu.memory_space<hbm>>) target(%dma_start3A_66 : memref<256xi32, #tpu.memory_space<vmem>>) target_semaphore(%arg11 : memref<!tpu.dma_semaphore, #tpu.memory_space<semaphore_mem>>)
    %add3A_68 = arith.constant 409600 : i32
    %add3A_69 = arith.addi %add3A_68, %add3A_51 : i32
    %dma_start3A_70 = arith.constant 512 : i32
    %dma_start3A_71 = tpu.memref_slice %arg6[%dma_start3A_70] : memref<768xi32, #tpu.memory_space<vmem>> -> memref<256xi32, #tpu.memory_space<vmem>>
    %dma_start3A_72 = tpu.memref_slice %arg3[%add3A_69] : memref<614400xi32, #tpu.memory_space<hbm>> -> memref<256xi32, #tpu.memory_space<hbm>>
    %dma_start3A_73 = arith.constant 512 : i32
    %dma_start3A_74 = tpu.memref_slice %arg6[%dma_start3A_73] : memref<768xi32, #tpu.memory_space<vmem>> -> memref<256xi32, #tpu.memory_space<vmem>>
    %dma_start3A_75 = tpu.memref_slice %arg3[%add3A_69] : memref<614400xi32, #tpu.memory_space<hbm>> -> memref<256xi32, #tpu.memory_space<hbm>>
    tpu.enqueue_dma source(%dma_start3A_75 : memref<256xi32, #tpu.memory_space<hbm>>) target(%dma_start3A_74 : memref<256xi32, #tpu.memory_space<vmem>>) target_semaphore(%arg11 : memref<!tpu.dma_semaphore, #tpu.memory_space<semaphore_mem>>)
    %scan3A = arith.constant 0 : i32
    %scan3A_76 = arith.constant 0 : i32
    %scan3A_77 = arith.constant 12 : i32
    %scan3A_78 = arith.addi %scan3A_76, %scan3A_77 : i32
    %scan3A_79 = arith.constant 1 : i32
    scf.for %scan3A_94 = %scan3A_76 to %scan3A_78 step %scan3A_79  : i32 {
      %mul3A_95 = arith.constant 2 : i32
      %mul3A_96 = arith.muli %scan3A_94, %mul3A_95 : i32
      %add3A_97 = arith.constant 0 : i32
      %add3A_98 = arith.addi %mul3A_96, %add3A_97 : i32
      %add3A_99 = arith.constant 1 : i32
      %add3A_100 = arith.addi %add3A_98, %add3A_99 : i32
      %lt3A = arith.constant 25 : i32
      %lt3A_101 = arith.cmpi slt, %add3A_100, %lt3A : i32
      %add3A_102 = arith.constant 2 : i32
      %add3A_103 = arith.addi %add3A_98, %add3A_102 : i32
      %lt3A_104 = arith.constant 25 : i32
      %lt3A_105 = arith.cmpi slt, %add3A_103, %lt3A_104 : i32
      %convert_element_type3A = arith.extui %lt3A_101 : i1 to i32
      %cond3A = arith.constant 0 : i32
      %cond3A_106 = arith.cmpi ne, %convert_element_type3A, %cond3A : i32
      scf.if %cond3A_106 {
        %dma_wait3A_156 = arith.constant 0 : i32
        %dma_wait3A_157 = tpu.memref_slice %arg3[%dma_wait3A_156] : memref<614400xi32, #tpu.memory_space<hbm>> -> memref<768xi32, #tpu.memory_space<hbm>>
        %dma_wait3A_158 = arith.constant 0 : i32
        %dma_wait3A_159 = tpu.memref_slice %arg3[%dma_wait3A_158] : memref<614400xi32, #tpu.memory_space<hbm>> -> memref<768xi32, #tpu.memory_space<hbm>>
        tpu.wait_dma2 semaphore(%arg11 : memref<!tpu.dma_semaphore, #tpu.memory_space<semaphore_mem>>) src(%dma_wait3A_159 : memref<768xi32, #tpu.memory_space<hbm>>) dst(%arg6 : memref<768xi32, #tpu.memory_space<vmem>>)
        %dma_start3A_160 = arith.constant 0 : i32
        %dma_start3A_161 = arith.constant 0 : i32
        %dma_start3A_162 = tpu.memref_slice %arg8[%dma_start3A_160, %dma_start3A_161] : memref<768x8xf32, #tpu.memory_space<vmem>> -> memref<384x8xf32, #tpu.memory_space<vmem>>
        %dma_start3A_163 = arith.constant 0 : i32
        %dma_start3A_164 = tpu.memref_slice %arg6[%dma_start3A_163] : memref<768xi32, #tpu.memory_space<vmem>> -> memref<384xi32, #tpu.memory_space<vmem>>
        %dma_start3A_165 = arith.constant 0 : i32
        %dma_start3A_166 = arith.constant 0 : i32
        %dma_start3A_167 = tpu.memref_slice %arg2[%dma_start3A_165, %dma_start3A_166] : memref<100000x8xf32, #tpu.memory_space<hbm>> -> memref<100000x8xf32, #tpu.memory_space<hbm>>
        tpu.enqueue_indirect_dma source(%dma_start3A_167 : memref<100000x8xf32, #tpu.memory_space<hbm>>) target(%dma_start3A_162 : memref<384x8xf32, #tpu.memory_space<vmem>>) offsets(%dma_start3A_164 : memref<384xi32, #tpu.memory_space<vmem>>) semaphore(%arg13 : memref<!tpu.dma_semaphore, #tpu.memory_space<semaphore_mem>>)
        %dma_start3A_168 = arith.constant 384 : i32
        %dma_start3A_169 = arith.constant 0 : i32
        %dma_start3A_170 = tpu.memref_slice %arg8[%dma_start3A_168, %dma_start3A_169] : memref<768x8xf32, #tpu.memory_space<vmem>> -> memref<384x8xf32, #tpu.memory_space<vmem>>
        %dma_start3A_171 = arith.constant 384 : i32
        %dma_start3A_172 = tpu.memref_slice %arg6[%dma_start3A_171] : memref<768xi32, #tpu.memory_space<vmem>> -> memref<384xi32, #tpu.memory_space<vmem>>
        %dma_start3A_173 = arith.constant 0 : i32
        %dma_start3A_174 = arith.constant 0 : i32
        %dma_start3A_175 = tpu.memref_slice %arg2[%dma_start3A_173, %dma_start3A_174] : memref<100000x8xf32, #tpu.memory_space<hbm>> -> memref<100000x8xf32, #tpu.memory_space<hbm>>
        tpu.enqueue_indirect_dma source(%dma_start3A_175 : memref<100000x8xf32, #tpu.memory_space<hbm>>) target(%dma_start3A_170 : memref<384x8xf32, #tpu.memory_space<vmem>>) offsets(%dma_start3A_172 : memref<384xi32, #tpu.memory_space<vmem>>) semaphore(%arg13 : memref<!tpu.dma_semaphore, #tpu.memory_space<semaphore_mem>>)
      } else {
      }
      %dma_wait3A_107 = arith.constant 0 : i32
      %dma_wait3A_108 = arith.constant 0 : i32
      %dma_wait3A_109 = tpu.memref_slice %arg2[%dma_wait3A_107, %dma_wait3A_108] : memref<100000x8xf32, #tpu.memory_space<hbm>> -> memref<100000x8xf32, #tpu.memory_space<hbm>>
      tpu.wait_indirect_dma semaphore(%arg12 : memref<!tpu.dma_semaphore, #tpu.memory_space<semaphore_mem>>) src(%dma_wait3A_109 : memref<100000x8xf32, #tpu.memory_space<hbm>>) dst(%arg7 : memref<768x8xf32, #tpu.memory_space<vmem>>)
      %scan3A_110 = arith.constant 0 : i32
      %scan3A_111 = arith.constant 0 : i32
      %scan3A_112 = arith.constant 16 : i32
      %scan3A_113 = arith.addi %scan3A_111, %scan3A_112 : i32
      %scan3A_114 = arith.constant 1 : i32
      scf.for %scan3A_156 = %scan3A_111 to %scan3A_113 step %scan3A_114  : i32 {
        %mul3A_157 = arith.constant 16 : i32
        %mul3A_158 = arith.muli %scan3A_156, %mul3A_157 : i32
        %add3A_159 = arith.constant 0 : i32
        %add3A_160 = arith.addi %add3A_159, %mul3A_158 : i32
        %add3A_161 = vector.broadcast %add3A_160 : i32 to vector<16xi32>
        %add3A_162 = arith.addi %add3A_161, %iota3A : vector<16xi32>
        %broadcast_in_dim3A = arith.constant 0 : i32
        %broadcast_in_dim3A_163 = vector.broadcast %broadcast_in_dim3A : i32 to vector<16xi32>
        %gather3A = tpu.vector_load_idx %arg7[%add3A_162, %broadcast_in_dim3A_163] : memref<768x8xf32, #tpu.memory_space<vmem>>[vector<16xi32>, vector<16xi32>], vector<16xf32>,
        %broadcast_in_dim3A_164 = arith.constant 1 : i32
        %broadcast_in_dim3A_165 = vector.broadcast %broadcast_in_dim3A_164 : i32 to vector<16xi32>
        %gather3A_166 = tpu.vector_load_idx %arg7[%add3A_162, %broadcast_in_dim3A_165] : memref<768x8xf32, #tpu.memory_space<vmem>>[vector<16xi32>, vector<16xi32>], vector<16xf32>,
        %broadcast_in_dim3A_167 = arith.constant 2 : i32
        %broadcast_in_dim3A_168 = vector.broadcast %broadcast_in_dim3A_167 : i32 to vector<16xi32>
        %gather3A_169 = tpu.vector_load_idx %arg7[%add3A_162, %broadcast_in_dim3A_168] : memref<768x8xf32, #tpu.memory_space<vmem>>[vector<16xi32>, vector<16xi32>], vector<16xf32>,
        %mul3A_170 = arith.constant 16 : i32
        %mul3A_171 = arith.muli %scan3A_156, %mul3A_170 : i32
        %add3A_172 = arith.constant 256 : i32
        %add3A_173 = arith.addi %add3A_172, %mul3A_171 : i32
        %add3A_174 = vector.broadcast %add3A_173 : i32 to vector<16xi32>
        %add3A_175 = arith.addi %add3A_174, %iota3A : vector<16xi32>
        %broadcast_in_dim3A_176 = arith.constant 0 : i32
        %broadcast_in_dim3A_177 = vector.broadcast %broadcast_in_dim3A_176 : i32 to vector<16xi32>
        %gather3A_178 = tpu.vector_load_idx %arg7[%add3A_175, %broadcast_in_dim3A_177] : memref<768x8xf32, #tpu.memory_space<vmem>>[vector<16xi32>, vector<16xi32>], vector<16xf32>,
        %broadcast_in_dim3A_179 = arith.constant 1 : i32
        %broadcast_in_dim3A_180 = vector.broadcast %broadcast_in_dim3A_179 : i32 to vector<16xi32>
        %gather3A_181 = tpu.vector_load_idx %arg7[%add3A_175, %broadcast_in_dim3A_180] : memref<768x8xf32, #tpu.memory_space<vmem>>[vector<16xi32>, vector<16xi32>], vector<16xf32>,
        %broadcast_in_dim3A_182 = arith.constant 2 : i32
        %broadcast_in_dim3A_183 = vector.broadcast %broadcast_in_dim3A_182 : i32 to vector<16xi32>
        %gather3A_184 = tpu.vector_load_idx %arg7[%add3A_175, %broadcast_in_dim3A_183] : memref<768x8xf32, #tpu.memory_space<vmem>>[vector<16xi32>, vector<16xi32>], vector<16xf32>,
        %mul3A_185 = arith.constant 16 : i32
        %mul3A_186 = arith.muli %scan3A_156, %mul3A_185 : i32
        %add3A_187 = arith.constant 512 : i32
        %add3A_188 = arith.addi %add3A_187, %mul3A_186 : i32
        %add3A_189 = vector.broadcast %add3A_188 : i32 to vector<16xi32>
        %add3A_190 = arith.addi %add3A_189, %iota3A : vector<16xi32>
        %broadcast_in_dim3A_191 = arith.constant 0 : i32
        %broadcast_in_dim3A_192 = vector.broadcast %broadcast_in_dim3A_191 : i32 to vector<16xi32>
        %gather3A_193 = tpu.vector_load_idx %arg7[%add3A_190, %broadcast_in_dim3A_192] : memref<768x8xf32, #tpu.memory_space<vmem>>[vector<16xi32>, vector<16xi32>], vector<16xf32>,
        %broadcast_in_dim3A_194 = arith.constant 1 : i32
        %broadcast_in_dim3A_195 = vector.broadcast %broadcast_in_dim3A_194 : i32 to vector<16xi32>
        %gather3A_196 = tpu.vector_load_idx %arg7[%add3A_190, %broadcast_in_dim3A_195] : memref<768x8xf32, #tpu.memory_space<vmem>>[vector<16xi32>, vector<16xi32>], vector<16xf32>,
        %broadcast_in_dim3A_197 = arith.constant 2 : i32
        %broadcast_in_dim3A_198 = vector.broadcast %broadcast_in_dim3A_197 : i32 to vector<16xi32>
        %gather3A_199 = tpu.vector_load_idx %arg7[%add3A_190, %broadcast_in_dim3A_198] : memref<768x8xf32, #tpu.memory_space<vmem>>[vector<16xi32>, vector<16xi32>], vector<16xf32>,
        %sub3A = arith.subf %gather3A_178, %gather3A : vector<16xf32>
        %sub3A_200 = arith.subf %gather3A_181, %gather3A_166 : vector<16xf32>
        %sub3A_201 = arith.subf %gather3A_184, %gather3A_169 : vector<16xf32>
        %sub3A_202 = arith.subf %gather3A_193, %gather3A : vector<16xf32>
        %sub3A_203 = arith.subf %gather3A_196, %gather3A_166 : vector<16xf32>
        %sub3A_204 = arith.subf %gather3A_199, %gather3A_169 : vector<16xf32>
        %mul3A_205 = arith.mulf %sub3A_200, %sub3A_204 : vector<16xf32>
        %mul3A_206 = arith.mulf %sub3A_201, %sub3A_203 : vector<16xf32>
        %sub3A_207 = arith.subf %mul3A_205, %mul3A_206 : vector<16xf32>
        %mul3A_208 = arith.mulf %sub3A_201, %sub3A_202 : vector<16xf32>
        %mul3A_209 = arith.mulf %sub3A, %sub3A_204 : vector<16xf32>
        %sub3A_210 = arith.subf %mul3A_208, %mul3A_209 : vector<16xf32>
        %mul3A_211 = arith.mulf %sub3A, %sub3A_203 : vector<16xf32>
        %mul3A_212 = arith.mulf %sub3A_200, %sub3A_202 : vector<16xf32>
        %sub3A_213 = arith.subf %mul3A_211, %mul3A_212 : vector<16xf32>
        %mul3A_214 = arith.mulf %sub3A_207, %sub3A_207 : vector<16xf32>
        %mul3A_215 = arith.mulf %sub3A_210, %sub3A_210 : vector<16xf32>
        %add3A_216 = arith.addf %mul3A_214, %mul3A_215 : vector<16xf32>
        %mul3A_217 = arith.mulf %sub3A_213, %sub3A_213 : vector<16xf32>
        %add3A_218 = arith.addf %add3A_216, %mul3A_217 : vector<16xf32>
        %max3A = arith.constant 1.000000e-24 : f32
        %max3A_219 = vector.broadcast %max3A : f32 to vector<16xf32>
        %max3A_220 = arith.maximumf %add3A_218, %max3A_219 : vector<16xf32>
        %bitcast3A = vector.bitcast %max3A_220 : vector<16xf32> to vector<16xi32>
        %shift_right_arithmetic3A = arith.constant 1 : i32
        %shift_right_arithmetic3A_221 = vector.broadcast %shift_right_arithmetic3A : i32 to vector<16xi32>
        %shift_right_arithmetic3A_222 = arith.shrsi %bitcast3A, %shift_right_arithmetic3A_221 : vector<16xi32>
        %sub3A_223 = arith.constant 1597463007 : i32
        %sub3A_224 = vector.broadcast %sub3A_223 : i32 to vector<16xi32>
        %sub3A_225 = arith.subi %sub3A_224, %shift_right_arithmetic3A_222 : vector<16xi32>
        %bitcast3A_226 = vector.bitcast %sub3A_225 : vector<16xi32> to vector<16xf32>
        %mul3A_227 = arith.constant 5.000000e-01 : f32
        %mul3A_228 = vector.broadcast %mul3A_227 : f32 to vector<16xf32>
        %mul3A_229 = arith.mulf %max3A_220, %mul3A_228 : vector<16xf32>
        %mul3A_230 = arith.mulf %mul3A_229, %bitcast3A_226 : vector<16xf32>
        %mul3A_231 = arith.mulf %mul3A_230, %bitcast3A_226 : vector<16xf32>
        %sub3A_232 = arith.constant 1.500000e+00 : f32
        %sub3A_233 = vector.broadcast %sub3A_232 : f32 to vector<16xf32>
        %sub3A_234 = arith.subf %sub3A_233, %mul3A_231 : vector<16xf32>
        %mul3A_235 = arith.mulf %bitcast3A_226, %sub3A_234 : vector<16xf32>
        %mul3A_236 = arith.mulf %mul3A_229, %mul3A_235 : vector<16xf32>
        %mul3A_237 = arith.mulf %mul3A_236, %mul3A_235 : vector<16xf32>
        %sub3A_238 = arith.constant 1.500000e+00 : f32
        %sub3A_239 = vector.broadcast %sub3A_238 : f32 to vector<16xf32>
        %sub3A_240 = arith.subf %sub3A_239, %mul3A_237 : vector<16xf32>
        %mul3A_241 = arith.mulf %mul3A_235, %sub3A_240 : vector<16xf32>
        %mul3A_242 = arith.mulf %mul3A_229, %mul3A_241 : vector<16xf32>
        %mul3A_243 = arith.mulf %mul3A_242, %mul3A_241 : vector<16xf32>
        %sub3A_244 = arith.constant 1.500000e+00 : f32
        %sub3A_245 = vector.broadcast %sub3A_244 : f32 to vector<16xf32>
        %sub3A_246 = arith.subf %sub3A_245, %mul3A_243 : vector<16xf32>
        %mul3A_247 = arith.mulf %mul3A_241, %sub3A_246 : vector<16xf32>
        %mul3A_248 = arith.mulf %sub3A_207, %mul3A_247 : vector<16xf32>
        %mul3A_249 = arith.mulf %sub3A_210, %mul3A_247 : vector<16xf32>
        %mul3A_250 = arith.mulf %sub3A_213, %mul3A_247 : vector<16xf32>
        %bitcast3A_251 = vector.bitcast %gather3A : vector<16xf32> to vector<16xi32>
        %add3A_252 = arith.constant 32767 : i32
        %add3A_253 = vector.broadcast %add3A_252 : i32 to vector<16xi32>
        %add3A_254 = arith.addi %bitcast3A_251, %add3A_253 : vector<16xi32>
        %shift_right_arithmetic3A_255 = arith.constant 16 : i32
        %shift_right_arithmetic3A_256 = vector.broadcast %shift_right_arithmetic3A_255 : i32 to vector<16xi32>
        %shift_right_arithmetic3A_257 = arith.shrsi %bitcast3A_251, %shift_right_arithmetic3A_256 : vector<16xi32>
        %and3A = arith.constant 1 : i32
        %and3A_258 = vector.broadcast %and3A : i32 to vector<16xi32>
        %and3A_259 = arith.andi %shift_right_arithmetic3A_257, %and3A_258 : vector<16xi32>
        %add3A_260 = arith.addi %add3A_254, %and3A_259 : vector<16xi32>
        %bitcast3A_261 = vector.bitcast %gather3A_166 : vector<16xf32> to vector<16xi32>
        %add3A_262 = arith.constant 32767 : i32
        %add3A_263 = vector.broadcast %add3A_262 : i32 to vector<16xi32>
        %add3A_264 = arith.addi %bitcast3A_261, %add3A_263 : vector<16xi32>
        %shift_right_arithmetic3A_265 = arith.constant 16 : i32
        %shift_right_arithmetic3A_266 = vector.broadcast %shift_right_arithmetic3A_265 : i32 to vector<16xi32>
        %shift_right_arithmetic3A_267 = arith.shrsi %bitcast3A_261, %shift_right_arithmetic3A_266 : vector<16xi32>
        %and3A_268 = arith.constant 1 : i32
        %and3A_269 = vector.broadcast %and3A_268 : i32 to vector<16xi32>
        %and3A_270 = arith.andi %shift_right_arithmetic3A_267, %and3A_269 : vector<16xi32>
        %add3A_271 = arith.addi %add3A_264, %and3A_270 : vector<16xi32>
        %and3A_272 = arith.constant -65536 : i32
        %and3A_273 = vector.broadcast %and3A_272 : i32 to vector<16xi32>
        %and3A_274 = arith.andi %add3A_260, %and3A_273 : vector<16xi32>
        %shift_right_arithmetic3A_275 = arith.constant 16 : i32
        %shift_right_arithmetic3A_276 = vector.broadcast %shift_right_arithmetic3A_275 : i32 to vector<16xi32>
        %shift_right_arithmetic3A_277 = arith.shrsi %add3A_271, %shift_right_arithmetic3A_276 : vector<16xi32>
        %and3A_278 = arith.constant 65535 : i32
        %and3A_279 = vector.broadcast %and3A_278 : i32 to vector<16xi32>
        %and3A_280 = arith.andi %shift_right_arithmetic3A_277, %and3A_279 : vector<16xi32>
        %or3A = arith.ori %and3A_274, %and3A_280 : vector<16xi32>
        %bitcast3A_281 = vector.bitcast %or3A : vector<16xi32> to vector<16xf32>
        %bitcast3A_282 = vector.bitcast %gather3A_169 : vector<16xf32> to vector<16xi32>
        %add3A_283 = arith.constant 32767 : i32
        %add3A_284 = vector.broadcast %add3A_283 : i32 to vector<16xi32>
        %add3A_285 = arith.addi %bitcast3A_282, %add3A_284 : vector<16xi32>
        %shift_right_arithmetic3A_286 = arith.constant 16 : i32
        %shift_right_arithmetic3A_287 = vector.broadcast %shift_right_arithmetic3A_286 : i32 to vector<16xi32>
        %shift_right_arithmetic3A_288 = arith.shrsi %bitcast3A_282, %shift_right_arithmetic3A_287 : vector<16xi32>
        %and3A_289 = arith.constant 1 : i32
        %and3A_290 = vector.broadcast %and3A_289 : i32 to vector<16xi32>
        %and3A_291 = arith.andi %shift_right_arithmetic3A_288, %and3A_290 : vector<16xi32>
        %add3A_292 = arith.addi %add3A_285, %and3A_291 : vector<16xi32>
        %bitcast3A_293 = vector.bitcast %gather3A_178 : vector<16xf32> to vector<16xi32>
        %add3A_294 = arith.constant 32767 : i32
        %add3A_295 = vector.broadcast %add3A_294 : i32 to vector<16xi32>
        %add3A_296 = arith.addi %bitcast3A_293, %add3A_295 : vector<16xi32>
        %shift_right_arithmetic3A_297 = arith.constant 16 : i32
        %shift_right_arithmetic3A_298 = vector.broadcast %shift_right_arithmetic3A_297 : i32 to vector<16xi32>
        %shift_right_arithmetic3A_299 = arith.shrsi %bitcast3A_293, %shift_right_arithmetic3A_298 : vector<16xi32>
        %and3A_300 = arith.constant 1 : i32
        %and3A_301 = vector.broadcast %and3A_300 : i32 to vector<16xi32>
        %and3A_302 = arith.andi %shift_right_arithmetic3A_299, %and3A_301 : vector<16xi32>
        %add3A_303 = arith.addi %add3A_296, %and3A_302 : vector<16xi32>
        %and3A_304 = arith.constant -65536 : i32
        %and3A_305 = vector.broadcast %and3A_304 : i32 to vector<16xi32>
        %and3A_306 = arith.andi %add3A_292, %and3A_305 : vector<16xi32>
        %shift_right_arithmetic3A_307 = arith.constant 16 : i32
        %shift_right_arithmetic3A_308 = vector.broadcast %shift_right_arithmetic3A_307 : i32 to vector<16xi32>
        %shift_right_arithmetic3A_309 = arith.shrsi %add3A_303, %shift_right_arithmetic3A_308 : vector<16xi32>
        %and3A_310 = arith.constant 65535 : i32
        %and3A_311 = vector.broadcast %and3A_310 : i32 to vector<16xi32>
        %and3A_312 = arith.andi %shift_right_arithmetic3A_309, %and3A_311 : vector<16xi32>
        %or3A_313 = arith.ori %and3A_306, %and3A_312 : vector<16xi32>
        %bitcast3A_314 = vector.bitcast %or3A_313 : vector<16xi32> to vector<16xf32>
        %bitcast3A_315 = vector.bitcast %gather3A_181 : vector<16xf32> to vector<16xi32>
        %add3A_316 = arith.constant 32767 : i32
        %add3A_317 = vector.broadcast %add3A_316 : i32 to vector<16xi32>
        %add3A_318 = arith.addi %bitcast3A_315, %add3A_317 : vector<16xi32>
        %shift_right_arithmetic3A_319 = arith.constant 16 : i32
        %shift_right_arithmetic3A_320 = vector.broadcast %shift_right_arithmetic3A_319 : i32 to vector<16xi32>
        %shift_right_arithmetic3A_321 = arith.shrsi %bitcast3A_315, %shift_right_arithmetic3A_320 : vector<16xi32>
        %and3A_322 = arith.constant 1 : i32
        %and3A_323 = vector.broadcast %and3A_322 : i32 to vector<16xi32>
        %and3A_324 = arith.andi %shift_right_arithmetic3A_321, %and3A_323 : vector<16xi32>
        %add3A_325 = arith.addi %add3A_318, %and3A_324 : vector<16xi32>
        %bitcast3A_326 = vector.bitcast %gather3A_184 : vector<16xf32> to vector<16xi32>
        %add3A_327 = arith.constant 32767 : i32
        %add3A_328 = vector.broadcast %add3A_327 : i32 to vector<16xi32>
        %add3A_329 = arith.addi %bitcast3A_326, %add3A_328 : vector<16xi32>
        %shift_right_arithmetic3A_330 = arith.constant 16 : i32
        %shift_right_arithmetic3A_331 = vector.broadcast %shift_right_arithmetic3A_330 : i32 to vector<16xi32>
        %shift_right_arithmetic3A_332 = arith.shrsi %bitcast3A_326, %shift_right_arithmetic3A_331 : vector<16xi32>
        %and3A_333 = arith.constant 1 : i32
        %and3A_334 = vector.broadcast %and3A_333 : i32 to vector<16xi32>
        %and3A_335 = arith.andi %shift_right_arithmetic3A_332, %and3A_334 : vector<16xi32>
        %add3A_336 = arith.addi %add3A_329, %and3A_335 : vector<16xi32>
        %and3A_337 = arith.constant -65536 : i32
        %and3A_338 = vector.broadcast %and3A_337 : i32 to vector<16xi32>
        %and3A_339 = arith.andi %add3A_325, %and3A_338 : vector<16xi32>
        %shift_right_arithmetic3A_340 = arith.constant 16 : i32
        %shift_right_arithmetic3A_341 = vector.broadcast %shift_right_arithmetic3A_340 : i32 to vector<16xi32>
        %shift_right_arithmetic3A_342 = arith.shrsi %add3A_336, %shift_right_arithmetic3A_341 : vector<16xi32>
        %and3A_343 = arith.constant 65535 : i32
        %and3A_344 = vector.broadcast %and3A_343 : i32 to vector<16xi32>
        %and3A_345 = arith.andi %shift_right_arithmetic3A_342, %and3A_344 : vector<16xi32>
        %or3A_346 = arith.ori %and3A_339, %and3A_345 : vector<16xi32>
        %bitcast3A_347 = vector.bitcast %or3A_346 : vector<16xi32> to vector<16xf32>
        %bitcast3A_348 = vector.bitcast %gather3A_193 : vector<16xf32> to vector<16xi32>
        %add3A_349 = arith.constant 32767 : i32
        %add3A_350 = vector.broadcast %add3A_349 : i32 to vector<16xi32>
        %add3A_351 = arith.addi %bitcast3A_348, %add3A_350 : vector<16xi32>
        %shift_right_arithmetic3A_352 = arith.constant 16 : i32
        %shift_right_arithmetic3A_353 = vector.broadcast %shift_right_arithmetic3A_352 : i32 to vector<16xi32>
        %shift_right_arithmetic3A_354 = arith.shrsi %bitcast3A_348, %shift_right_arithmetic3A_353 : vector<16xi32>
        %and3A_355 = arith.constant 1 : i32
        %and3A_356 = vector.broadcast %and3A_355 : i32 to vector<16xi32>
        %and3A_357 = arith.andi %shift_right_arithmetic3A_354, %and3A_356 : vector<16xi32>
        %add3A_358 = arith.addi %add3A_351, %and3A_357 : vector<16xi32>
        %bitcast3A_359 = vector.bitcast %gather3A_196 : vector<16xf32> to vector<16xi32>
        %add3A_360 = arith.constant 32767 : i32
        %add3A_361 = vector.broadcast %add3A_360 : i32 to vector<16xi32>
        %add3A_362 = arith.addi %bitcast3A_359, %add3A_361 : vector<16xi32>
        %shift_right_arithmetic3A_363 = arith.constant 16 : i32
        %shift_right_arithmetic3A_364 = vector.broadcast %shift_right_arithmetic3A_363 : i32 to vector<16xi32>
        %shift_right_arithmetic3A_365 = arith.shrsi %bitcast3A_359, %shift_right_arithmetic3A_364 : vector<16xi32>
        %and3A_366 = arith.constant 1 : i32
        %and3A_367 = vector.broadcast %and3A_366 : i32 to vector<16xi32>
        %and3A_368 = arith.andi %shift_right_arithmetic3A_365, %and3A_367 : vector<16xi32>
        %add3A_369 = arith.addi %add3A_362, %and3A_368 : vector<16xi32>
        %and3A_370 = arith.constant -65536 : i32
        %and3A_371 = vector.broadcast %and3A_370 : i32 to vector<16xi32>
        %and3A_372 = arith.andi %add3A_358, %and3A_371 : vector<16xi32>
        %shift_right_arithmetic3A_373 = arith.constant 16 : i32
        %shift_right_arithmetic3A_374 = vector.broadcast %shift_right_arithmetic3A_373 : i32 to vector<16xi32>
        %shift_right_arithmetic3A_375 = arith.shrsi %add3A_369, %shift_right_arithmetic3A_374 : vector<16xi32>
        %and3A_376 = arith.constant 65535 : i32
        %and3A_377 = vector.broadcast %and3A_376 : i32 to vector<16xi32>
        %and3A_378 = arith.andi %shift_right_arithmetic3A_375, %and3A_377 : vector<16xi32>
        %or3A_379 = arith.ori %and3A_372, %and3A_378 : vector<16xi32>
        %bitcast3A_380 = vector.bitcast %or3A_379 : vector<16xi32> to vector<16xf32>
        %bitcast3A_381 = vector.bitcast %gather3A_199 : vector<16xf32> to vector<16xi32>
        %add3A_382 = arith.constant 32767 : i32
        %add3A_383 = vector.broadcast %add3A_382 : i32 to vector<16xi32>
        %add3A_384 = arith.addi %bitcast3A_381, %add3A_383 : vector<16xi32>
        %shift_right_arithmetic3A_385 = arith.constant 16 : i32
        %shift_right_arithmetic3A_386 = vector.broadcast %shift_right_arithmetic3A_385 : i32 to vector<16xi32>
        %shift_right_arithmetic3A_387 = arith.shrsi %bitcast3A_381, %shift_right_arithmetic3A_386 : vector<16xi32>
        %and3A_388 = arith.constant 1 : i32
        %and3A_389 = vector.broadcast %and3A_388 : i32 to vector<16xi32>
        %and3A_390 = arith.andi %shift_right_arithmetic3A_387, %and3A_389 : vector<16xi32>
        %add3A_391 = arith.addi %add3A_384, %and3A_390 : vector<16xi32>
        %bitcast3A_392 = vector.bitcast %mul3A_248 : vector<16xf32> to vector<16xi32>
        %add3A_393 = arith.constant 32767 : i32
        %add3A_394 = vector.broadcast %add3A_393 : i32 to vector<16xi32>
        %add3A_395 = arith.addi %bitcast3A_392, %add3A_394 : vector<16xi32>
        %shift_right_arithmetic3A_396 = arith.constant 16 : i32
        %shift_right_arithmetic3A_397 = vector.broadcast %shift_right_arithmetic3A_396 : i32 to vector<16xi32>
        %shift_right_arithmetic3A_398 = arith.shrsi %bitcast3A_392, %shift_right_arithmetic3A_397 : vector<16xi32>
        %and3A_399 = arith.constant 1 : i32
        %and3A_400 = vector.broadcast %and3A_399 : i32 to vector<16xi32>
        %and3A_401 = arith.andi %shift_right_arithmetic3A_398, %and3A_400 : vector<16xi32>
        %add3A_402 = arith.addi %add3A_395, %and3A_401 : vector<16xi32>
        %and3A_403 = arith.constant -65536 : i32
        %and3A_404 = vector.broadcast %and3A_403 : i32 to vector<16xi32>
        %and3A_405 = arith.andi %add3A_391, %and3A_404 : vector<16xi32>
        %shift_right_arithmetic3A_406 = arith.constant 16 : i32
        %shift_right_arithmetic3A_407 = vector.broadcast %shift_right_arithmetic3A_406 : i32 to vector<16xi32>
        %shift_right_arithmetic3A_408 = arith.shrsi %add3A_402, %shift_right_arithmetic3A_407 : vector<16xi32>
        %and3A_409 = arith.constant 65535 : i32
        %and3A_410 = vector.broadcast %and3A_409 : i32 to vector<16xi32>
        %and3A_411 = arith.andi %shift_right_arithmetic3A_408, %and3A_410 : vector<16xi32>
        %or3A_412 = arith.ori %and3A_405, %and3A_411 : vector<16xi32>
        %bitcast3A_413 = vector.bitcast %or3A_412 : vector<16xi32> to vector<16xf32>
        %bitcast3A_414 = vector.bitcast %mul3A_249 : vector<16xf32> to vector<16xi32>
        %add3A_415 = arith.constant 32767 : i32
        %add3A_416 = vector.broadcast %add3A_415 : i32 to vector<16xi32>
        %add3A_417 = arith.addi %bitcast3A_414, %add3A_416 : vector<16xi32>
        %shift_right_arithmetic3A_418 = arith.constant 16 : i32
        %shift_right_arithmetic3A_419 = vector.broadcast %shift_right_arithmetic3A_418 : i32 to vector<16xi32>
        %shift_right_arithmetic3A_420 = arith.shrsi %bitcast3A_414, %shift_right_arithmetic3A_419 : vector<16xi32>
        %and3A_421 = arith.constant 1 : i32
        %and3A_422 = vector.broadcast %and3A_421 : i32 to vector<16xi32>
        %and3A_423 = arith.andi %shift_right_arithmetic3A_420, %and3A_422 : vector<16xi32>
        %add3A_424 = arith.addi %add3A_417, %and3A_423 : vector<16xi32>
        %bitcast3A_425 = vector.bitcast %mul3A_250 : vector<16xf32> to vector<16xi32>
        %add3A_426 = arith.constant 32767 : i32
        %add3A_427 = vector.broadcast %add3A_426 : i32 to vector<16xi32>
        %add3A_428 = arith.addi %bitcast3A_425, %add3A_427 : vector<16xi32>
        %shift_right_arithmetic3A_429 = arith.constant 16 : i32
        %shift_right_arithmetic3A_430 = vector.broadcast %shift_right_arithmetic3A_429 : i32 to vector<16xi32>
        %shift_right_arithmetic3A_431 = arith.shrsi %bitcast3A_425, %shift_right_arithmetic3A_430 : vector<16xi32>
        %and3A_432 = arith.constant 1 : i32
        %and3A_433 = vector.broadcast %and3A_432 : i32 to vector<16xi32>
        %and3A_434 = arith.andi %shift_right_arithmetic3A_431, %and3A_433 : vector<16xi32>
        %add3A_435 = arith.addi %add3A_428, %and3A_434 : vector<16xi32>
        %and3A_436 = arith.constant -65536 : i32
        %and3A_437 = vector.broadcast %and3A_436 : i32 to vector<16xi32>
        %and3A_438 = arith.andi %add3A_424, %and3A_437 : vector<16xi32>
        %shift_right_arithmetic3A_439 = arith.constant 16 : i32
        %shift_right_arithmetic3A_440 = vector.broadcast %shift_right_arithmetic3A_439 : i32 to vector<16xi32>
        %shift_right_arithmetic3A_441 = arith.shrsi %add3A_435, %shift_right_arithmetic3A_440 : vector<16xi32>
        %and3A_442 = arith.constant 65535 : i32
        %and3A_443 = vector.broadcast %and3A_442 : i32 to vector<16xi32>
        %and3A_444 = arith.andi %shift_right_arithmetic3A_441, %and3A_443 : vector<16xi32>
        %or3A_445 = arith.ori %and3A_438, %and3A_444 : vector<16xi32>
        %bitcast3A_446 = vector.bitcast %or3A_445 : vector<16xi32> to vector<16xf32>
        %mul3A_447 = arith.constant 128 : i32
        %mul3A_448 = arith.muli %scan3A_156, %mul3A_447 : i32
        %add3A_449 = vector.broadcast %mul3A_448 : i32 to vector<16xi32>
        %add3A_450 = arith.addi %add3A_449, %mul3A_3 : vector<16xi32>
        %add3A_451 = arith.constant 0 : i32
        %add3A_452 = vector.broadcast %add3A_451 : i32 to vector<16xi32>
        %add3A_453 = arith.addi %add3A_450, %add3A_452 : vector<16xi32>
        tpu.vector_store_idx %arg9[%add3A_453], %bitcast3A_281 : memref<2048xf32, #tpu.memory_space<vmem>>[vector<16xi32>], vector<16xf32>,
        %add3A_454 = arith.constant 1 : i32
        %add3A_455 = vector.broadcast %add3A_454 : i32 to vector<16xi32>
        %add3A_456 = arith.addi %add3A_450, %add3A_455 : vector<16xi32>
        tpu.vector_store_idx %arg9[%add3A_456], %bitcast3A_314 : memref<2048xf32, #tpu.memory_space<vmem>>[vector<16xi32>], vector<16xf32>,
        %add3A_457 = arith.constant 2 : i32
        %add3A_458 = vector.broadcast %add3A_457 : i32 to vector<16xi32>
        %add3A_459 = arith.addi %add3A_450, %add3A_458 : vector<16xi32>
        tpu.vector_store_idx %arg9[%add3A_459], %bitcast3A_347 : memref<2048xf32, #tpu.memory_space<vmem>>[vector<16xi32>], vector<16xf32>,
        %add3A_460 = arith.constant 3 : i32
        %add3A_461 = vector.broadcast %add3A_460 : i32 to vector<16xi32>
        %add3A_462 = arith.addi %add3A_450, %add3A_461 : vector<16xi32>
        tpu.vector_store_idx %arg9[%add3A_462], %bitcast3A_380 : memref<2048xf32, #tpu.memory_space<vmem>>[vector<16xi32>], vector<16xf32>,
        %add3A_463 = arith.constant 4 : i32
        %add3A_464 = vector.broadcast %add3A_463 : i32 to vector<16xi32>
        %add3A_465 = arith.addi %add3A_450, %add3A_464 : vector<16xi32>
        tpu.vector_store_idx %arg9[%add3A_465], %bitcast3A_413 : memref<2048xf32, #tpu.memory_space<vmem>>[vector<16xi32>], vector<16xf32>,
        %add3A_466 = arith.constant 5 : i32
        %add3A_467 = vector.broadcast %add3A_466 : i32 to vector<16xi32>
        %add3A_468 = arith.addi %add3A_450, %add3A_467 : vector<16xi32>
        tpu.vector_store_idx %arg9[%add3A_468], %bitcast3A_446 : memref<2048xf32, #tpu.memory_space<vmem>>[vector<16xi32>], vector<16xf32>,
      }
      %scan3A_115 = arith.constant 16 : i32
      %mul3A_116 = arith.constant 256 : i32
      %mul3A_117 = arith.muli %add3A_98, %mul3A_116 : i32
      %add3A_118 = arith.addi %mul3A_5, %mul3A_117 : i32
      %mul3A_119 = arith.constant 8 : i32
      %mul3A_120 = arith.muli %add3A_118, %mul3A_119 : i32
      "tpu.region"() ({
        %run_scoped3A = tpu.sem_alloc : memref<!tpu.dma_semaphore, #tpu.memory_space<semaphore_mem>>
        %dma_start3A_156 = tpu.memref_slice %arg4[%mul3A_120] : memref<1638400xf32, #tpu.memory_space<hbm>> -> memref<2048xf32, #tpu.memory_space<hbm>>
        %dma_start3A_157 = tpu.memref_slice %arg4[%mul3A_120] : memref<1638400xf32, #tpu.memory_space<hbm>> -> memref<2048xf32, #tpu.memory_space<hbm>>
        tpu.enqueue_dma source(%arg9 : memref<2048xf32, #tpu.memory_space<vmem>>) target(%dma_start3A_157 : memref<2048xf32, #tpu.memory_space<hbm>>) target_semaphore(%run_scoped3A : memref<!tpu.dma_semaphore, #tpu.memory_space<semaphore_mem>>)
        %dma_wait3A_158 = tpu.memref_slice %arg4[%mul3A_120] : memref<1638400xf32, #tpu.memory_space<hbm>> -> memref<2048xf32, #tpu.memory_space<hbm>>
        %dma_wait3A_159 = tpu.memref_slice %arg4[%mul3A_120] : memref<1638400xf32, #tpu.memory_space<hbm>> -> memref<2048xf32, #tpu.memory_space<hbm>>
        tpu.wait_dma2 semaphore(%run_scoped3A : memref<!tpu.dma_semaphore, #tpu.memory_space<semaphore_mem>>) src(%arg9 : memref<2048xf32, #tpu.memory_space<vmem>>) dst(%dma_wait3A_159 : memref<2048xf32, #tpu.memory_space<hbm>>)
        tpu.yield
      }) : () -> ()
      %convert_element_type3A_121 = arith.extui %lt3A_105 : i1 to i32
      %cond3A_122 = arith.constant 0 : i32
      %cond3A_123 = arith.cmpi ne, %convert_element_type3A_121, %cond3A_122 : i32
      scf.if %cond3A_123 {
        %add3A_156 = arith.constant 2 : i32
        %add3A_157 = arith.addi %add3A_98, %add3A_156 : i32
        %mul3A_158 = arith.constant 256 : i32
        %mul3A_159 = arith.muli %add3A_157, %mul3A_158 : i32
        %add3A_160 = arith.addi %mul3A_5, %mul3A_159 : i32
        %add3A_161 = arith.constant 0 : i32
        %add3A_162 = arith.addi %add3A_161, %add3A_160 : i32
        %dma_start3A_163 = arith.constant 0 : i32
        %dma_start3A_164 = tpu.memref_slice %arg5[%dma_start3A_163] : memref<768xi32, #tpu.memory_space<vmem>> -> memref<256xi32, #tpu.memory_space<vmem>>
        %dma_start3A_165 = tpu.memref_slice %arg3[%add3A_162] : memref<614400xi32, #tpu.memory_space<hbm>> -> memref<256xi32, #tpu.memory_space<hbm>>
        %dma_start3A_166 = arith.constant 0 : i32
        %dma_start3A_167 = tpu.memref_slice %arg5[%dma_start3A_166] : memref<768xi32, #tpu.memory_space<vmem>> -> memref<256xi32, #tpu.memory_space<vmem>>
        %dma_start3A_168 = tpu.memref_slice %arg3[%add3A_162] : memref<614400xi32, #tpu.memory_space<hbm>> -> memref<256xi32, #tpu.memory_space<hbm>>
        tpu.enqueue_dma source(%dma_start3A_168 : memref<256xi32, #tpu.memory_space<hbm>>) target(%dma_start3A_167 : memref<256xi32, #tpu.memory_space<vmem>>) target_semaphore(%arg10 : memref<!tpu.dma_semaphore, #tpu.memory_space<semaphore_mem>>)
        %add3A_169 = arith.constant 204800 : i32
        %add3A_170 = arith.addi %add3A_169, %add3A_160 : i32
        %dma_start3A_171 = arith.constant 256 : i32
        %dma_start3A_172 = tpu.memref_slice %arg5[%dma_start3A_171] : memref<768xi32, #tpu.memory_space<vmem>> -> memref<256xi32, #tpu.memory_space<vmem>>
        %dma_start3A_173 = tpu.memref_slice %arg3[%add3A_170] : memref<614400xi32, #tpu.memory_space<hbm>> -> memref<256xi32, #tpu.memory_space<hbm>>
        %dma_start3A_174 = arith.constant 256 : i32
        %dma_start3A_175 = tpu.memref_slice %arg5[%dma_start3A_174] : memref<768xi32, #tpu.memory_space<vmem>> -> memref<256xi32, #tpu.memory_space<vmem>>
        %dma_start3A_176 = tpu.memref_slice %arg3[%add3A_170] : memref<614400xi32, #tpu.memory_space<hbm>> -> memref<256xi32, #tpu.memory_space<hbm>>
        tpu.enqueue_dma source(%dma_start3A_176 : memref<256xi32, #tpu.memory_space<hbm>>) target(%dma_start3A_175 : memref<256xi32, #tpu.memory_space<vmem>>) target_semaphore(%arg10 : memref<!tpu.dma_semaphore, #tpu.memory_space<semaphore_mem>>)
        %add3A_177 = arith.constant 409600 : i32
        %add3A_178 = arith.addi %add3A_177, %add3A_160 : i32
        %dma_start3A_179 = arith.constant 512 : i32
        %dma_start3A_180 = tpu.memref_slice %arg5[%dma_start3A_179] : memref<768xi32, #tpu.memory_space<vmem>> -> memref<256xi32, #tpu.memory_space<vmem>>
        %dma_start3A_181 = tpu.memref_slice %arg3[%add3A_178] : memref<614400xi32, #tpu.memory_space<hbm>> -> memref<256xi32, #tpu.memory_space<hbm>>
        %dma_start3A_182 = arith.constant 512 : i32
        %dma_start3A_183 = tpu.memref_slice %arg5[%dma_start3A_182] : memref<768xi32, #tpu.memory_space<vmem>> -> memref<256xi32, #tpu.memory_space<vmem>>
        %dma_start3A_184 = tpu.memref_slice %arg3[%add3A_178] : memref<614400xi32, #tpu.memory_space<hbm>> -> memref<256xi32, #tpu.memory_space<hbm>>
        tpu.enqueue_dma source(%dma_start3A_184 : memref<256xi32, #tpu.memory_space<hbm>>) target(%dma_start3A_183 : memref<256xi32, #tpu.memory_space<vmem>>) target_semaphore(%arg10 : memref<!tpu.dma_semaphore, #tpu.memory_space<semaphore_mem>>)
      } else {
      }
      %mul3A_124 = arith.constant 2 : i32
      %mul3A_125 = arith.muli %scan3A_94, %mul3A_124 : i32
      %add3A_126 = arith.constant 1 : i32
      %add3A_127 = arith.addi %mul3A_125, %add3A_126 : i32
      %add3A_128 = arith.constant 1 : i32
      %add3A_129 = arith.addi %add3A_127, %add3A_128 : i32
      %lt3A_130 = arith.constant 25 : i32
      %lt3A_131 = arith.cmpi slt, %add3A_129, %lt3A_130 : i32
      %add3A_132 = arith.constant 2 : i32
      %add3A_133 = arith.addi %add3A_127, %add3A_132 : i32
      %lt3A_134 = arith.constant 25 : i32
      %lt3A_135 = arith.cmpi slt, %add3A_133, %lt3A_134 : i32
      %convert_element_type3A_136 = arith.extui %lt3A_131 : i1 to i32
      %cond3A_137 = arith.constant 0 : i32
      %cond3A_138 = arith.cmpi ne, %convert_element_type3A_136, %cond3A_137 : i32
      scf.if %cond3A_138 {
        %dma_wait3A_156 = arith.constant 0 : i32
        %dma_wait3A_157 = tpu.memref_slice %arg3[%dma_wait3A_156] : memref<614400xi32, #tpu.memory_space<hbm>> -> memref<768xi32, #tpu.memory_space<hbm>>
        %dma_wait3A_158 = arith.constant 0 : i32
        %dma_wait3A_159 = tpu.memref_slice %arg3[%dma_wait3A_158] : memref<614400xi32, #tpu.memory_space<hbm>> -> memref<768xi32, #tpu.memory_space<hbm>>
        tpu.wait_dma2 semaphore(%arg10 : memref<!tpu.dma_semaphore, #tpu.memory_space<semaphore_mem>>) src(%dma_wait3A_159 : memref<768xi32, #tpu.memory_space<hbm>>) dst(%arg5 : memref<768xi32, #tpu.memory_space<vmem>>)
        %dma_start3A_160 = arith.constant 0 : i32
        %dma_start3A_161 = arith.constant 0 : i32
        %dma_start3A_162 = tpu.memref_slice %arg7[%dma_start3A_160, %dma_start3A_161] : memref<768x8xf32, #tpu.memory_space<vmem>> -> memref<384x8xf32, #tpu.memory_space<vmem>>
        %dma_start3A_163 = arith.constant 0 : i32
        %dma_start3A_164 = tpu.memref_slice %arg5[%dma_start3A_163] : memref<768xi32, #tpu.memory_space<vmem>> -> memref<384xi32, #tpu.memory_space<vmem>>
        %dma_start3A_165 = arith.constant 0 : i32
        %dma_start3A_166 = arith.constant 0 : i32
        %dma_start3A_167 = tpu.memref_slice %arg2[%dma_start3A_165, %dma_start3A_166] : memref<100000x8xf32, #tpu.memory_space<hbm>> -> memref<100000x8xf32, #tpu.memory_space<hbm>>
        tpu.enqueue_indirect_dma source(%dma_start3A_167 : memref<100000x8xf32, #tpu.memory_space<hbm>>) target(%dma_start3A_162 : memref<384x8xf32, #tpu.memory_space<vmem>>) offsets(%dma_start3A_164 : memref<384xi32, #tpu.memory_space<vmem>>) semaphore(%arg12 : memref<!tpu.dma_semaphore, #tpu.memory_space<semaphore_mem>>)
        %dma_start3A_168 = arith.constant 384 : i32
        %dma_start3A_169 = arith.constant 0 : i32
        %dma_start3A_170 = tpu.memref_slice %arg7[%dma_start3A_168, %dma_start3A_169] : memref<768x8xf32, #tpu.memory_space<vmem>> -> memref<384x8xf32, #tpu.memory_space<vmem>>
        %dma_start3A_171 = arith.constant 384 : i32
        %dma_start3A_172 = tpu.memref_slice %arg5[%dma_start3A_171] : memref<768xi32, #tpu.memory_space<vmem>> -> memref<384xi32, #tpu.memory_space<vmem>>
        %dma_start3A_173 = arith.constant 0 : i32
        %dma_start3A_174 = arith.constant 0 : i32
        %dma_start3A_175 = tpu.memref_slice %arg2[%dma_start3A_173, %dma_start3A_174] : memref<100000x8xf32, #tpu.memory_space<hbm>> -> memref<100000x8xf32, #tpu.memory_space<hbm>>
        tpu.enqueue_indirect_dma source(%dma_start3A_175 : memref<100000x8xf32, #tpu.memory_space<hbm>>) target(%dma_start3A_170 : memref<384x8xf32, #tpu.memory_space<vmem>>) offsets(%dma_start3A_172 : memref<384xi32, #tpu.memory_space<vmem>>) semaphore(%arg12 : memref<!tpu.dma_semaphore, #tpu.memory_space<semaphore_mem>>)
      } else {
      }
      %dma_wait3A_139 = arith.constant 0 : i32
      %dma_wait3A_140 = arith.constant 0 : i32
      %dma_wait3A_141 = tpu.memref_slice %arg2[%dma_wait3A_139, %dma_wait3A_140] : memref<100000x8xf32, #tpu.memory_space<hbm>> -> memref<100000x8xf32, #tpu.memory_space<hbm>>
      tpu.wait_indirect_dma semaphore(%arg13 : memref<!tpu.dma_semaphore, #tpu.memory_space<semaphore_mem>>) src(%dma_wait3A_141 : memref<100000x8xf32, #tpu.memory_space<hbm>>) dst(%arg8 : memref<768x8xf32, #tpu.memory_space<vmem>>)
      %scan3A_142 = arith.constant 0 : i32
      %scan3A_143 = arith.constant 0 : i32
      %scan3A_144 = arith.constant 16 : i32
      %scan3A_145 = arith.addi %scan3A_143, %scan3A_144 : i32
      %scan3A_146 = arith.constant 1 : i32
      scf.for %scan3A_156 = %scan3A_143 to %scan3A_145 step %scan3A_146  : i32 {
        %mul3A_157 = arith.constant 16 : i32
        %mul3A_158 = arith.muli %scan3A_156, %mul3A_157 : i32
        %add3A_159 = arith.constant 0 : i32
        %add3A_160 = arith.addi %add3A_159, %mul3A_158 : i32
        %add3A_161 = vector.broadcast %add3A_160 : i32 to vector<16xi32>
        %add3A_162 = arith.addi %add3A_161, %iota3A : vector<16xi32>
        %broadcast_in_dim3A = arith.constant 0 : i32
        %broadcast_in_dim3A_163 = vector.broadcast %broadcast_in_dim3A : i32 to vector<16xi32>
        %gather3A = tpu.vector_load_idx %arg8[%add3A_162, %broadcast_in_dim3A_163] : memref<768x8xf32, #tpu.memory_space<vmem>>[vector<16xi32>, vector<16xi32>], vector<16xf32>,
        %broadcast_in_dim3A_164 = arith.constant 1 : i32
        %broadcast_in_dim3A_165 = vector.broadcast %broadcast_in_dim3A_164 : i32 to vector<16xi32>
        %gather3A_166 = tpu.vector_load_idx %arg8[%add3A_162, %broadcast_in_dim3A_165] : memref<768x8xf32, #tpu.memory_space<vmem>>[vector<16xi32>, vector<16xi32>], vector<16xf32>,
        %broadcast_in_dim3A_167 = arith.constant 2 : i32
        %broadcast_in_dim3A_168 = vector.broadcast %broadcast_in_dim3A_167 : i32 to vector<16xi32>
        %gather3A_169 = tpu.vector_load_idx %arg8[%add3A_162, %broadcast_in_dim3A_168] : memref<768x8xf32, #tpu.memory_space<vmem>>[vector<16xi32>, vector<16xi32>], vector<16xf32>,
        %mul3A_170 = arith.constant 16 : i32
        %mul3A_171 = arith.muli %scan3A_156, %mul3A_170 : i32
        %add3A_172 = arith.constant 256 : i32
        %add3A_173 = arith.addi %add3A_172, %mul3A_171 : i32
        %add3A_174 = vector.broadcast %add3A_173 : i32 to vector<16xi32>
        %add3A_175 = arith.addi %add3A_174, %iota3A : vector<16xi32>
        %broadcast_in_dim3A_176 = arith.constant 0 : i32
        %broadcast_in_dim3A_177 = vector.broadcast %broadcast_in_dim3A_176 : i32 to vector<16xi32>
        %gather3A_178 = tpu.vector_load_idx %arg8[%add3A_175, %broadcast_in_dim3A_177] : memref<768x8xf32, #tpu.memory_space<vmem>>[vector<16xi32>, vector<16xi32>], vector<16xf32>,
        %broadcast_in_dim3A_179 = arith.constant 1 : i32
        %broadcast_in_dim3A_180 = vector.broadcast %broadcast_in_dim3A_179 : i32 to vector<16xi32>
        %gather3A_181 = tpu.vector_load_idx %arg8[%add3A_175, %broadcast_in_dim3A_180] : memref<768x8xf32, #tpu.memory_space<vmem>>[vector<16xi32>, vector<16xi32>], vector<16xf32>,
        %broadcast_in_dim3A_182 = arith.constant 2 : i32
        %broadcast_in_dim3A_183 = vector.broadcast %broadcast_in_dim3A_182 : i32 to vector<16xi32>
        %gather3A_184 = tpu.vector_load_idx %arg8[%add3A_175, %broadcast_in_dim3A_183] : memref<768x8xf32, #tpu.memory_space<vmem>>[vector<16xi32>, vector<16xi32>], vector<16xf32>,
        %mul3A_185 = arith.constant 16 : i32
        %mul3A_186 = arith.muli %scan3A_156, %mul3A_185 : i32
        %add3A_187 = arith.constant 512 : i32
        %add3A_188 = arith.addi %add3A_187, %mul3A_186 : i32
        %add3A_189 = vector.broadcast %add3A_188 : i32 to vector<16xi32>
        %add3A_190 = arith.addi %add3A_189, %iota3A : vector<16xi32>
        %broadcast_in_dim3A_191 = arith.constant 0 : i32
        %broadcast_in_dim3A_192 = vector.broadcast %broadcast_in_dim3A_191 : i32 to vector<16xi32>
        %gather3A_193 = tpu.vector_load_idx %arg8[%add3A_190, %broadcast_in_dim3A_192] : memref<768x8xf32, #tpu.memory_space<vmem>>[vector<16xi32>, vector<16xi32>], vector<16xf32>,
        %broadcast_in_dim3A_194 = arith.constant 1 : i32
        %broadcast_in_dim3A_195 = vector.broadcast %broadcast_in_dim3A_194 : i32 to vector<16xi32>
        %gather3A_196 = tpu.vector_load_idx %arg8[%add3A_190, %broadcast_in_dim3A_195] : memref<768x8xf32, #tpu.memory_space<vmem>>[vector<16xi32>, vector<16xi32>], vector<16xf32>,
        %broadcast_in_dim3A_197 = arith.constant 2 : i32
        %broadcast_in_dim3A_198 = vector.broadcast %broadcast_in_dim3A_197 : i32 to vector<16xi32>
        %gather3A_199 = tpu.vector_load_idx %arg8[%add3A_190, %broadcast_in_dim3A_198] : memref<768x8xf32, #tpu.memory_space<vmem>>[vector<16xi32>, vector<16xi32>], vector<16xf32>,
        %sub3A = arith.subf %gather3A_178, %gather3A : vector<16xf32>
        %sub3A_200 = arith.subf %gather3A_181, %gather3A_166 : vector<16xf32>
        %sub3A_201 = arith.subf %gather3A_184, %gather3A_169 : vector<16xf32>
        %sub3A_202 = arith.subf %gather3A_193, %gather3A : vector<16xf32>
        %sub3A_203 = arith.subf %gather3A_196, %gather3A_166 : vector<16xf32>
        %sub3A_204 = arith.subf %gather3A_199, %gather3A_169 : vector<16xf32>
        %mul3A_205 = arith.mulf %sub3A_200, %sub3A_204 : vector<16xf32>
        %mul3A_206 = arith.mulf %sub3A_201, %sub3A_203 : vector<16xf32>
        %sub3A_207 = arith.subf %mul3A_205, %mul3A_206 : vector<16xf32>
        %mul3A_208 = arith.mulf %sub3A_201, %sub3A_202 : vector<16xf32>
        %mul3A_209 = arith.mulf %sub3A, %sub3A_204 : vector<16xf32>
        %sub3A_210 = arith.subf %mul3A_208, %mul3A_209 : vector<16xf32>
        %mul3A_211 = arith.mulf %sub3A, %sub3A_203 : vector<16xf32>
        %mul3A_212 = arith.mulf %sub3A_200, %sub3A_202 : vector<16xf32>
        %sub3A_213 = arith.subf %mul3A_211, %mul3A_212 : vector<16xf32>
        %mul3A_214 = arith.mulf %sub3A_207, %sub3A_207 : vector<16xf32>
        %mul3A_215 = arith.mulf %sub3A_210, %sub3A_210 : vector<16xf32>
        %add3A_216 = arith.addf %mul3A_214, %mul3A_215 : vector<16xf32>
        %mul3A_217 = arith.mulf %sub3A_213, %sub3A_213 : vector<16xf32>
        %add3A_218 = arith.addf %add3A_216, %mul3A_217 : vector<16xf32>
        %max3A = arith.constant 1.000000e-24 : f32
        %max3A_219 = vector.broadcast %max3A : f32 to vector<16xf32>
        %max3A_220 = arith.maximumf %add3A_218, %max3A_219 : vector<16xf32>
        %bitcast3A = vector.bitcast %max3A_220 : vector<16xf32> to vector<16xi32>
        %shift_right_arithmetic3A = arith.constant 1 : i32
        %shift_right_arithmetic3A_221 = vector.broadcast %shift_right_arithmetic3A : i32 to vector<16xi32>
        %shift_right_arithmetic3A_222 = arith.shrsi %bitcast3A, %shift_right_arithmetic3A_221 : vector<16xi32>
        %sub3A_223 = arith.constant 1597463007 : i32
        %sub3A_224 = vector.broadcast %sub3A_223 : i32 to vector<16xi32>
        %sub3A_225 = arith.subi %sub3A_224, %shift_right_arithmetic3A_222 : vector<16xi32>
        %bitcast3A_226 = vector.bitcast %sub3A_225 : vector<16xi32> to vector<16xf32>
        %mul3A_227 = arith.constant 5.000000e-01 : f32
        %mul3A_228 = vector.broadcast %mul3A_227 : f32 to vector<16xf32>
        %mul3A_229 = arith.mulf %max3A_220, %mul3A_228 : vector<16xf32>
        %mul3A_230 = arith.mulf %mul3A_229, %bitcast3A_226 : vector<16xf32>
        %mul3A_231 = arith.mulf %mul3A_230, %bitcast3A_226 : vector<16xf32>
        %sub3A_232 = arith.constant 1.500000e+00 : f32
        %sub3A_233 = vector.broadcast %sub3A_232 : f32 to vector<16xf32>
        %sub3A_234 = arith.subf %sub3A_233, %mul3A_231 : vector<16xf32>
        %mul3A_235 = arith.mulf %bitcast3A_226, %sub3A_234 : vector<16xf32>
        %mul3A_236 = arith.mulf %mul3A_229, %mul3A_235 : vector<16xf32>
        %mul3A_237 = arith.mulf %mul3A_236, %mul3A_235 : vector<16xf32>
        %sub3A_238 = arith.constant 1.500000e+00 : f32
        %sub3A_239 = vector.broadcast %sub3A_238 : f32 to vector<16xf32>
        %sub3A_240 = arith.subf %sub3A_239, %mul3A_237 : vector<16xf32>
        %mul3A_241 = arith.mulf %mul3A_235, %sub3A_240 : vector<16xf32>
        %mul3A_242 = arith.mulf %mul3A_229, %mul3A_241 : vector<16xf32>
        %mul3A_243 = arith.mulf %mul3A_242, %mul3A_241 : vector<16xf32>
        %sub3A_244 = arith.constant 1.500000e+00 : f32
        %sub3A_245 = vector.broadcast %sub3A_244 : f32 to vector<16xf32>
        %sub3A_246 = arith.subf %sub3A_245, %mul3A_243 : vector<16xf32>
        %mul3A_247 = arith.mulf %mul3A_241, %sub3A_246 : vector<16xf32>
        %mul3A_248 = arith.mulf %sub3A_207, %mul3A_247 : vector<16xf32>
        %mul3A_249 = arith.mulf %sub3A_210, %mul3A_247 : vector<16xf32>
        %mul3A_250 = arith.mulf %sub3A_213, %mul3A_247 : vector<16xf32>
        %bitcast3A_251 = vector.bitcast %gather3A : vector<16xf32> to vector<16xi32>
        %add3A_252 = arith.constant 32767 : i32
        %add3A_253 = vector.broadcast %add3A_252 : i32 to vector<16xi32>
        %add3A_254 = arith.addi %bitcast3A_251, %add3A_253 : vector<16xi32>
        %shift_right_arithmetic3A_255 = arith.constant 16 : i32
        %shift_right_arithmetic3A_256 = vector.broadcast %shift_right_arithmetic3A_255 : i32 to vector<16xi32>
        %shift_right_arithmetic3A_257 = arith.shrsi %bitcast3A_251, %shift_right_arithmetic3A_256 : vector<16xi32>
        %and3A = arith.constant 1 : i32
        %and3A_258 = vector.broadcast %and3A : i32 to vector<16xi32>
        %and3A_259 = arith.andi %shift_right_arithmetic3A_257, %and3A_258 : vector<16xi32>
        %add3A_260 = arith.addi %add3A_254, %and3A_259 : vector<16xi32>
        %bitcast3A_261 = vector.bitcast %gather3A_166 : vector<16xf32> to vector<16xi32>
        %add3A_262 = arith.constant 32767 : i32
        %add3A_263 = vector.broadcast %add3A_262 : i32 to vector<16xi32>
        %add3A_264 = arith.addi %bitcast3A_261, %add3A_263 : vector<16xi32>
        %shift_right_arithmetic3A_265 = arith.constant 16 : i32
        %shift_right_arithmetic3A_266 = vector.broadcast %shift_right_arithmetic3A_265 : i32 to vector<16xi32>
        %shift_right_arithmetic3A_267 = arith.shrsi %bitcast3A_261, %shift_right_arithmetic3A_266 : vector<16xi32>
        %and3A_268 = arith.constant 1 : i32
        %and3A_269 = vector.broadcast %and3A_268 : i32 to vector<16xi32>
        %and3A_270 = arith.andi %shift_right_arithmetic3A_267, %and3A_269 : vector<16xi32>
        %add3A_271 = arith.addi %add3A_264, %and3A_270 : vector<16xi32>
        %and3A_272 = arith.constant -65536 : i32
        %and3A_273 = vector.broadcast %and3A_272 : i32 to vector<16xi32>
        %and3A_274 = arith.andi %add3A_260, %and3A_273 : vector<16xi32>
        %shift_right_arithmetic3A_275 = arith.constant 16 : i32
        %shift_right_arithmetic3A_276 = vector.broadcast %shift_right_arithmetic3A_275 : i32 to vector<16xi32>
        %shift_right_arithmetic3A_277 = arith.shrsi %add3A_271, %shift_right_arithmetic3A_276 : vector<16xi32>
        %and3A_278 = arith.constant 65535 : i32
        %and3A_279 = vector.broadcast %and3A_278 : i32 to vector<16xi32>
        %and3A_280 = arith.andi %shift_right_arithmetic3A_277, %and3A_279 : vector<16xi32>
        %or3A = arith.ori %and3A_274, %and3A_280 : vector<16xi32>
        %bitcast3A_281 = vector.bitcast %or3A : vector<16xi32> to vector<16xf32>
        %bitcast3A_282 = vector.bitcast %gather3A_169 : vector<16xf32> to vector<16xi32>
        %add3A_283 = arith.constant 32767 : i32
        %add3A_284 = vector.broadcast %add3A_283 : i32 to vector<16xi32>
        %add3A_285 = arith.addi %bitcast3A_282, %add3A_284 : vector<16xi32>
        %shift_right_arithmetic3A_286 = arith.constant 16 : i32
        %shift_right_arithmetic3A_287 = vector.broadcast %shift_right_arithmetic3A_286 : i32 to vector<16xi32>
        %shift_right_arithmetic3A_288 = arith.shrsi %bitcast3A_282, %shift_right_arithmetic3A_287 : vector<16xi32>
        %and3A_289 = arith.constant 1 : i32
        %and3A_290 = vector.broadcast %and3A_289 : i32 to vector<16xi32>
        %and3A_291 = arith.andi %shift_right_arithmetic3A_288, %and3A_290 : vector<16xi32>
        %add3A_292 = arith.addi %add3A_285, %and3A_291 : vector<16xi32>
        %bitcast3A_293 = vector.bitcast %gather3A_178 : vector<16xf32> to vector<16xi32>
        %add3A_294 = arith.constant 32767 : i32
        %add3A_295 = vector.broadcast %add3A_294 : i32 to vector<16xi32>
        %add3A_296 = arith.addi %bitcast3A_293, %add3A_295 : vector<16xi32>
        %shift_right_arithmetic3A_297 = arith.constant 16 : i32
        %shift_right_arithmetic3A_298 = vector.broadcast %shift_right_arithmetic3A_297 : i32 to vector<16xi32>
        %shift_right_arithmetic3A_299 = arith.shrsi %bitcast3A_293, %shift_right_arithmetic3A_298 : vector<16xi32>
        %and3A_300 = arith.constant 1 : i32
        %and3A_301 = vector.broadcast %and3A_300 : i32 to vector<16xi32>
        %and3A_302 = arith.andi %shift_right_arithmetic3A_299, %and3A_301 : vector<16xi32>
        %add3A_303 = arith.addi %add3A_296, %and3A_302 : vector<16xi32>
        %and3A_304 = arith.constant -65536 : i32
        %and3A_305 = vector.broadcast %and3A_304 : i32 to vector<16xi32>
        %and3A_306 = arith.andi %add3A_292, %and3A_305 : vector<16xi32>
        %shift_right_arithmetic3A_307 = arith.constant 16 : i32
        %shift_right_arithmetic3A_308 = vector.broadcast %shift_right_arithmetic3A_307 : i32 to vector<16xi32>
        %shift_right_arithmetic3A_309 = arith.shrsi %add3A_303, %shift_right_arithmetic3A_308 : vector<16xi32>
        %and3A_310 = arith.constant 65535 : i32
        %and3A_311 = vector.broadcast %and3A_310 : i32 to vector<16xi32>
        %and3A_312 = arith.andi %shift_right_arithmetic3A_309, %and3A_311 : vector<16xi32>
        %or3A_313 = arith.ori %and3A_306, %and3A_312 : vector<16xi32>
        %bitcast3A_314 = vector.bitcast %or3A_313 : vector<16xi32> to vector<16xf32>
        %bitcast3A_315 = vector.bitcast %gather3A_181 : vector<16xf32> to vector<16xi32>
        %add3A_316 = arith.constant 32767 : i32
        %add3A_317 = vector.broadcast %add3A_316 : i32 to vector<16xi32>
        %add3A_318 = arith.addi %bitcast3A_315, %add3A_317 : vector<16xi32>
        %shift_right_arithmetic3A_319 = arith.constant 16 : i32
        %shift_right_arithmetic3A_320 = vector.broadcast %shift_right_arithmetic3A_319 : i32 to vector<16xi32>
        %shift_right_arithmetic3A_321 = arith.shrsi %bitcast3A_315, %shift_right_arithmetic3A_320 : vector<16xi32>
        %and3A_322 = arith.constant 1 : i32
        %and3A_323 = vector.broadcast %and3A_322 : i32 to vector<16xi32>
        %and3A_324 = arith.andi %shift_right_arithmetic3A_321, %and3A_323 : vector<16xi32>
        %add3A_325 = arith.addi %add3A_318, %and3A_324 : vector<16xi32>
        %bitcast3A_326 = vector.bitcast %gather3A_184 : vector<16xf32> to vector<16xi32>
        %add3A_327 = arith.constant 32767 : i32
        %add3A_328 = vector.broadcast %add3A_327 : i32 to vector<16xi32>
        %add3A_329 = arith.addi %bitcast3A_326, %add3A_328 : vector<16xi32>
        %shift_right_arithmetic3A_330 = arith.constant 16 : i32
        %shift_right_arithmetic3A_331 = vector.broadcast %shift_right_arithmetic3A_330 : i32 to vector<16xi32>
        %shift_right_arithmetic3A_332 = arith.shrsi %bitcast3A_326, %shift_right_arithmetic3A_331 : vector<16xi32>
        %and3A_333 = arith.constant 1 : i32
        %and3A_334 = vector.broadcast %and3A_333 : i32 to vector<16xi32>
        %and3A_335 = arith.andi %shift_right_arithmetic3A_332, %and3A_334 : vector<16xi32>
        %add3A_336 = arith.addi %add3A_329, %and3A_335 : vector<16xi32>
        %and3A_337 = arith.constant -65536 : i32
        %and3A_338 = vector.broadcast %and3A_337 : i32 to vector<16xi32>
        %and3A_339 = arith.andi %add3A_325, %and3A_338 : vector<16xi32>
        %shift_right_arithmetic3A_340 = arith.constant 16 : i32
        %shift_right_arithmetic3A_341 = vector.broadcast %shift_right_arithmetic3A_340 : i32 to vector<16xi32>
        %shift_right_arithmetic3A_342 = arith.shrsi %add3A_336, %shift_right_arithmetic3A_341 : vector<16xi32>
        %and3A_343 = arith.constant 65535 : i32
        %and3A_344 = vector.broadcast %and3A_343 : i32 to vector<16xi32>
        %and3A_345 = arith.andi %shift_right_arithmetic3A_342, %and3A_344 : vector<16xi32>
        %or3A_346 = arith.ori %and3A_339, %and3A_345 : vector<16xi32>
        %bitcast3A_347 = vector.bitcast %or3A_346 : vector<16xi32> to vector<16xf32>
        %bitcast3A_348 = vector.bitcast %gather3A_193 : vector<16xf32> to vector<16xi32>
        %add3A_349 = arith.constant 32767 : i32
        %add3A_350 = vector.broadcast %add3A_349 : i32 to vector<16xi32>
        %add3A_351 = arith.addi %bitcast3A_348, %add3A_350 : vector<16xi32>
        %shift_right_arithmetic3A_352 = arith.constant 16 : i32
        %shift_right_arithmetic3A_353 = vector.broadcast %shift_right_arithmetic3A_352 : i32 to vector<16xi32>
        %shift_right_arithmetic3A_354 = arith.shrsi %bitcast3A_348, %shift_right_arithmetic3A_353 : vector<16xi32>
        %and3A_355 = arith.constant 1 : i32
        %and3A_356 = vector.broadcast %and3A_355 : i32 to vector<16xi32>
        %and3A_357 = arith.andi %shift_right_arithmetic3A_354, %and3A_356 : vector<16xi32>
        %add3A_358 = arith.addi %add3A_351, %and3A_357 : vector<16xi32>
        %bitcast3A_359 = vector.bitcast %gather3A_196 : vector<16xf32> to vector<16xi32>
        %add3A_360 = arith.constant 32767 : i32
        %add3A_361 = vector.broadcast %add3A_360 : i32 to vector<16xi32>
        %add3A_362 = arith.addi %bitcast3A_359, %add3A_361 : vector<16xi32>
        %shift_right_arithmetic3A_363 = arith.constant 16 : i32
        %shift_right_arithmetic3A_364 = vector.broadcast %shift_right_arithmetic3A_363 : i32 to vector<16xi32>
        %shift_right_arithmetic3A_365 = arith.shrsi %bitcast3A_359, %shift_right_arithmetic3A_364 : vector<16xi32>
        %and3A_366 = arith.constant 1 : i32
        %and3A_367 = vector.broadcast %and3A_366 : i32 to vector<16xi32>
        %and3A_368 = arith.andi %shift_right_arithmetic3A_365, %and3A_367 : vector<16xi32>
        %add3A_369 = arith.addi %add3A_362, %and3A_368 : vector<16xi32>
        %and3A_370 = arith.constant -65536 : i32
        %and3A_371 = vector.broadcast %and3A_370 : i32 to vector<16xi32>
        %and3A_372 = arith.andi %add3A_358, %and3A_371 : vector<16xi32>
        %shift_right_arithmetic3A_373 = arith.constant 16 : i32
        %shift_right_arithmetic3A_374 = vector.broadcast %shift_right_arithmetic3A_373 : i32 to vector<16xi32>
        %shift_right_arithmetic3A_375 = arith.shrsi %add3A_369, %shift_right_arithmetic3A_374 : vector<16xi32>
        %and3A_376 = arith.constant 65535 : i32
        %and3A_377 = vector.broadcast %and3A_376 : i32 to vector<16xi32>
        %and3A_378 = arith.andi %shift_right_arithmetic3A_375, %and3A_377 : vector<16xi32>
        %or3A_379 = arith.ori %and3A_372, %and3A_378 : vector<16xi32>
        %bitcast3A_380 = vector.bitcast %or3A_379 : vector<16xi32> to vector<16xf32>
        %bitcast3A_381 = vector.bitcast %gather3A_199 : vector<16xf32> to vector<16xi32>
        %add3A_382 = arith.constant 32767 : i32
        %add3A_383 = vector.broadcast %add3A_382 : i32 to vector<16xi32>
        %add3A_384 = arith.addi %bitcast3A_381, %add3A_383 : vector<16xi32>
        %shift_right_arithmetic3A_385 = arith.constant 16 : i32
        %shift_right_arithmetic3A_386 = vector.broadcast %shift_right_arithmetic3A_385 : i32 to vector<16xi32>
        %shift_right_arithmetic3A_387 = arith.shrsi %bitcast3A_381, %shift_right_arithmetic3A_386 : vector<16xi32>
        %and3A_388 = arith.constant 1 : i32
        %and3A_389 = vector.broadcast %and3A_388 : i32 to vector<16xi32>
        %and3A_390 = arith.andi %shift_right_arithmetic3A_387, %and3A_389 : vector<16xi32>
        %add3A_391 = arith.addi %add3A_384, %and3A_390 : vector<16xi32>
        %bitcast3A_392 = vector.bitcast %mul3A_248 : vector<16xf32> to vector<16xi32>
        %add3A_393 = arith.constant 32767 : i32
        %add3A_394 = vector.broadcast %add3A_393 : i32 to vector<16xi32>
        %add3A_395 = arith.addi %bitcast3A_392, %add3A_394 : vector<16xi32>
        %shift_right_arithmetic3A_396 = arith.constant 16 : i32
        %shift_right_arithmetic3A_397 = vector.broadcast %shift_right_arithmetic3A_396 : i32 to vector<16xi32>
        %shift_right_arithmetic3A_398 = arith.shrsi %bitcast3A_392, %shift_right_arithmetic3A_397 : vector<16xi32>
        %and3A_399 = arith.constant 1 : i32
        %and3A_400 = vector.broadcast %and3A_399 : i32 to vector<16xi32>
        %and3A_401 = arith.andi %shift_right_arithmetic3A_398, %and3A_400 : vector<16xi32>
        %add3A_402 = arith.addi %add3A_395, %and3A_401 : vector<16xi32>
        %and3A_403 = arith.constant -65536 : i32
        %and3A_404 = vector.broadcast %and3A_403 : i32 to vector<16xi32>
        %and3A_405 = arith.andi %add3A_391, %and3A_404 : vector<16xi32>
        %shift_right_arithmetic3A_406 = arith.constant 16 : i32
        %shift_right_arithmetic3A_407 = vector.broadcast %shift_right_arithmetic3A_406 : i32 to vector<16xi32>
        %shift_right_arithmetic3A_408 = arith.shrsi %add3A_402, %shift_right_arithmetic3A_407 : vector<16xi32>
        %and3A_409 = arith.constant 65535 : i32
        %and3A_410 = vector.broadcast %and3A_409 : i32 to vector<16xi32>
        %and3A_411 = arith.andi %shift_right_arithmetic3A_408, %and3A_410 : vector<16xi32>
        %or3A_412 = arith.ori %and3A_405, %and3A_411 : vector<16xi32>
        %bitcast3A_413 = vector.bitcast %or3A_412 : vector<16xi32> to vector<16xf32>
        %bitcast3A_414 = vector.bitcast %mul3A_249 : vector<16xf32> to vector<16xi32>
        %add3A_415 = arith.constant 32767 : i32
        %add3A_416 = vector.broadcast %add3A_415 : i32 to vector<16xi32>
        %add3A_417 = arith.addi %bitcast3A_414, %add3A_416 : vector<16xi32>
        %shift_right_arithmetic3A_418 = arith.constant 16 : i32
        %shift_right_arithmetic3A_419 = vector.broadcast %shift_right_arithmetic3A_418 : i32 to vector<16xi32>
        %shift_right_arithmetic3A_420 = arith.shrsi %bitcast3A_414, %shift_right_arithmetic3A_419 : vector<16xi32>
        %and3A_421 = arith.constant 1 : i32
        %and3A_422 = vector.broadcast %and3A_421 : i32 to vector<16xi32>
        %and3A_423 = arith.andi %shift_right_arithmetic3A_420, %and3A_422 : vector<16xi32>
        %add3A_424 = arith.addi %add3A_417, %and3A_423 : vector<16xi32>
        %bitcast3A_425 = vector.bitcast %mul3A_250 : vector<16xf32> to vector<16xi32>
        %add3A_426 = arith.constant 32767 : i32
        %add3A_427 = vector.broadcast %add3A_426 : i32 to vector<16xi32>
        %add3A_428 = arith.addi %bitcast3A_425, %add3A_427 : vector<16xi32>
        %shift_right_arithmetic3A_429 = arith.constant 16 : i32
        %shift_right_arithmetic3A_430 = vector.broadcast %shift_right_arithmetic3A_429 : i32 to vector<16xi32>
        %shift_right_arithmetic3A_431 = arith.shrsi %bitcast3A_425, %shift_right_arithmetic3A_430 : vector<16xi32>
        %and3A_432 = arith.constant 1 : i32
        %and3A_433 = vector.broadcast %and3A_432 : i32 to vector<16xi32>
        %and3A_434 = arith.andi %shift_right_arithmetic3A_431, %and3A_433 : vector<16xi32>
        %add3A_435 = arith.addi %add3A_428, %and3A_434 : vector<16xi32>
        %and3A_436 = arith.constant -65536 : i32
        %and3A_437 = vector.broadcast %and3A_436 : i32 to vector<16xi32>
        %and3A_438 = arith.andi %add3A_424, %and3A_437 : vector<16xi32>
        %shift_right_arithmetic3A_439 = arith.constant 16 : i32
        %shift_right_arithmetic3A_440 = vector.broadcast %shift_right_arithmetic3A_439 : i32 to vector<16xi32>
        %shift_right_arithmetic3A_441 = arith.shrsi %add3A_435, %shift_right_arithmetic3A_440 : vector<16xi32>
        %and3A_442 = arith.constant 65535 : i32
        %and3A_443 = vector.broadcast %and3A_442 : i32 to vector<16xi32>
        %and3A_444 = arith.andi %shift_right_arithmetic3A_441, %and3A_443 : vector<16xi32>
        %or3A_445 = arith.ori %and3A_438, %and3A_444 : vector<16xi32>
        %bitcast3A_446 = vector.bitcast %or3A_445 : vector<16xi32> to vector<16xf32>
        %mul3A_447 = arith.constant 128 : i32
        %mul3A_448 = arith.muli %scan3A_156, %mul3A_447 : i32
        %add3A_449 = vector.broadcast %mul3A_448 : i32 to vector<16xi32>
        %add3A_450 = arith.addi %add3A_449, %mul3A_3 : vector<16xi32>
        %add3A_451 = arith.constant 0 : i32
        %add3A_452 = vector.broadcast %add3A_451 : i32 to vector<16xi32>
        %add3A_453 = arith.addi %add3A_450, %add3A_452 : vector<16xi32>
        tpu.vector_store_idx %arg9[%add3A_453], %bitcast3A_281 : memref<2048xf32, #tpu.memory_space<vmem>>[vector<16xi32>], vector<16xf32>,
        %add3A_454 = arith.constant 1 : i32
        %add3A_455 = vector.broadcast %add3A_454 : i32 to vector<16xi32>
        %add3A_456 = arith.addi %add3A_450, %add3A_455 : vector<16xi32>
        tpu.vector_store_idx %arg9[%add3A_456], %bitcast3A_314 : memref<2048xf32, #tpu.memory_space<vmem>>[vector<16xi32>], vector<16xf32>,
        %add3A_457 = arith.constant 2 : i32
        %add3A_458 = vector.broadcast %add3A_457 : i32 to vector<16xi32>
        %add3A_459 = arith.addi %add3A_450, %add3A_458 : vector<16xi32>
        tpu.vector_store_idx %arg9[%add3A_459], %bitcast3A_347 : memref<2048xf32, #tpu.memory_space<vmem>>[vector<16xi32>], vector<16xf32>,
        %add3A_460 = arith.constant 3 : i32
        %add3A_461 = vector.broadcast %add3A_460 : i32 to vector<16xi32>
        %add3A_462 = arith.addi %add3A_450, %add3A_461 : vector<16xi32>
        tpu.vector_store_idx %arg9[%add3A_462], %bitcast3A_380 : memref<2048xf32, #tpu.memory_space<vmem>>[vector<16xi32>], vector<16xf32>,
        %add3A_463 = arith.constant 4 : i32
        %add3A_464 = vector.broadcast %add3A_463 : i32 to vector<16xi32>
        %add3A_465 = arith.addi %add3A_450, %add3A_464 : vector<16xi32>
        tpu.vector_store_idx %arg9[%add3A_465], %bitcast3A_413 : memref<2048xf32, #tpu.memory_space<vmem>>[vector<16xi32>], vector<16xf32>,
        %add3A_466 = arith.constant 5 : i32
        %add3A_467 = vector.broadcast %add3A_466 : i32 to vector<16xi32>
        %add3A_468 = arith.addi %add3A_450, %add3A_467 : vector<16xi32>
        tpu.vector_store_idx %arg9[%add3A_468], %bitcast3A_446 : memref<2048xf32, #tpu.memory_space<vmem>>[vector<16xi32>], vector<16xf32>,
      }
      %scan3A_147 = arith.constant 16 : i32
      %mul3A_148 = arith.constant 256 : i32
      %mul3A_149 = arith.muli %add3A_127, %mul3A_148 : i32
      %add3A_150 = arith.addi %mul3A_5, %mul3A_149 : i32
      %mul3A_151 = arith.constant 8 : i32
      %mul3A_152 = arith.muli %add3A_150, %mul3A_151 : i32
      "tpu.region"() ({
        %run_scoped3A = tpu.sem_alloc : memref<!tpu.dma_semaphore, #tpu.memory_space<semaphore_mem>>
        %dma_start3A_156 = tpu.memref_slice %arg4[%mul3A_152] : memref<1638400xf32, #tpu.memory_space<hbm>> -> memref<2048xf32, #tpu.memory_space<hbm>>
        %dma_start3A_157 = tpu.memref_slice %arg4[%mul3A_152] : memref<1638400xf32, #tpu.memory_space<hbm>> -> memref<2048xf32, #tpu.memory_space<hbm>>
        tpu.enqueue_dma source(%arg9 : memref<2048xf32, #tpu.memory_space<vmem>>) target(%dma_start3A_157 : memref<2048xf32, #tpu.memory_space<hbm>>) target_semaphore(%run_scoped3A : memref<!tpu.dma_semaphore, #tpu.memory_space<semaphore_mem>>)
        %dma_wait3A_158 = tpu.memref_slice %arg4[%mul3A_152] : memref<1638400xf32, #tpu.memory_space<hbm>> -> memref<2048xf32, #tpu.memory_space<hbm>>
        %dma_wait3A_159 = tpu.memref_slice %arg4[%mul3A_152] : memref<1638400xf32, #tpu.memory_space<hbm>> -> memref<2048xf32, #tpu.memory_space<hbm>>
        tpu.wait_dma2 semaphore(%run_scoped3A : memref<!tpu.dma_semaphore, #tpu.memory_space<semaphore_mem>>) src(%arg9 : memref<2048xf32, #tpu.memory_space<vmem>>) dst(%dma_wait3A_159 : memref<2048xf32, #tpu.memory_space<hbm>>)
        tpu.yield
      }) : () -> ()
      %convert_element_type3A_153 = arith.extui %lt3A_135 : i1 to i32
      %cond3A_154 = arith.constant 0 : i32
      %cond3A_155 = arith.cmpi ne, %convert_element_type3A_153, %cond3A_154 : i32
      scf.if %cond3A_155 {
        %add3A_156 = arith.constant 2 : i32
        %add3A_157 = arith.addi %add3A_127, %add3A_156 : i32
        %mul3A_158 = arith.constant 256 : i32
        %mul3A_159 = arith.muli %add3A_157, %mul3A_158 : i32
        %add3A_160 = arith.addi %mul3A_5, %mul3A_159 : i32
        %add3A_161 = arith.constant 0 : i32
        %add3A_162 = arith.addi %add3A_161, %add3A_160 : i32
        %dma_start3A_163 = arith.constant 0 : i32
        %dma_start3A_164 = tpu.memref_slice %arg6[%dma_start3A_163] : memref<768xi32, #tpu.memory_space<vmem>> -> memref<256xi32, #tpu.memory_space<vmem>>
        %dma_start3A_165 = tpu.memref_slice %arg3[%add3A_162] : memref<614400xi32, #tpu.memory_space<hbm>> -> memref<256xi32, #tpu.memory_space<hbm>>
        %dma_start3A_166 = arith.constant 0 : i32
        %dma_start3A_167 = tpu.memref_slice %arg6[%dma_start3A_166] : memref<768xi32, #tpu.memory_space<vmem>> -> memref<256xi32, #tpu.memory_space<vmem>>
        %dma_start3A_168 = tpu.memref_slice %arg3[%add3A_162] : memref<614400xi32, #tpu.memory_space<hbm>> -> memref<256xi32, #tpu.memory_space<hbm>>
        tpu.enqueue_dma source(%dma_start3A_168 : memref<256xi32, #tpu.memory_space<hbm>>) target(%dma_start3A_167 : memref<256xi32, #tpu.memory_space<vmem>>) target_semaphore(%arg11 : memref<!tpu.dma_semaphore, #tpu.memory_space<semaphore_mem>>)
        %add3A_169 = arith.constant 204800 : i32
        %add3A_170 = arith.addi %add3A_169, %add3A_160 : i32
        %dma_start3A_171 = arith.constant 256 : i32
        %dma_start3A_172 = tpu.memref_slice %arg6[%dma_start3A_171] : memref<768xi32, #tpu.memory_space<vmem>> -> memref<256xi32, #tpu.memory_space<vmem>>
        %dma_start3A_173 = tpu.memref_slice %arg3[%add3A_170] : memref<614400xi32, #tpu.memory_space<hbm>> -> memref<256xi32, #tpu.memory_space<hbm>>
        %dma_start3A_174 = arith.constant 256 : i32
        %dma_start3A_175 = tpu.memref_slice %arg6[%dma_start3A_174] : memref<768xi32, #tpu.memory_space<vmem>> -> memref<256xi32, #tpu.memory_space<vmem>>
        %dma_start3A_176 = tpu.memref_slice %arg3[%add3A_170] : memref<614400xi32, #tpu.memory_space<hbm>> -> memref<256xi32, #tpu.memory_space<hbm>>
        tpu.enqueue_dma source(%dma_start3A_176 : memref<256xi32, #tpu.memory_space<hbm>>) target(%dma_start3A_175 : memref<256xi32, #tpu.memory_space<vmem>>) target_semaphore(%arg11 : memref<!tpu.dma_semaphore, #tpu.memory_space<semaphore_mem>>)
        %add3A_177 = arith.constant 409600 : i32
        %add3A_178 = arith.addi %add3A_177, %add3A_160 : i32
        %dma_start3A_179 = arith.constant 512 : i32
        %dma_start3A_180 = tpu.memref_slice %arg6[%dma_start3A_179] : memref<768xi32, #tpu.memory_space<vmem>> -> memref<256xi32, #tpu.memory_space<vmem>>
        %dma_start3A_181 = tpu.memref_slice %arg3[%add3A_178] : memref<614400xi32, #tpu.memory_space<hbm>> -> memref<256xi32, #tpu.memory_space<hbm>>
        %dma_start3A_182 = arith.constant 512 : i32
        %dma_start3A_183 = tpu.memref_slice %arg6[%dma_start3A_182] : memref<768xi32, #tpu.memory_space<vmem>> -> memref<256xi32, #tpu.memory_space<vmem>>
        %dma_start3A_184 = tpu.memref_slice %arg3[%add3A_178] : memref<614400xi32, #tpu.memory_space<hbm>> -> memref<256xi32, #tpu.memory_space<hbm>>
        tpu.enqueue_dma source(%dma_start3A_184 : memref<256xi32, #tpu.memory_space<hbm>>) target(%dma_start3A_183 : memref<256xi32, #tpu.memory_space<vmem>>) target_semaphore(%arg11 : memref<!tpu.dma_semaphore, #tpu.memory_space<semaphore_mem>>)
      } else {
      }
    }
    %scan3A_80 = arith.constant 12 : i32
    %dma_wait3A_81 = arith.constant 0 : i32
    %dma_wait3A_82 = arith.constant 0 : i32
    %dma_wait3A_83 = tpu.memref_slice %arg2[%dma_wait3A_81, %dma_wait3A_82] : memref<100000x8xf32, #tpu.memory_space<hbm>> -> memref<100000x8xf32, #tpu.memory_space<hbm>>
    tpu.wait_indirect_dma semaphore(%arg12 : memref<!tpu.dma_semaphore, #tpu.memory_space<semaphore_mem>>) src(%dma_wait3A_83 : memref<100000x8xf32, #tpu.memory_space<hbm>>) dst(%arg7 : memref<768x8xf32, #tpu.memory_space<vmem>>)
    %scan3A_84 = arith.constant 0 : i32
    %scan3A_85 = arith.constant 0 : i32
    %scan3A_86 = arith.constant 16 : i32
    %scan3A_87 = arith.addi %scan3A_85, %scan3A_86 : i32
    %scan3A_88 = arith.constant 1 : i32
    scf.for %scan3A_94 = %scan3A_85 to %scan3A_87 step %scan3A_88  : i32 {
      %mul3A_95 = arith.constant 16 : i32
      %mul3A_96 = arith.muli %scan3A_94, %mul3A_95 : i32
      %add3A_97 = arith.constant 0 : i32
      %add3A_98 = arith.addi %add3A_97, %mul3A_96 : i32
      %add3A_99 = vector.broadcast %add3A_98 : i32 to vector<16xi32>
      %add3A_100 = arith.addi %add3A_99, %iota3A : vector<16xi32>
      %broadcast_in_dim3A = arith.constant 0 : i32
      %broadcast_in_dim3A_101 = vector.broadcast %broadcast_in_dim3A : i32 to vector<16xi32>
      %gather3A = tpu.vector_load_idx %arg7[%add3A_100, %broadcast_in_dim3A_101] : memref<768x8xf32, #tpu.memory_space<vmem>>[vector<16xi32>, vector<16xi32>], vector<16xf32>,
      %broadcast_in_dim3A_102 = arith.constant 1 : i32
      %broadcast_in_dim3A_103 = vector.broadcast %broadcast_in_dim3A_102 : i32 to vector<16xi32>
      %gather3A_104 = tpu.vector_load_idx %arg7[%add3A_100, %broadcast_in_dim3A_103] : memref<768x8xf32, #tpu.memory_space<vmem>>[vector<16xi32>, vector<16xi32>], vector<16xf32>,
      %broadcast_in_dim3A_105 = arith.constant 2 : i32
      %broadcast_in_dim3A_106 = vector.broadcast %broadcast_in_dim3A_105 : i32 to vector<16xi32>
      %gather3A_107 = tpu.vector_load_idx %arg7[%add3A_100, %broadcast_in_dim3A_106] : memref<768x8xf32, #tpu.memory_space<vmem>>[vector<16xi32>, vector<16xi32>], vector<16xf32>,
      %mul3A_108 = arith.constant 16 : i32
      %mul3A_109 = arith.muli %scan3A_94, %mul3A_108 : i32
      %add3A_110 = arith.constant 256 : i32
      %add3A_111 = arith.addi %add3A_110, %mul3A_109 : i32
      %add3A_112 = vector.broadcast %add3A_111 : i32 to vector<16xi32>
      %add3A_113 = arith.addi %add3A_112, %iota3A : vector<16xi32>
      %broadcast_in_dim3A_114 = arith.constant 0 : i32
      %broadcast_in_dim3A_115 = vector.broadcast %broadcast_in_dim3A_114 : i32 to vector<16xi32>
      %gather3A_116 = tpu.vector_load_idx %arg7[%add3A_113, %broadcast_in_dim3A_115] : memref<768x8xf32, #tpu.memory_space<vmem>>[vector<16xi32>, vector<16xi32>], vector<16xf32>,
      %broadcast_in_dim3A_117 = arith.constant 1 : i32
      %broadcast_in_dim3A_118 = vector.broadcast %broadcast_in_dim3A_117 : i32 to vector<16xi32>
      %gather3A_119 = tpu.vector_load_idx %arg7[%add3A_113, %broadcast_in_dim3A_118] : memref<768x8xf32, #tpu.memory_space<vmem>>[vector<16xi32>, vector<16xi32>], vector<16xf32>,
      %broadcast_in_dim3A_120 = arith.constant 2 : i32
      %broadcast_in_dim3A_121 = vector.broadcast %broadcast_in_dim3A_120 : i32 to vector<16xi32>
      %gather3A_122 = tpu.vector_load_idx %arg7[%add3A_113, %broadcast_in_dim3A_121] : memref<768x8xf32, #tpu.memory_space<vmem>>[vector<16xi32>, vector<16xi32>], vector<16xf32>,
      %mul3A_123 = arith.constant 16 : i32
      %mul3A_124 = arith.muli %scan3A_94, %mul3A_123 : i32
      %add3A_125 = arith.constant 512 : i32
      %add3A_126 = arith.addi %add3A_125, %mul3A_124 : i32
      %add3A_127 = vector.broadcast %add3A_126 : i32 to vector<16xi32>
      %add3A_128 = arith.addi %add3A_127, %iota3A : vector<16xi32>
      %broadcast_in_dim3A_129 = arith.constant 0 : i32
      %broadcast_in_dim3A_130 = vector.broadcast %broadcast_in_dim3A_129 : i32 to vector<16xi32>
      %gather3A_131 = tpu.vector_load_idx %arg7[%add3A_128, %broadcast_in_dim3A_130] : memref<768x8xf32, #tpu.memory_space<vmem>>[vector<16xi32>, vector<16xi32>], vector<16xf32>,
      %broadcast_in_dim3A_132 = arith.constant 1 : i32
      %broadcast_in_dim3A_133 = vector.broadcast %broadcast_in_dim3A_132 : i32 to vector<16xi32>
      %gather3A_134 = tpu.vector_load_idx %arg7[%add3A_128, %broadcast_in_dim3A_133] : memref<768x8xf32, #tpu.memory_space<vmem>>[vector<16xi32>, vector<16xi32>], vector<16xf32>,
      %broadcast_in_dim3A_135 = arith.constant 2 : i32
      %broadcast_in_dim3A_136 = vector.broadcast %broadcast_in_dim3A_135 : i32 to vector<16xi32>
      %gather3A_137 = tpu.vector_load_idx %arg7[%add3A_128, %broadcast_in_dim3A_136] : memref<768x8xf32, #tpu.memory_space<vmem>>[vector<16xi32>, vector<16xi32>], vector<16xf32>,
      %sub3A = arith.subf %gather3A_116, %gather3A : vector<16xf32>
      %sub3A_138 = arith.subf %gather3A_119, %gather3A_104 : vector<16xf32>
      %sub3A_139 = arith.subf %gather3A_122, %gather3A_107 : vector<16xf32>
      %sub3A_140 = arith.subf %gather3A_131, %gather3A : vector<16xf32>
      %sub3A_141 = arith.subf %gather3A_134, %gather3A_104 : vector<16xf32>
      %sub3A_142 = arith.subf %gather3A_137, %gather3A_107 : vector<16xf32>
      %mul3A_143 = arith.mulf %sub3A_138, %sub3A_142 : vector<16xf32>
      %mul3A_144 = arith.mulf %sub3A_139, %sub3A_141 : vector<16xf32>
      %sub3A_145 = arith.subf %mul3A_143, %mul3A_144 : vector<16xf32>
      %mul3A_146 = arith.mulf %sub3A_139, %sub3A_140 : vector<16xf32>
      %mul3A_147 = arith.mulf %sub3A, %sub3A_142 : vector<16xf32>
      %sub3A_148 = arith.subf %mul3A_146, %mul3A_147 : vector<16xf32>
      %mul3A_149 = arith.mulf %sub3A, %sub3A_141 : vector<16xf32>
      %mul3A_150 = arith.mulf %sub3A_138, %sub3A_140 : vector<16xf32>
      %sub3A_151 = arith.subf %mul3A_149, %mul3A_150 : vector<16xf32>
      %mul3A_152 = arith.mulf %sub3A_145, %sub3A_145 : vector<16xf32>
      %mul3A_153 = arith.mulf %sub3A_148, %sub3A_148 : vector<16xf32>
      %add3A_154 = arith.addf %mul3A_152, %mul3A_153 : vector<16xf32>
      %mul3A_155 = arith.mulf %sub3A_151, %sub3A_151 : vector<16xf32>
      %add3A_156 = arith.addf %add3A_154, %mul3A_155 : vector<16xf32>
      %max3A = arith.constant 1.000000e-24 : f32
      %max3A_157 = vector.broadcast %max3A : f32 to vector<16xf32>
      %max3A_158 = arith.maximumf %add3A_156, %max3A_157 : vector<16xf32>
      %bitcast3A = vector.bitcast %max3A_158 : vector<16xf32> to vector<16xi32>
      %shift_right_arithmetic3A = arith.constant 1 : i32
      %shift_right_arithmetic3A_159 = vector.broadcast %shift_right_arithmetic3A : i32 to vector<16xi32>
      %shift_right_arithmetic3A_160 = arith.shrsi %bitcast3A, %shift_right_arithmetic3A_159 : vector<16xi32>
      %sub3A_161 = arith.constant 1597463007 : i32
      %sub3A_162 = vector.broadcast %sub3A_161 : i32 to vector<16xi32>
      %sub3A_163 = arith.subi %sub3A_162, %shift_right_arithmetic3A_160 : vector<16xi32>
      %bitcast3A_164 = vector.bitcast %sub3A_163 : vector<16xi32> to vector<16xf32>
      %mul3A_165 = arith.constant 5.000000e-01 : f32
      %mul3A_166 = vector.broadcast %mul3A_165 : f32 to vector<16xf32>
      %mul3A_167 = arith.mulf %max3A_158, %mul3A_166 : vector<16xf32>
      %mul3A_168 = arith.mulf %mul3A_167, %bitcast3A_164 : vector<16xf32>
      %mul3A_169 = arith.mulf %mul3A_168, %bitcast3A_164 : vector<16xf32>
      %sub3A_170 = arith.constant 1.500000e+00 : f32
      %sub3A_171 = vector.broadcast %sub3A_170 : f32 to vector<16xf32>
      %sub3A_172 = arith.subf %sub3A_171, %mul3A_169 : vector<16xf32>
      %mul3A_173 = arith.mulf %bitcast3A_164, %sub3A_172 : vector<16xf32>
      %mul3A_174 = arith.mulf %mul3A_167, %mul3A_173 : vector<16xf32>
      %mul3A_175 = arith.mulf %mul3A_174, %mul3A_173 : vector<16xf32>
      %sub3A_176 = arith.constant 1.500000e+00 : f32
      %sub3A_177 = vector.broadcast %sub3A_176 : f32 to vector<16xf32>
      %sub3A_178 = arith.subf %sub3A_177, %mul3A_175 : vector<16xf32>
      %mul3A_179 = arith.mulf %mul3A_173, %sub3A_178 : vector<16xf32>
      %mul3A_180 = arith.mulf %mul3A_167, %mul3A_179 : vector<16xf32>
      %mul3A_181 = arith.mulf %mul3A_180, %mul3A_179 : vector<16xf32>
      %sub3A_182 = arith.constant 1.500000e+00 : f32
      %sub3A_183 = vector.broadcast %sub3A_182 : f32 to vector<16xf32>
      %sub3A_184 = arith.subf %sub3A_183, %mul3A_181 : vector<16xf32>
      %mul3A_185 = arith.mulf %mul3A_179, %sub3A_184 : vector<16xf32>
      %mul3A_186 = arith.mulf %sub3A_145, %mul3A_185 : vector<16xf32>
      %mul3A_187 = arith.mulf %sub3A_148, %mul3A_185 : vector<16xf32>
      %mul3A_188 = arith.mulf %sub3A_151, %mul3A_185 : vector<16xf32>
      %bitcast3A_189 = vector.bitcast %gather3A : vector<16xf32> to vector<16xi32>
      %add3A_190 = arith.constant 32767 : i32
      %add3A_191 = vector.broadcast %add3A_190 : i32 to vector<16xi32>
      %add3A_192 = arith.addi %bitcast3A_189, %add3A_191 : vector<16xi32>
      %shift_right_arithmetic3A_193 = arith.constant 16 : i32
      %shift_right_arithmetic3A_194 = vector.broadcast %shift_right_arithmetic3A_193 : i32 to vector<16xi32>
      %shift_right_arithmetic3A_195 = arith.shrsi %bitcast3A_189, %shift_right_arithmetic3A_194 : vector<16xi32>
      %and3A = arith.constant 1 : i32
      %and3A_196 = vector.broadcast %and3A : i32 to vector<16xi32>
      %and3A_197 = arith.andi %shift_right_arithmetic3A_195, %and3A_196 : vector<16xi32>
      %add3A_198 = arith.addi %add3A_192, %and3A_197 : vector<16xi32>
      %bitcast3A_199 = vector.bitcast %gather3A_104 : vector<16xf32> to vector<16xi32>
      %add3A_200 = arith.constant 32767 : i32
      %add3A_201 = vector.broadcast %add3A_200 : i32 to vector<16xi32>
      %add3A_202 = arith.addi %bitcast3A_199, %add3A_201 : vector<16xi32>
      %shift_right_arithmetic3A_203 = arith.constant 16 : i32
      %shift_right_arithmetic3A_204 = vector.broadcast %shift_right_arithmetic3A_203 : i32 to vector<16xi32>
      %shift_right_arithmetic3A_205 = arith.shrsi %bitcast3A_199, %shift_right_arithmetic3A_204 : vector<16xi32>
      %and3A_206 = arith.constant 1 : i32
      %and3A_207 = vector.broadcast %and3A_206 : i32 to vector<16xi32>
      %and3A_208 = arith.andi %shift_right_arithmetic3A_205, %and3A_207 : vector<16xi32>
      %add3A_209 = arith.addi %add3A_202, %and3A_208 : vector<16xi32>
      %and3A_210 = arith.constant -65536 : i32
      %and3A_211 = vector.broadcast %and3A_210 : i32 to vector<16xi32>
      %and3A_212 = arith.andi %add3A_198, %and3A_211 : vector<16xi32>
      %shift_right_arithmetic3A_213 = arith.constant 16 : i32
      %shift_right_arithmetic3A_214 = vector.broadcast %shift_right_arithmetic3A_213 : i32 to vector<16xi32>
      %shift_right_arithmetic3A_215 = arith.shrsi %add3A_209, %shift_right_arithmetic3A_214 : vector<16xi32>
      %and3A_216 = arith.constant 65535 : i32
      %and3A_217 = vector.broadcast %and3A_216 : i32 to vector<16xi32>
      %and3A_218 = arith.andi %shift_right_arithmetic3A_215, %and3A_217 : vector<16xi32>
      %or3A = arith.ori %and3A_212, %and3A_218 : vector<16xi32>
      %bitcast3A_219 = vector.bitcast %or3A : vector<16xi32> to vector<16xf32>
      %bitcast3A_220 = vector.bitcast %gather3A_107 : vector<16xf32> to vector<16xi32>
      %add3A_221 = arith.constant 32767 : i32
      %add3A_222 = vector.broadcast %add3A_221 : i32 to vector<16xi32>
      %add3A_223 = arith.addi %bitcast3A_220, %add3A_222 : vector<16xi32>
      %shift_right_arithmetic3A_224 = arith.constant 16 : i32
      %shift_right_arithmetic3A_225 = vector.broadcast %shift_right_arithmetic3A_224 : i32 to vector<16xi32>
      %shift_right_arithmetic3A_226 = arith.shrsi %bitcast3A_220, %shift_right_arithmetic3A_225 : vector<16xi32>
      %and3A_227 = arith.constant 1 : i32
      %and3A_228 = vector.broadcast %and3A_227 : i32 to vector<16xi32>
      %and3A_229 = arith.andi %shift_right_arithmetic3A_226, %and3A_228 : vector<16xi32>
      %add3A_230 = arith.addi %add3A_223, %and3A_229 : vector<16xi32>
      %bitcast3A_231 = vector.bitcast %gather3A_116 : vector<16xf32> to vector<16xi32>
      %add3A_232 = arith.constant 32767 : i32
      %add3A_233 = vector.broadcast %add3A_232 : i32 to vector<16xi32>
      %add3A_234 = arith.addi %bitcast3A_231, %add3A_233 : vector<16xi32>
      %shift_right_arithmetic3A_235 = arith.constant 16 : i32
      %shift_right_arithmetic3A_236 = vector.broadcast %shift_right_arithmetic3A_235 : i32 to vector<16xi32>
      %shift_right_arithmetic3A_237 = arith.shrsi %bitcast3A_231, %shift_right_arithmetic3A_236 : vector<16xi32>
      %and3A_238 = arith.constant 1 : i32
      %and3A_239 = vector.broadcast %and3A_238 : i32 to vector<16xi32>
      %and3A_240 = arith.andi %shift_right_arithmetic3A_237, %and3A_239 : vector<16xi32>
      %add3A_241 = arith.addi %add3A_234, %and3A_240 : vector<16xi32>
      %and3A_242 = arith.constant -65536 : i32
      %and3A_243 = vector.broadcast %and3A_242 : i32 to vector<16xi32>
      %and3A_244 = arith.andi %add3A_230, %and3A_243 : vector<16xi32>
      %shift_right_arithmetic3A_245 = arith.constant 16 : i32
      %shift_right_arithmetic3A_246 = vector.broadcast %shift_right_arithmetic3A_245 : i32 to vector<16xi32>
      %shift_right_arithmetic3A_247 = arith.shrsi %add3A_241, %shift_right_arithmetic3A_246 : vector<16xi32>
      %and3A_248 = arith.constant 65535 : i32
      %and3A_249 = vector.broadcast %and3A_248 : i32 to vector<16xi32>
      %and3A_250 = arith.andi %shift_right_arithmetic3A_247, %and3A_249 : vector<16xi32>
      %or3A_251 = arith.ori %and3A_244, %and3A_250 : vector<16xi32>
      %bitcast3A_252 = vector.bitcast %or3A_251 : vector<16xi32> to vector<16xf32>
      %bitcast3A_253 = vector.bitcast %gather3A_119 : vector<16xf32> to vector<16xi32>
      %add3A_254 = arith.constant 32767 : i32
      %add3A_255 = vector.broadcast %add3A_254 : i32 to vector<16xi32>
      %add3A_256 = arith.addi %bitcast3A_253, %add3A_255 : vector<16xi32>
      %shift_right_arithmetic3A_257 = arith.constant 16 : i32
      %shift_right_arithmetic3A_258 = vector.broadcast %shift_right_arithmetic3A_257 : i32 to vector<16xi32>
      %shift_right_arithmetic3A_259 = arith.shrsi %bitcast3A_253, %shift_right_arithmetic3A_258 : vector<16xi32>
      %and3A_260 = arith.constant 1 : i32
      %and3A_261 = vector.broadcast %and3A_260 : i32 to vector<16xi32>
      %and3A_262 = arith.andi %shift_right_arithmetic3A_259, %and3A_261 : vector<16xi32>
      %add3A_263 = arith.addi %add3A_256, %and3A_262 : vector<16xi32>
      %bitcast3A_264 = vector.bitcast %gather3A_122 : vector<16xf32> to vector<16xi32>
      %add3A_265 = arith.constant 32767 : i32
      %add3A_266 = vector.broadcast %add3A_265 : i32 to vector<16xi32>
      %add3A_267 = arith.addi %bitcast3A_264, %add3A_266 : vector<16xi32>
      %shift_right_arithmetic3A_268 = arith.constant 16 : i32
      %shift_right_arithmetic3A_269 = vector.broadcast %shift_right_arithmetic3A_268 : i32 to vector<16xi32>
      %shift_right_arithmetic3A_270 = arith.shrsi %bitcast3A_264, %shift_right_arithmetic3A_269 : vector<16xi32>
      %and3A_271 = arith.constant 1 : i32
      %and3A_272 = vector.broadcast %and3A_271 : i32 to vector<16xi32>
      %and3A_273 = arith.andi %shift_right_arithmetic3A_270, %and3A_272 : vector<16xi32>
      %add3A_274 = arith.addi %add3A_267, %and3A_273 : vector<16xi32>
      %and3A_275 = arith.constant -65536 : i32
      %and3A_276 = vector.broadcast %and3A_275 : i32 to vector<16xi32>
      %and3A_277 = arith.andi %add3A_263, %and3A_276 : vector<16xi32>
      %shift_right_arithmetic3A_278 = arith.constant 16 : i32
      %shift_right_arithmetic3A_279 = vector.broadcast %shift_right_arithmetic3A_278 : i32 to vector<16xi32>
      %shift_right_arithmetic3A_280 = arith.shrsi %add3A_274, %shift_right_arithmetic3A_279 : vector<16xi32>
      %and3A_281 = arith.constant 65535 : i32
      %and3A_282 = vector.broadcast %and3A_281 : i32 to vector<16xi32>
      %and3A_283 = arith.andi %shift_right_arithmetic3A_280, %and3A_282 : vector<16xi32>
      %or3A_284 = arith.ori %and3A_277, %and3A_283 : vector<16xi32>
      %bitcast3A_285 = vector.bitcast %or3A_284 : vector<16xi32> to vector<16xf32>
      %bitcast3A_286 = vector.bitcast %gather3A_131 : vector<16xf32> to vector<16xi32>
      %add3A_287 = arith.constant 32767 : i32
      %add3A_288 = vector.broadcast %add3A_287 : i32 to vector<16xi32>
      %add3A_289 = arith.addi %bitcast3A_286, %add3A_288 : vector<16xi32>
      %shift_right_arithmetic3A_290 = arith.constant 16 : i32
      %shift_right_arithmetic3A_291 = vector.broadcast %shift_right_arithmetic3A_290 : i32 to vector<16xi32>
      %shift_right_arithmetic3A_292 = arith.shrsi %bitcast3A_286, %shift_right_arithmetic3A_291 : vector<16xi32>
      %and3A_293 = arith.constant 1 : i32
      %and3A_294 = vector.broadcast %and3A_293 : i32 to vector<16xi32>
      %and3A_295 = arith.andi %shift_right_arithmetic3A_292, %and3A_294 : vector<16xi32>
      %add3A_296 = arith.addi %add3A_289, %and3A_295 : vector<16xi32>
      %bitcast3A_297 = vector.bitcast %gather3A_134 : vector<16xf32> to vector<16xi32>
      %add3A_298 = arith.constant 32767 : i32
      %add3A_299 = vector.broadcast %add3A_298 : i32 to vector<16xi32>
      %add3A_300 = arith.addi %bitcast3A_297, %add3A_299 : vector<16xi32>
      %shift_right_arithmetic3A_301 = arith.constant 16 : i32
      %shift_right_arithmetic3A_302 = vector.broadcast %shift_right_arithmetic3A_301 : i32 to vector<16xi32>
      %shift_right_arithmetic3A_303 = arith.shrsi %bitcast3A_297, %shift_right_arithmetic3A_302 : vector<16xi32>
      %and3A_304 = arith.constant 1 : i32
      %and3A_305 = vector.broadcast %and3A_304 : i32 to vector<16xi32>
      %and3A_306 = arith.andi %shift_right_arithmetic3A_303, %and3A_305 : vector<16xi32>
      %add3A_307 = arith.addi %add3A_300, %and3A_306 : vector<16xi32>
      %and3A_308 = arith.constant -65536 : i32
      %and3A_309 = vector.broadcast %and3A_308 : i32 to vector<16xi32>
      %and3A_310 = arith.andi %add3A_296, %and3A_309 : vector<16xi32>
      %shift_right_arithmetic3A_311 = arith.constant 16 : i32
      %shift_right_arithmetic3A_312 = vector.broadcast %shift_right_arithmetic3A_311 : i32 to vector<16xi32>
      %shift_right_arithmetic3A_313 = arith.shrsi %add3A_307, %shift_right_arithmetic3A_312 : vector<16xi32>
      %and3A_314 = arith.constant 65535 : i32
      %and3A_315 = vector.broadcast %and3A_314 : i32 to vector<16xi32>
      %and3A_316 = arith.andi %shift_right_arithmetic3A_313, %and3A_315 : vector<16xi32>
      %or3A_317 = arith.ori %and3A_310, %and3A_316 : vector<16xi32>
      %bitcast3A_318 = vector.bitcast %or3A_317 : vector<16xi32> to vector<16xf32>
      %bitcast3A_319 = vector.bitcast %gather3A_137 : vector<16xf32> to vector<16xi32>
      %add3A_320 = arith.constant 32767 : i32
      %add3A_321 = vector.broadcast %add3A_320 : i32 to vector<16xi32>
      %add3A_322 = arith.addi %bitcast3A_319, %add3A_321 : vector<16xi32>
      %shift_right_arithmetic3A_323 = arith.constant 16 : i32
      %shift_right_arithmetic3A_324 = vector.broadcast %shift_right_arithmetic3A_323 : i32 to vector<16xi32>
      %shift_right_arithmetic3A_325 = arith.shrsi %bitcast3A_319, %shift_right_arithmetic3A_324 : vector<16xi32>
      %and3A_326 = arith.constant 1 : i32
      %and3A_327 = vector.broadcast %and3A_326 : i32 to vector<16xi32>
      %and3A_328 = arith.andi %shift_right_arithmetic3A_325, %and3A_327 : vector<16xi32>
      %add3A_329 = arith.addi %add3A_322, %and3A_328 : vector<16xi32>
      %bitcast3A_330 = vector.bitcast %mul3A_186 : vector<16xf32> to vector<16xi32>
      %add3A_331 = arith.constant 32767 : i32
      %add3A_332 = vector.broadcast %add3A_331 : i32 to vector<16xi32>
      %add3A_333 = arith.addi %bitcast3A_330, %add3A_332 : vector<16xi32>
      %shift_right_arithmetic3A_334 = arith.constant 16 : i32
      %shift_right_arithmetic3A_335 = vector.broadcast %shift_right_arithmetic3A_334 : i32 to vector<16xi32>
      %shift_right_arithmetic3A_336 = arith.shrsi %bitcast3A_330, %shift_right_arithmetic3A_335 : vector<16xi32>
      %and3A_337 = arith.constant 1 : i32
      %and3A_338 = vector.broadcast %and3A_337 : i32 to vector<16xi32>
      %and3A_339 = arith.andi %shift_right_arithmetic3A_336, %and3A_338 : vector<16xi32>
      %add3A_340 = arith.addi %add3A_333, %and3A_339 : vector<16xi32>
      %and3A_341 = arith.constant -65536 : i32
      %and3A_342 = vector.broadcast %and3A_341 : i32 to vector<16xi32>
      %and3A_343 = arith.andi %add3A_329, %and3A_342 : vector<16xi32>
      %shift_right_arithmetic3A_344 = arith.constant 16 : i32
      %shift_right_arithmetic3A_345 = vector.broadcast %shift_right_arithmetic3A_344 : i32 to vector<16xi32>
      %shift_right_arithmetic3A_346 = arith.shrsi %add3A_340, %shift_right_arithmetic3A_345 : vector<16xi32>
      %and3A_347 = arith.constant 65535 : i32
      %and3A_348 = vector.broadcast %and3A_347 : i32 to vector<16xi32>
      %and3A_349 = arith.andi %shift_right_arithmetic3A_346, %and3A_348 : vector<16xi32>
      %or3A_350 = arith.ori %and3A_343, %and3A_349 : vector<16xi32>
      %bitcast3A_351 = vector.bitcast %or3A_350 : vector<16xi32> to vector<16xf32>
      %bitcast3A_352 = vector.bitcast %mul3A_187 : vector<16xf32> to vector<16xi32>
      %add3A_353 = arith.constant 32767 : i32
      %add3A_354 = vector.broadcast %add3A_353 : i32 to vector<16xi32>
      %add3A_355 = arith.addi %bitcast3A_352, %add3A_354 : vector<16xi32>
      %shift_right_arithmetic3A_356 = arith.constant 16 : i32
      %shift_right_arithmetic3A_357 = vector.broadcast %shift_right_arithmetic3A_356 : i32 to vector<16xi32>
      %shift_right_arithmetic3A_358 = arith.shrsi %bitcast3A_352, %shift_right_arithmetic3A_357 : vector<16xi32>
      %and3A_359 = arith.constant 1 : i32
      %and3A_360 = vector.broadcast %and3A_359 : i32 to vector<16xi32>
      %and3A_361 = arith.andi %shift_right_arithmetic3A_358, %and3A_360 : vector<16xi32>
      %add3A_362 = arith.addi %add3A_355, %and3A_361 : vector<16xi32>
      %bitcast3A_363 = vector.bitcast %mul3A_188 : vector<16xf32> to vector<16xi32>
      %add3A_364 = arith.constant 32767 : i32
      %add3A_365 = vector.broadcast %add3A_364 : i32 to vector<16xi32>
      %add3A_366 = arith.addi %bitcast3A_363, %add3A_365 : vector<16xi32>
      %shift_right_arithmetic3A_367 = arith.constant 16 : i32
      %shift_right_arithmetic3A_368 = vector.broadcast %shift_right_arithmetic3A_367 : i32 to vector<16xi32>
      %shift_right_arithmetic3A_369 = arith.shrsi %bitcast3A_363, %shift_right_arithmetic3A_368 : vector<16xi32>
      %and3A_370 = arith.constant 1 : i32
      %and3A_371 = vector.broadcast %and3A_370 : i32 to vector<16xi32>
      %and3A_372 = arith.andi %shift_right_arithmetic3A_369, %and3A_371 : vector<16xi32>
      %add3A_373 = arith.addi %add3A_366, %and3A_372 : vector<16xi32>
      %and3A_374 = arith.constant -65536 : i32
      %and3A_375 = vector.broadcast %and3A_374 : i32 to vector<16xi32>
      %and3A_376 = arith.andi %add3A_362, %and3A_375 : vector<16xi32>
      %shift_right_arithmetic3A_377 = arith.constant 16 : i32
      %shift_right_arithmetic3A_378 = vector.broadcast %shift_right_arithmetic3A_377 : i32 to vector<16xi32>
      %shift_right_arithmetic3A_379 = arith.shrsi %add3A_373, %shift_right_arithmetic3A_378 : vector<16xi32>
      %and3A_380 = arith.constant 65535 : i32
      %and3A_381 = vector.broadcast %and3A_380 : i32 to vector<16xi32>
      %and3A_382 = arith.andi %shift_right_arithmetic3A_379, %and3A_381 : vector<16xi32>
      %or3A_383 = arith.ori %and3A_376, %and3A_382 : vector<16xi32>
      %bitcast3A_384 = vector.bitcast %or3A_383 : vector<16xi32> to vector<16xf32>
      %mul3A_385 = arith.constant 128 : i32
      %mul3A_386 = arith.muli %scan3A_94, %mul3A_385 : i32
      %add3A_387 = vector.broadcast %mul3A_386 : i32 to vector<16xi32>
      %add3A_388 = arith.addi %add3A_387, %mul3A_3 : vector<16xi32>
      %add3A_389 = arith.constant 0 : i32
      %add3A_390 = vector.broadcast %add3A_389 : i32 to vector<16xi32>
      %add3A_391 = arith.addi %add3A_388, %add3A_390 : vector<16xi32>
      tpu.vector_store_idx %arg9[%add3A_391], %bitcast3A_219 : memref<2048xf32, #tpu.memory_space<vmem>>[vector<16xi32>], vector<16xf32>,
      %add3A_392 = arith.constant 1 : i32
      %add3A_393 = vector.broadcast %add3A_392 : i32 to vector<16xi32>
      %add3A_394 = arith.addi %add3A_388, %add3A_393 : vector<16xi32>
      tpu.vector_store_idx %arg9[%add3A_394], %bitcast3A_252 : memref<2048xf32, #tpu.memory_space<vmem>>[vector<16xi32>], vector<16xf32>,
      %add3A_395 = arith.constant 2 : i32
      %add3A_396 = vector.broadcast %add3A_395 : i32 to vector<16xi32>
      %add3A_397 = arith.addi %add3A_388, %add3A_396 : vector<16xi32>
      tpu.vector_store_idx %arg9[%add3A_397], %bitcast3A_285 : memref<2048xf32, #tpu.memory_space<vmem>>[vector<16xi32>], vector<16xf32>,
      %add3A_398 = arith.constant 3 : i32
      %add3A_399 = vector.broadcast %add3A_398 : i32 to vector<16xi32>
      %add3A_400 = arith.addi %add3A_388, %add3A_399 : vector<16xi32>
      tpu.vector_store_idx %arg9[%add3A_400], %bitcast3A_318 : memref<2048xf32, #tpu.memory_space<vmem>>[vector<16xi32>], vector<16xf32>,
      %add3A_401 = arith.constant 4 : i32
      %add3A_402 = vector.broadcast %add3A_401 : i32 to vector<16xi32>
      %add3A_403 = arith.addi %add3A_388, %add3A_402 : vector<16xi32>
      tpu.vector_store_idx %arg9[%add3A_403], %bitcast3A_351 : memref<2048xf32, #tpu.memory_space<vmem>>[vector<16xi32>], vector<16xf32>,
      %add3A_404 = arith.constant 5 : i32
      %add3A_405 = vector.broadcast %add3A_404 : i32 to vector<16xi32>
      %add3A_406 = arith.addi %add3A_388, %add3A_405 : vector<16xi32>
      tpu.vector_store_idx %arg9[%add3A_406], %bitcast3A_384 : memref<2048xf32, #tpu.memory_space<vmem>>[vector<16xi32>], vector<16xf32>,
    }
    %scan3A_89 = arith.constant 16 : i32
    %add3A_90 = arith.constant 6144 : i32
    %add3A_91 = arith.addi %mul3A_5, %add3A_90 : i32
    %mul3A_92 = arith.constant 8 : i32
    %mul3A_93 = arith.muli %add3A_91, %mul3A_92 : i32
    "tpu.region"() ({
      %run_scoped3A = tpu.sem_alloc : memref<!tpu.dma_semaphore, #tpu.memory_space<semaphore_mem>>
      %dma_start3A_94 = tpu.memref_slice %arg4[%mul3A_93] : memref<1638400xf32, #tpu.memory_space<hbm>> -> memref<2048xf32, #tpu.memory_space<hbm>>
      %dma_start3A_95 = tpu.memref_slice %arg4[%mul3A_93] : memref<1638400xf32, #tpu.memory_space<hbm>> -> memref<2048xf32, #tpu.memory_space<hbm>>
      tpu.enqueue_dma source(%arg9 : memref<2048xf32, #tpu.memory_space<vmem>>) target(%dma_start3A_95 : memref<2048xf32, #tpu.memory_space<hbm>>) target_semaphore(%run_scoped3A : memref<!tpu.dma_semaphore, #tpu.memory_space<semaphore_mem>>)
      %dma_wait3A_96 = tpu.memref_slice %arg4[%mul3A_93] : memref<1638400xf32, #tpu.memory_space<hbm>> -> memref<2048xf32, #tpu.memory_space<hbm>>
      %dma_wait3A_97 = tpu.memref_slice %arg4[%mul3A_93] : memref<1638400xf32, #tpu.memory_space<hbm>> -> memref<2048xf32, #tpu.memory_space<hbm>>
      tpu.wait_dma2 semaphore(%run_scoped3A : memref<!tpu.dma_semaphore, #tpu.memory_space<semaphore_mem>>) src(%arg9 : memref<2048xf32, #tpu.memory_space<vmem>>) dst(%dma_wait3A_97 : memref<2048xf32, #tpu.memory_space<hbm>>)
      tpu.yield
    }) : () -> ()
    return
  }
}

#map = affine_map<(d0, d1) -> (0, 0)>
#map1 = affine_map<(d0, d1) -> (0)>
module attributes {stable_mosaic.version = 14 : i64} {
  func.func @shade_kernel(%arg0: i32, %arg1: i32, %arg2: memref<204800x8xf32, #tpu.memory_space<hbm>>, %arg3: memref<1572864xi32, #tpu.memory_space<hbm>>, %arg4: memref<4718592xf32, #tpu.memory_space<hbm>>, %arg5: memref<16xf32, #tpu.memory_space<hbm>>, %arg6: memref<524288xf32, #tpu.memory_space<hbm>>, %arg7: memref<524288xf32, #tpu.memory_space<hbm>>, %arg8: memref<524288xf32, #tpu.memory_space<hbm>>, %arg9: memref<3072xi32, #tpu.memory_space<vmem>>, %arg10: memref<3072xi32, #tpu.memory_space<vmem>>, %arg11: memref<9216xf32, #tpu.memory_space<vmem>>, %arg12: memref<9216xf32, #tpu.memory_space<vmem>>, %arg13: memref<3072x8xf32, #tpu.memory_space<vmem>>, %arg14: memref<3072x8xf32, #tpu.memory_space<vmem>>, %arg15: memref<1024xf32, #tpu.memory_space<vmem>>, %arg16: memref<1024xf32, #tpu.memory_space<vmem>>, %arg17: memref<1024xf32, #tpu.memory_space<vmem>>, %arg18: memref<16xf32, #tpu.memory_space<vmem>>, %arg19: memref<!tpu.dma_semaphore, #tpu.memory_space<semaphore_mem>>, %arg20: memref<!tpu.dma_semaphore, #tpu.memory_space<semaphore_mem>>, %arg21: memref<!tpu.dma_semaphore, #tpu.memory_space<semaphore_mem>>, %arg22: memref<!tpu.dma_semaphore, #tpu.memory_space<semaphore_mem>>) attributes {dimension_semantics = [#tpu.dimension_semantics<core_parallel>, #tpu.dimension_semantics<subcore_parallel>], iteration_bounds = array<i64: 2, 16>, scalar_prefetch = 0 : i64, scratch_operands = 14 : i64, tpu.core_type = #tpu.core_type<sc_vector_subcore>, window_params = [{transform_indices = #map}, {transform_indices = #map1}, {transform_indices = #map1}, {transform_indices = #map1}, {transform_indices = #map1}, {transform_indices = #map1}, {transform_indices = #map1}]} {
    %mul3A = arith.constant 16 : i32
    %mul3A_0 = arith.muli %arg0, %mul3A : i32
    %add3A = arith.addi %mul3A_0, %arg1 : i32
    %iota3A = tpu.iota {dimensions = array<i32: 0>} : vector<16xi32>
    %mul3A_1 = arith.constant 16384 : i32
    %mul3A_2 = arith.muli %add3A, %mul3A_1 : i32
    "tpu.region"() ({
      %run_scoped3A = tpu.sem_alloc : memref<!tpu.dma_semaphore, #tpu.memory_space<semaphore_mem>>
      tpu.enqueue_dma source(%arg5 : memref<16xf32, #tpu.memory_space<hbm>>) target(%arg18 : memref<16xf32, #tpu.memory_space<vmem>>) target_semaphore(%run_scoped3A : memref<!tpu.dma_semaphore, #tpu.memory_space<semaphore_mem>>)
      tpu.wait_dma2 semaphore(%run_scoped3A : memref<!tpu.dma_semaphore, #tpu.memory_space<semaphore_mem>>) src(%arg5 : memref<16xf32, #tpu.memory_space<hbm>>) dst(%arg18 : memref<16xf32, #tpu.memory_space<vmem>>)
      tpu.yield
    }) : () -> ()
    %add3A_3 = arith.constant 0 : i32
    %add3A_4 = arith.addi %mul3A_2, %add3A_3 : i32
    %jit3A = arith.constant 262144 : i32
    %div3A = arith.divsi %add3A_4, %jit3A : i32
    %sign3A = arith.constant 0 : i32
    %sign3A_5 = arith.cmpi sgt, %add3A_4, %sign3A : i32
    %sign3A_6 = arith.extui %sign3A_5 : i1 to i32
    %sign3A_7 = arith.constant 0 : i32
    %sign3A_8 = arith.cmpi slt, %add3A_4, %sign3A_7 : i32
    %sign3A_9 = arith.extui %sign3A_8 : i1 to i32
    %sign3A_10 = arith.subi %sign3A_6, %sign3A_9 : i32
    %sign3A_11 = arith.constant 0 : i32
    %sign3A_12 = arith.cmpi sgt, %jit3A, %sign3A_11 : i32
    %sign3A_13 = arith.extui %sign3A_12 : i1 to i32
    %sign3A_14 = arith.constant 0 : i32
    %sign3A_15 = arith.cmpi slt, %jit3A, %sign3A_14 : i32
    %sign3A_16 = arith.extui %sign3A_15 : i1 to i32
    %sign3A_17 = arith.subi %sign3A_13, %sign3A_16 : i32
    %ne3A = arith.cmpi ne, %sign3A_10, %sign3A_17 : i32
    %rem3A = arith.remsi %add3A_4, %jit3A : i32
    %ne3A_18 = arith.constant 0 : i32
    %ne3A_19 = arith.cmpi ne, %rem3A, %ne3A_18 : i32
    %and3A = arith.andi %ne3A, %ne3A_19 : i1
    %sub3A = arith.constant 1 : i32
    %sub3A_20 = arith.subi %div3A, %sub3A : i32
    %select_n3A = arith.select %and3A, %sub3A_20, %div3A : i32
    %mul3A_21 = arith.constant 262144 : i32
    %mul3A_22 = arith.muli %select_n3A, %mul3A_21 : i32
    %sub3A_23 = arith.subi %add3A_4, %mul3A_22 : i32
    %mul3A_24 = arith.constant 3 : i32
    %mul3A_25 = arith.muli %select_n3A, %mul3A_24 : i32
    %add3A_26 = arith.constant 0 : i32
    %add3A_27 = arith.addi %mul3A_25, %add3A_26 : i32
    %mul3A_28 = arith.constant 262144 : i32
    %mul3A_29 = arith.muli %add3A_27, %mul3A_28 : i32
    %add3A_30 = arith.addi %mul3A_29, %sub3A_23 : i32
    %dma_start3A = arith.constant 0 : i32
    %dma_start3A_31 = tpu.memref_slice %arg9[%dma_start3A] : memref<3072xi32, #tpu.memory_space<vmem>> -> memref<1024xi32, #tpu.memory_space<vmem>>
    %dma_start3A_32 = tpu.memref_slice %arg3[%add3A_30] : memref<1572864xi32, #tpu.memory_space<hbm>> -> memref<1024xi32, #tpu.memory_space<hbm>>
    %dma_start3A_33 = arith.constant 0 : i32
    %dma_start3A_34 = tpu.memref_slice %arg9[%dma_start3A_33] : memref<3072xi32, #tpu.memory_space<vmem>> -> memref<1024xi32, #tpu.memory_space<vmem>>
    %dma_start3A_35 = tpu.memref_slice %arg3[%add3A_30] : memref<1572864xi32, #tpu.memory_space<hbm>> -> memref<1024xi32, #tpu.memory_space<hbm>>
    tpu.enqueue_dma source(%dma_start3A_35 : memref<1024xi32, #tpu.memory_space<hbm>>) target(%dma_start3A_34 : memref<1024xi32, #tpu.memory_space<vmem>>) target_semaphore(%arg19 : memref<!tpu.dma_semaphore, #tpu.memory_space<semaphore_mem>>)
    %mul3A_36 = arith.constant 3 : i32
    %mul3A_37 = arith.muli %select_n3A, %mul3A_36 : i32
    %add3A_38 = arith.constant 1 : i32
    %add3A_39 = arith.addi %mul3A_37, %add3A_38 : i32
    %mul3A_40 = arith.constant 262144 : i32
    %mul3A_41 = arith.muli %add3A_39, %mul3A_40 : i32
    %add3A_42 = arith.addi %mul3A_41, %sub3A_23 : i32
    %dma_start3A_43 = arith.constant 1024 : i32
    %dma_start3A_44 = tpu.memref_slice %arg9[%dma_start3A_43] : memref<3072xi32, #tpu.memory_space<vmem>> -> memref<1024xi32, #tpu.memory_space<vmem>>
    %dma_start3A_45 = tpu.memref_slice %arg3[%add3A_42] : memref<1572864xi32, #tpu.memory_space<hbm>> -> memref<1024xi32, #tpu.memory_space<hbm>>
    %dma_start3A_46 = arith.constant 1024 : i32
    %dma_start3A_47 = tpu.memref_slice %arg9[%dma_start3A_46] : memref<3072xi32, #tpu.memory_space<vmem>> -> memref<1024xi32, #tpu.memory_space<vmem>>
    %dma_start3A_48 = tpu.memref_slice %arg3[%add3A_42] : memref<1572864xi32, #tpu.memory_space<hbm>> -> memref<1024xi32, #tpu.memory_space<hbm>>
    tpu.enqueue_dma source(%dma_start3A_48 : memref<1024xi32, #tpu.memory_space<hbm>>) target(%dma_start3A_47 : memref<1024xi32, #tpu.memory_space<vmem>>) target_semaphore(%arg19 : memref<!tpu.dma_semaphore, #tpu.memory_space<semaphore_mem>>)
    %mul3A_49 = arith.constant 3 : i32
    %mul3A_50 = arith.muli %select_n3A, %mul3A_49 : i32
    %add3A_51 = arith.constant 2 : i32
    %add3A_52 = arith.addi %mul3A_50, %add3A_51 : i32
    %mul3A_53 = arith.constant 262144 : i32
    %mul3A_54 = arith.muli %add3A_52, %mul3A_53 : i32
    %add3A_55 = arith.addi %mul3A_54, %sub3A_23 : i32
    %dma_start3A_56 = arith.constant 2048 : i32
    %dma_start3A_57 = tpu.memref_slice %arg9[%dma_start3A_56] : memref<3072xi32, #tpu.memory_space<vmem>> -> memref<1024xi32, #tpu.memory_space<vmem>>
    %dma_start3A_58 = tpu.memref_slice %arg3[%add3A_55] : memref<1572864xi32, #tpu.memory_space<hbm>> -> memref<1024xi32, #tpu.memory_space<hbm>>
    %dma_start3A_59 = arith.constant 2048 : i32
    %dma_start3A_60 = tpu.memref_slice %arg9[%dma_start3A_59] : memref<3072xi32, #tpu.memory_space<vmem>> -> memref<1024xi32, #tpu.memory_space<vmem>>
    %dma_start3A_61 = tpu.memref_slice %arg3[%add3A_55] : memref<1572864xi32, #tpu.memory_space<hbm>> -> memref<1024xi32, #tpu.memory_space<hbm>>
    tpu.enqueue_dma source(%dma_start3A_61 : memref<1024xi32, #tpu.memory_space<hbm>>) target(%dma_start3A_60 : memref<1024xi32, #tpu.memory_space<vmem>>) target_semaphore(%arg19 : memref<!tpu.dma_semaphore, #tpu.memory_space<semaphore_mem>>)
    %mul3A_62 = arith.constant 9 : i32
    %mul3A_63 = arith.muli %select_n3A, %mul3A_62 : i32
    %add3A_64 = arith.constant 0 : i32
    %add3A_65 = arith.addi %mul3A_63, %add3A_64 : i32
    %mul3A_66 = arith.constant 262144 : i32
    %mul3A_67 = arith.muli %add3A_65, %mul3A_66 : i32
    %add3A_68 = arith.addi %mul3A_67, %sub3A_23 : i32
    %dma_start3A_69 = arith.constant 0 : i32
    %dma_start3A_70 = tpu.memref_slice %arg11[%dma_start3A_69] : memref<9216xf32, #tpu.memory_space<vmem>> -> memref<1024xf32, #tpu.memory_space<vmem>>
    %dma_start3A_71 = tpu.memref_slice %arg4[%add3A_68] : memref<4718592xf32, #tpu.memory_space<hbm>> -> memref<1024xf32, #tpu.memory_space<hbm>>
    %dma_start3A_72 = arith.constant 0 : i32
    %dma_start3A_73 = tpu.memref_slice %arg11[%dma_start3A_72] : memref<9216xf32, #tpu.memory_space<vmem>> -> memref<1024xf32, #tpu.memory_space<vmem>>
    %dma_start3A_74 = tpu.memref_slice %arg4[%add3A_68] : memref<4718592xf32, #tpu.memory_space<hbm>> -> memref<1024xf32, #tpu.memory_space<hbm>>
    tpu.enqueue_dma source(%dma_start3A_74 : memref<1024xf32, #tpu.memory_space<hbm>>) target(%dma_start3A_73 : memref<1024xf32, #tpu.memory_space<vmem>>) target_semaphore(%arg19 : memref<!tpu.dma_semaphore, #tpu.memory_space<semaphore_mem>>)
    %mul3A_75 = arith.constant 9 : i32
    %mul3A_76 = arith.muli %select_n3A, %mul3A_75 : i32
    %add3A_77 = arith.constant 1 : i32
    %add3A_78 = arith.addi %mul3A_76, %add3A_77 : i32
    %mul3A_79 = arith.constant 262144 : i32
    %mul3A_80 = arith.muli %add3A_78, %mul3A_79 : i32
    %add3A_81 = arith.addi %mul3A_80, %sub3A_23 : i32
    %dma_start3A_82 = arith.constant 1024 : i32
    %dma_start3A_83 = tpu.memref_slice %arg11[%dma_start3A_82] : memref<9216xf32, #tpu.memory_space<vmem>> -> memref<1024xf32, #tpu.memory_space<vmem>>
    %dma_start3A_84 = tpu.memref_slice %arg4[%add3A_81] : memref<4718592xf32, #tpu.memory_space<hbm>> -> memref<1024xf32, #tpu.memory_space<hbm>>
    %dma_start3A_85 = arith.constant 1024 : i32
    %dma_start3A_86 = tpu.memref_slice %arg11[%dma_start3A_85] : memref<9216xf32, #tpu.memory_space<vmem>> -> memref<1024xf32, #tpu.memory_space<vmem>>
    %dma_start3A_87 = tpu.memref_slice %arg4[%add3A_81] : memref<4718592xf32, #tpu.memory_space<hbm>> -> memref<1024xf32, #tpu.memory_space<hbm>>
    tpu.enqueue_dma source(%dma_start3A_87 : memref<1024xf32, #tpu.memory_space<hbm>>) target(%dma_start3A_86 : memref<1024xf32, #tpu.memory_space<vmem>>) target_semaphore(%arg19 : memref<!tpu.dma_semaphore, #tpu.memory_space<semaphore_mem>>)
    %mul3A_88 = arith.constant 9 : i32
    %mul3A_89 = arith.muli %select_n3A, %mul3A_88 : i32
    %add3A_90 = arith.constant 2 : i32
    %add3A_91 = arith.addi %mul3A_89, %add3A_90 : i32
    %mul3A_92 = arith.constant 262144 : i32
    %mul3A_93 = arith.muli %add3A_91, %mul3A_92 : i32
    %add3A_94 = arith.addi %mul3A_93, %sub3A_23 : i32
    %dma_start3A_95 = arith.constant 2048 : i32
    %dma_start3A_96 = tpu.memref_slice %arg11[%dma_start3A_95] : memref<9216xf32, #tpu.memory_space<vmem>> -> memref<1024xf32, #tpu.memory_space<vmem>>
    %dma_start3A_97 = tpu.memref_slice %arg4[%add3A_94] : memref<4718592xf32, #tpu.memory_space<hbm>> -> memref<1024xf32, #tpu.memory_space<hbm>>
    %dma_start3A_98 = arith.constant 2048 : i32
    %dma_start3A_99 = tpu.memref_slice %arg11[%dma_start3A_98] : memref<9216xf32, #tpu.memory_space<vmem>> -> memref<1024xf32, #tpu.memory_space<vmem>>
    %dma_start3A_100 = tpu.memref_slice %arg4[%add3A_94] : memref<4718592xf32, #tpu.memory_space<hbm>> -> memref<1024xf32, #tpu.memory_space<hbm>>
    tpu.enqueue_dma source(%dma_start3A_100 : memref<1024xf32, #tpu.memory_space<hbm>>) target(%dma_start3A_99 : memref<1024xf32, #tpu.memory_space<vmem>>) target_semaphore(%arg19 : memref<!tpu.dma_semaphore, #tpu.memory_space<semaphore_mem>>)
    %mul3A_101 = arith.constant 9 : i32
    %mul3A_102 = arith.muli %select_n3A, %mul3A_101 : i32
    %add3A_103 = arith.constant 3 : i32
    %add3A_104 = arith.addi %mul3A_102, %add3A_103 : i32
    %mul3A_105 = arith.constant 262144 : i32
    %mul3A_106 = arith.muli %add3A_104, %mul3A_105 : i32
    %add3A_107 = arith.addi %mul3A_106, %sub3A_23 : i32
    %dma_start3A_108 = arith.constant 3072 : i32
    %dma_start3A_109 = tpu.memref_slice %arg11[%dma_start3A_108] : memref<9216xf32, #tpu.memory_space<vmem>> -> memref<1024xf32, #tpu.memory_space<vmem>>
    %dma_start3A_110 = tpu.memref_slice %arg4[%add3A_107] : memref<4718592xf32, #tpu.memory_space<hbm>> -> memref<1024xf32, #tpu.memory_space<hbm>>
    %dma_start3A_111 = arith.constant 3072 : i32
    %dma_start3A_112 = tpu.memref_slice %arg11[%dma_start3A_111] : memref<9216xf32, #tpu.memory_space<vmem>> -> memref<1024xf32, #tpu.memory_space<vmem>>
    %dma_start3A_113 = tpu.memref_slice %arg4[%add3A_107] : memref<4718592xf32, #tpu.memory_space<hbm>> -> memref<1024xf32, #tpu.memory_space<hbm>>
    tpu.enqueue_dma source(%dma_start3A_113 : memref<1024xf32, #tpu.memory_space<hbm>>) target(%dma_start3A_112 : memref<1024xf32, #tpu.memory_space<vmem>>) target_semaphore(%arg19 : memref<!tpu.dma_semaphore, #tpu.memory_space<semaphore_mem>>)
    %mul3A_114 = arith.constant 9 : i32
    %mul3A_115 = arith.muli %select_n3A, %mul3A_114 : i32
    %add3A_116 = arith.constant 4 : i32
    %add3A_117 = arith.addi %mul3A_115, %add3A_116 : i32
    %mul3A_118 = arith.constant 262144 : i32
    %mul3A_119 = arith.muli %add3A_117, %mul3A_118 : i32
    %add3A_120 = arith.addi %mul3A_119, %sub3A_23 : i32
    %dma_start3A_121 = arith.constant 4096 : i32
    %dma_start3A_122 = tpu.memref_slice %arg11[%dma_start3A_121] : memref<9216xf32, #tpu.memory_space<vmem>> -> memref<1024xf32, #tpu.memory_space<vmem>>
    %dma_start3A_123 = tpu.memref_slice %arg4[%add3A_120] : memref<4718592xf32, #tpu.memory_space<hbm>> -> memref<1024xf32, #tpu.memory_space<hbm>>
    %dma_start3A_124 = arith.constant 4096 : i32
    %dma_start3A_125 = tpu.memref_slice %arg11[%dma_start3A_124] : memref<9216xf32, #tpu.memory_space<vmem>> -> memref<1024xf32, #tpu.memory_space<vmem>>
    %dma_start3A_126 = tpu.memref_slice %arg4[%add3A_120] : memref<4718592xf32, #tpu.memory_space<hbm>> -> memref<1024xf32, #tpu.memory_space<hbm>>
    tpu.enqueue_dma source(%dma_start3A_126 : memref<1024xf32, #tpu.memory_space<hbm>>) target(%dma_start3A_125 : memref<1024xf32, #tpu.memory_space<vmem>>) target_semaphore(%arg19 : memref<!tpu.dma_semaphore, #tpu.memory_space<semaphore_mem>>)
    %mul3A_127 = arith.constant 9 : i32
    %mul3A_128 = arith.muli %select_n3A, %mul3A_127 : i32
    %add3A_129 = arith.constant 5 : i32
    %add3A_130 = arith.addi %mul3A_128, %add3A_129 : i32
    %mul3A_131 = arith.constant 262144 : i32
    %mul3A_132 = arith.muli %add3A_130, %mul3A_131 : i32
    %add3A_133 = arith.addi %mul3A_132, %sub3A_23 : i32
    %dma_start3A_134 = arith.constant 5120 : i32
    %dma_start3A_135 = tpu.memref_slice %arg11[%dma_start3A_134] : memref<9216xf32, #tpu.memory_space<vmem>> -> memref<1024xf32, #tpu.memory_space<vmem>>
    %dma_start3A_136 = tpu.memref_slice %arg4[%add3A_133] : memref<4718592xf32, #tpu.memory_space<hbm>> -> memref<1024xf32, #tpu.memory_space<hbm>>
    %dma_start3A_137 = arith.constant 5120 : i32
    %dma_start3A_138 = tpu.memref_slice %arg11[%dma_start3A_137] : memref<9216xf32, #tpu.memory_space<vmem>> -> memref<1024xf32, #tpu.memory_space<vmem>>
    %dma_start3A_139 = tpu.memref_slice %arg4[%add3A_133] : memref<4718592xf32, #tpu.memory_space<hbm>> -> memref<1024xf32, #tpu.memory_space<hbm>>
    tpu.enqueue_dma source(%dma_start3A_139 : memref<1024xf32, #tpu.memory_space<hbm>>) target(%dma_start3A_138 : memref<1024xf32, #tpu.memory_space<vmem>>) target_semaphore(%arg19 : memref<!tpu.dma_semaphore, #tpu.memory_space<semaphore_mem>>)
    %mul3A_140 = arith.constant 9 : i32
    %mul3A_141 = arith.muli %select_n3A, %mul3A_140 : i32
    %add3A_142 = arith.constant 6 : i32
    %add3A_143 = arith.addi %mul3A_141, %add3A_142 : i32
    %mul3A_144 = arith.constant 262144 : i32
    %mul3A_145 = arith.muli %add3A_143, %mul3A_144 : i32
    %add3A_146 = arith.addi %mul3A_145, %sub3A_23 : i32
    %dma_start3A_147 = arith.constant 6144 : i32
    %dma_start3A_148 = tpu.memref_slice %arg11[%dma_start3A_147] : memref<9216xf32, #tpu.memory_space<vmem>> -> memref<1024xf32, #tpu.memory_space<vmem>>
    %dma_start3A_149 = tpu.memref_slice %arg4[%add3A_146] : memref<4718592xf32, #tpu.memory_space<hbm>> -> memref<1024xf32, #tpu.memory_space<hbm>>
    %dma_start3A_150 = arith.constant 6144 : i32
    %dma_start3A_151 = tpu.memref_slice %arg11[%dma_start3A_150] : memref<9216xf32, #tpu.memory_space<vmem>> -> memref<1024xf32, #tpu.memory_space<vmem>>
    %dma_start3A_152 = tpu.memref_slice %arg4[%add3A_146] : memref<4718592xf32, #tpu.memory_space<hbm>> -> memref<1024xf32, #tpu.memory_space<hbm>>
    tpu.enqueue_dma source(%dma_start3A_152 : memref<1024xf32, #tpu.memory_space<hbm>>) target(%dma_start3A_151 : memref<1024xf32, #tpu.memory_space<vmem>>) target_semaphore(%arg19 : memref<!tpu.dma_semaphore, #tpu.memory_space<semaphore_mem>>)
    %mul3A_153 = arith.constant 9 : i32
    %mul3A_154 = arith.muli %select_n3A, %mul3A_153 : i32
    %add3A_155 = arith.constant 7 : i32
    %add3A_156 = arith.addi %mul3A_154, %add3A_155 : i32
    %mul3A_157 = arith.constant 262144 : i32
    %mul3A_158 = arith.muli %add3A_156, %mul3A_157 : i32
    %add3A_159 = arith.addi %mul3A_158, %sub3A_23 : i32
    %dma_start3A_160 = arith.constant 7168 : i32
    %dma_start3A_161 = tpu.memref_slice %arg11[%dma_start3A_160] : memref<9216xf32, #tpu.memory_space<vmem>> -> memref<1024xf32, #tpu.memory_space<vmem>>
    %dma_start3A_162 = tpu.memref_slice %arg4[%add3A_159] : memref<4718592xf32, #tpu.memory_space<hbm>> -> memref<1024xf32, #tpu.memory_space<hbm>>
    %dma_start3A_163 = arith.constant 7168 : i32
    %dma_start3A_164 = tpu.memref_slice %arg11[%dma_start3A_163] : memref<9216xf32, #tpu.memory_space<vmem>> -> memref<1024xf32, #tpu.memory_space<vmem>>
    %dma_start3A_165 = tpu.memref_slice %arg4[%add3A_159] : memref<4718592xf32, #tpu.memory_space<hbm>> -> memref<1024xf32, #tpu.memory_space<hbm>>
    tpu.enqueue_dma source(%dma_start3A_165 : memref<1024xf32, #tpu.memory_space<hbm>>) target(%dma_start3A_164 : memref<1024xf32, #tpu.memory_space<vmem>>) target_semaphore(%arg19 : memref<!tpu.dma_semaphore, #tpu.memory_space<semaphore_mem>>)
    %mul3A_166 = arith.constant 9 : i32
    %mul3A_167 = arith.muli %select_n3A, %mul3A_166 : i32
    %add3A_168 = arith.constant 8 : i32
    %add3A_169 = arith.addi %mul3A_167, %add3A_168 : i32
    %mul3A_170 = arith.constant 262144 : i32
    %mul3A_171 = arith.muli %add3A_169, %mul3A_170 : i32
    %add3A_172 = arith.addi %mul3A_171, %sub3A_23 : i32
    %dma_start3A_173 = arith.constant 8192 : i32
    %dma_start3A_174 = tpu.memref_slice %arg11[%dma_start3A_173] : memref<9216xf32, #tpu.memory_space<vmem>> -> memref<1024xf32, #tpu.memory_space<vmem>>
    %dma_start3A_175 = tpu.memref_slice %arg4[%add3A_172] : memref<4718592xf32, #tpu.memory_space<hbm>> -> memref<1024xf32, #tpu.memory_space<hbm>>
    %dma_start3A_176 = arith.constant 8192 : i32
    %dma_start3A_177 = tpu.memref_slice %arg11[%dma_start3A_176] : memref<9216xf32, #tpu.memory_space<vmem>> -> memref<1024xf32, #tpu.memory_space<vmem>>
    %dma_start3A_178 = tpu.memref_slice %arg4[%add3A_172] : memref<4718592xf32, #tpu.memory_space<hbm>> -> memref<1024xf32, #tpu.memory_space<hbm>>
    tpu.enqueue_dma source(%dma_start3A_178 : memref<1024xf32, #tpu.memory_space<hbm>>) target(%dma_start3A_177 : memref<1024xf32, #tpu.memory_space<vmem>>) target_semaphore(%arg19 : memref<!tpu.dma_semaphore, #tpu.memory_space<semaphore_mem>>)
    %dma_wait3A = arith.constant 0 : i32
    %dma_wait3A_179 = tpu.memref_slice %arg3[%dma_wait3A] : memref<1572864xi32, #tpu.memory_space<hbm>> -> memref<3072xi32, #tpu.memory_space<hbm>>
    %dma_wait3A_180 = arith.constant 0 : i32
    %dma_wait3A_181 = tpu.memref_slice %arg3[%dma_wait3A_180] : memref<1572864xi32, #tpu.memory_space<hbm>> -> memref<3072xi32, #tpu.memory_space<hbm>>
    tpu.wait_dma2 semaphore(%arg19 : memref<!tpu.dma_semaphore, #tpu.memory_space<semaphore_mem>>) src(%dma_wait3A_181 : memref<3072xi32, #tpu.memory_space<hbm>>) dst(%arg9 : memref<3072xi32, #tpu.memory_space<vmem>>)
    %dma_wait3A_182 = arith.constant 0 : i32
    %dma_wait3A_183 = tpu.memref_slice %arg4[%dma_wait3A_182] : memref<4718592xf32, #tpu.memory_space<hbm>> -> memref<9216xf32, #tpu.memory_space<hbm>>
    %dma_wait3A_184 = arith.constant 0 : i32
    %dma_wait3A_185 = tpu.memref_slice %arg4[%dma_wait3A_184] : memref<4718592xf32, #tpu.memory_space<hbm>> -> memref<9216xf32, #tpu.memory_space<hbm>>
    tpu.wait_dma2 semaphore(%arg19 : memref<!tpu.dma_semaphore, #tpu.memory_space<semaphore_mem>>) src(%dma_wait3A_185 : memref<9216xf32, #tpu.memory_space<hbm>>) dst(%arg11 : memref<9216xf32, #tpu.memory_space<vmem>>)
    %dma_start3A_186 = arith.constant 0 : i32
    %dma_start3A_187 = arith.constant 0 : i32
    %dma_start3A_188 = tpu.memref_slice %arg13[%dma_start3A_186, %dma_start3A_187] : memref<3072x8xf32, #tpu.memory_space<vmem>> -> memref<1536x8xf32, #tpu.memory_space<vmem>>
    %dma_start3A_189 = arith.constant 0 : i32
    %dma_start3A_190 = tpu.memref_slice %arg9[%dma_start3A_189] : memref<3072xi32, #tpu.memory_space<vmem>> -> memref<1536xi32, #tpu.memory_space<vmem>>
    %dma_start3A_191 = arith.constant 0 : i32
    %dma_start3A_192 = arith.constant 0 : i32
    %dma_start3A_193 = tpu.memref_slice %arg2[%dma_start3A_191, %dma_start3A_192] : memref<204800x8xf32, #tpu.memory_space<hbm>> -> memref<204800x8xf32, #tpu.memory_space<hbm>>
    tpu.enqueue_indirect_dma source(%dma_start3A_193 : memref<204800x8xf32, #tpu.memory_space<hbm>>) target(%dma_start3A_188 : memref<1536x8xf32, #tpu.memory_space<vmem>>) offsets(%dma_start3A_190 : memref<1536xi32, #tpu.memory_space<vmem>>) semaphore(%arg21 : memref<!tpu.dma_semaphore, #tpu.memory_space<semaphore_mem>>)
    %dma_start3A_194 = arith.constant 1536 : i32
    %dma_start3A_195 = arith.constant 0 : i32
    %dma_start3A_196 = tpu.memref_slice %arg13[%dma_start3A_194, %dma_start3A_195] : memref<3072x8xf32, #tpu.memory_space<vmem>> -> memref<1536x8xf32, #tpu.memory_space<vmem>>
    %dma_start3A_197 = arith.constant 1536 : i32
    %dma_start3A_198 = tpu.memref_slice %arg9[%dma_start3A_197] : memref<3072xi32, #tpu.memory_space<vmem>> -> memref<1536xi32, #tpu.memory_space<vmem>>
    %dma_start3A_199 = arith.constant 0 : i32
    %dma_start3A_200 = arith.constant 0 : i32
    %dma_start3A_201 = tpu.memref_slice %arg2[%dma_start3A_199, %dma_start3A_200] : memref<204800x8xf32, #tpu.memory_space<hbm>> -> memref<204800x8xf32, #tpu.memory_space<hbm>>
    tpu.enqueue_indirect_dma source(%dma_start3A_201 : memref<204800x8xf32, #tpu.memory_space<hbm>>) target(%dma_start3A_196 : memref<1536x8xf32, #tpu.memory_space<vmem>>) offsets(%dma_start3A_198 : memref<1536xi32, #tpu.memory_space<vmem>>) semaphore(%arg21 : memref<!tpu.dma_semaphore, #tpu.memory_space<semaphore_mem>>)
    %add3A_202 = arith.constant 1024 : i32
    %add3A_203 = arith.addi %mul3A_2, %add3A_202 : i32
    %jit3A_204 = arith.constant 262144 : i32
    %div3A_205 = arith.divsi %add3A_203, %jit3A_204 : i32
    %sign3A_206 = arith.constant 0 : i32
    %sign3A_207 = arith.cmpi sgt, %add3A_203, %sign3A_206 : i32
    %sign3A_208 = arith.extui %sign3A_207 : i1 to i32
    %sign3A_209 = arith.constant 0 : i32
    %sign3A_210 = arith.cmpi slt, %add3A_203, %sign3A_209 : i32
    %sign3A_211 = arith.extui %sign3A_210 : i1 to i32
    %sign3A_212 = arith.subi %sign3A_208, %sign3A_211 : i32
    %sign3A_213 = arith.constant 0 : i32
    %sign3A_214 = arith.cmpi sgt, %jit3A_204, %sign3A_213 : i32
    %sign3A_215 = arith.extui %sign3A_214 : i1 to i32
    %sign3A_216 = arith.constant 0 : i32
    %sign3A_217 = arith.cmpi slt, %jit3A_204, %sign3A_216 : i32
    %sign3A_218 = arith.extui %sign3A_217 : i1 to i32
    %sign3A_219 = arith.subi %sign3A_215, %sign3A_218 : i32
    %ne3A_220 = arith.cmpi ne, %sign3A_212, %sign3A_219 : i32
    %rem3A_221 = arith.remsi %add3A_203, %jit3A_204 : i32
    %ne3A_222 = arith.constant 0 : i32
    %ne3A_223 = arith.cmpi ne, %rem3A_221, %ne3A_222 : i32
    %and3A_224 = arith.andi %ne3A_220, %ne3A_223 : i1
    %sub3A_225 = arith.constant 1 : i32
    %sub3A_226 = arith.subi %div3A_205, %sub3A_225 : i32
    %select_n3A_227 = arith.select %and3A_224, %sub3A_226, %div3A_205 : i32
    %mul3A_228 = arith.constant 262144 : i32
    %mul3A_229 = arith.muli %select_n3A_227, %mul3A_228 : i32
    %sub3A_230 = arith.subi %add3A_203, %mul3A_229 : i32
    %mul3A_231 = arith.constant 3 : i32
    %mul3A_232 = arith.muli %select_n3A_227, %mul3A_231 : i32
    %add3A_233 = arith.constant 0 : i32
    %add3A_234 = arith.addi %mul3A_232, %add3A_233 : i32
    %mul3A_235 = arith.constant 262144 : i32
    %mul3A_236 = arith.muli %add3A_234, %mul3A_235 : i32
    %add3A_237 = arith.addi %mul3A_236, %sub3A_230 : i32
    %dma_start3A_238 = arith.constant 0 : i32
    %dma_start3A_239 = tpu.memref_slice %arg10[%dma_start3A_238] : memref<3072xi32, #tpu.memory_space<vmem>> -> memref<1024xi32, #tpu.memory_space<vmem>>
    %dma_start3A_240 = tpu.memref_slice %arg3[%add3A_237] : memref<1572864xi32, #tpu.memory_space<hbm>> -> memref<1024xi32, #tpu.memory_space<hbm>>
    %dma_start3A_241 = arith.constant 0 : i32
    %dma_start3A_242 = tpu.memref_slice %arg10[%dma_start3A_241] : memref<3072xi32, #tpu.memory_space<vmem>> -> memref<1024xi32, #tpu.memory_space<vmem>>
    %dma_start3A_243 = tpu.memref_slice %arg3[%add3A_237] : memref<1572864xi32, #tpu.memory_space<hbm>> -> memref<1024xi32, #tpu.memory_space<hbm>>
    tpu.enqueue_dma source(%dma_start3A_243 : memref<1024xi32, #tpu.memory_space<hbm>>) target(%dma_start3A_242 : memref<1024xi32, #tpu.memory_space<vmem>>) target_semaphore(%arg20 : memref<!tpu.dma_semaphore, #tpu.memory_space<semaphore_mem>>)
    %mul3A_244 = arith.constant 3 : i32
    %mul3A_245 = arith.muli %select_n3A_227, %mul3A_244 : i32
    %add3A_246 = arith.constant 1 : i32
    %add3A_247 = arith.addi %mul3A_245, %add3A_246 : i32
    %mul3A_248 = arith.constant 262144 : i32
    %mul3A_249 = arith.muli %add3A_247, %mul3A_248 : i32
    %add3A_250 = arith.addi %mul3A_249, %sub3A_230 : i32
    %dma_start3A_251 = arith.constant 1024 : i32
    %dma_start3A_252 = tpu.memref_slice %arg10[%dma_start3A_251] : memref<3072xi32, #tpu.memory_space<vmem>> -> memref<1024xi32, #tpu.memory_space<vmem>>
    %dma_start3A_253 = tpu.memref_slice %arg3[%add3A_250] : memref<1572864xi32, #tpu.memory_space<hbm>> -> memref<1024xi32, #tpu.memory_space<hbm>>
    %dma_start3A_254 = arith.constant 1024 : i32
    %dma_start3A_255 = tpu.memref_slice %arg10[%dma_start3A_254] : memref<3072xi32, #tpu.memory_space<vmem>> -> memref<1024xi32, #tpu.memory_space<vmem>>
    %dma_start3A_256 = tpu.memref_slice %arg3[%add3A_250] : memref<1572864xi32, #tpu.memory_space<hbm>> -> memref<1024xi32, #tpu.memory_space<hbm>>
    tpu.enqueue_dma source(%dma_start3A_256 : memref<1024xi32, #tpu.memory_space<hbm>>) target(%dma_start3A_255 : memref<1024xi32, #tpu.memory_space<vmem>>) target_semaphore(%arg20 : memref<!tpu.dma_semaphore, #tpu.memory_space<semaphore_mem>>)
    %mul3A_257 = arith.constant 3 : i32
    %mul3A_258 = arith.muli %select_n3A_227, %mul3A_257 : i32
    %add3A_259 = arith.constant 2 : i32
    %add3A_260 = arith.addi %mul3A_258, %add3A_259 : i32
    %mul3A_261 = arith.constant 262144 : i32
    %mul3A_262 = arith.muli %add3A_260, %mul3A_261 : i32
    %add3A_263 = arith.addi %mul3A_262, %sub3A_230 : i32
    %dma_start3A_264 = arith.constant 2048 : i32
    %dma_start3A_265 = tpu.memref_slice %arg10[%dma_start3A_264] : memref<3072xi32, #tpu.memory_space<vmem>> -> memref<1024xi32, #tpu.memory_space<vmem>>
    %dma_start3A_266 = tpu.memref_slice %arg3[%add3A_263] : memref<1572864xi32, #tpu.memory_space<hbm>> -> memref<1024xi32, #tpu.memory_space<hbm>>
    %dma_start3A_267 = arith.constant 2048 : i32
    %dma_start3A_268 = tpu.memref_slice %arg10[%dma_start3A_267] : memref<3072xi32, #tpu.memory_space<vmem>> -> memref<1024xi32, #tpu.memory_space<vmem>>
    %dma_start3A_269 = tpu.memref_slice %arg3[%add3A_263] : memref<1572864xi32, #tpu.memory_space<hbm>> -> memref<1024xi32, #tpu.memory_space<hbm>>
    tpu.enqueue_dma source(%dma_start3A_269 : memref<1024xi32, #tpu.memory_space<hbm>>) target(%dma_start3A_268 : memref<1024xi32, #tpu.memory_space<vmem>>) target_semaphore(%arg20 : memref<!tpu.dma_semaphore, #tpu.memory_space<semaphore_mem>>)
    %mul3A_270 = arith.constant 9 : i32
    %mul3A_271 = arith.muli %select_n3A_227, %mul3A_270 : i32
    %add3A_272 = arith.constant 0 : i32
    %add3A_273 = arith.addi %mul3A_271, %add3A_272 : i32
    %mul3A_274 = arith.constant 262144 : i32
    %mul3A_275 = arith.muli %add3A_273, %mul3A_274 : i32
    %add3A_276 = arith.addi %mul3A_275, %sub3A_230 : i32
    %dma_start3A_277 = arith.constant 0 : i32
    %dma_start3A_278 = tpu.memref_slice %arg12[%dma_start3A_277] : memref<9216xf32, #tpu.memory_space<vmem>> -> memref<1024xf32, #tpu.memory_space<vmem>>
    %dma_start3A_279 = tpu.memref_slice %arg4[%add3A_276] : memref<4718592xf32, #tpu.memory_space<hbm>> -> memref<1024xf32, #tpu.memory_space<hbm>>
    %dma_start3A_280 = arith.constant 0 : i32
    %dma_start3A_281 = tpu.memref_slice %arg12[%dma_start3A_280] : memref<9216xf32, #tpu.memory_space<vmem>> -> memref<1024xf32, #tpu.memory_space<vmem>>
    %dma_start3A_282 = tpu.memref_slice %arg4[%add3A_276] : memref<4718592xf32, #tpu.memory_space<hbm>> -> memref<1024xf32, #tpu.memory_space<hbm>>
    tpu.enqueue_dma source(%dma_start3A_282 : memref<1024xf32, #tpu.memory_space<hbm>>) target(%dma_start3A_281 : memref<1024xf32, #tpu.memory_space<vmem>>) target_semaphore(%arg20 : memref<!tpu.dma_semaphore, #tpu.memory_space<semaphore_mem>>)
    %mul3A_283 = arith.constant 9 : i32
    %mul3A_284 = arith.muli %select_n3A_227, %mul3A_283 : i32
    %add3A_285 = arith.constant 1 : i32
    %add3A_286 = arith.addi %mul3A_284, %add3A_285 : i32
    %mul3A_287 = arith.constant 262144 : i32
    %mul3A_288 = arith.muli %add3A_286, %mul3A_287 : i32
    %add3A_289 = arith.addi %mul3A_288, %sub3A_230 : i32
    %dma_start3A_290 = arith.constant 1024 : i32
    %dma_start3A_291 = tpu.memref_slice %arg12[%dma_start3A_290] : memref<9216xf32, #tpu.memory_space<vmem>> -> memref<1024xf32, #tpu.memory_space<vmem>>
    %dma_start3A_292 = tpu.memref_slice %arg4[%add3A_289] : memref<4718592xf32, #tpu.memory_space<hbm>> -> memref<1024xf32, #tpu.memory_space<hbm>>
    %dma_start3A_293 = arith.constant 1024 : i32
    %dma_start3A_294 = tpu.memref_slice %arg12[%dma_start3A_293] : memref<9216xf32, #tpu.memory_space<vmem>> -> memref<1024xf32, #tpu.memory_space<vmem>>
    %dma_start3A_295 = tpu.memref_slice %arg4[%add3A_289] : memref<4718592xf32, #tpu.memory_space<hbm>> -> memref<1024xf32, #tpu.memory_space<hbm>>
    tpu.enqueue_dma source(%dma_start3A_295 : memref<1024xf32, #tpu.memory_space<hbm>>) target(%dma_start3A_294 : memref<1024xf32, #tpu.memory_space<vmem>>) target_semaphore(%arg20 : memref<!tpu.dma_semaphore, #tpu.memory_space<semaphore_mem>>)
    %mul3A_296 = arith.constant 9 : i32
    %mul3A_297 = arith.muli %select_n3A_227, %mul3A_296 : i32
    %add3A_298 = arith.constant 2 : i32
    %add3A_299 = arith.addi %mul3A_297, %add3A_298 : i32
    %mul3A_300 = arith.constant 262144 : i32
    %mul3A_301 = arith.muli %add3A_299, %mul3A_300 : i32
    %add3A_302 = arith.addi %mul3A_301, %sub3A_230 : i32
    %dma_start3A_303 = arith.constant 2048 : i32
    %dma_start3A_304 = tpu.memref_slice %arg12[%dma_start3A_303] : memref<9216xf32, #tpu.memory_space<vmem>> -> memref<1024xf32, #tpu.memory_space<vmem>>
    %dma_start3A_305 = tpu.memref_slice %arg4[%add3A_302] : memref<4718592xf32, #tpu.memory_space<hbm>> -> memref<1024xf32, #tpu.memory_space<hbm>>
    %dma_start3A_306 = arith.constant 2048 : i32
    %dma_start3A_307 = tpu.memref_slice %arg12[%dma_start3A_306] : memref<9216xf32, #tpu.memory_space<vmem>> -> memref<1024xf32, #tpu.memory_space<vmem>>
    %dma_start3A_308 = tpu.memref_slice %arg4[%add3A_302] : memref<4718592xf32, #tpu.memory_space<hbm>> -> memref<1024xf32, #tpu.memory_space<hbm>>
    tpu.enqueue_dma source(%dma_start3A_308 : memref<1024xf32, #tpu.memory_space<hbm>>) target(%dma_start3A_307 : memref<1024xf32, #tpu.memory_space<vmem>>) target_semaphore(%arg20 : memref<!tpu.dma_semaphore, #tpu.memory_space<semaphore_mem>>)
    %mul3A_309 = arith.constant 9 : i32
    %mul3A_310 = arith.muli %select_n3A_227, %mul3A_309 : i32
    %add3A_311 = arith.constant 3 : i32
    %add3A_312 = arith.addi %mul3A_310, %add3A_311 : i32
    %mul3A_313 = arith.constant 262144 : i32
    %mul3A_314 = arith.muli %add3A_312, %mul3A_313 : i32
    %add3A_315 = arith.addi %mul3A_314, %sub3A_230 : i32
    %dma_start3A_316 = arith.constant 3072 : i32
    %dma_start3A_317 = tpu.memref_slice %arg12[%dma_start3A_316] : memref<9216xf32, #tpu.memory_space<vmem>> -> memref<1024xf32, #tpu.memory_space<vmem>>
    %dma_start3A_318 = tpu.memref_slice %arg4[%add3A_315] : memref<4718592xf32, #tpu.memory_space<hbm>> -> memref<1024xf32, #tpu.memory_space<hbm>>
    %dma_start3A_319 = arith.constant 3072 : i32
    %dma_start3A_320 = tpu.memref_slice %arg12[%dma_start3A_319] : memref<9216xf32, #tpu.memory_space<vmem>> -> memref<1024xf32, #tpu.memory_space<vmem>>
    %dma_start3A_321 = tpu.memref_slice %arg4[%add3A_315] : memref<4718592xf32, #tpu.memory_space<hbm>> -> memref<1024xf32, #tpu.memory_space<hbm>>
    tpu.enqueue_dma source(%dma_start3A_321 : memref<1024xf32, #tpu.memory_space<hbm>>) target(%dma_start3A_320 : memref<1024xf32, #tpu.memory_space<vmem>>) target_semaphore(%arg20 : memref<!tpu.dma_semaphore, #tpu.memory_space<semaphore_mem>>)
    %mul3A_322 = arith.constant 9 : i32
    %mul3A_323 = arith.muli %select_n3A_227, %mul3A_322 : i32
    %add3A_324 = arith.constant 4 : i32
    %add3A_325 = arith.addi %mul3A_323, %add3A_324 : i32
    %mul3A_326 = arith.constant 262144 : i32
    %mul3A_327 = arith.muli %add3A_325, %mul3A_326 : i32
    %add3A_328 = arith.addi %mul3A_327, %sub3A_230 : i32
    %dma_start3A_329 = arith.constant 4096 : i32
    %dma_start3A_330 = tpu.memref_slice %arg12[%dma_start3A_329] : memref<9216xf32, #tpu.memory_space<vmem>> -> memref<1024xf32, #tpu.memory_space<vmem>>
    %dma_start3A_331 = tpu.memref_slice %arg4[%add3A_328] : memref<4718592xf32, #tpu.memory_space<hbm>> -> memref<1024xf32, #tpu.memory_space<hbm>>
    %dma_start3A_332 = arith.constant 4096 : i32
    %dma_start3A_333 = tpu.memref_slice %arg12[%dma_start3A_332] : memref<9216xf32, #tpu.memory_space<vmem>> -> memref<1024xf32, #tpu.memory_space<vmem>>
    %dma_start3A_334 = tpu.memref_slice %arg4[%add3A_328] : memref<4718592xf32, #tpu.memory_space<hbm>> -> memref<1024xf32, #tpu.memory_space<hbm>>
    tpu.enqueue_dma source(%dma_start3A_334 : memref<1024xf32, #tpu.memory_space<hbm>>) target(%dma_start3A_333 : memref<1024xf32, #tpu.memory_space<vmem>>) target_semaphore(%arg20 : memref<!tpu.dma_semaphore, #tpu.memory_space<semaphore_mem>>)
    %mul3A_335 = arith.constant 9 : i32
    %mul3A_336 = arith.muli %select_n3A_227, %mul3A_335 : i32
    %add3A_337 = arith.constant 5 : i32
    %add3A_338 = arith.addi %mul3A_336, %add3A_337 : i32
    %mul3A_339 = arith.constant 262144 : i32
    %mul3A_340 = arith.muli %add3A_338, %mul3A_339 : i32
    %add3A_341 = arith.addi %mul3A_340, %sub3A_230 : i32
    %dma_start3A_342 = arith.constant 5120 : i32
    %dma_start3A_343 = tpu.memref_slice %arg12[%dma_start3A_342] : memref<9216xf32, #tpu.memory_space<vmem>> -> memref<1024xf32, #tpu.memory_space<vmem>>
    %dma_start3A_344 = tpu.memref_slice %arg4[%add3A_341] : memref<4718592xf32, #tpu.memory_space<hbm>> -> memref<1024xf32, #tpu.memory_space<hbm>>
    %dma_start3A_345 = arith.constant 5120 : i32
    %dma_start3A_346 = tpu.memref_slice %arg12[%dma_start3A_345] : memref<9216xf32, #tpu.memory_space<vmem>> -> memref<1024xf32, #tpu.memory_space<vmem>>
    %dma_start3A_347 = tpu.memref_slice %arg4[%add3A_341] : memref<4718592xf32, #tpu.memory_space<hbm>> -> memref<1024xf32, #tpu.memory_space<hbm>>
    tpu.enqueue_dma source(%dma_start3A_347 : memref<1024xf32, #tpu.memory_space<hbm>>) target(%dma_start3A_346 : memref<1024xf32, #tpu.memory_space<vmem>>) target_semaphore(%arg20 : memref<!tpu.dma_semaphore, #tpu.memory_space<semaphore_mem>>)
    %mul3A_348 = arith.constant 9 : i32
    %mul3A_349 = arith.muli %select_n3A_227, %mul3A_348 : i32
    %add3A_350 = arith.constant 6 : i32
    %add3A_351 = arith.addi %mul3A_349, %add3A_350 : i32
    %mul3A_352 = arith.constant 262144 : i32
    %mul3A_353 = arith.muli %add3A_351, %mul3A_352 : i32
    %add3A_354 = arith.addi %mul3A_353, %sub3A_230 : i32
    %dma_start3A_355 = arith.constant 6144 : i32
    %dma_start3A_356 = tpu.memref_slice %arg12[%dma_start3A_355] : memref<9216xf32, #tpu.memory_space<vmem>> -> memref<1024xf32, #tpu.memory_space<vmem>>
    %dma_start3A_357 = tpu.memref_slice %arg4[%add3A_354] : memref<4718592xf32, #tpu.memory_space<hbm>> -> memref<1024xf32, #tpu.memory_space<hbm>>
    %dma_start3A_358 = arith.constant 6144 : i32
    %dma_start3A_359 = tpu.memref_slice %arg12[%dma_start3A_358] : memref<9216xf32, #tpu.memory_space<vmem>> -> memref<1024xf32, #tpu.memory_space<vmem>>
    %dma_start3A_360 = tpu.memref_slice %arg4[%add3A_354] : memref<4718592xf32, #tpu.memory_space<hbm>> -> memref<1024xf32, #tpu.memory_space<hbm>>
    tpu.enqueue_dma source(%dma_start3A_360 : memref<1024xf32, #tpu.memory_space<hbm>>) target(%dma_start3A_359 : memref<1024xf32, #tpu.memory_space<vmem>>) target_semaphore(%arg20 : memref<!tpu.dma_semaphore, #tpu.memory_space<semaphore_mem>>)
    %mul3A_361 = arith.constant 9 : i32
    %mul3A_362 = arith.muli %select_n3A_227, %mul3A_361 : i32
    %add3A_363 = arith.constant 7 : i32
    %add3A_364 = arith.addi %mul3A_362, %add3A_363 : i32
    %mul3A_365 = arith.constant 262144 : i32
    %mul3A_366 = arith.muli %add3A_364, %mul3A_365 : i32
    %add3A_367 = arith.addi %mul3A_366, %sub3A_230 : i32
    %dma_start3A_368 = arith.constant 7168 : i32
    %dma_start3A_369 = tpu.memref_slice %arg12[%dma_start3A_368] : memref<9216xf32, #tpu.memory_space<vmem>> -> memref<1024xf32, #tpu.memory_space<vmem>>
    %dma_start3A_370 = tpu.memref_slice %arg4[%add3A_367] : memref<4718592xf32, #tpu.memory_space<hbm>> -> memref<1024xf32, #tpu.memory_space<hbm>>
    %dma_start3A_371 = arith.constant 7168 : i32
    %dma_start3A_372 = tpu.memref_slice %arg12[%dma_start3A_371] : memref<9216xf32, #tpu.memory_space<vmem>> -> memref<1024xf32, #tpu.memory_space<vmem>>
    %dma_start3A_373 = tpu.memref_slice %arg4[%add3A_367] : memref<4718592xf32, #tpu.memory_space<hbm>> -> memref<1024xf32, #tpu.memory_space<hbm>>
    tpu.enqueue_dma source(%dma_start3A_373 : memref<1024xf32, #tpu.memory_space<hbm>>) target(%dma_start3A_372 : memref<1024xf32, #tpu.memory_space<vmem>>) target_semaphore(%arg20 : memref<!tpu.dma_semaphore, #tpu.memory_space<semaphore_mem>>)
    %mul3A_374 = arith.constant 9 : i32
    %mul3A_375 = arith.muli %select_n3A_227, %mul3A_374 : i32
    %add3A_376 = arith.constant 8 : i32
    %add3A_377 = arith.addi %mul3A_375, %add3A_376 : i32
    %mul3A_378 = arith.constant 262144 : i32
    %mul3A_379 = arith.muli %add3A_377, %mul3A_378 : i32
    %add3A_380 = arith.addi %mul3A_379, %sub3A_230 : i32
    %dma_start3A_381 = arith.constant 8192 : i32
    %dma_start3A_382 = tpu.memref_slice %arg12[%dma_start3A_381] : memref<9216xf32, #tpu.memory_space<vmem>> -> memref<1024xf32, #tpu.memory_space<vmem>>
    %dma_start3A_383 = tpu.memref_slice %arg4[%add3A_380] : memref<4718592xf32, #tpu.memory_space<hbm>> -> memref<1024xf32, #tpu.memory_space<hbm>>
    %dma_start3A_384 = arith.constant 8192 : i32
    %dma_start3A_385 = tpu.memref_slice %arg12[%dma_start3A_384] : memref<9216xf32, #tpu.memory_space<vmem>> -> memref<1024xf32, #tpu.memory_space<vmem>>
    %dma_start3A_386 = tpu.memref_slice %arg4[%add3A_380] : memref<4718592xf32, #tpu.memory_space<hbm>> -> memref<1024xf32, #tpu.memory_space<hbm>>
    tpu.enqueue_dma source(%dma_start3A_386 : memref<1024xf32, #tpu.memory_space<hbm>>) target(%dma_start3A_385 : memref<1024xf32, #tpu.memory_space<vmem>>) target_semaphore(%arg20 : memref<!tpu.dma_semaphore, #tpu.memory_space<semaphore_mem>>)
    %scan3A = arith.constant 0 : i32
    %scan3A_387 = arith.constant 0 : i32
    %scan3A_388 = arith.constant 8 : i32
    %scan3A_389 = arith.addi %scan3A_387, %scan3A_388 : i32
    %scan3A_390 = arith.constant 1 : i32
    scf.for %scan3A_392 = %scan3A_387 to %scan3A_389 step %scan3A_390  : i32 {
      %mul3A_393 = arith.constant 2 : i32
      %mul3A_394 = arith.muli %scan3A_392, %mul3A_393 : i32
      %add3A_395 = arith.constant 0 : i32
      %add3A_396 = arith.addi %mul3A_394, %add3A_395 : i32
      %add3A_397 = arith.constant 1 : i32
      %add3A_398 = arith.addi %add3A_396, %add3A_397 : i32
      %lt3A = arith.constant 16 : i32
      %lt3A_399 = arith.cmpi slt, %add3A_398, %lt3A : i32
      %add3A_400 = arith.constant 2 : i32
      %add3A_401 = arith.addi %add3A_396, %add3A_400 : i32
      %lt3A_402 = arith.constant 16 : i32
      %lt3A_403 = arith.cmpi slt, %add3A_401, %lt3A_402 : i32
      %mul3A_404 = arith.constant 1024 : i32
      %mul3A_405 = arith.muli %add3A_396, %mul3A_404 : i32
      %add3A_406 = arith.addi %mul3A_2, %mul3A_405 : i32
      %jit3A_407 = arith.constant 262144 : i32
      %div3A_408 = arith.divsi %add3A_406, %jit3A_407 : i32
      %sign3A_409 = arith.constant 0 : i32
      %sign3A_410 = arith.cmpi sgt, %add3A_406, %sign3A_409 : i32
      %sign3A_411 = arith.extui %sign3A_410 : i1 to i32
      %sign3A_412 = arith.constant 0 : i32
      %sign3A_413 = arith.cmpi slt, %add3A_406, %sign3A_412 : i32
      %sign3A_414 = arith.extui %sign3A_413 : i1 to i32
      %sign3A_415 = arith.subi %sign3A_411, %sign3A_414 : i32
      %sign3A_416 = arith.constant 0 : i32
      %sign3A_417 = arith.cmpi sgt, %jit3A_407, %sign3A_416 : i32
      %sign3A_418 = arith.extui %sign3A_417 : i1 to i32
      %sign3A_419 = arith.constant 0 : i32
      %sign3A_420 = arith.cmpi slt, %jit3A_407, %sign3A_419 : i32
      %sign3A_421 = arith.extui %sign3A_420 : i1 to i32
      %sign3A_422 = arith.subi %sign3A_418, %sign3A_421 : i32
      %ne3A_423 = arith.cmpi ne, %sign3A_415, %sign3A_422 : i32
      %rem3A_424 = arith.remsi %add3A_406, %jit3A_407 : i32
      %ne3A_425 = arith.constant 0 : i32
      %ne3A_426 = arith.cmpi ne, %rem3A_424, %ne3A_425 : i32
      %and3A_427 = arith.andi %ne3A_423, %ne3A_426 : i1
      %sub3A_428 = arith.constant 1 : i32
      %sub3A_429 = arith.subi %div3A_408, %sub3A_428 : i32
      %select_n3A_430 = arith.select %and3A_427, %sub3A_429, %div3A_408 : i32
      %broadcast_in_dim3A = arith.constant 0 : i32
      %broadcast_in_dim3A_431 = vector.broadcast %broadcast_in_dim3A : i32 to vector<16xi32>
      %mul3A_432 = arith.constant 3 : i32
      %mul3A_433 = arith.muli %select_n3A_430, %mul3A_432 : i32
      %add3A_434 = arith.constant 0 : i32
      %add3A_435 = arith.addi %mul3A_433, %add3A_434 : i32
      %add3A_436 = vector.broadcast %add3A_435 : i32 to vector<16xi32>
      %add3A_437 = arith.addi %broadcast_in_dim3A_431, %add3A_436 : vector<16xi32>
      %gather3A = tpu.vector_load_idx %arg18[%add3A_437] : memref<16xf32, #tpu.memory_space<vmem>>[vector<16xi32>], vector<16xf32>,
      %mul3A_438 = arith.constant 3 : i32
      %mul3A_439 = arith.muli %select_n3A_430, %mul3A_438 : i32
      %add3A_440 = arith.constant 1 : i32
      %add3A_441 = arith.addi %mul3A_439, %add3A_440 : i32
      %add3A_442 = vector.broadcast %add3A_441 : i32 to vector<16xi32>
      %add3A_443 = arith.addi %broadcast_in_dim3A_431, %add3A_442 : vector<16xi32>
      %gather3A_444 = tpu.vector_load_idx %arg18[%add3A_443] : memref<16xf32, #tpu.memory_space<vmem>>[vector<16xi32>], vector<16xf32>,
      %mul3A_445 = arith.constant 3 : i32
      %mul3A_446 = arith.muli %select_n3A_430, %mul3A_445 : i32
      %add3A_447 = arith.constant 2 : i32
      %add3A_448 = arith.addi %mul3A_446, %add3A_447 : i32
      %add3A_449 = vector.broadcast %add3A_448 : i32 to vector<16xi32>
      %add3A_450 = arith.addi %broadcast_in_dim3A_431, %add3A_449 : vector<16xi32>
      %gather3A_451 = tpu.vector_load_idx %arg18[%add3A_450] : memref<16xf32, #tpu.memory_space<vmem>>[vector<16xi32>], vector<16xf32>,
      %convert_element_type3A = arith.extui %lt3A_399 : i1 to i32
      %cond3A = arith.constant 0 : i32
      %cond3A_452 = arith.cmpi ne, %convert_element_type3A, %cond3A : i32
      scf.if %cond3A_452 {
        %dma_wait3A_542 = arith.constant 0 : i32
        %dma_wait3A_543 = tpu.memref_slice %arg3[%dma_wait3A_542] : memref<1572864xi32, #tpu.memory_space<hbm>> -> memref<3072xi32, #tpu.memory_space<hbm>>
        %dma_wait3A_544 = arith.constant 0 : i32
        %dma_wait3A_545 = tpu.memref_slice %arg3[%dma_wait3A_544] : memref<1572864xi32, #tpu.memory_space<hbm>> -> memref<3072xi32, #tpu.memory_space<hbm>>
        tpu.wait_dma2 semaphore(%arg20 : memref<!tpu.dma_semaphore, #tpu.memory_space<semaphore_mem>>) src(%dma_wait3A_545 : memref<3072xi32, #tpu.memory_space<hbm>>) dst(%arg10 : memref<3072xi32, #tpu.memory_space<vmem>>)
        %dma_wait3A_546 = arith.constant 0 : i32
        %dma_wait3A_547 = tpu.memref_slice %arg4[%dma_wait3A_546] : memref<4718592xf32, #tpu.memory_space<hbm>> -> memref<9216xf32, #tpu.memory_space<hbm>>
        %dma_wait3A_548 = arith.constant 0 : i32
        %dma_wait3A_549 = tpu.memref_slice %arg4[%dma_wait3A_548] : memref<4718592xf32, #tpu.memory_space<hbm>> -> memref<9216xf32, #tpu.memory_space<hbm>>
        tpu.wait_dma2 semaphore(%arg20 : memref<!tpu.dma_semaphore, #tpu.memory_space<semaphore_mem>>) src(%dma_wait3A_549 : memref<9216xf32, #tpu.memory_space<hbm>>) dst(%arg12 : memref<9216xf32, #tpu.memory_space<vmem>>)
        %dma_start3A_550 = arith.constant 0 : i32
        %dma_start3A_551 = arith.constant 0 : i32
        %dma_start3A_552 = tpu.memref_slice %arg14[%dma_start3A_550, %dma_start3A_551] : memref<3072x8xf32, #tpu.memory_space<vmem>> -> memref<1536x8xf32, #tpu.memory_space<vmem>>
        %dma_start3A_553 = arith.constant 0 : i32
        %dma_start3A_554 = tpu.memref_slice %arg10[%dma_start3A_553] : memref<3072xi32, #tpu.memory_space<vmem>> -> memref<1536xi32, #tpu.memory_space<vmem>>
        %dma_start3A_555 = arith.constant 0 : i32
        %dma_start3A_556 = arith.constant 0 : i32
        %dma_start3A_557 = tpu.memref_slice %arg2[%dma_start3A_555, %dma_start3A_556] : memref<204800x8xf32, #tpu.memory_space<hbm>> -> memref<204800x8xf32, #tpu.memory_space<hbm>>
        tpu.enqueue_indirect_dma source(%dma_start3A_557 : memref<204800x8xf32, #tpu.memory_space<hbm>>) target(%dma_start3A_552 : memref<1536x8xf32, #tpu.memory_space<vmem>>) offsets(%dma_start3A_554 : memref<1536xi32, #tpu.memory_space<vmem>>) semaphore(%arg22 : memref<!tpu.dma_semaphore, #tpu.memory_space<semaphore_mem>>)
        %dma_start3A_558 = arith.constant 1536 : i32
        %dma_start3A_559 = arith.constant 0 : i32
        %dma_start3A_560 = tpu.memref_slice %arg14[%dma_start3A_558, %dma_start3A_559] : memref<3072x8xf32, #tpu.memory_space<vmem>> -> memref<1536x8xf32, #tpu.memory_space<vmem>>
        %dma_start3A_561 = arith.constant 1536 : i32
        %dma_start3A_562 = tpu.memref_slice %arg10[%dma_start3A_561] : memref<3072xi32, #tpu.memory_space<vmem>> -> memref<1536xi32, #tpu.memory_space<vmem>>
        %dma_start3A_563 = arith.constant 0 : i32
        %dma_start3A_564 = arith.constant 0 : i32
        %dma_start3A_565 = tpu.memref_slice %arg2[%dma_start3A_563, %dma_start3A_564] : memref<204800x8xf32, #tpu.memory_space<hbm>> -> memref<204800x8xf32, #tpu.memory_space<hbm>>
        tpu.enqueue_indirect_dma source(%dma_start3A_565 : memref<204800x8xf32, #tpu.memory_space<hbm>>) target(%dma_start3A_560 : memref<1536x8xf32, #tpu.memory_space<vmem>>) offsets(%dma_start3A_562 : memref<1536xi32, #tpu.memory_space<vmem>>) semaphore(%arg22 : memref<!tpu.dma_semaphore, #tpu.memory_space<semaphore_mem>>)
      } else {
      }
      %dma_wait3A_453 = arith.constant 0 : i32
      %dma_wait3A_454 = arith.constant 0 : i32
      %dma_wait3A_455 = tpu.memref_slice %arg2[%dma_wait3A_453, %dma_wait3A_454] : memref<204800x8xf32, #tpu.memory_space<hbm>> -> memref<204800x8xf32, #tpu.memory_space<hbm>>
      tpu.wait_indirect_dma semaphore(%arg21 : memref<!tpu.dma_semaphore, #tpu.memory_space<semaphore_mem>>) src(%dma_wait3A_455 : memref<204800x8xf32, #tpu.memory_space<hbm>>) dst(%arg13 : memref<3072x8xf32, #tpu.memory_space<vmem>>)
      %scan3A_456 = arith.constant 0 : i32
      %scan3A_457 = arith.constant 0 : i32
      %scan3A_458 = arith.constant 64 : i32
      %scan3A_459 = arith.addi %scan3A_457, %scan3A_458 : i32
      %scan3A_460 = arith.constant 1 : i32
      scf.for %scan3A_542 = %scan3A_457 to %scan3A_459 step %scan3A_460  : i32 {
        %mul3A_543 = arith.constant 16 : i32
        %mul3A_544 = arith.muli %scan3A_542, %mul3A_543 : i32
        %add3A_545 = arith.constant 0 : i32
        %add3A_546 = arith.addi %add3A_545, %mul3A_544 : i32
        %add3A_547 = vector.broadcast %add3A_546 : i32 to vector<16xi32>
        %add3A_548 = arith.addi %add3A_547, %iota3A : vector<16xi32>
        %broadcast_in_dim3A_549 = arith.constant 0 : i32
        %broadcast_in_dim3A_550 = vector.broadcast %broadcast_in_dim3A_549 : i32 to vector<16xi32>
        %gather3A_551 = tpu.vector_load_idx %arg13[%add3A_548, %broadcast_in_dim3A_550] : memref<3072x8xf32, #tpu.memory_space<vmem>>[vector<16xi32>, vector<16xi32>], vector<16xf32>,
        %broadcast_in_dim3A_552 = arith.constant 1 : i32
        %broadcast_in_dim3A_553 = vector.broadcast %broadcast_in_dim3A_552 : i32 to vector<16xi32>
        %gather3A_554 = tpu.vector_load_idx %arg13[%add3A_548, %broadcast_in_dim3A_553] : memref<3072x8xf32, #tpu.memory_space<vmem>>[vector<16xi32>, vector<16xi32>], vector<16xf32>,
        %broadcast_in_dim3A_555 = arith.constant 2 : i32
        %broadcast_in_dim3A_556 = vector.broadcast %broadcast_in_dim3A_555 : i32 to vector<16xi32>
        %gather3A_557 = tpu.vector_load_idx %arg13[%add3A_548, %broadcast_in_dim3A_556] : memref<3072x8xf32, #tpu.memory_space<vmem>>[vector<16xi32>, vector<16xi32>], vector<16xf32>,
        %broadcast_in_dim3A_558 = arith.constant 3 : i32
        %broadcast_in_dim3A_559 = vector.broadcast %broadcast_in_dim3A_558 : i32 to vector<16xi32>
        %gather3A_560 = tpu.vector_load_idx %arg13[%add3A_548, %broadcast_in_dim3A_559] : memref<3072x8xf32, #tpu.memory_space<vmem>>[vector<16xi32>, vector<16xi32>], vector<16xf32>,
        %broadcast_in_dim3A_561 = arith.constant 4 : i32
        %broadcast_in_dim3A_562 = vector.broadcast %broadcast_in_dim3A_561 : i32 to vector<16xi32>
        %gather3A_563 = tpu.vector_load_idx %arg13[%add3A_548, %broadcast_in_dim3A_562] : memref<3072x8xf32, #tpu.memory_space<vmem>>[vector<16xi32>, vector<16xi32>], vector<16xf32>,
        %broadcast_in_dim3A_564 = arith.constant 5 : i32
        %broadcast_in_dim3A_565 = vector.broadcast %broadcast_in_dim3A_564 : i32 to vector<16xi32>
        %gather3A_566 = tpu.vector_load_idx %arg13[%add3A_548, %broadcast_in_dim3A_565] : memref<3072x8xf32, #tpu.memory_space<vmem>>[vector<16xi32>, vector<16xi32>], vector<16xf32>,
        %bitcast3A = vector.bitcast %gather3A_551 : vector<16xf32> to vector<16xi32>
        %and3A_567 = arith.constant -65536 : i32
        %and3A_568 = vector.broadcast %and3A_567 : i32 to vector<16xi32>
        %and3A_569 = arith.andi %bitcast3A, %and3A_568 : vector<16xi32>
        %bitcast3A_570 = vector.bitcast %and3A_569 : vector<16xi32> to vector<16xf32>
        %shift_left3A = arith.constant 16 : i32
        %shift_left3A_571 = vector.broadcast %shift_left3A : i32 to vector<16xi32>
        %shift_left3A_572 = arith.shli %bitcast3A, %shift_left3A_571 : vector<16xi32>
        %bitcast3A_573 = vector.bitcast %shift_left3A_572 : vector<16xi32> to vector<16xf32>
        %bitcast3A_574 = vector.bitcast %gather3A_554 : vector<16xf32> to vector<16xi32>
        %and3A_575 = arith.constant -65536 : i32
        %and3A_576 = vector.broadcast %and3A_575 : i32 to vector<16xi32>
        %and3A_577 = arith.andi %bitcast3A_574, %and3A_576 : vector<16xi32>
        %bitcast3A_578 = vector.bitcast %and3A_577 : vector<16xi32> to vector<16xf32>
        %shift_left3A_579 = arith.constant 16 : i32
        %shift_left3A_580 = vector.broadcast %shift_left3A_579 : i32 to vector<16xi32>
        %shift_left3A_581 = arith.shli %bitcast3A_574, %shift_left3A_580 : vector<16xi32>
        %bitcast3A_582 = vector.bitcast %shift_left3A_581 : vector<16xi32> to vector<16xf32>
        %bitcast3A_583 = vector.bitcast %gather3A_557 : vector<16xf32> to vector<16xi32>
        %and3A_584 = arith.constant -65536 : i32
        %and3A_585 = vector.broadcast %and3A_584 : i32 to vector<16xi32>
        %and3A_586 = arith.andi %bitcast3A_583, %and3A_585 : vector<16xi32>
        %bitcast3A_587 = vector.bitcast %and3A_586 : vector<16xi32> to vector<16xf32>
        %shift_left3A_588 = arith.constant 16 : i32
        %shift_left3A_589 = vector.broadcast %shift_left3A_588 : i32 to vector<16xi32>
        %shift_left3A_590 = arith.shli %bitcast3A_583, %shift_left3A_589 : vector<16xi32>
        %bitcast3A_591 = vector.bitcast %shift_left3A_590 : vector<16xi32> to vector<16xf32>
        %bitcast3A_592 = vector.bitcast %gather3A_560 : vector<16xf32> to vector<16xi32>
        %and3A_593 = arith.constant -65536 : i32
        %and3A_594 = vector.broadcast %and3A_593 : i32 to vector<16xi32>
        %and3A_595 = arith.andi %bitcast3A_592, %and3A_594 : vector<16xi32>
        %bitcast3A_596 = vector.bitcast %and3A_595 : vector<16xi32> to vector<16xf32>
        %shift_left3A_597 = arith.constant 16 : i32
        %shift_left3A_598 = vector.broadcast %shift_left3A_597 : i32 to vector<16xi32>
        %shift_left3A_599 = arith.shli %bitcast3A_592, %shift_left3A_598 : vector<16xi32>
        %bitcast3A_600 = vector.bitcast %shift_left3A_599 : vector<16xi32> to vector<16xf32>
        %bitcast3A_601 = vector.bitcast %gather3A_563 : vector<16xf32> to vector<16xi32>
        %and3A_602 = arith.constant -65536 : i32
        %and3A_603 = vector.broadcast %and3A_602 : i32 to vector<16xi32>
        %and3A_604 = arith.andi %bitcast3A_601, %and3A_603 : vector<16xi32>
        %bitcast3A_605 = vector.bitcast %and3A_604 : vector<16xi32> to vector<16xf32>
        %shift_left3A_606 = arith.constant 16 : i32
        %shift_left3A_607 = vector.broadcast %shift_left3A_606 : i32 to vector<16xi32>
        %shift_left3A_608 = arith.shli %bitcast3A_601, %shift_left3A_607 : vector<16xi32>
        %bitcast3A_609 = vector.bitcast %shift_left3A_608 : vector<16xi32> to vector<16xf32>
        %bitcast3A_610 = vector.bitcast %gather3A_566 : vector<16xf32> to vector<16xi32>
        %and3A_611 = arith.constant -65536 : i32
        %and3A_612 = vector.broadcast %and3A_611 : i32 to vector<16xi32>
        %and3A_613 = arith.andi %bitcast3A_610, %and3A_612 : vector<16xi32>
        %bitcast3A_614 = vector.bitcast %and3A_613 : vector<16xi32> to vector<16xf32>
        %shift_left3A_615 = arith.constant 16 : i32
        %shift_left3A_616 = vector.broadcast %shift_left3A_615 : i32 to vector<16xi32>
        %shift_left3A_617 = arith.shli %bitcast3A_610, %shift_left3A_616 : vector<16xi32>
        %bitcast3A_618 = vector.bitcast %shift_left3A_617 : vector<16xi32> to vector<16xf32>
        %mul3A_619 = arith.constant 16 : i32
        %mul3A_620 = arith.muli %scan3A_542, %mul3A_619 : i32
        %add3A_621 = arith.constant 0 : i32
        %add3A_622 = arith.addi %add3A_621, %mul3A_620 : i32
        %get3A = arith.index_cast %add3A_622 : i32 to index
        %get3A_623 = tpu.vector_load %arg11[%get3A] {strides = array<i32>} : memref<9216xf32, #tpu.memory_space<vmem>>, vector<16xf32>,
        %mul3A_624 = arith.constant 16 : i32
        %mul3A_625 = arith.muli %scan3A_542, %mul3A_624 : i32
        %add3A_626 = arith.constant 1024 : i32
        %add3A_627 = arith.addi %add3A_626, %mul3A_625 : i32
        %get3A_628 = arith.index_cast %add3A_627 : i32 to index
        %get3A_629 = tpu.vector_load %arg11[%get3A_628] {strides = array<i32>} : memref<9216xf32, #tpu.memory_space<vmem>>, vector<16xf32>,
        %mul3A_630 = arith.constant 16 : i32
        %mul3A_631 = arith.muli %scan3A_542, %mul3A_630 : i32
        %add3A_632 = arith.constant 2048 : i32
        %add3A_633 = arith.addi %add3A_632, %mul3A_631 : i32
        %get3A_634 = arith.index_cast %add3A_633 : i32 to index
        %get3A_635 = tpu.vector_load %arg11[%get3A_634] {strides = array<i32>} : memref<9216xf32, #tpu.memory_space<vmem>>, vector<16xf32>,
        %mul3A_636 = arith.mulf %get3A_623, %bitcast3A_570 : vector<16xf32>
        %mul3A_637 = arith.mulf %get3A_629, %bitcast3A_582 : vector<16xf32>
        %add3A_638 = arith.addf %mul3A_636, %mul3A_637 : vector<16xf32>
        %mul3A_639 = arith.mulf %get3A_635, %bitcast3A_596 : vector<16xf32>
        %add3A_640 = arith.addf %add3A_638, %mul3A_639 : vector<16xf32>
        %mul3A_641 = arith.mulf %get3A_623, %bitcast3A_573 : vector<16xf32>
        %mul3A_642 = arith.mulf %get3A_629, %bitcast3A_587 : vector<16xf32>
        %add3A_643 = arith.addf %mul3A_641, %mul3A_642 : vector<16xf32>
        %mul3A_644 = arith.mulf %get3A_635, %bitcast3A_600 : vector<16xf32>
        %add3A_645 = arith.addf %add3A_643, %mul3A_644 : vector<16xf32>
        %mul3A_646 = arith.mulf %get3A_623, %bitcast3A_578 : vector<16xf32>
        %mul3A_647 = arith.mulf %get3A_629, %bitcast3A_591 : vector<16xf32>
        %add3A_648 = arith.addf %mul3A_646, %mul3A_647 : vector<16xf32>
        %mul3A_649 = arith.mulf %get3A_635, %bitcast3A_605 : vector<16xf32>
        %add3A_650 = arith.addf %add3A_648, %mul3A_649 : vector<16xf32>
        %sub3A_651 = arith.subf %add3A_640, %gather3A : vector<16xf32>
        %sub3A_652 = arith.subf %add3A_645, %gather3A_444 : vector<16xf32>
        %sub3A_653 = arith.subf %add3A_650, %gather3A_451 : vector<16xf32>
        %mul3A_654 = arith.mulf %sub3A_651, %sub3A_651 : vector<16xf32>
        %mul3A_655 = arith.mulf %sub3A_652, %sub3A_652 : vector<16xf32>
        %add3A_656 = arith.addf %mul3A_654, %mul3A_655 : vector<16xf32>
        %mul3A_657 = arith.mulf %sub3A_653, %sub3A_653 : vector<16xf32>
        %add3A_658 = arith.addf %add3A_656, %mul3A_657 : vector<16xf32>
        %max3A = arith.constant 1.000000e-24 : f32
        %max3A_659 = vector.broadcast %max3A : f32 to vector<16xf32>
        %max3A_660 = arith.maximumf %add3A_658, %max3A_659 : vector<16xf32>
        %bitcast3A_661 = vector.bitcast %max3A_660 : vector<16xf32> to vector<16xi32>
        %shift_right_arithmetic3A = arith.constant 1 : i32
        %shift_right_arithmetic3A_662 = vector.broadcast %shift_right_arithmetic3A : i32 to vector<16xi32>
        %shift_right_arithmetic3A_663 = arith.shrsi %bitcast3A_661, %shift_right_arithmetic3A_662 : vector<16xi32>
        %sub3A_664 = arith.constant 1597463007 : i32
        %sub3A_665 = vector.broadcast %sub3A_664 : i32 to vector<16xi32>
        %sub3A_666 = arith.subi %sub3A_665, %shift_right_arithmetic3A_663 : vector<16xi32>
        %bitcast3A_667 = vector.bitcast %sub3A_666 : vector<16xi32> to vector<16xf32>
        %mul3A_668 = arith.constant 5.000000e-01 : f32
        %mul3A_669 = vector.broadcast %mul3A_668 : f32 to vector<16xf32>
        %mul3A_670 = arith.mulf %max3A_660, %mul3A_669 : vector<16xf32>
        %mul3A_671 = arith.mulf %mul3A_670, %bitcast3A_667 : vector<16xf32>
        %mul3A_672 = arith.mulf %mul3A_671, %bitcast3A_667 : vector<16xf32>
        %sub3A_673 = arith.constant 1.500000e+00 : f32
        %sub3A_674 = vector.broadcast %sub3A_673 : f32 to vector<16xf32>
        %sub3A_675 = arith.subf %sub3A_674, %mul3A_672 : vector<16xf32>
        %mul3A_676 = arith.mulf %bitcast3A_667, %sub3A_675 : vector<16xf32>
        %mul3A_677 = arith.mulf %mul3A_670, %mul3A_676 : vector<16xf32>
        %mul3A_678 = arith.mulf %mul3A_677, %mul3A_676 : vector<16xf32>
        %sub3A_679 = arith.constant 1.500000e+00 : f32
        %sub3A_680 = vector.broadcast %sub3A_679 : f32 to vector<16xf32>
        %sub3A_681 = arith.subf %sub3A_680, %mul3A_678 : vector<16xf32>
        %mul3A_682 = arith.mulf %mul3A_676, %sub3A_681 : vector<16xf32>
        %mul3A_683 = arith.mulf %bitcast3A_609, %sub3A_651 : vector<16xf32>
        %mul3A_684 = arith.mulf %bitcast3A_614, %sub3A_652 : vector<16xf32>
        %add3A_685 = arith.addf %mul3A_683, %mul3A_684 : vector<16xf32>
        %mul3A_686 = arith.mulf %bitcast3A_618, %sub3A_653 : vector<16xf32>
        %add3A_687 = arith.addf %add3A_685, %mul3A_686 : vector<16xf32>
        %mul3A_688 = arith.mulf %add3A_687, %mul3A_682 : vector<16xf32>
        %mul3A_689 = arith.constant 16 : i32
        %mul3A_690 = arith.muli %scan3A_542, %mul3A_689 : i32
        %swap3A = arith.index_cast %mul3A_690 : i32 to index
        %swap3A_691 = tpu.vector_load %arg15[%swap3A] {strides = array<i32>} : memref<1024xf32, #tpu.memory_space<vmem>>, vector<16xf32>,
        tpu.vector_store %arg15[%swap3A], %mul3A_688 {strides = array<i32>} : memref<1024xf32, #tpu.memory_space<vmem>>, vector<16xf32>,
        %mul3A_692 = arith.constant 16 : i32
        %mul3A_693 = arith.muli %scan3A_542, %mul3A_692 : i32
        %add3A_694 = arith.constant 1024 : i32
        %add3A_695 = arith.addi %add3A_694, %mul3A_693 : i32
        %add3A_696 = vector.broadcast %add3A_695 : i32 to vector<16xi32>
        %add3A_697 = arith.addi %add3A_696, %iota3A : vector<16xi32>
        %broadcast_in_dim3A_698 = arith.constant 0 : i32
        %broadcast_in_dim3A_699 = vector.broadcast %broadcast_in_dim3A_698 : i32 to vector<16xi32>
        %gather3A_700 = tpu.vector_load_idx %arg13[%add3A_697, %broadcast_in_dim3A_699] : memref<3072x8xf32, #tpu.memory_space<vmem>>[vector<16xi32>, vector<16xi32>], vector<16xf32>,
        %broadcast_in_dim3A_701 = arith.constant 1 : i32
        %broadcast_in_dim3A_702 = vector.broadcast %broadcast_in_dim3A_701 : i32 to vector<16xi32>
        %gather3A_703 = tpu.vector_load_idx %arg13[%add3A_697, %broadcast_in_dim3A_702] : memref<3072x8xf32, #tpu.memory_space<vmem>>[vector<16xi32>, vector<16xi32>], vector<16xf32>,
        %broadcast_in_dim3A_704 = arith.constant 2 : i32
        %broadcast_in_dim3A_705 = vector.broadcast %broadcast_in_dim3A_704 : i32 to vector<16xi32>
        %gather3A_706 = tpu.vector_load_idx %arg13[%add3A_697, %broadcast_in_dim3A_705] : memref<3072x8xf32, #tpu.memory_space<vmem>>[vector<16xi32>, vector<16xi32>], vector<16xf32>,
        %broadcast_in_dim3A_707 = arith.constant 3 : i32
        %broadcast_in_dim3A_708 = vector.broadcast %broadcast_in_dim3A_707 : i32 to vector<16xi32>
        %gather3A_709 = tpu.vector_load_idx %arg13[%add3A_697, %broadcast_in_dim3A_708] : memref<3072x8xf32, #tpu.memory_space<vmem>>[vector<16xi32>, vector<16xi32>], vector<16xf32>,
        %broadcast_in_dim3A_710 = arith.constant 4 : i32
        %broadcast_in_dim3A_711 = vector.broadcast %broadcast_in_dim3A_710 : i32 to vector<16xi32>
        %gather3A_712 = tpu.vector_load_idx %arg13[%add3A_697, %broadcast_in_dim3A_711] : memref<3072x8xf32, #tpu.memory_space<vmem>>[vector<16xi32>, vector<16xi32>], vector<16xf32>,
        %broadcast_in_dim3A_713 = arith.constant 5 : i32
        %broadcast_in_dim3A_714 = vector.broadcast %broadcast_in_dim3A_713 : i32 to vector<16xi32>
        %gather3A_715 = tpu.vector_load_idx %arg13[%add3A_697, %broadcast_in_dim3A_714] : memref<3072x8xf32, #tpu.memory_space<vmem>>[vector<16xi32>, vector<16xi32>], vector<16xf32>,
        %bitcast3A_716 = vector.bitcast %gather3A_700 : vector<16xf32> to vector<16xi32>
        %and3A_717 = arith.constant -65536 : i32
        %and3A_718 = vector.broadcast %and3A_717 : i32 to vector<16xi32>
        %and3A_719 = arith.andi %bitcast3A_716, %and3A_718 : vector<16xi32>
        %bitcast3A_720 = vector.bitcast %and3A_719 : vector<16xi32> to vector<16xf32>
        %shift_left3A_721 = arith.constant 16 : i32
        %shift_left3A_722 = vector.broadcast %shift_left3A_721 : i32 to vector<16xi32>
        %shift_left3A_723 = arith.shli %bitcast3A_716, %shift_left3A_722 : vector<16xi32>
        %bitcast3A_724 = vector.bitcast %shift_left3A_723 : vector<16xi32> to vector<16xf32>
        %bitcast3A_725 = vector.bitcast %gather3A_703 : vector<16xf32> to vector<16xi32>
        %and3A_726 = arith.constant -65536 : i32
        %and3A_727 = vector.broadcast %and3A_726 : i32 to vector<16xi32>
        %and3A_728 = arith.andi %bitcast3A_725, %and3A_727 : vector<16xi32>
        %bitcast3A_729 = vector.bitcast %and3A_728 : vector<16xi32> to vector<16xf32>
        %shift_left3A_730 = arith.constant 16 : i32
        %shift_left3A_731 = vector.broadcast %shift_left3A_730 : i32 to vector<16xi32>
        %shift_left3A_732 = arith.shli %bitcast3A_725, %shift_left3A_731 : vector<16xi32>
        %bitcast3A_733 = vector.bitcast %shift_left3A_732 : vector<16xi32> to vector<16xf32>
        %bitcast3A_734 = vector.bitcast %gather3A_706 : vector<16xf32> to vector<16xi32>
        %and3A_735 = arith.constant -65536 : i32
        %and3A_736 = vector.broadcast %and3A_735 : i32 to vector<16xi32>
        %and3A_737 = arith.andi %bitcast3A_734, %and3A_736 : vector<16xi32>
        %bitcast3A_738 = vector.bitcast %and3A_737 : vector<16xi32> to vector<16xf32>
        %shift_left3A_739 = arith.constant 16 : i32
        %shift_left3A_740 = vector.broadcast %shift_left3A_739 : i32 to vector<16xi32>
        %shift_left3A_741 = arith.shli %bitcast3A_734, %shift_left3A_740 : vector<16xi32>
        %bitcast3A_742 = vector.bitcast %shift_left3A_741 : vector<16xi32> to vector<16xf32>
        %bitcast3A_743 = vector.bitcast %gather3A_709 : vector<16xf32> to vector<16xi32>
        %and3A_744 = arith.constant -65536 : i32
        %and3A_745 = vector.broadcast %and3A_744 : i32 to vector<16xi32>
        %and3A_746 = arith.andi %bitcast3A_743, %and3A_745 : vector<16xi32>
        %bitcast3A_747 = vector.bitcast %and3A_746 : vector<16xi32> to vector<16xf32>
        %shift_left3A_748 = arith.constant 16 : i32
        %shift_left3A_749 = vector.broadcast %shift_left3A_748 : i32 to vector<16xi32>
        %shift_left3A_750 = arith.shli %bitcast3A_743, %shift_left3A_749 : vector<16xi32>
        %bitcast3A_751 = vector.bitcast %shift_left3A_750 : vector<16xi32> to vector<16xf32>
        %bitcast3A_752 = vector.bitcast %gather3A_712 : vector<16xf32> to vector<16xi32>
        %and3A_753 = arith.constant -65536 : i32
        %and3A_754 = vector.broadcast %and3A_753 : i32 to vector<16xi32>
        %and3A_755 = arith.andi %bitcast3A_752, %and3A_754 : vector<16xi32>
        %bitcast3A_756 = vector.bitcast %and3A_755 : vector<16xi32> to vector<16xf32>
        %shift_left3A_757 = arith.constant 16 : i32
        %shift_left3A_758 = vector.broadcast %shift_left3A_757 : i32 to vector<16xi32>
        %shift_left3A_759 = arith.shli %bitcast3A_752, %shift_left3A_758 : vector<16xi32>
        %bitcast3A_760 = vector.bitcast %shift_left3A_759 : vector<16xi32> to vector<16xf32>
        %bitcast3A_761 = vector.bitcast %gather3A_715 : vector<16xf32> to vector<16xi32>
        %and3A_762 = arith.constant -65536 : i32
        %and3A_763 = vector.broadcast %and3A_762 : i32 to vector<16xi32>
        %and3A_764 = arith.andi %bitcast3A_761, %and3A_763 : vector<16xi32>
        %bitcast3A_765 = vector.bitcast %and3A_764 : vector<16xi32> to vector<16xf32>
        %shift_left3A_766 = arith.constant 16 : i32
        %shift_left3A_767 = vector.broadcast %shift_left3A_766 : i32 to vector<16xi32>
        %shift_left3A_768 = arith.shli %bitcast3A_761, %shift_left3A_767 : vector<16xi32>
        %bitcast3A_769 = vector.bitcast %shift_left3A_768 : vector<16xi32> to vector<16xf32>
        %mul3A_770 = arith.constant 16 : i32
        %mul3A_771 = arith.muli %scan3A_542, %mul3A_770 : i32
        %add3A_772 = arith.constant 3072 : i32
        %add3A_773 = arith.addi %add3A_772, %mul3A_771 : i32
        %get3A_774 = arith.index_cast %add3A_773 : i32 to index
        %get3A_775 = tpu.vector_load %arg11[%get3A_774] {strides = array<i32>} : memref<9216xf32, #tpu.memory_space<vmem>>, vector<16xf32>,
        %mul3A_776 = arith.constant 16 : i32
        %mul3A_777 = arith.muli %scan3A_542, %mul3A_776 : i32
        %add3A_778 = arith.constant 4096 : i32
        %add3A_779 = arith.addi %add3A_778, %mul3A_777 : i32
        %get3A_780 = arith.index_cast %add3A_779 : i32 to index
        %get3A_781 = tpu.vector_load %arg11[%get3A_780] {strides = array<i32>} : memref<9216xf32, #tpu.memory_space<vmem>>, vector<16xf32>,
        %mul3A_782 = arith.constant 16 : i32
        %mul3A_783 = arith.muli %scan3A_542, %mul3A_782 : i32
        %add3A_784 = arith.constant 5120 : i32
        %add3A_785 = arith.addi %add3A_784, %mul3A_783 : i32
        %get3A_786 = arith.index_cast %add3A_785 : i32 to index
        %get3A_787 = tpu.vector_load %arg11[%get3A_786] {strides = array<i32>} : memref<9216xf32, #tpu.memory_space<vmem>>, vector<16xf32>,
        %mul3A_788 = arith.mulf %get3A_775, %bitcast3A_720 : vector<16xf32>
        %mul3A_789 = arith.mulf %get3A_781, %bitcast3A_733 : vector<16xf32>
        %add3A_790 = arith.addf %mul3A_788, %mul3A_789 : vector<16xf32>
        %mul3A_791 = arith.mulf %get3A_787, %bitcast3A_747 : vector<16xf32>
        %add3A_792 = arith.addf %add3A_790, %mul3A_791 : vector<16xf32>
        %mul3A_793 = arith.mulf %get3A_775, %bitcast3A_724 : vector<16xf32>
        %mul3A_794 = arith.mulf %get3A_781, %bitcast3A_738 : vector<16xf32>
        %add3A_795 = arith.addf %mul3A_793, %mul3A_794 : vector<16xf32>
        %mul3A_796 = arith.mulf %get3A_787, %bitcast3A_751 : vector<16xf32>
        %add3A_797 = arith.addf %add3A_795, %mul3A_796 : vector<16xf32>
        %mul3A_798 = arith.mulf %get3A_775, %bitcast3A_729 : vector<16xf32>
        %mul3A_799 = arith.mulf %get3A_781, %bitcast3A_742 : vector<16xf32>
        %add3A_800 = arith.addf %mul3A_798, %mul3A_799 : vector<16xf32>
        %mul3A_801 = arith.mulf %get3A_787, %bitcast3A_756 : vector<16xf32>
        %add3A_802 = arith.addf %add3A_800, %mul3A_801 : vector<16xf32>
        %sub3A_803 = arith.subf %add3A_792, %gather3A : vector<16xf32>
        %sub3A_804 = arith.subf %add3A_797, %gather3A_444 : vector<16xf32>
        %sub3A_805 = arith.subf %add3A_802, %gather3A_451 : vector<16xf32>
        %mul3A_806 = arith.mulf %sub3A_803, %sub3A_803 : vector<16xf32>
        %mul3A_807 = arith.mulf %sub3A_804, %sub3A_804 : vector<16xf32>
        %add3A_808 = arith.addf %mul3A_806, %mul3A_807 : vector<16xf32>
        %mul3A_809 = arith.mulf %sub3A_805, %sub3A_805 : vector<16xf32>
        %add3A_810 = arith.addf %add3A_808, %mul3A_809 : vector<16xf32>
        %max3A_811 = arith.constant 1.000000e-24 : f32
        %max3A_812 = vector.broadcast %max3A_811 : f32 to vector<16xf32>
        %max3A_813 = arith.maximumf %add3A_810, %max3A_812 : vector<16xf32>
        %bitcast3A_814 = vector.bitcast %max3A_813 : vector<16xf32> to vector<16xi32>
        %shift_right_arithmetic3A_815 = arith.constant 1 : i32
        %shift_right_arithmetic3A_816 = vector.broadcast %shift_right_arithmetic3A_815 : i32 to vector<16xi32>
        %shift_right_arithmetic3A_817 = arith.shrsi %bitcast3A_814, %shift_right_arithmetic3A_816 : vector<16xi32>
        %sub3A_818 = arith.constant 1597463007 : i32
        %sub3A_819 = vector.broadcast %sub3A_818 : i32 to vector<16xi32>
        %sub3A_820 = arith.subi %sub3A_819, %shift_right_arithmetic3A_817 : vector<16xi32>
        %bitcast3A_821 = vector.bitcast %sub3A_820 : vector<16xi32> to vector<16xf32>
        %mul3A_822 = arith.constant 5.000000e-01 : f32
        %mul3A_823 = vector.broadcast %mul3A_822 : f32 to vector<16xf32>
        %mul3A_824 = arith.mulf %max3A_813, %mul3A_823 : vector<16xf32>
        %mul3A_825 = arith.mulf %mul3A_824, %bitcast3A_821 : vector<16xf32>
        %mul3A_826 = arith.mulf %mul3A_825, %bitcast3A_821 : vector<16xf32>
        %sub3A_827 = arith.constant 1.500000e+00 : f32
        %sub3A_828 = vector.broadcast %sub3A_827 : f32 to vector<16xf32>
        %sub3A_829 = arith.subf %sub3A_828, %mul3A_826 : vector<16xf32>
        %mul3A_830 = arith.mulf %bitcast3A_821, %sub3A_829 : vector<16xf32>
        %mul3A_831 = arith.mulf %mul3A_824, %mul3A_830 : vector<16xf32>
        %mul3A_832 = arith.mulf %mul3A_831, %mul3A_830 : vector<16xf32>
        %sub3A_833 = arith.constant 1.500000e+00 : f32
        %sub3A_834 = vector.broadcast %sub3A_833 : f32 to vector<16xf32>
        %sub3A_835 = arith.subf %sub3A_834, %mul3A_832 : vector<16xf32>
        %mul3A_836 = arith.mulf %mul3A_830, %sub3A_835 : vector<16xf32>
        %mul3A_837 = arith.mulf %bitcast3A_760, %sub3A_803 : vector<16xf32>
        %mul3A_838 = arith.mulf %bitcast3A_765, %sub3A_804 : vector<16xf32>
        %add3A_839 = arith.addf %mul3A_837, %mul3A_838 : vector<16xf32>
        %mul3A_840 = arith.mulf %bitcast3A_769, %sub3A_805 : vector<16xf32>
        %add3A_841 = arith.addf %add3A_839, %mul3A_840 : vector<16xf32>
        %mul3A_842 = arith.mulf %add3A_841, %mul3A_836 : vector<16xf32>
        %mul3A_843 = arith.constant 16 : i32
        %mul3A_844 = arith.muli %scan3A_542, %mul3A_843 : i32
        %swap3A_845 = arith.index_cast %mul3A_844 : i32 to index
        %swap3A_846 = tpu.vector_load %arg16[%swap3A_845] {strides = array<i32>} : memref<1024xf32, #tpu.memory_space<vmem>>, vector<16xf32>,
        tpu.vector_store %arg16[%swap3A_845], %mul3A_842 {strides = array<i32>} : memref<1024xf32, #tpu.memory_space<vmem>>, vector<16xf32>,
        %mul3A_847 = arith.constant 16 : i32
        %mul3A_848 = arith.muli %scan3A_542, %mul3A_847 : i32
        %add3A_849 = arith.constant 2048 : i32
        %add3A_850 = arith.addi %add3A_849, %mul3A_848 : i32
        %add3A_851 = vector.broadcast %add3A_850 : i32 to vector<16xi32>
        %add3A_852 = arith.addi %add3A_851, %iota3A : vector<16xi32>
        %broadcast_in_dim3A_853 = arith.constant 0 : i32
        %broadcast_in_dim3A_854 = vector.broadcast %broadcast_in_dim3A_853 : i32 to vector<16xi32>
        %gather3A_855 = tpu.vector_load_idx %arg13[%add3A_852, %broadcast_in_dim3A_854] : memref<3072x8xf32, #tpu.memory_space<vmem>>[vector<16xi32>, vector<16xi32>], vector<16xf32>,
        %broadcast_in_dim3A_856 = arith.constant 1 : i32
        %broadcast_in_dim3A_857 = vector.broadcast %broadcast_in_dim3A_856 : i32 to vector<16xi32>
        %gather3A_858 = tpu.vector_load_idx %arg13[%add3A_852, %broadcast_in_dim3A_857] : memref<3072x8xf32, #tpu.memory_space<vmem>>[vector<16xi32>, vector<16xi32>], vector<16xf32>,
        %broadcast_in_dim3A_859 = arith.constant 2 : i32
        %broadcast_in_dim3A_860 = vector.broadcast %broadcast_in_dim3A_859 : i32 to vector<16xi32>
        %gather3A_861 = tpu.vector_load_idx %arg13[%add3A_852, %broadcast_in_dim3A_860] : memref<3072x8xf32, #tpu.memory_space<vmem>>[vector<16xi32>, vector<16xi32>], vector<16xf32>,
        %broadcast_in_dim3A_862 = arith.constant 3 : i32
        %broadcast_in_dim3A_863 = vector.broadcast %broadcast_in_dim3A_862 : i32 to vector<16xi32>
        %gather3A_864 = tpu.vector_load_idx %arg13[%add3A_852, %broadcast_in_dim3A_863] : memref<3072x8xf32, #tpu.memory_space<vmem>>[vector<16xi32>, vector<16xi32>], vector<16xf32>,
        %broadcast_in_dim3A_865 = arith.constant 4 : i32
        %broadcast_in_dim3A_866 = vector.broadcast %broadcast_in_dim3A_865 : i32 to vector<16xi32>
        %gather3A_867 = tpu.vector_load_idx %arg13[%add3A_852, %broadcast_in_dim3A_866] : memref<3072x8xf32, #tpu.memory_space<vmem>>[vector<16xi32>, vector<16xi32>], vector<16xf32>,
        %broadcast_in_dim3A_868 = arith.constant 5 : i32
        %broadcast_in_dim3A_869 = vector.broadcast %broadcast_in_dim3A_868 : i32 to vector<16xi32>
        %gather3A_870 = tpu.vector_load_idx %arg13[%add3A_852, %broadcast_in_dim3A_869] : memref<3072x8xf32, #tpu.memory_space<vmem>>[vector<16xi32>, vector<16xi32>], vector<16xf32>,
        %bitcast3A_871 = vector.bitcast %gather3A_855 : vector<16xf32> to vector<16xi32>
        %and3A_872 = arith.constant -65536 : i32
        %and3A_873 = vector.broadcast %and3A_872 : i32 to vector<16xi32>
        %and3A_874 = arith.andi %bitcast3A_871, %and3A_873 : vector<16xi32>
        %bitcast3A_875 = vector.bitcast %and3A_874 : vector<16xi32> to vector<16xf32>
        %shift_left3A_876 = arith.constant 16 : i32
        %shift_left3A_877 = vector.broadcast %shift_left3A_876 : i32 to vector<16xi32>
        %shift_left3A_878 = arith.shli %bitcast3A_871, %shift_left3A_877 : vector<16xi32>
        %bitcast3A_879 = vector.bitcast %shift_left3A_878 : vector<16xi32> to vector<16xf32>
        %bitcast3A_880 = vector.bitcast %gather3A_858 : vector<16xf32> to vector<16xi32>
        %and3A_881 = arith.constant -65536 : i32
        %and3A_882 = vector.broadcast %and3A_881 : i32 to vector<16xi32>
        %and3A_883 = arith.andi %bitcast3A_880, %and3A_882 : vector<16xi32>
        %bitcast3A_884 = vector.bitcast %and3A_883 : vector<16xi32> to vector<16xf32>
        %shift_left3A_885 = arith.constant 16 : i32
        %shift_left3A_886 = vector.broadcast %shift_left3A_885 : i32 to vector<16xi32>
        %shift_left3A_887 = arith.shli %bitcast3A_880, %shift_left3A_886 : vector<16xi32>
        %bitcast3A_888 = vector.bitcast %shift_left3A_887 : vector<16xi32> to vector<16xf32>
        %bitcast3A_889 = vector.bitcast %gather3A_861 : vector<16xf32> to vector<16xi32>
        %and3A_890 = arith.constant -65536 : i32
        %and3A_891 = vector.broadcast %and3A_890 : i32 to vector<16xi32>
        %and3A_892 = arith.andi %bitcast3A_889, %and3A_891 : vector<16xi32>
        %bitcast3A_893 = vector.bitcast %and3A_892 : vector<16xi32> to vector<16xf32>
        %shift_left3A_894 = arith.constant 16 : i32
        %shift_left3A_895 = vector.broadcast %shift_left3A_894 : i32 to vector<16xi32>
        %shift_left3A_896 = arith.shli %bitcast3A_889, %shift_left3A_895 : vector<16xi32>
        %bitcast3A_897 = vector.bitcast %shift_left3A_896 : vector<16xi32> to vector<16xf32>
        %bitcast3A_898 = vector.bitcast %gather3A_864 : vector<16xf32> to vector<16xi32>
        %and3A_899 = arith.constant -65536 : i32
        %and3A_900 = vector.broadcast %and3A_899 : i32 to vector<16xi32>
        %and3A_901 = arith.andi %bitcast3A_898, %and3A_900 : vector<16xi32>
        %bitcast3A_902 = vector.bitcast %and3A_901 : vector<16xi32> to vector<16xf32>
        %shift_left3A_903 = arith.constant 16 : i32
        %shift_left3A_904 = vector.broadcast %shift_left3A_903 : i32 to vector<16xi32>
        %shift_left3A_905 = arith.shli %bitcast3A_898, %shift_left3A_904 : vector<16xi32>
        %bitcast3A_906 = vector.bitcast %shift_left3A_905 : vector<16xi32> to vector<16xf32>
        %bitcast3A_907 = vector.bitcast %gather3A_867 : vector<16xf32> to vector<16xi32>
        %and3A_908 = arith.constant -65536 : i32
        %and3A_909 = vector.broadcast %and3A_908 : i32 to vector<16xi32>
        %and3A_910 = arith.andi %bitcast3A_907, %and3A_909 : vector<16xi32>
        %bitcast3A_911 = vector.bitcast %and3A_910 : vector<16xi32> to vector<16xf32>
        %shift_left3A_912 = arith.constant 16 : i32
        %shift_left3A_913 = vector.broadcast %shift_left3A_912 : i32 to vector<16xi32>
        %shift_left3A_914 = arith.shli %bitcast3A_907, %shift_left3A_913 : vector<16xi32>
        %bitcast3A_915 = vector.bitcast %shift_left3A_914 : vector<16xi32> to vector<16xf32>
        %bitcast3A_916 = vector.bitcast %gather3A_870 : vector<16xf32> to vector<16xi32>
        %and3A_917 = arith.constant -65536 : i32
        %and3A_918 = vector.broadcast %and3A_917 : i32 to vector<16xi32>
        %and3A_919 = arith.andi %bitcast3A_916, %and3A_918 : vector<16xi32>
        %bitcast3A_920 = vector.bitcast %and3A_919 : vector<16xi32> to vector<16xf32>
        %shift_left3A_921 = arith.constant 16 : i32
        %shift_left3A_922 = vector.broadcast %shift_left3A_921 : i32 to vector<16xi32>
        %shift_left3A_923 = arith.shli %bitcast3A_916, %shift_left3A_922 : vector<16xi32>
        %bitcast3A_924 = vector.bitcast %shift_left3A_923 : vector<16xi32> to vector<16xf32>
        %mul3A_925 = arith.constant 16 : i32
        %mul3A_926 = arith.muli %scan3A_542, %mul3A_925 : i32
        %add3A_927 = arith.constant 6144 : i32
        %add3A_928 = arith.addi %add3A_927, %mul3A_926 : i32
        %get3A_929 = arith.index_cast %add3A_928 : i32 to index
        %get3A_930 = tpu.vector_load %arg11[%get3A_929] {strides = array<i32>} : memref<9216xf32, #tpu.memory_space<vmem>>, vector<16xf32>,
        %mul3A_931 = arith.constant 16 : i32
        %mul3A_932 = arith.muli %scan3A_542, %mul3A_931 : i32
        %add3A_933 = arith.constant 7168 : i32
        %add3A_934 = arith.addi %add3A_933, %mul3A_932 : i32
        %get3A_935 = arith.index_cast %add3A_934 : i32 to index
        %get3A_936 = tpu.vector_load %arg11[%get3A_935] {strides = array<i32>} : memref<9216xf32, #tpu.memory_space<vmem>>, vector<16xf32>,
        %mul3A_937 = arith.constant 16 : i32
        %mul3A_938 = arith.muli %scan3A_542, %mul3A_937 : i32
        %add3A_939 = arith.constant 8192 : i32
        %add3A_940 = arith.addi %add3A_939, %mul3A_938 : i32
        %get3A_941 = arith.index_cast %add3A_940 : i32 to index
        %get3A_942 = tpu.vector_load %arg11[%get3A_941] {strides = array<i32>} : memref<9216xf32, #tpu.memory_space<vmem>>, vector<16xf32>,
        %mul3A_943 = arith.mulf %get3A_930, %bitcast3A_875 : vector<16xf32>
        %mul3A_944 = arith.mulf %get3A_936, %bitcast3A_888 : vector<16xf32>
        %add3A_945 = arith.addf %mul3A_943, %mul3A_944 : vector<16xf32>
        %mul3A_946 = arith.mulf %get3A_942, %bitcast3A_902 : vector<16xf32>
        %add3A_947 = arith.addf %add3A_945, %mul3A_946 : vector<16xf32>
        %mul3A_948 = arith.mulf %get3A_930, %bitcast3A_879 : vector<16xf32>
        %mul3A_949 = arith.mulf %get3A_936, %bitcast3A_893 : vector<16xf32>
        %add3A_950 = arith.addf %mul3A_948, %mul3A_949 : vector<16xf32>
        %mul3A_951 = arith.mulf %get3A_942, %bitcast3A_906 : vector<16xf32>
        %add3A_952 = arith.addf %add3A_950, %mul3A_951 : vector<16xf32>
        %mul3A_953 = arith.mulf %get3A_930, %bitcast3A_884 : vector<16xf32>
        %mul3A_954 = arith.mulf %get3A_936, %bitcast3A_897 : vector<16xf32>
        %add3A_955 = arith.addf %mul3A_953, %mul3A_954 : vector<16xf32>
        %mul3A_956 = arith.mulf %get3A_942, %bitcast3A_911 : vector<16xf32>
        %add3A_957 = arith.addf %add3A_955, %mul3A_956 : vector<16xf32>
        %sub3A_958 = arith.subf %add3A_947, %gather3A : vector<16xf32>
        %sub3A_959 = arith.subf %add3A_952, %gather3A_444 : vector<16xf32>
        %sub3A_960 = arith.subf %add3A_957, %gather3A_451 : vector<16xf32>
        %mul3A_961 = arith.mulf %sub3A_958, %sub3A_958 : vector<16xf32>
        %mul3A_962 = arith.mulf %sub3A_959, %sub3A_959 : vector<16xf32>
        %add3A_963 = arith.addf %mul3A_961, %mul3A_962 : vector<16xf32>
        %mul3A_964 = arith.mulf %sub3A_960, %sub3A_960 : vector<16xf32>
        %add3A_965 = arith.addf %add3A_963, %mul3A_964 : vector<16xf32>
        %max3A_966 = arith.constant 1.000000e-24 : f32
        %max3A_967 = vector.broadcast %max3A_966 : f32 to vector<16xf32>
        %max3A_968 = arith.maximumf %add3A_965, %max3A_967 : vector<16xf32>
        %bitcast3A_969 = vector.bitcast %max3A_968 : vector<16xf32> to vector<16xi32>
        %shift_right_arithmetic3A_970 = arith.constant 1 : i32
        %shift_right_arithmetic3A_971 = vector.broadcast %shift_right_arithmetic3A_970 : i32 to vector<16xi32>
        %shift_right_arithmetic3A_972 = arith.shrsi %bitcast3A_969, %shift_right_arithmetic3A_971 : vector<16xi32>
        %sub3A_973 = arith.constant 1597463007 : i32
        %sub3A_974 = vector.broadcast %sub3A_973 : i32 to vector<16xi32>
        %sub3A_975 = arith.subi %sub3A_974, %shift_right_arithmetic3A_972 : vector<16xi32>
        %bitcast3A_976 = vector.bitcast %sub3A_975 : vector<16xi32> to vector<16xf32>
        %mul3A_977 = arith.constant 5.000000e-01 : f32
        %mul3A_978 = vector.broadcast %mul3A_977 : f32 to vector<16xf32>
        %mul3A_979 = arith.mulf %max3A_968, %mul3A_978 : vector<16xf32>
        %mul3A_980 = arith.mulf %mul3A_979, %bitcast3A_976 : vector<16xf32>
        %mul3A_981 = arith.mulf %mul3A_980, %bitcast3A_976 : vector<16xf32>
        %sub3A_982 = arith.constant 1.500000e+00 : f32
        %sub3A_983 = vector.broadcast %sub3A_982 : f32 to vector<16xf32>
        %sub3A_984 = arith.subf %sub3A_983, %mul3A_981 : vector<16xf32>
        %mul3A_985 = arith.mulf %bitcast3A_976, %sub3A_984 : vector<16xf32>
        %mul3A_986 = arith.mulf %mul3A_979, %mul3A_985 : vector<16xf32>
        %mul3A_987 = arith.mulf %mul3A_986, %mul3A_985 : vector<16xf32>
        %sub3A_988 = arith.constant 1.500000e+00 : f32
        %sub3A_989 = vector.broadcast %sub3A_988 : f32 to vector<16xf32>
        %sub3A_990 = arith.subf %sub3A_989, %mul3A_987 : vector<16xf32>
        %mul3A_991 = arith.mulf %mul3A_985, %sub3A_990 : vector<16xf32>
        %mul3A_992 = arith.mulf %bitcast3A_915, %sub3A_958 : vector<16xf32>
        %mul3A_993 = arith.mulf %bitcast3A_920, %sub3A_959 : vector<16xf32>
        %add3A_994 = arith.addf %mul3A_992, %mul3A_993 : vector<16xf32>
        %mul3A_995 = arith.mulf %bitcast3A_924, %sub3A_960 : vector<16xf32>
        %add3A_996 = arith.addf %add3A_994, %mul3A_995 : vector<16xf32>
        %mul3A_997 = arith.mulf %add3A_996, %mul3A_991 : vector<16xf32>
        %mul3A_998 = arith.constant 16 : i32
        %mul3A_999 = arith.muli %scan3A_542, %mul3A_998 : i32
        %swap3A_1000 = arith.index_cast %mul3A_999 : i32 to index
        %swap3A_1001 = tpu.vector_load %arg17[%swap3A_1000] {strides = array<i32>} : memref<1024xf32, #tpu.memory_space<vmem>>, vector<16xf32>,
        tpu.vector_store %arg17[%swap3A_1000], %mul3A_997 {strides = array<i32>} : memref<1024xf32, #tpu.memory_space<vmem>>, vector<16xf32>,
      }
      %scan3A_461 = arith.constant 64 : i32
      "tpu.region"() ({
        %run_scoped3A = tpu.sem_alloc : memref<!tpu.dma_semaphore, #tpu.memory_space<semaphore_mem>>
        %dma_start3A_542 = tpu.memref_slice %arg6[%add3A_406] : memref<524288xf32, #tpu.memory_space<hbm>> -> memref<1024xf32, #tpu.memory_space<hbm>>
        %dma_start3A_543 = tpu.memref_slice %arg6[%add3A_406] : memref<524288xf32, #tpu.memory_space<hbm>> -> memref<1024xf32, #tpu.memory_space<hbm>>
        tpu.enqueue_dma source(%arg15 : memref<1024xf32, #tpu.memory_space<vmem>>) target(%dma_start3A_543 : memref<1024xf32, #tpu.memory_space<hbm>>) target_semaphore(%run_scoped3A : memref<!tpu.dma_semaphore, #tpu.memory_space<semaphore_mem>>)
        %dma_wait3A_544 = tpu.memref_slice %arg6[%add3A_406] : memref<524288xf32, #tpu.memory_space<hbm>> -> memref<1024xf32, #tpu.memory_space<hbm>>
        %dma_wait3A_545 = tpu.memref_slice %arg6[%add3A_406] : memref<524288xf32, #tpu.memory_space<hbm>> -> memref<1024xf32, #tpu.memory_space<hbm>>
        tpu.wait_dma2 semaphore(%run_scoped3A : memref<!tpu.dma_semaphore, #tpu.memory_space<semaphore_mem>>) src(%arg15 : memref<1024xf32, #tpu.memory_space<vmem>>) dst(%dma_wait3A_545 : memref<1024xf32, #tpu.memory_space<hbm>>)
        tpu.yield
      }) : () -> ()
      "tpu.region"() ({
        %run_scoped3A = tpu.sem_alloc : memref<!tpu.dma_semaphore, #tpu.memory_space<semaphore_mem>>
        %dma_start3A_542 = tpu.memref_slice %arg7[%add3A_406] : memref<524288xf32, #tpu.memory_space<hbm>> -> memref<1024xf32, #tpu.memory_space<hbm>>
        %dma_start3A_543 = tpu.memref_slice %arg7[%add3A_406] : memref<524288xf32, #tpu.memory_space<hbm>> -> memref<1024xf32, #tpu.memory_space<hbm>>
        tpu.enqueue_dma source(%arg16 : memref<1024xf32, #tpu.memory_space<vmem>>) target(%dma_start3A_543 : memref<1024xf32, #tpu.memory_space<hbm>>) target_semaphore(%run_scoped3A : memref<!tpu.dma_semaphore, #tpu.memory_space<semaphore_mem>>)
        %dma_wait3A_544 = tpu.memref_slice %arg7[%add3A_406] : memref<524288xf32, #tpu.memory_space<hbm>> -> memref<1024xf32, #tpu.memory_space<hbm>>
        %dma_wait3A_545 = tpu.memref_slice %arg7[%add3A_406] : memref<524288xf32, #tpu.memory_space<hbm>> -> memref<1024xf32, #tpu.memory_space<hbm>>
        tpu.wait_dma2 semaphore(%run_scoped3A : memref<!tpu.dma_semaphore, #tpu.memory_space<semaphore_mem>>) src(%arg16 : memref<1024xf32, #tpu.memory_space<vmem>>) dst(%dma_wait3A_545 : memref<1024xf32, #tpu.memory_space<hbm>>)
        tpu.yield
      }) : () -> ()
      "tpu.region"() ({
        %run_scoped3A = tpu.sem_alloc : memref<!tpu.dma_semaphore, #tpu.memory_space<semaphore_mem>>
        %dma_start3A_542 = tpu.memref_slice %arg8[%add3A_406] : memref<524288xf32, #tpu.memory_space<hbm>> -> memref<1024xf32, #tpu.memory_space<hbm>>
        %dma_start3A_543 = tpu.memref_slice %arg8[%add3A_406] : memref<524288xf32, #tpu.memory_space<hbm>> -> memref<1024xf32, #tpu.memory_space<hbm>>
        tpu.enqueue_dma source(%arg17 : memref<1024xf32, #tpu.memory_space<vmem>>) target(%dma_start3A_543 : memref<1024xf32, #tpu.memory_space<hbm>>) target_semaphore(%run_scoped3A : memref<!tpu.dma_semaphore, #tpu.memory_space<semaphore_mem>>)
        %dma_wait3A_544 = tpu.memref_slice %arg8[%add3A_406] : memref<524288xf32, #tpu.memory_space<hbm>> -> memref<1024xf32, #tpu.memory_space<hbm>>
        %dma_wait3A_545 = tpu.memref_slice %arg8[%add3A_406] : memref<524288xf32, #tpu.memory_space<hbm>> -> memref<1024xf32, #tpu.memory_space<hbm>>
        tpu.wait_dma2 semaphore(%run_scoped3A : memref<!tpu.dma_semaphore, #tpu.memory_space<semaphore_mem>>) src(%arg17 : memref<1024xf32, #tpu.memory_space<vmem>>) dst(%dma_wait3A_545 : memref<1024xf32, #tpu.memory_space<hbm>>)
        tpu.yield
      }) : () -> ()
      %convert_element_type3A_462 = arith.extui %lt3A_403 : i1 to i32
      %cond3A_463 = arith.constant 0 : i32
      %cond3A_464 = arith.cmpi ne, %convert_element_type3A_462, %cond3A_463 : i32
      scf.if %cond3A_464 {
        %add3A_542 = arith.constant 2 : i32
        %add3A_543 = arith.addi %add3A_396, %add3A_542 : i32
        %mul3A_544 = arith.constant 1024 : i32
        %mul3A_545 = arith.muli %add3A_543, %mul3A_544 : i32
        %add3A_546 = arith.addi %mul3A_2, %mul3A_545 : i32
        %jit3A_547 = arith.constant 262144 : i32
        %div3A_548 = arith.divsi %add3A_546, %jit3A_547 : i32
        %sign3A_549 = arith.constant 0 : i32
        %sign3A_550 = arith.cmpi sgt, %add3A_546, %sign3A_549 : i32
        %sign3A_551 = arith.extui %sign3A_550 : i1 to i32
        %sign3A_552 = arith.constant 0 : i32
        %sign3A_553 = arith.cmpi slt, %add3A_546, %sign3A_552 : i32
        %sign3A_554 = arith.extui %sign3A_553 : i1 to i32
        %sign3A_555 = arith.subi %sign3A_551, %sign3A_554 : i32
        %sign3A_556 = arith.constant 0 : i32
        %sign3A_557 = arith.cmpi sgt, %jit3A_547, %sign3A_556 : i32
        %sign3A_558 = arith.extui %sign3A_557 : i1 to i32
        %sign3A_559 = arith.constant 0 : i32
        %sign3A_560 = arith.cmpi slt, %jit3A_547, %sign3A_559 : i32
        %sign3A_561 = arith.extui %sign3A_560 : i1 to i32
        %sign3A_562 = arith.subi %sign3A_558, %sign3A_561 : i32
        %ne3A_563 = arith.cmpi ne, %sign3A_555, %sign3A_562 : i32
        %rem3A_564 = arith.remsi %add3A_546, %jit3A_547 : i32
        %ne3A_565 = arith.constant 0 : i32
        %ne3A_566 = arith.cmpi ne, %rem3A_564, %ne3A_565 : i32
        %and3A_567 = arith.andi %ne3A_563, %ne3A_566 : i1
        %sub3A_568 = arith.constant 1 : i32
        %sub3A_569 = arith.subi %div3A_548, %sub3A_568 : i32
        %select_n3A_570 = arith.select %and3A_567, %sub3A_569, %div3A_548 : i32
        %mul3A_571 = arith.constant 262144 : i32
        %mul3A_572 = arith.muli %select_n3A_570, %mul3A_571 : i32
        %sub3A_573 = arith.subi %add3A_546, %mul3A_572 : i32
        %mul3A_574 = arith.constant 3 : i32
        %mul3A_575 = arith.muli %select_n3A_570, %mul3A_574 : i32
        %add3A_576 = arith.constant 0 : i32
        %add3A_577 = arith.addi %mul3A_575, %add3A_576 : i32
        %mul3A_578 = arith.constant 262144 : i32
        %mul3A_579 = arith.muli %add3A_577, %mul3A_578 : i32
        %add3A_580 = arith.addi %mul3A_579, %sub3A_573 : i32
        %dma_start3A_581 = arith.constant 0 : i32
        %dma_start3A_582 = tpu.memref_slice %arg9[%dma_start3A_581] : memref<3072xi32, #tpu.memory_space<vmem>> -> memref<1024xi32, #tpu.memory_space<vmem>>
        %dma_start3A_583 = tpu.memref_slice %arg3[%add3A_580] : memref<1572864xi32, #tpu.memory_space<hbm>> -> memref<1024xi32, #tpu.memory_space<hbm>>
        %dma_start3A_584 = arith.constant 0 : i32
        %dma_start3A_585 = tpu.memref_slice %arg9[%dma_start3A_584] : memref<3072xi32, #tpu.memory_space<vmem>> -> memref<1024xi32, #tpu.memory_space<vmem>>
        %dma_start3A_586 = tpu.memref_slice %arg3[%add3A_580] : memref<1572864xi32, #tpu.memory_space<hbm>> -> memref<1024xi32, #tpu.memory_space<hbm>>
        tpu.enqueue_dma source(%dma_start3A_586 : memref<1024xi32, #tpu.memory_space<hbm>>) target(%dma_start3A_585 : memref<1024xi32, #tpu.memory_space<vmem>>) target_semaphore(%arg19 : memref<!tpu.dma_semaphore, #tpu.memory_space<semaphore_mem>>)
        %mul3A_587 = arith.constant 3 : i32
        %mul3A_588 = arith.muli %select_n3A_570, %mul3A_587 : i32
        %add3A_589 = arith.constant 1 : i32
        %add3A_590 = arith.addi %mul3A_588, %add3A_589 : i32
        %mul3A_591 = arith.constant 262144 : i32
        %mul3A_592 = arith.muli %add3A_590, %mul3A_591 : i32
        %add3A_593 = arith.addi %mul3A_592, %sub3A_573 : i32
        %dma_start3A_594 = arith.constant 1024 : i32
        %dma_start3A_595 = tpu.memref_slice %arg9[%dma_start3A_594] : memref<3072xi32, #tpu.memory_space<vmem>> -> memref<1024xi32, #tpu.memory_space<vmem>>
        %dma_start3A_596 = tpu.memref_slice %arg3[%add3A_593] : memref<1572864xi32, #tpu.memory_space<hbm>> -> memref<1024xi32, #tpu.memory_space<hbm>>
        %dma_start3A_597 = arith.constant 1024 : i32
        %dma_start3A_598 = tpu.memref_slice %arg9[%dma_start3A_597] : memref<3072xi32, #tpu.memory_space<vmem>> -> memref<1024xi32, #tpu.memory_space<vmem>>
        %dma_start3A_599 = tpu.memref_slice %arg3[%add3A_593] : memref<1572864xi32, #tpu.memory_space<hbm>> -> memref<1024xi32, #tpu.memory_space<hbm>>
        tpu.enqueue_dma source(%dma_start3A_599 : memref<1024xi32, #tpu.memory_space<hbm>>) target(%dma_start3A_598 : memref<1024xi32, #tpu.memory_space<vmem>>) target_semaphore(%arg19 : memref<!tpu.dma_semaphore, #tpu.memory_space<semaphore_mem>>)
        %mul3A_600 = arith.constant 3 : i32
        %mul3A_601 = arith.muli %select_n3A_570, %mul3A_600 : i32
        %add3A_602 = arith.constant 2 : i32
        %add3A_603 = arith.addi %mul3A_601, %add3A_602 : i32
        %mul3A_604 = arith.constant 262144 : i32
        %mul3A_605 = arith.muli %add3A_603, %mul3A_604 : i32
        %add3A_606 = arith.addi %mul3A_605, %sub3A_573 : i32
        %dma_start3A_607 = arith.constant 2048 : i32
        %dma_start3A_608 = tpu.memref_slice %arg9[%dma_start3A_607] : memref<3072xi32, #tpu.memory_space<vmem>> -> memref<1024xi32, #tpu.memory_space<vmem>>
        %dma_start3A_609 = tpu.memref_slice %arg3[%add3A_606] : memref<1572864xi32, #tpu.memory_space<hbm>> -> memref<1024xi32, #tpu.memory_space<hbm>>
        %dma_start3A_610 = arith.constant 2048 : i32
        %dma_start3A_611 = tpu.memref_slice %arg9[%dma_start3A_610] : memref<3072xi32, #tpu.memory_space<vmem>> -> memref<1024xi32, #tpu.memory_space<vmem>>
        %dma_start3A_612 = tpu.memref_slice %arg3[%add3A_606] : memref<1572864xi32, #tpu.memory_space<hbm>> -> memref<1024xi32, #tpu.memory_space<hbm>>
        tpu.enqueue_dma source(%dma_start3A_612 : memref<1024xi32, #tpu.memory_space<hbm>>) target(%dma_start3A_611 : memref<1024xi32, #tpu.memory_space<vmem>>) target_semaphore(%arg19 : memref<!tpu.dma_semaphore, #tpu.memory_space<semaphore_mem>>)
        %mul3A_613 = arith.constant 9 : i32
        %mul3A_614 = arith.muli %select_n3A_570, %mul3A_613 : i32
        %add3A_615 = arith.constant 0 : i32
        %add3A_616 = arith.addi %mul3A_614, %add3A_615 : i32
        %mul3A_617 = arith.constant 262144 : i32
        %mul3A_618 = arith.muli %add3A_616, %mul3A_617 : i32
        %add3A_619 = arith.addi %mul3A_618, %sub3A_573 : i32
        %dma_start3A_620 = arith.constant 0 : i32
        %dma_start3A_621 = tpu.memref_slice %arg11[%dma_start3A_620] : memref<9216xf32, #tpu.memory_space<vmem>> -> memref<1024xf32, #tpu.memory_space<vmem>>
        %dma_start3A_622 = tpu.memref_slice %arg4[%add3A_619] : memref<4718592xf32, #tpu.memory_space<hbm>> -> memref<1024xf32, #tpu.memory_space<hbm>>
        %dma_start3A_623 = arith.constant 0 : i32
        %dma_start3A_624 = tpu.memref_slice %arg11[%dma_start3A_623] : memref<9216xf32, #tpu.memory_space<vmem>> -> memref<1024xf32, #tpu.memory_space<vmem>>
        %dma_start3A_625 = tpu.memref_slice %arg4[%add3A_619] : memref<4718592xf32, #tpu.memory_space<hbm>> -> memref<1024xf32, #tpu.memory_space<hbm>>
        tpu.enqueue_dma source(%dma_start3A_625 : memref<1024xf32, #tpu.memory_space<hbm>>) target(%dma_start3A_624 : memref<1024xf32, #tpu.memory_space<vmem>>) target_semaphore(%arg19 : memref<!tpu.dma_semaphore, #tpu.memory_space<semaphore_mem>>)
        %mul3A_626 = arith.constant 9 : i32
        %mul3A_627 = arith.muli %select_n3A_570, %mul3A_626 : i32
        %add3A_628 = arith.constant 1 : i32
        %add3A_629 = arith.addi %mul3A_627, %add3A_628 : i32
        %mul3A_630 = arith.constant 262144 : i32
        %mul3A_631 = arith.muli %add3A_629, %mul3A_630 : i32
        %add3A_632 = arith.addi %mul3A_631, %sub3A_573 : i32
        %dma_start3A_633 = arith.constant 1024 : i32
        %dma_start3A_634 = tpu.memref_slice %arg11[%dma_start3A_633] : memref<9216xf32, #tpu.memory_space<vmem>> -> memref<1024xf32, #tpu.memory_space<vmem>>
        %dma_start3A_635 = tpu.memref_slice %arg4[%add3A_632] : memref<4718592xf32, #tpu.memory_space<hbm>> -> memref<1024xf32, #tpu.memory_space<hbm>>
        %dma_start3A_636 = arith.constant 1024 : i32
        %dma_start3A_637 = tpu.memref_slice %arg11[%dma_start3A_636] : memref<9216xf32, #tpu.memory_space<vmem>> -> memref<1024xf32, #tpu.memory_space<vmem>>
        %dma_start3A_638 = tpu.memref_slice %arg4[%add3A_632] : memref<4718592xf32, #tpu.memory_space<hbm>> -> memref<1024xf32, #tpu.memory_space<hbm>>
        tpu.enqueue_dma source(%dma_start3A_638 : memref<1024xf32, #tpu.memory_space<hbm>>) target(%dma_start3A_637 : memref<1024xf32, #tpu.memory_space<vmem>>) target_semaphore(%arg19 : memref<!tpu.dma_semaphore, #tpu.memory_space<semaphore_mem>>)
        %mul3A_639 = arith.constant 9 : i32
        %mul3A_640 = arith.muli %select_n3A_570, %mul3A_639 : i32
        %add3A_641 = arith.constant 2 : i32
        %add3A_642 = arith.addi %mul3A_640, %add3A_641 : i32
        %mul3A_643 = arith.constant 262144 : i32
        %mul3A_644 = arith.muli %add3A_642, %mul3A_643 : i32
        %add3A_645 = arith.addi %mul3A_644, %sub3A_573 : i32
        %dma_start3A_646 = arith.constant 2048 : i32
        %dma_start3A_647 = tpu.memref_slice %arg11[%dma_start3A_646] : memref<9216xf32, #tpu.memory_space<vmem>> -> memref<1024xf32, #tpu.memory_space<vmem>>
        %dma_start3A_648 = tpu.memref_slice %arg4[%add3A_645] : memref<4718592xf32, #tpu.memory_space<hbm>> -> memref<1024xf32, #tpu.memory_space<hbm>>
        %dma_start3A_649 = arith.constant 2048 : i32
        %dma_start3A_650 = tpu.memref_slice %arg11[%dma_start3A_649] : memref<9216xf32, #tpu.memory_space<vmem>> -> memref<1024xf32, #tpu.memory_space<vmem>>
        %dma_start3A_651 = tpu.memref_slice %arg4[%add3A_645] : memref<4718592xf32, #tpu.memory_space<hbm>> -> memref<1024xf32, #tpu.memory_space<hbm>>
        tpu.enqueue_dma source(%dma_start3A_651 : memref<1024xf32, #tpu.memory_space<hbm>>) target(%dma_start3A_650 : memref<1024xf32, #tpu.memory_space<vmem>>) target_semaphore(%arg19 : memref<!tpu.dma_semaphore, #tpu.memory_space<semaphore_mem>>)
        %mul3A_652 = arith.constant 9 : i32
        %mul3A_653 = arith.muli %select_n3A_570, %mul3A_652 : i32
        %add3A_654 = arith.constant 3 : i32
        %add3A_655 = arith.addi %mul3A_653, %add3A_654 : i32
        %mul3A_656 = arith.constant 262144 : i32
        %mul3A_657 = arith.muli %add3A_655, %mul3A_656 : i32
        %add3A_658 = arith.addi %mul3A_657, %sub3A_573 : i32
        %dma_start3A_659 = arith.constant 3072 : i32
        %dma_start3A_660 = tpu.memref_slice %arg11[%dma_start3A_659] : memref<9216xf32, #tpu.memory_space<vmem>> -> memref<1024xf32, #tpu.memory_space<vmem>>
        %dma_start3A_661 = tpu.memref_slice %arg4[%add3A_658] : memref<4718592xf32, #tpu.memory_space<hbm>> -> memref<1024xf32, #tpu.memory_space<hbm>>
        %dma_start3A_662 = arith.constant 3072 : i32
        %dma_start3A_663 = tpu.memref_slice %arg11[%dma_start3A_662] : memref<9216xf32, #tpu.memory_space<vmem>> -> memref<1024xf32, #tpu.memory_space<vmem>>
        %dma_start3A_664 = tpu.memref_slice %arg4[%add3A_658] : memref<4718592xf32, #tpu.memory_space<hbm>> -> memref<1024xf32, #tpu.memory_space<hbm>>
        tpu.enqueue_dma source(%dma_start3A_664 : memref<1024xf32, #tpu.memory_space<hbm>>) target(%dma_start3A_663 : memref<1024xf32, #tpu.memory_space<vmem>>) target_semaphore(%arg19 : memref<!tpu.dma_semaphore, #tpu.memory_space<semaphore_mem>>)
        %mul3A_665 = arith.constant 9 : i32
        %mul3A_666 = arith.muli %select_n3A_570, %mul3A_665 : i32
        %add3A_667 = arith.constant 4 : i32
        %add3A_668 = arith.addi %mul3A_666, %add3A_667 : i32
        %mul3A_669 = arith.constant 262144 : i32
        %mul3A_670 = arith.muli %add3A_668, %mul3A_669 : i32
        %add3A_671 = arith.addi %mul3A_670, %sub3A_573 : i32
        %dma_start3A_672 = arith.constant 4096 : i32
        %dma_start3A_673 = tpu.memref_slice %arg11[%dma_start3A_672] : memref<9216xf32, #tpu.memory_space<vmem>> -> memref<1024xf32, #tpu.memory_space<vmem>>
        %dma_start3A_674 = tpu.memref_slice %arg4[%add3A_671] : memref<4718592xf32, #tpu.memory_space<hbm>> -> memref<1024xf32, #tpu.memory_space<hbm>>
        %dma_start3A_675 = arith.constant 4096 : i32
        %dma_start3A_676 = tpu.memref_slice %arg11[%dma_start3A_675] : memref<9216xf32, #tpu.memory_space<vmem>> -> memref<1024xf32, #tpu.memory_space<vmem>>
        %dma_start3A_677 = tpu.memref_slice %arg4[%add3A_671] : memref<4718592xf32, #tpu.memory_space<hbm>> -> memref<1024xf32, #tpu.memory_space<hbm>>
        tpu.enqueue_dma source(%dma_start3A_677 : memref<1024xf32, #tpu.memory_space<hbm>>) target(%dma_start3A_676 : memref<1024xf32, #tpu.memory_space<vmem>>) target_semaphore(%arg19 : memref<!tpu.dma_semaphore, #tpu.memory_space<semaphore_mem>>)
        %mul3A_678 = arith.constant 9 : i32
        %mul3A_679 = arith.muli %select_n3A_570, %mul3A_678 : i32
        %add3A_680 = arith.constant 5 : i32
        %add3A_681 = arith.addi %mul3A_679, %add3A_680 : i32
        %mul3A_682 = arith.constant 262144 : i32
        %mul3A_683 = arith.muli %add3A_681, %mul3A_682 : i32
        %add3A_684 = arith.addi %mul3A_683, %sub3A_573 : i32
        %dma_start3A_685 = arith.constant 5120 : i32
        %dma_start3A_686 = tpu.memref_slice %arg11[%dma_start3A_685] : memref<9216xf32, #tpu.memory_space<vmem>> -> memref<1024xf32, #tpu.memory_space<vmem>>
        %dma_start3A_687 = tpu.memref_slice %arg4[%add3A_684] : memref<4718592xf32, #tpu.memory_space<hbm>> -> memref<1024xf32, #tpu.memory_space<hbm>>
        %dma_start3A_688 = arith.constant 5120 : i32
        %dma_start3A_689 = tpu.memref_slice %arg11[%dma_start3A_688] : memref<9216xf32, #tpu.memory_space<vmem>> -> memref<1024xf32, #tpu.memory_space<vmem>>
        %dma_start3A_690 = tpu.memref_slice %arg4[%add3A_684] : memref<4718592xf32, #tpu.memory_space<hbm>> -> memref<1024xf32, #tpu.memory_space<hbm>>
        tpu.enqueue_dma source(%dma_start3A_690 : memref<1024xf32, #tpu.memory_space<hbm>>) target(%dma_start3A_689 : memref<1024xf32, #tpu.memory_space<vmem>>) target_semaphore(%arg19 : memref<!tpu.dma_semaphore, #tpu.memory_space<semaphore_mem>>)
        %mul3A_691 = arith.constant 9 : i32
        %mul3A_692 = arith.muli %select_n3A_570, %mul3A_691 : i32
        %add3A_693 = arith.constant 6 : i32
        %add3A_694 = arith.addi %mul3A_692, %add3A_693 : i32
        %mul3A_695 = arith.constant 262144 : i32
        %mul3A_696 = arith.muli %add3A_694, %mul3A_695 : i32
        %add3A_697 = arith.addi %mul3A_696, %sub3A_573 : i32
        %dma_start3A_698 = arith.constant 6144 : i32
        %dma_start3A_699 = tpu.memref_slice %arg11[%dma_start3A_698] : memref<9216xf32, #tpu.memory_space<vmem>> -> memref<1024xf32, #tpu.memory_space<vmem>>
        %dma_start3A_700 = tpu.memref_slice %arg4[%add3A_697] : memref<4718592xf32, #tpu.memory_space<hbm>> -> memref<1024xf32, #tpu.memory_space<hbm>>
        %dma_start3A_701 = arith.constant 6144 : i32
        %dma_start3A_702 = tpu.memref_slice %arg11[%dma_start3A_701] : memref<9216xf32, #tpu.memory_space<vmem>> -> memref<1024xf32, #tpu.memory_space<vmem>>
        %dma_start3A_703 = tpu.memref_slice %arg4[%add3A_697] : memref<4718592xf32, #tpu.memory_space<hbm>> -> memref<1024xf32, #tpu.memory_space<hbm>>
        tpu.enqueue_dma source(%dma_start3A_703 : memref<1024xf32, #tpu.memory_space<hbm>>) target(%dma_start3A_702 : memref<1024xf32, #tpu.memory_space<vmem>>) target_semaphore(%arg19 : memref<!tpu.dma_semaphore, #tpu.memory_space<semaphore_mem>>)
        %mul3A_704 = arith.constant 9 : i32
        %mul3A_705 = arith.muli %select_n3A_570, %mul3A_704 : i32
        %add3A_706 = arith.constant 7 : i32
        %add3A_707 = arith.addi %mul3A_705, %add3A_706 : i32
        %mul3A_708 = arith.constant 262144 : i32
        %mul3A_709 = arith.muli %add3A_707, %mul3A_708 : i32
        %add3A_710 = arith.addi %mul3A_709, %sub3A_573 : i32
        %dma_start3A_711 = arith.constant 7168 : i32
        %dma_start3A_712 = tpu.memref_slice %arg11[%dma_start3A_711] : memref<9216xf32, #tpu.memory_space<vmem>> -> memref<1024xf32, #tpu.memory_space<vmem>>
        %dma_start3A_713 = tpu.memref_slice %arg4[%add3A_710] : memref<4718592xf32, #tpu.memory_space<hbm>> -> memref<1024xf32, #tpu.memory_space<hbm>>
        %dma_start3A_714 = arith.constant 7168 : i32
        %dma_start3A_715 = tpu.memref_slice %arg11[%dma_start3A_714] : memref<9216xf32, #tpu.memory_space<vmem>> -> memref<1024xf32, #tpu.memory_space<vmem>>
        %dma_start3A_716 = tpu.memref_slice %arg4[%add3A_710] : memref<4718592xf32, #tpu.memory_space<hbm>> -> memref<1024xf32, #tpu.memory_space<hbm>>
        tpu.enqueue_dma source(%dma_start3A_716 : memref<1024xf32, #tpu.memory_space<hbm>>) target(%dma_start3A_715 : memref<1024xf32, #tpu.memory_space<vmem>>) target_semaphore(%arg19 : memref<!tpu.dma_semaphore, #tpu.memory_space<semaphore_mem>>)
        %mul3A_717 = arith.constant 9 : i32
        %mul3A_718 = arith.muli %select_n3A_570, %mul3A_717 : i32
        %add3A_719 = arith.constant 8 : i32
        %add3A_720 = arith.addi %mul3A_718, %add3A_719 : i32
        %mul3A_721 = arith.constant 262144 : i32
        %mul3A_722 = arith.muli %add3A_720, %mul3A_721 : i32
        %add3A_723 = arith.addi %mul3A_722, %sub3A_573 : i32
        %dma_start3A_724 = arith.constant 8192 : i32
        %dma_start3A_725 = tpu.memref_slice %arg11[%dma_start3A_724] : memref<9216xf32, #tpu.memory_space<vmem>> -> memref<1024xf32, #tpu.memory_space<vmem>>
        %dma_start3A_726 = tpu.memref_slice %arg4[%add3A_723] : memref<4718592xf32, #tpu.memory_space<hbm>> -> memref<1024xf32, #tpu.memory_space<hbm>>
        %dma_start3A_727 = arith.constant 8192 : i32
        %dma_start3A_728 = tpu.memref_slice %arg11[%dma_start3A_727] : memref<9216xf32, #tpu.memory_space<vmem>> -> memref<1024xf32, #tpu.memory_space<vmem>>
        %dma_start3A_729 = tpu.memref_slice %arg4[%add3A_723] : memref<4718592xf32, #tpu.memory_space<hbm>> -> memref<1024xf32, #tpu.memory_space<hbm>>
        tpu.enqueue_dma source(%dma_start3A_729 : memref<1024xf32, #tpu.memory_space<hbm>>) target(%dma_start3A_728 : memref<1024xf32, #tpu.memory_space<vmem>>) target_semaphore(%arg19 : memref<!tpu.dma_semaphore, #tpu.memory_space<semaphore_mem>>)
      } else {
      }
      %mul3A_465 = arith.constant 2 : i32
      %mul3A_466 = arith.muli %scan3A_392, %mul3A_465 : i32
      %add3A_467 = arith.constant 1 : i32
      %add3A_468 = arith.addi %mul3A_466, %add3A_467 : i32
      %add3A_469 = arith.constant 1 : i32
      %add3A_470 = arith.addi %add3A_468, %add3A_469 : i32
      %lt3A_471 = arith.constant 16 : i32
      %lt3A_472 = arith.cmpi slt, %add3A_470, %lt3A_471 : i32
      %add3A_473 = arith.constant 2 : i32
      %add3A_474 = arith.addi %add3A_468, %add3A_473 : i32
      %lt3A_475 = arith.constant 16 : i32
      %lt3A_476 = arith.cmpi slt, %add3A_474, %lt3A_475 : i32
      %mul3A_477 = arith.constant 1024 : i32
      %mul3A_478 = arith.muli %add3A_468, %mul3A_477 : i32
      %add3A_479 = arith.addi %mul3A_2, %mul3A_478 : i32
      %jit3A_480 = arith.constant 262144 : i32
      %div3A_481 = arith.divsi %add3A_479, %jit3A_480 : i32
      %sign3A_482 = arith.constant 0 : i32
      %sign3A_483 = arith.cmpi sgt, %add3A_479, %sign3A_482 : i32
      %sign3A_484 = arith.extui %sign3A_483 : i1 to i32
      %sign3A_485 = arith.constant 0 : i32
      %sign3A_486 = arith.cmpi slt, %add3A_479, %sign3A_485 : i32
      %sign3A_487 = arith.extui %sign3A_486 : i1 to i32
      %sign3A_488 = arith.subi %sign3A_484, %sign3A_487 : i32
      %sign3A_489 = arith.constant 0 : i32
      %sign3A_490 = arith.cmpi sgt, %jit3A_480, %sign3A_489 : i32
      %sign3A_491 = arith.extui %sign3A_490 : i1 to i32
      %sign3A_492 = arith.constant 0 : i32
      %sign3A_493 = arith.cmpi slt, %jit3A_480, %sign3A_492 : i32
      %sign3A_494 = arith.extui %sign3A_493 : i1 to i32
      %sign3A_495 = arith.subi %sign3A_491, %sign3A_494 : i32
      %ne3A_496 = arith.cmpi ne, %sign3A_488, %sign3A_495 : i32
      %rem3A_497 = arith.remsi %add3A_479, %jit3A_480 : i32
      %ne3A_498 = arith.constant 0 : i32
      %ne3A_499 = arith.cmpi ne, %rem3A_497, %ne3A_498 : i32
      %and3A_500 = arith.andi %ne3A_496, %ne3A_499 : i1
      %sub3A_501 = arith.constant 1 : i32
      %sub3A_502 = arith.subi %div3A_481, %sub3A_501 : i32
      %select_n3A_503 = arith.select %and3A_500, %sub3A_502, %div3A_481 : i32
      %broadcast_in_dim3A_504 = arith.constant 0 : i32
      %broadcast_in_dim3A_505 = vector.broadcast %broadcast_in_dim3A_504 : i32 to vector<16xi32>
      %mul3A_506 = arith.constant 3 : i32
      %mul3A_507 = arith.muli %select_n3A_503, %mul3A_506 : i32
      %add3A_508 = arith.constant 0 : i32
      %add3A_509 = arith.addi %mul3A_507, %add3A_508 : i32
      %add3A_510 = vector.broadcast %add3A_509 : i32 to vector<16xi32>
      %add3A_511 = arith.addi %broadcast_in_dim3A_505, %add3A_510 : vector<16xi32>
      %gather3A_512 = tpu.vector_load_idx %arg18[%add3A_511] : memref<16xf32, #tpu.memory_space<vmem>>[vector<16xi32>], vector<16xf32>,
      %mul3A_513 = arith.constant 3 : i32
      %mul3A_514 = arith.muli %select_n3A_503, %mul3A_513 : i32
      %add3A_515 = arith.constant 1 : i32
      %add3A_516 = arith.addi %mul3A_514, %add3A_515 : i32
      %add3A_517 = vector.broadcast %add3A_516 : i32 to vector<16xi32>
      %add3A_518 = arith.addi %broadcast_in_dim3A_505, %add3A_517 : vector<16xi32>
      %gather3A_519 = tpu.vector_load_idx %arg18[%add3A_518] : memref<16xf32, #tpu.memory_space<vmem>>[vector<16xi32>], vector<16xf32>,
      %mul3A_520 = arith.constant 3 : i32
      %mul3A_521 = arith.muli %select_n3A_503, %mul3A_520 : i32
      %add3A_522 = arith.constant 2 : i32
      %add3A_523 = arith.addi %mul3A_521, %add3A_522 : i32
      %add3A_524 = vector.broadcast %add3A_523 : i32 to vector<16xi32>
      %add3A_525 = arith.addi %broadcast_in_dim3A_505, %add3A_524 : vector<16xi32>
      %gather3A_526 = tpu.vector_load_idx %arg18[%add3A_525] : memref<16xf32, #tpu.memory_space<vmem>>[vector<16xi32>], vector<16xf32>,
      %convert_element_type3A_527 = arith.extui %lt3A_472 : i1 to i32
      %cond3A_528 = arith.constant 0 : i32
      %cond3A_529 = arith.cmpi ne, %convert_element_type3A_527, %cond3A_528 : i32
      scf.if %cond3A_529 {
        %dma_wait3A_542 = arith.constant 0 : i32
        %dma_wait3A_543 = tpu.memref_slice %arg3[%dma_wait3A_542] : memref<1572864xi32, #tpu.memory_space<hbm>> -> memref<3072xi32, #tpu.memory_space<hbm>>
        %dma_wait3A_544 = arith.constant 0 : i32
        %dma_wait3A_545 = tpu.memref_slice %arg3[%dma_wait3A_544] : memref<1572864xi32, #tpu.memory_space<hbm>> -> memref<3072xi32, #tpu.memory_space<hbm>>
        tpu.wait_dma2 semaphore(%arg19 : memref<!tpu.dma_semaphore, #tpu.memory_space<semaphore_mem>>) src(%dma_wait3A_545 : memref<3072xi32, #tpu.memory_space<hbm>>) dst(%arg9 : memref<3072xi32, #tpu.memory_space<vmem>>)
        %dma_wait3A_546 = arith.constant 0 : i32
        %dma_wait3A_547 = tpu.memref_slice %arg4[%dma_wait3A_546] : memref<4718592xf32, #tpu.memory_space<hbm>> -> memref<9216xf32, #tpu.memory_space<hbm>>
        %dma_wait3A_548 = arith.constant 0 : i32
        %dma_wait3A_549 = tpu.memref_slice %arg4[%dma_wait3A_548] : memref<4718592xf32, #tpu.memory_space<hbm>> -> memref<9216xf32, #tpu.memory_space<hbm>>
        tpu.wait_dma2 semaphore(%arg19 : memref<!tpu.dma_semaphore, #tpu.memory_space<semaphore_mem>>) src(%dma_wait3A_549 : memref<9216xf32, #tpu.memory_space<hbm>>) dst(%arg11 : memref<9216xf32, #tpu.memory_space<vmem>>)
        %dma_start3A_550 = arith.constant 0 : i32
        %dma_start3A_551 = arith.constant 0 : i32
        %dma_start3A_552 = tpu.memref_slice %arg13[%dma_start3A_550, %dma_start3A_551] : memref<3072x8xf32, #tpu.memory_space<vmem>> -> memref<1536x8xf32, #tpu.memory_space<vmem>>
        %dma_start3A_553 = arith.constant 0 : i32
        %dma_start3A_554 = tpu.memref_slice %arg9[%dma_start3A_553] : memref<3072xi32, #tpu.memory_space<vmem>> -> memref<1536xi32, #tpu.memory_space<vmem>>
        %dma_start3A_555 = arith.constant 0 : i32
        %dma_start3A_556 = arith.constant 0 : i32
        %dma_start3A_557 = tpu.memref_slice %arg2[%dma_start3A_555, %dma_start3A_556] : memref<204800x8xf32, #tpu.memory_space<hbm>> -> memref<204800x8xf32, #tpu.memory_space<hbm>>
        tpu.enqueue_indirect_dma source(%dma_start3A_557 : memref<204800x8xf32, #tpu.memory_space<hbm>>) target(%dma_start3A_552 : memref<1536x8xf32, #tpu.memory_space<vmem>>) offsets(%dma_start3A_554 : memref<1536xi32, #tpu.memory_space<vmem>>) semaphore(%arg21 : memref<!tpu.dma_semaphore, #tpu.memory_space<semaphore_mem>>)
        %dma_start3A_558 = arith.constant 1536 : i32
        %dma_start3A_559 = arith.constant 0 : i32
        %dma_start3A_560 = tpu.memref_slice %arg13[%dma_start3A_558, %dma_start3A_559] : memref<3072x8xf32, #tpu.memory_space<vmem>> -> memref<1536x8xf32, #tpu.memory_space<vmem>>
        %dma_start3A_561 = arith.constant 1536 : i32
        %dma_start3A_562 = tpu.memref_slice %arg9[%dma_start3A_561] : memref<3072xi32, #tpu.memory_space<vmem>> -> memref<1536xi32, #tpu.memory_space<vmem>>
        %dma_start3A_563 = arith.constant 0 : i32
        %dma_start3A_564 = arith.constant 0 : i32
        %dma_start3A_565 = tpu.memref_slice %arg2[%dma_start3A_563, %dma_start3A_564] : memref<204800x8xf32, #tpu.memory_space<hbm>> -> memref<204800x8xf32, #tpu.memory_space<hbm>>
        tpu.enqueue_indirect_dma source(%dma_start3A_565 : memref<204800x8xf32, #tpu.memory_space<hbm>>) target(%dma_start3A_560 : memref<1536x8xf32, #tpu.memory_space<vmem>>) offsets(%dma_start3A_562 : memref<1536xi32, #tpu.memory_space<vmem>>) semaphore(%arg21 : memref<!tpu.dma_semaphore, #tpu.memory_space<semaphore_mem>>)
      } else {
      }
      %dma_wait3A_530 = arith.constant 0 : i32
      %dma_wait3A_531 = arith.constant 0 : i32
      %dma_wait3A_532 = tpu.memref_slice %arg2[%dma_wait3A_530, %dma_wait3A_531] : memref<204800x8xf32, #tpu.memory_space<hbm>> -> memref<204800x8xf32, #tpu.memory_space<hbm>>
      tpu.wait_indirect_dma semaphore(%arg22 : memref<!tpu.dma_semaphore, #tpu.memory_space<semaphore_mem>>) src(%dma_wait3A_532 : memref<204800x8xf32, #tpu.memory_space<hbm>>) dst(%arg14 : memref<3072x8xf32, #tpu.memory_space<vmem>>)
      %scan3A_533 = arith.constant 0 : i32
      %scan3A_534 = arith.constant 0 : i32
      %scan3A_535 = arith.constant 64 : i32
      %scan3A_536 = arith.addi %scan3A_534, %scan3A_535 : i32
      %scan3A_537 = arith.constant 1 : i32
      scf.for %scan3A_542 = %scan3A_534 to %scan3A_536 step %scan3A_537  : i32 {
        %mul3A_543 = arith.constant 16 : i32
        %mul3A_544 = arith.muli %scan3A_542, %mul3A_543 : i32
        %add3A_545 = arith.constant 0 : i32
        %add3A_546 = arith.addi %add3A_545, %mul3A_544 : i32
        %add3A_547 = vector.broadcast %add3A_546 : i32 to vector<16xi32>
        %add3A_548 = arith.addi %add3A_547, %iota3A : vector<16xi32>
        %broadcast_in_dim3A_549 = arith.constant 0 : i32
        %broadcast_in_dim3A_550 = vector.broadcast %broadcast_in_dim3A_549 : i32 to vector<16xi32>
        %gather3A_551 = tpu.vector_load_idx %arg14[%add3A_548, %broadcast_in_dim3A_550] : memref<3072x8xf32, #tpu.memory_space<vmem>>[vector<16xi32>, vector<16xi32>], vector<16xf32>,
        %broadcast_in_dim3A_552 = arith.constant 1 : i32
        %broadcast_in_dim3A_553 = vector.broadcast %broadcast_in_dim3A_552 : i32 to vector<16xi32>
        %gather3A_554 = tpu.vector_load_idx %arg14[%add3A_548, %broadcast_in_dim3A_553] : memref<3072x8xf32, #tpu.memory_space<vmem>>[vector<16xi32>, vector<16xi32>], vector<16xf32>,
        %broadcast_in_dim3A_555 = arith.constant 2 : i32
        %broadcast_in_dim3A_556 = vector.broadcast %broadcast_in_dim3A_555 : i32 to vector<16xi32>
        %gather3A_557 = tpu.vector_load_idx %arg14[%add3A_548, %broadcast_in_dim3A_556] : memref<3072x8xf32, #tpu.memory_space<vmem>>[vector<16xi32>, vector<16xi32>], vector<16xf32>,
        %broadcast_in_dim3A_558 = arith.constant 3 : i32
        %broadcast_in_dim3A_559 = vector.broadcast %broadcast_in_dim3A_558 : i32 to vector<16xi32>
        %gather3A_560 = tpu.vector_load_idx %arg14[%add3A_548, %broadcast_in_dim3A_559] : memref<3072x8xf32, #tpu.memory_space<vmem>>[vector<16xi32>, vector<16xi32>], vector<16xf32>,
        %broadcast_in_dim3A_561 = arith.constant 4 : i32
        %broadcast_in_dim3A_562 = vector.broadcast %broadcast_in_dim3A_561 : i32 to vector<16xi32>
        %gather3A_563 = tpu.vector_load_idx %arg14[%add3A_548, %broadcast_in_dim3A_562] : memref<3072x8xf32, #tpu.memory_space<vmem>>[vector<16xi32>, vector<16xi32>], vector<16xf32>,
        %broadcast_in_dim3A_564 = arith.constant 5 : i32
        %broadcast_in_dim3A_565 = vector.broadcast %broadcast_in_dim3A_564 : i32 to vector<16xi32>
        %gather3A_566 = tpu.vector_load_idx %arg14[%add3A_548, %broadcast_in_dim3A_565] : memref<3072x8xf32, #tpu.memory_space<vmem>>[vector<16xi32>, vector<16xi32>], vector<16xf32>,
        %bitcast3A = vector.bitcast %gather3A_551 : vector<16xf32> to vector<16xi32>
        %and3A_567 = arith.constant -65536 : i32
        %and3A_568 = vector.broadcast %and3A_567 : i32 to vector<16xi32>
        %and3A_569 = arith.andi %bitcast3A, %and3A_568 : vector<16xi32>
        %bitcast3A_570 = vector.bitcast %and3A_569 : vector<16xi32> to vector<16xf32>
        %shift_left3A = arith.constant 16 : i32
        %shift_left3A_571 = vector.broadcast %shift_left3A : i32 to vector<16xi32>
        %shift_left3A_572 = arith.shli %bitcast3A, %shift_left3A_571 : vector<16xi32>
        %bitcast3A_573 = vector.bitcast %shift_left3A_572 : vector<16xi32> to vector<16xf32>
        %bitcast3A_574 = vector.bitcast %gather3A_554 : vector<16xf32> to vector<16xi32>
        %and3A_575 = arith.constant -65536 : i32
        %and3A_576 = vector.broadcast %and3A_575 : i32 to vector<16xi32>
        %and3A_577 = arith.andi %bitcast3A_574, %and3A_576 : vector<16xi32>
        %bitcast3A_578 = vector.bitcast %and3A_577 : vector<16xi32> to vector<16xf32>
        %shift_left3A_579 = arith.constant 16 : i32
        %shift_left3A_580 = vector.broadcast %shift_left3A_579 : i32 to vector<16xi32>
        %shift_left3A_581 = arith.shli %bitcast3A_574, %shift_left3A_580 : vector<16xi32>
        %bitcast3A_582 = vector.bitcast %shift_left3A_581 : vector<16xi32> to vector<16xf32>
        %bitcast3A_583 = vector.bitcast %gather3A_557 : vector<16xf32> to vector<16xi32>
        %and3A_584 = arith.constant -65536 : i32
        %and3A_585 = vector.broadcast %and3A_584 : i32 to vector<16xi32>
        %and3A_586 = arith.andi %bitcast3A_583, %and3A_585 : vector<16xi32>
        %bitcast3A_587 = vector.bitcast %and3A_586 : vector<16xi32> to vector<16xf32>
        %shift_left3A_588 = arith.constant 16 : i32
        %shift_left3A_589 = vector.broadcast %shift_left3A_588 : i32 to vector<16xi32>
        %shift_left3A_590 = arith.shli %bitcast3A_583, %shift_left3A_589 : vector<16xi32>
        %bitcast3A_591 = vector.bitcast %shift_left3A_590 : vector<16xi32> to vector<16xf32>
        %bitcast3A_592 = vector.bitcast %gather3A_560 : vector<16xf32> to vector<16xi32>
        %and3A_593 = arith.constant -65536 : i32
        %and3A_594 = vector.broadcast %and3A_593 : i32 to vector<16xi32>
        %and3A_595 = arith.andi %bitcast3A_592, %and3A_594 : vector<16xi32>
        %bitcast3A_596 = vector.bitcast %and3A_595 : vector<16xi32> to vector<16xf32>
        %shift_left3A_597 = arith.constant 16 : i32
        %shift_left3A_598 = vector.broadcast %shift_left3A_597 : i32 to vector<16xi32>
        %shift_left3A_599 = arith.shli %bitcast3A_592, %shift_left3A_598 : vector<16xi32>
        %bitcast3A_600 = vector.bitcast %shift_left3A_599 : vector<16xi32> to vector<16xf32>
        %bitcast3A_601 = vector.bitcast %gather3A_563 : vector<16xf32> to vector<16xi32>
        %and3A_602 = arith.constant -65536 : i32
        %and3A_603 = vector.broadcast %and3A_602 : i32 to vector<16xi32>
        %and3A_604 = arith.andi %bitcast3A_601, %and3A_603 : vector<16xi32>
        %bitcast3A_605 = vector.bitcast %and3A_604 : vector<16xi32> to vector<16xf32>
        %shift_left3A_606 = arith.constant 16 : i32
        %shift_left3A_607 = vector.broadcast %shift_left3A_606 : i32 to vector<16xi32>
        %shift_left3A_608 = arith.shli %bitcast3A_601, %shift_left3A_607 : vector<16xi32>
        %bitcast3A_609 = vector.bitcast %shift_left3A_608 : vector<16xi32> to vector<16xf32>
        %bitcast3A_610 = vector.bitcast %gather3A_566 : vector<16xf32> to vector<16xi32>
        %and3A_611 = arith.constant -65536 : i32
        %and3A_612 = vector.broadcast %and3A_611 : i32 to vector<16xi32>
        %and3A_613 = arith.andi %bitcast3A_610, %and3A_612 : vector<16xi32>
        %bitcast3A_614 = vector.bitcast %and3A_613 : vector<16xi32> to vector<16xf32>
        %shift_left3A_615 = arith.constant 16 : i32
        %shift_left3A_616 = vector.broadcast %shift_left3A_615 : i32 to vector<16xi32>
        %shift_left3A_617 = arith.shli %bitcast3A_610, %shift_left3A_616 : vector<16xi32>
        %bitcast3A_618 = vector.bitcast %shift_left3A_617 : vector<16xi32> to vector<16xf32>
        %mul3A_619 = arith.constant 16 : i32
        %mul3A_620 = arith.muli %scan3A_542, %mul3A_619 : i32
        %add3A_621 = arith.constant 0 : i32
        %add3A_622 = arith.addi %add3A_621, %mul3A_620 : i32
        %get3A = arith.index_cast %add3A_622 : i32 to index
        %get3A_623 = tpu.vector_load %arg12[%get3A] {strides = array<i32>} : memref<9216xf32, #tpu.memory_space<vmem>>, vector<16xf32>,
        %mul3A_624 = arith.constant 16 : i32
        %mul3A_625 = arith.muli %scan3A_542, %mul3A_624 : i32
        %add3A_626 = arith.constant 1024 : i32
        %add3A_627 = arith.addi %add3A_626, %mul3A_625 : i32
        %get3A_628 = arith.index_cast %add3A_627 : i32 to index
        %get3A_629 = tpu.vector_load %arg12[%get3A_628] {strides = array<i32>} : memref<9216xf32, #tpu.memory_space<vmem>>, vector<16xf32>,
        %mul3A_630 = arith.constant 16 : i32
        %mul3A_631 = arith.muli %scan3A_542, %mul3A_630 : i32
        %add3A_632 = arith.constant 2048 : i32
        %add3A_633 = arith.addi %add3A_632, %mul3A_631 : i32
        %get3A_634 = arith.index_cast %add3A_633 : i32 to index
        %get3A_635 = tpu.vector_load %arg12[%get3A_634] {strides = array<i32>} : memref<9216xf32, #tpu.memory_space<vmem>>, vector<16xf32>,
        %mul3A_636 = arith.mulf %get3A_623, %bitcast3A_570 : vector<16xf32>
        %mul3A_637 = arith.mulf %get3A_629, %bitcast3A_582 : vector<16xf32>
        %add3A_638 = arith.addf %mul3A_636, %mul3A_637 : vector<16xf32>
        %mul3A_639 = arith.mulf %get3A_635, %bitcast3A_596 : vector<16xf32>
        %add3A_640 = arith.addf %add3A_638, %mul3A_639 : vector<16xf32>
        %mul3A_641 = arith.mulf %get3A_623, %bitcast3A_573 : vector<16xf32>
        %mul3A_642 = arith.mulf %get3A_629, %bitcast3A_587 : vector<16xf32>
        %add3A_643 = arith.addf %mul3A_641, %mul3A_642 : vector<16xf32>
        %mul3A_644 = arith.mulf %get3A_635, %bitcast3A_600 : vector<16xf32>
        %add3A_645 = arith.addf %add3A_643, %mul3A_644 : vector<16xf32>
        %mul3A_646 = arith.mulf %get3A_623, %bitcast3A_578 : vector<16xf32>
        %mul3A_647 = arith.mulf %get3A_629, %bitcast3A_591 : vector<16xf32>
        %add3A_648 = arith.addf %mul3A_646, %mul3A_647 : vector<16xf32>
        %mul3A_649 = arith.mulf %get3A_635, %bitcast3A_605 : vector<16xf32>
        %add3A_650 = arith.addf %add3A_648, %mul3A_649 : vector<16xf32>
        %sub3A_651 = arith.subf %add3A_640, %gather3A_512 : vector<16xf32>
        %sub3A_652 = arith.subf %add3A_645, %gather3A_519 : vector<16xf32>
        %sub3A_653 = arith.subf %add3A_650, %gather3A_526 : vector<16xf32>
        %mul3A_654 = arith.mulf %sub3A_651, %sub3A_651 : vector<16xf32>
        %mul3A_655 = arith.mulf %sub3A_652, %sub3A_652 : vector<16xf32>
        %add3A_656 = arith.addf %mul3A_654, %mul3A_655 : vector<16xf32>
        %mul3A_657 = arith.mulf %sub3A_653, %sub3A_653 : vector<16xf32>
        %add3A_658 = arith.addf %add3A_656, %mul3A_657 : vector<16xf32>
        %max3A = arith.constant 1.000000e-24 : f32
        %max3A_659 = vector.broadcast %max3A : f32 to vector<16xf32>
        %max3A_660 = arith.maximumf %add3A_658, %max3A_659 : vector<16xf32>
        %bitcast3A_661 = vector.bitcast %max3A_660 : vector<16xf32> to vector<16xi32>
        %shift_right_arithmetic3A = arith.constant 1 : i32
        %shift_right_arithmetic3A_662 = vector.broadcast %shift_right_arithmetic3A : i32 to vector<16xi32>
        %shift_right_arithmetic3A_663 = arith.shrsi %bitcast3A_661, %shift_right_arithmetic3A_662 : vector<16xi32>
        %sub3A_664 = arith.constant 1597463007 : i32
        %sub3A_665 = vector.broadcast %sub3A_664 : i32 to vector<16xi32>
        %sub3A_666 = arith.subi %sub3A_665, %shift_right_arithmetic3A_663 : vector<16xi32>
        %bitcast3A_667 = vector.bitcast %sub3A_666 : vector<16xi32> to vector<16xf32>
        %mul3A_668 = arith.constant 5.000000e-01 : f32
        %mul3A_669 = vector.broadcast %mul3A_668 : f32 to vector<16xf32>
        %mul3A_670 = arith.mulf %max3A_660, %mul3A_669 : vector<16xf32>
        %mul3A_671 = arith.mulf %mul3A_670, %bitcast3A_667 : vector<16xf32>
        %mul3A_672 = arith.mulf %mul3A_671, %bitcast3A_667 : vector<16xf32>
        %sub3A_673 = arith.constant 1.500000e+00 : f32
        %sub3A_674 = vector.broadcast %sub3A_673 : f32 to vector<16xf32>
        %sub3A_675 = arith.subf %sub3A_674, %mul3A_672 : vector<16xf32>
        %mul3A_676 = arith.mulf %bitcast3A_667, %sub3A_675 : vector<16xf32>
        %mul3A_677 = arith.mulf %mul3A_670, %mul3A_676 : vector<16xf32>
        %mul3A_678 = arith.mulf %mul3A_677, %mul3A_676 : vector<16xf32>
        %sub3A_679 = arith.constant 1.500000e+00 : f32
        %sub3A_680 = vector.broadcast %sub3A_679 : f32 to vector<16xf32>
        %sub3A_681 = arith.subf %sub3A_680, %mul3A_678 : vector<16xf32>
        %mul3A_682 = arith.mulf %mul3A_676, %sub3A_681 : vector<16xf32>
        %mul3A_683 = arith.mulf %bitcast3A_609, %sub3A_651 : vector<16xf32>
        %mul3A_684 = arith.mulf %bitcast3A_614, %sub3A_652 : vector<16xf32>
        %add3A_685 = arith.addf %mul3A_683, %mul3A_684 : vector<16xf32>
        %mul3A_686 = arith.mulf %bitcast3A_618, %sub3A_653 : vector<16xf32>
        %add3A_687 = arith.addf %add3A_685, %mul3A_686 : vector<16xf32>
        %mul3A_688 = arith.mulf %add3A_687, %mul3A_682 : vector<16xf32>
        %mul3A_689 = arith.constant 16 : i32
        %mul3A_690 = arith.muli %scan3A_542, %mul3A_689 : i32
        %swap3A = arith.index_cast %mul3A_690 : i32 to index
        %swap3A_691 = tpu.vector_load %arg15[%swap3A] {strides = array<i32>} : memref<1024xf32, #tpu.memory_space<vmem>>, vector<16xf32>,
        tpu.vector_store %arg15[%swap3A], %mul3A_688 {strides = array<i32>} : memref<1024xf32, #tpu.memory_space<vmem>>, vector<16xf32>,
        %mul3A_692 = arith.constant 16 : i32
        %mul3A_693 = arith.muli %scan3A_542, %mul3A_692 : i32
        %add3A_694 = arith.constant 1024 : i32
        %add3A_695 = arith.addi %add3A_694, %mul3A_693 : i32
        %add3A_696 = vector.broadcast %add3A_695 : i32 to vector<16xi32>
        %add3A_697 = arith.addi %add3A_696, %iota3A : vector<16xi32>
        %broadcast_in_dim3A_698 = arith.constant 0 : i32
        %broadcast_in_dim3A_699 = vector.broadcast %broadcast_in_dim3A_698 : i32 to vector<16xi32>
        %gather3A_700 = tpu.vector_load_idx %arg14[%add3A_697, %broadcast_in_dim3A_699] : memref<3072x8xf32, #tpu.memory_space<vmem>>[vector<16xi32>, vector<16xi32>], vector<16xf32>,
        %broadcast_in_dim3A_701 = arith.constant 1 : i32
        %broadcast_in_dim3A_702 = vector.broadcast %broadcast_in_dim3A_701 : i32 to vector<16xi32>
        %gather3A_703 = tpu.vector_load_idx %arg14[%add3A_697, %broadcast_in_dim3A_702] : memref<3072x8xf32, #tpu.memory_space<vmem>>[vector<16xi32>, vector<16xi32>], vector<16xf32>,
        %broadcast_in_dim3A_704 = arith.constant 2 : i32
        %broadcast_in_dim3A_705 = vector.broadcast %broadcast_in_dim3A_704 : i32 to vector<16xi32>
        %gather3A_706 = tpu.vector_load_idx %arg14[%add3A_697, %broadcast_in_dim3A_705] : memref<3072x8xf32, #tpu.memory_space<vmem>>[vector<16xi32>, vector<16xi32>], vector<16xf32>,
        %broadcast_in_dim3A_707 = arith.constant 3 : i32
        %broadcast_in_dim3A_708 = vector.broadcast %broadcast_in_dim3A_707 : i32 to vector<16xi32>
        %gather3A_709 = tpu.vector_load_idx %arg14[%add3A_697, %broadcast_in_dim3A_708] : memref<3072x8xf32, #tpu.memory_space<vmem>>[vector<16xi32>, vector<16xi32>], vector<16xf32>,
        %broadcast_in_dim3A_710 = arith.constant 4 : i32
        %broadcast_in_dim3A_711 = vector.broadcast %broadcast_in_dim3A_710 : i32 to vector<16xi32>
        %gather3A_712 = tpu.vector_load_idx %arg14[%add3A_697, %broadcast_in_dim3A_711] : memref<3072x8xf32, #tpu.memory_space<vmem>>[vector<16xi32>, vector<16xi32>], vector<16xf32>,
        %broadcast_in_dim3A_713 = arith.constant 5 : i32
        %broadcast_in_dim3A_714 = vector.broadcast %broadcast_in_dim3A_713 : i32 to vector<16xi32>
        %gather3A_715 = tpu.vector_load_idx %arg14[%add3A_697, %broadcast_in_dim3A_714] : memref<3072x8xf32, #tpu.memory_space<vmem>>[vector<16xi32>, vector<16xi32>], vector<16xf32>,
        %bitcast3A_716 = vector.bitcast %gather3A_700 : vector<16xf32> to vector<16xi32>
        %and3A_717 = arith.constant -65536 : i32
        %and3A_718 = vector.broadcast %and3A_717 : i32 to vector<16xi32>
        %and3A_719 = arith.andi %bitcast3A_716, %and3A_718 : vector<16xi32>
        %bitcast3A_720 = vector.bitcast %and3A_719 : vector<16xi32> to vector<16xf32>
        %shift_left3A_721 = arith.constant 16 : i32
        %shift_left3A_722 = vector.broadcast %shift_left3A_721 : i32 to vector<16xi32>
        %shift_left3A_723 = arith.shli %bitcast3A_716, %shift_left3A_722 : vector<16xi32>
        %bitcast3A_724 = vector.bitcast %shift_left3A_723 : vector<16xi32> to vector<16xf32>
        %bitcast3A_725 = vector.bitcast %gather3A_703 : vector<16xf32> to vector<16xi32>
        %and3A_726 = arith.constant -65536 : i32
        %and3A_727 = vector.broadcast %and3A_726 : i32 to vector<16xi32>
        %and3A_728 = arith.andi %bitcast3A_725, %and3A_727 : vector<16xi32>
        %bitcast3A_729 = vector.bitcast %and3A_728 : vector<16xi32> to vector<16xf32>
        %shift_left3A_730 = arith.constant 16 : i32
        %shift_left3A_731 = vector.broadcast %shift_left3A_730 : i32 to vector<16xi32>
        %shift_left3A_732 = arith.shli %bitcast3A_725, %shift_left3A_731 : vector<16xi32>
        %bitcast3A_733 = vector.bitcast %shift_left3A_732 : vector<16xi32> to vector<16xf32>
        %bitcast3A_734 = vector.bitcast %gather3A_706 : vector<16xf32> to vector<16xi32>
        %and3A_735 = arith.constant -65536 : i32
        %and3A_736 = vector.broadcast %and3A_735 : i32 to vector<16xi32>
        %and3A_737 = arith.andi %bitcast3A_734, %and3A_736 : vector<16xi32>
        %bitcast3A_738 = vector.bitcast %and3A_737 : vector<16xi32> to vector<16xf32>
        %shift_left3A_739 = arith.constant 16 : i32
        %shift_left3A_740 = vector.broadcast %shift_left3A_739 : i32 to vector<16xi32>
        %shift_left3A_741 = arith.shli %bitcast3A_734, %shift_left3A_740 : vector<16xi32>
        %bitcast3A_742 = vector.bitcast %shift_left3A_741 : vector<16xi32> to vector<16xf32>
        %bitcast3A_743 = vector.bitcast %gather3A_709 : vector<16xf32> to vector<16xi32>
        %and3A_744 = arith.constant -65536 : i32
        %and3A_745 = vector.broadcast %and3A_744 : i32 to vector<16xi32>
        %and3A_746 = arith.andi %bitcast3A_743, %and3A_745 : vector<16xi32>
        %bitcast3A_747 = vector.bitcast %and3A_746 : vector<16xi32> to vector<16xf32>
        %shift_left3A_748 = arith.constant 16 : i32
        %shift_left3A_749 = vector.broadcast %shift_left3A_748 : i32 to vector<16xi32>
        %shift_left3A_750 = arith.shli %bitcast3A_743, %shift_left3A_749 : vector<16xi32>
        %bitcast3A_751 = vector.bitcast %shift_left3A_750 : vector<16xi32> to vector<16xf32>
        %bitcast3A_752 = vector.bitcast %gather3A_712 : vector<16xf32> to vector<16xi32>
        %and3A_753 = arith.constant -65536 : i32
        %and3A_754 = vector.broadcast %and3A_753 : i32 to vector<16xi32>
        %and3A_755 = arith.andi %bitcast3A_752, %and3A_754 : vector<16xi32>
        %bitcast3A_756 = vector.bitcast %and3A_755 : vector<16xi32> to vector<16xf32>
        %shift_left3A_757 = arith.constant 16 : i32
        %shift_left3A_758 = vector.broadcast %shift_left3A_757 : i32 to vector<16xi32>
        %shift_left3A_759 = arith.shli %bitcast3A_752, %shift_left3A_758 : vector<16xi32>
        %bitcast3A_760 = vector.bitcast %shift_left3A_759 : vector<16xi32> to vector<16xf32>
        %bitcast3A_761 = vector.bitcast %gather3A_715 : vector<16xf32> to vector<16xi32>
        %and3A_762 = arith.constant -65536 : i32
        %and3A_763 = vector.broadcast %and3A_762 : i32 to vector<16xi32>
        %and3A_764 = arith.andi %bitcast3A_761, %and3A_763 : vector<16xi32>
        %bitcast3A_765 = vector.bitcast %and3A_764 : vector<16xi32> to vector<16xf32>
        %shift_left3A_766 = arith.constant 16 : i32
        %shift_left3A_767 = vector.broadcast %shift_left3A_766 : i32 to vector<16xi32>
        %shift_left3A_768 = arith.shli %bitcast3A_761, %shift_left3A_767 : vector<16xi32>
        %bitcast3A_769 = vector.bitcast %shift_left3A_768 : vector<16xi32> to vector<16xf32>
        %mul3A_770 = arith.constant 16 : i32
        %mul3A_771 = arith.muli %scan3A_542, %mul3A_770 : i32
        %add3A_772 = arith.constant 3072 : i32
        %add3A_773 = arith.addi %add3A_772, %mul3A_771 : i32
        %get3A_774 = arith.index_cast %add3A_773 : i32 to index
        %get3A_775 = tpu.vector_load %arg12[%get3A_774] {strides = array<i32>} : memref<9216xf32, #tpu.memory_space<vmem>>, vector<16xf32>,
        %mul3A_776 = arith.constant 16 : i32
        %mul3A_777 = arith.muli %scan3A_542, %mul3A_776 : i32
        %add3A_778 = arith.constant 4096 : i32
        %add3A_779 = arith.addi %add3A_778, %mul3A_777 : i32
        %get3A_780 = arith.index_cast %add3A_779 : i32 to index
        %get3A_781 = tpu.vector_load %arg12[%get3A_780] {strides = array<i32>} : memref<9216xf32, #tpu.memory_space<vmem>>, vector<16xf32>,
        %mul3A_782 = arith.constant 16 : i32
        %mul3A_783 = arith.muli %scan3A_542, %mul3A_782 : i32
        %add3A_784 = arith.constant 5120 : i32
        %add3A_785 = arith.addi %add3A_784, %mul3A_783 : i32
        %get3A_786 = arith.index_cast %add3A_785 : i32 to index
        %get3A_787 = tpu.vector_load %arg12[%get3A_786] {strides = array<i32>} : memref<9216xf32, #tpu.memory_space<vmem>>, vector<16xf32>,
        %mul3A_788 = arith.mulf %get3A_775, %bitcast3A_720 : vector<16xf32>
        %mul3A_789 = arith.mulf %get3A_781, %bitcast3A_733 : vector<16xf32>
        %add3A_790 = arith.addf %mul3A_788, %mul3A_789 : vector<16xf32>
        %mul3A_791 = arith.mulf %get3A_787, %bitcast3A_747 : vector<16xf32>
        %add3A_792 = arith.addf %add3A_790, %mul3A_791 : vector<16xf32>
        %mul3A_793 = arith.mulf %get3A_775, %bitcast3A_724 : vector<16xf32>
        %mul3A_794 = arith.mulf %get3A_781, %bitcast3A_738 : vector<16xf32>
        %add3A_795 = arith.addf %mul3A_793, %mul3A_794 : vector<16xf32>
        %mul3A_796 = arith.mulf %get3A_787, %bitcast3A_751 : vector<16xf32>
        %add3A_797 = arith.addf %add3A_795, %mul3A_796 : vector<16xf32>
        %mul3A_798 = arith.mulf %get3A_775, %bitcast3A_729 : vector<16xf32>
        %mul3A_799 = arith.mulf %get3A_781, %bitcast3A_742 : vector<16xf32>
        %add3A_800 = arith.addf %mul3A_798, %mul3A_799 : vector<16xf32>
        %mul3A_801 = arith.mulf %get3A_787, %bitcast3A_756 : vector<16xf32>
        %add3A_802 = arith.addf %add3A_800, %mul3A_801 : vector<16xf32>
        %sub3A_803 = arith.subf %add3A_792, %gather3A_512 : vector<16xf32>
        %sub3A_804 = arith.subf %add3A_797, %gather3A_519 : vector<16xf32>
        %sub3A_805 = arith.subf %add3A_802, %gather3A_526 : vector<16xf32>
        %mul3A_806 = arith.mulf %sub3A_803, %sub3A_803 : vector<16xf32>
        %mul3A_807 = arith.mulf %sub3A_804, %sub3A_804 : vector<16xf32>
        %add3A_808 = arith.addf %mul3A_806, %mul3A_807 : vector<16xf32>
        %mul3A_809 = arith.mulf %sub3A_805, %sub3A_805 : vector<16xf32>
        %add3A_810 = arith.addf %add3A_808, %mul3A_809 : vector<16xf32>
        %max3A_811 = arith.constant 1.000000e-24 : f32
        %max3A_812 = vector.broadcast %max3A_811 : f32 to vector<16xf32>
        %max3A_813 = arith.maximumf %add3A_810, %max3A_812 : vector<16xf32>
        %bitcast3A_814 = vector.bitcast %max3A_813 : vector<16xf32> to vector<16xi32>
        %shift_right_arithmetic3A_815 = arith.constant 1 : i32
        %shift_right_arithmetic3A_816 = vector.broadcast %shift_right_arithmetic3A_815 : i32 to vector<16xi32>
        %shift_right_arithmetic3A_817 = arith.shrsi %bitcast3A_814, %shift_right_arithmetic3A_816 : vector<16xi32>
        %sub3A_818 = arith.constant 1597463007 : i32
        %sub3A_819 = vector.broadcast %sub3A_818 : i32 to vector<16xi32>
        %sub3A_820 = arith.subi %sub3A_819, %shift_right_arithmetic3A_817 : vector<16xi32>
        %bitcast3A_821 = vector.bitcast %sub3A_820 : vector<16xi32> to vector<16xf32>
        %mul3A_822 = arith.constant 5.000000e-01 : f32
        %mul3A_823 = vector.broadcast %mul3A_822 : f32 to vector<16xf32>
        %mul3A_824 = arith.mulf %max3A_813, %mul3A_823 : vector<16xf32>
        %mul3A_825 = arith.mulf %mul3A_824, %bitcast3A_821 : vector<16xf32>
        %mul3A_826 = arith.mulf %mul3A_825, %bitcast3A_821 : vector<16xf32>
        %sub3A_827 = arith.constant 1.500000e+00 : f32
        %sub3A_828 = vector.broadcast %sub3A_827 : f32 to vector<16xf32>
        %sub3A_829 = arith.subf %sub3A_828, %mul3A_826 : vector<16xf32>
        %mul3A_830 = arith.mulf %bitcast3A_821, %sub3A_829 : vector<16xf32>
        %mul3A_831 = arith.mulf %mul3A_824, %mul3A_830 : vector<16xf32>
        %mul3A_832 = arith.mulf %mul3A_831, %mul3A_830 : vector<16xf32>
        %sub3A_833 = arith.constant 1.500000e+00 : f32
        %sub3A_834 = vector.broadcast %sub3A_833 : f32 to vector<16xf32>
        %sub3A_835 = arith.subf %sub3A_834, %mul3A_832 : vector<16xf32>
        %mul3A_836 = arith.mulf %mul3A_830, %sub3A_835 : vector<16xf32>
        %mul3A_837 = arith.mulf %bitcast3A_760, %sub3A_803 : vector<16xf32>
        %mul3A_838 = arith.mulf %bitcast3A_765, %sub3A_804 : vector<16xf32>
        %add3A_839 = arith.addf %mul3A_837, %mul3A_838 : vector<16xf32>
        %mul3A_840 = arith.mulf %bitcast3A_769, %sub3A_805 : vector<16xf32>
        %add3A_841 = arith.addf %add3A_839, %mul3A_840 : vector<16xf32>
        %mul3A_842 = arith.mulf %add3A_841, %mul3A_836 : vector<16xf32>
        %mul3A_843 = arith.constant 16 : i32
        %mul3A_844 = arith.muli %scan3A_542, %mul3A_843 : i32
        %swap3A_845 = arith.index_cast %mul3A_844 : i32 to index
        %swap3A_846 = tpu.vector_load %arg16[%swap3A_845] {strides = array<i32>} : memref<1024xf32, #tpu.memory_space<vmem>>, vector<16xf32>,
        tpu.vector_store %arg16[%swap3A_845], %mul3A_842 {strides = array<i32>} : memref<1024xf32, #tpu.memory_space<vmem>>, vector<16xf32>,
        %mul3A_847 = arith.constant 16 : i32
        %mul3A_848 = arith.muli %scan3A_542, %mul3A_847 : i32
        %add3A_849 = arith.constant 2048 : i32
        %add3A_850 = arith.addi %add3A_849, %mul3A_848 : i32
        %add3A_851 = vector.broadcast %add3A_850 : i32 to vector<16xi32>
        %add3A_852 = arith.addi %add3A_851, %iota3A : vector<16xi32>
        %broadcast_in_dim3A_853 = arith.constant 0 : i32
        %broadcast_in_dim3A_854 = vector.broadcast %broadcast_in_dim3A_853 : i32 to vector<16xi32>
        %gather3A_855 = tpu.vector_load_idx %arg14[%add3A_852, %broadcast_in_dim3A_854] : memref<3072x8xf32, #tpu.memory_space<vmem>>[vector<16xi32>, vector<16xi32>], vector<16xf32>,
        %broadcast_in_dim3A_856 = arith.constant 1 : i32
        %broadcast_in_dim3A_857 = vector.broadcast %broadcast_in_dim3A_856 : i32 to vector<16xi32>
        %gather3A_858 = tpu.vector_load_idx %arg14[%add3A_852, %broadcast_in_dim3A_857] : memref<3072x8xf32, #tpu.memory_space<vmem>>[vector<16xi32>, vector<16xi32>], vector<16xf32>,
        %broadcast_in_dim3A_859 = arith.constant 2 : i32
        %broadcast_in_dim3A_860 = vector.broadcast %broadcast_in_dim3A_859 : i32 to vector<16xi32>
        %gather3A_861 = tpu.vector_load_idx %arg14[%add3A_852, %broadcast_in_dim3A_860] : memref<3072x8xf32, #tpu.memory_space<vmem>>[vector<16xi32>, vector<16xi32>], vector<16xf32>,
        %broadcast_in_dim3A_862 = arith.constant 3 : i32
        %broadcast_in_dim3A_863 = vector.broadcast %broadcast_in_dim3A_862 : i32 to vector<16xi32>
        %gather3A_864 = tpu.vector_load_idx %arg14[%add3A_852, %broadcast_in_dim3A_863] : memref<3072x8xf32, #tpu.memory_space<vmem>>[vector<16xi32>, vector<16xi32>], vector<16xf32>,
        %broadcast_in_dim3A_865 = arith.constant 4 : i32
        %broadcast_in_dim3A_866 = vector.broadcast %broadcast_in_dim3A_865 : i32 to vector<16xi32>
        %gather3A_867 = tpu.vector_load_idx %arg14[%add3A_852, %broadcast_in_dim3A_866] : memref<3072x8xf32, #tpu.memory_space<vmem>>[vector<16xi32>, vector<16xi32>], vector<16xf32>,
        %broadcast_in_dim3A_868 = arith.constant 5 : i32
        %broadcast_in_dim3A_869 = vector.broadcast %broadcast_in_dim3A_868 : i32 to vector<16xi32>
        %gather3A_870 = tpu.vector_load_idx %arg14[%add3A_852, %broadcast_in_dim3A_869] : memref<3072x8xf32, #tpu.memory_space<vmem>>[vector<16xi32>, vector<16xi32>], vector<16xf32>,
        %bitcast3A_871 = vector.bitcast %gather3A_855 : vector<16xf32> to vector<16xi32>
        %and3A_872 = arith.constant -65536 : i32
        %and3A_873 = vector.broadcast %and3A_872 : i32 to vector<16xi32>
        %and3A_874 = arith.andi %bitcast3A_871, %and3A_873 : vector<16xi32>
        %bitcast3A_875 = vector.bitcast %and3A_874 : vector<16xi32> to vector<16xf32>
        %shift_left3A_876 = arith.constant 16 : i32
        %shift_left3A_877 = vector.broadcast %shift_left3A_876 : i32 to vector<16xi32>
        %shift_left3A_878 = arith.shli %bitcast3A_871, %shift_left3A_877 : vector<16xi32>
        %bitcast3A_879 = vector.bitcast %shift_left3A_878 : vector<16xi32> to vector<16xf32>
        %bitcast3A_880 = vector.bitcast %gather3A_858 : vector<16xf32> to vector<16xi32>
        %and3A_881 = arith.constant -65536 : i32
        %and3A_882 = vector.broadcast %and3A_881 : i32 to vector<16xi32>
        %and3A_883 = arith.andi %bitcast3A_880, %and3A_882 : vector<16xi32>
        %bitcast3A_884 = vector.bitcast %and3A_883 : vector<16xi32> to vector<16xf32>
        %shift_left3A_885 = arith.constant 16 : i32
        %shift_left3A_886 = vector.broadcast %shift_left3A_885 : i32 to vector<16xi32>
        %shift_left3A_887 = arith.shli %bitcast3A_880, %shift_left3A_886 : vector<16xi32>
        %bitcast3A_888 = vector.bitcast %shift_left3A_887 : vector<16xi32> to vector<16xf32>
        %bitcast3A_889 = vector.bitcast %gather3A_861 : vector<16xf32> to vector<16xi32>
        %and3A_890 = arith.constant -65536 : i32
        %and3A_891 = vector.broadcast %and3A_890 : i32 to vector<16xi32>
        %and3A_892 = arith.andi %bitcast3A_889, %and3A_891 : vector<16xi32>
        %bitcast3A_893 = vector.bitcast %and3A_892 : vector<16xi32> to vector<16xf32>
        %shift_left3A_894 = arith.constant 16 : i32
        %shift_left3A_895 = vector.broadcast %shift_left3A_894 : i32 to vector<16xi32>
        %shift_left3A_896 = arith.shli %bitcast3A_889, %shift_left3A_895 : vector<16xi32>
        %bitcast3A_897 = vector.bitcast %shift_left3A_896 : vector<16xi32> to vector<16xf32>
        %bitcast3A_898 = vector.bitcast %gather3A_864 : vector<16xf32> to vector<16xi32>
        %and3A_899 = arith.constant -65536 : i32
        %and3A_900 = vector.broadcast %and3A_899 : i32 to vector<16xi32>
        %and3A_901 = arith.andi %bitcast3A_898, %and3A_900 : vector<16xi32>
        %bitcast3A_902 = vector.bitcast %and3A_901 : vector<16xi32> to vector<16xf32>
        %shift_left3A_903 = arith.constant 16 : i32
        %shift_left3A_904 = vector.broadcast %shift_left3A_903 : i32 to vector<16xi32>
        %shift_left3A_905 = arith.shli %bitcast3A_898, %shift_left3A_904 : vector<16xi32>
        %bitcast3A_906 = vector.bitcast %shift_left3A_905 : vector<16xi32> to vector<16xf32>
        %bitcast3A_907 = vector.bitcast %gather3A_867 : vector<16xf32> to vector<16xi32>
        %and3A_908 = arith.constant -65536 : i32
        %and3A_909 = vector.broadcast %and3A_908 : i32 to vector<16xi32>
        %and3A_910 = arith.andi %bitcast3A_907, %and3A_909 : vector<16xi32>
        %bitcast3A_911 = vector.bitcast %and3A_910 : vector<16xi32> to vector<16xf32>
        %shift_left3A_912 = arith.constant 16 : i32
        %shift_left3A_913 = vector.broadcast %shift_left3A_912 : i32 to vector<16xi32>
        %shift_left3A_914 = arith.shli %bitcast3A_907, %shift_left3A_913 : vector<16xi32>
        %bitcast3A_915 = vector.bitcast %shift_left3A_914 : vector<16xi32> to vector<16xf32>
        %bitcast3A_916 = vector.bitcast %gather3A_870 : vector<16xf32> to vector<16xi32>
        %and3A_917 = arith.constant -65536 : i32
        %and3A_918 = vector.broadcast %and3A_917 : i32 to vector<16xi32>
        %and3A_919 = arith.andi %bitcast3A_916, %and3A_918 : vector<16xi32>
        %bitcast3A_920 = vector.bitcast %and3A_919 : vector<16xi32> to vector<16xf32>
        %shift_left3A_921 = arith.constant 16 : i32
        %shift_left3A_922 = vector.broadcast %shift_left3A_921 : i32 to vector<16xi32>
        %shift_left3A_923 = arith.shli %bitcast3A_916, %shift_left3A_922 : vector<16xi32>
        %bitcast3A_924 = vector.bitcast %shift_left3A_923 : vector<16xi32> to vector<16xf32>
        %mul3A_925 = arith.constant 16 : i32
        %mul3A_926 = arith.muli %scan3A_542, %mul3A_925 : i32
        %add3A_927 = arith.constant 6144 : i32
        %add3A_928 = arith.addi %add3A_927, %mul3A_926 : i32
        %get3A_929 = arith.index_cast %add3A_928 : i32 to index
        %get3A_930 = tpu.vector_load %arg12[%get3A_929] {strides = array<i32>} : memref<9216xf32, #tpu.memory_space<vmem>>, vector<16xf32>,
        %mul3A_931 = arith.constant 16 : i32
        %mul3A_932 = arith.muli %scan3A_542, %mul3A_931 : i32
        %add3A_933 = arith.constant 7168 : i32
        %add3A_934 = arith.addi %add3A_933, %mul3A_932 : i32
        %get3A_935 = arith.index_cast %add3A_934 : i32 to index
        %get3A_936 = tpu.vector_load %arg12[%get3A_935] {strides = array<i32>} : memref<9216xf32, #tpu.memory_space<vmem>>, vector<16xf32>,
        %mul3A_937 = arith.constant 16 : i32
        %mul3A_938 = arith.muli %scan3A_542, %mul3A_937 : i32
        %add3A_939 = arith.constant 8192 : i32
        %add3A_940 = arith.addi %add3A_939, %mul3A_938 : i32
        %get3A_941 = arith.index_cast %add3A_940 : i32 to index
        %get3A_942 = tpu.vector_load %arg12[%get3A_941] {strides = array<i32>} : memref<9216xf32, #tpu.memory_space<vmem>>, vector<16xf32>,
        %mul3A_943 = arith.mulf %get3A_930, %bitcast3A_875 : vector<16xf32>
        %mul3A_944 = arith.mulf %get3A_936, %bitcast3A_888 : vector<16xf32>
        %add3A_945 = arith.addf %mul3A_943, %mul3A_944 : vector<16xf32>
        %mul3A_946 = arith.mulf %get3A_942, %bitcast3A_902 : vector<16xf32>
        %add3A_947 = arith.addf %add3A_945, %mul3A_946 : vector<16xf32>
        %mul3A_948 = arith.mulf %get3A_930, %bitcast3A_879 : vector<16xf32>
        %mul3A_949 = arith.mulf %get3A_936, %bitcast3A_893 : vector<16xf32>
        %add3A_950 = arith.addf %mul3A_948, %mul3A_949 : vector<16xf32>
        %mul3A_951 = arith.mulf %get3A_942, %bitcast3A_906 : vector<16xf32>
        %add3A_952 = arith.addf %add3A_950, %mul3A_951 : vector<16xf32>
        %mul3A_953 = arith.mulf %get3A_930, %bitcast3A_884 : vector<16xf32>
        %mul3A_954 = arith.mulf %get3A_936, %bitcast3A_897 : vector<16xf32>
        %add3A_955 = arith.addf %mul3A_953, %mul3A_954 : vector<16xf32>
        %mul3A_956 = arith.mulf %get3A_942, %bitcast3A_911 : vector<16xf32>
        %add3A_957 = arith.addf %add3A_955, %mul3A_956 : vector<16xf32>
        %sub3A_958 = arith.subf %add3A_947, %gather3A_512 : vector<16xf32>
        %sub3A_959 = arith.subf %add3A_952, %gather3A_519 : vector<16xf32>
        %sub3A_960 = arith.subf %add3A_957, %gather3A_526 : vector<16xf32>
        %mul3A_961 = arith.mulf %sub3A_958, %sub3A_958 : vector<16xf32>
        %mul3A_962 = arith.mulf %sub3A_959, %sub3A_959 : vector<16xf32>
        %add3A_963 = arith.addf %mul3A_961, %mul3A_962 : vector<16xf32>
        %mul3A_964 = arith.mulf %sub3A_960, %sub3A_960 : vector<16xf32>
        %add3A_965 = arith.addf %add3A_963, %mul3A_964 : vector<16xf32>
        %max3A_966 = arith.constant 1.000000e-24 : f32
        %max3A_967 = vector.broadcast %max3A_966 : f32 to vector<16xf32>
        %max3A_968 = arith.maximumf %add3A_965, %max3A_967 : vector<16xf32>
        %bitcast3A_969 = vector.bitcast %max3A_968 : vector<16xf32> to vector<16xi32>
        %shift_right_arithmetic3A_970 = arith.constant 1 : i32
        %shift_right_arithmetic3A_971 = vector.broadcast %shift_right_arithmetic3A_970 : i32 to vector<16xi32>
        %shift_right_arithmetic3A_972 = arith.shrsi %bitcast3A_969, %shift_right_arithmetic3A_971 : vector<16xi32>
        %sub3A_973 = arith.constant 1597463007 : i32
        %sub3A_974 = vector.broadcast %sub3A_973 : i32 to vector<16xi32>
        %sub3A_975 = arith.subi %sub3A_974, %shift_right_arithmetic3A_972 : vector<16xi32>
        %bitcast3A_976 = vector.bitcast %sub3A_975 : vector<16xi32> to vector<16xf32>
        %mul3A_977 = arith.constant 5.000000e-01 : f32
        %mul3A_978 = vector.broadcast %mul3A_977 : f32 to vector<16xf32>
        %mul3A_979 = arith.mulf %max3A_968, %mul3A_978 : vector<16xf32>
        %mul3A_980 = arith.mulf %mul3A_979, %bitcast3A_976 : vector<16xf32>
        %mul3A_981 = arith.mulf %mul3A_980, %bitcast3A_976 : vector<16xf32>
        %sub3A_982 = arith.constant 1.500000e+00 : f32
        %sub3A_983 = vector.broadcast %sub3A_982 : f32 to vector<16xf32>
        %sub3A_984 = arith.subf %sub3A_983, %mul3A_981 : vector<16xf32>
        %mul3A_985 = arith.mulf %bitcast3A_976, %sub3A_984 : vector<16xf32>
        %mul3A_986 = arith.mulf %mul3A_979, %mul3A_985 : vector<16xf32>
        %mul3A_987 = arith.mulf %mul3A_986, %mul3A_985 : vector<16xf32>
        %sub3A_988 = arith.constant 1.500000e+00 : f32
        %sub3A_989 = vector.broadcast %sub3A_988 : f32 to vector<16xf32>
        %sub3A_990 = arith.subf %sub3A_989, %mul3A_987 : vector<16xf32>
        %mul3A_991 = arith.mulf %mul3A_985, %sub3A_990 : vector<16xf32>
        %mul3A_992 = arith.mulf %bitcast3A_915, %sub3A_958 : vector<16xf32>
        %mul3A_993 = arith.mulf %bitcast3A_920, %sub3A_959 : vector<16xf32>
        %add3A_994 = arith.addf %mul3A_992, %mul3A_993 : vector<16xf32>
        %mul3A_995 = arith.mulf %bitcast3A_924, %sub3A_960 : vector<16xf32>
        %add3A_996 = arith.addf %add3A_994, %mul3A_995 : vector<16xf32>
        %mul3A_997 = arith.mulf %add3A_996, %mul3A_991 : vector<16xf32>
        %mul3A_998 = arith.constant 16 : i32
        %mul3A_999 = arith.muli %scan3A_542, %mul3A_998 : i32
        %swap3A_1000 = arith.index_cast %mul3A_999 : i32 to index
        %swap3A_1001 = tpu.vector_load %arg17[%swap3A_1000] {strides = array<i32>} : memref<1024xf32, #tpu.memory_space<vmem>>, vector<16xf32>,
        tpu.vector_store %arg17[%swap3A_1000], %mul3A_997 {strides = array<i32>} : memref<1024xf32, #tpu.memory_space<vmem>>, vector<16xf32>,
      }
      %scan3A_538 = arith.constant 64 : i32
      "tpu.region"() ({
        %run_scoped3A = tpu.sem_alloc : memref<!tpu.dma_semaphore, #tpu.memory_space<semaphore_mem>>
        %dma_start3A_542 = tpu.memref_slice %arg6[%add3A_479] : memref<524288xf32, #tpu.memory_space<hbm>> -> memref<1024xf32, #tpu.memory_space<hbm>>
        %dma_start3A_543 = tpu.memref_slice %arg6[%add3A_479] : memref<524288xf32, #tpu.memory_space<hbm>> -> memref<1024xf32, #tpu.memory_space<hbm>>
        tpu.enqueue_dma source(%arg15 : memref<1024xf32, #tpu.memory_space<vmem>>) target(%dma_start3A_543 : memref<1024xf32, #tpu.memory_space<hbm>>) target_semaphore(%run_scoped3A : memref<!tpu.dma_semaphore, #tpu.memory_space<semaphore_mem>>)
        %dma_wait3A_544 = tpu.memref_slice %arg6[%add3A_479] : memref<524288xf32, #tpu.memory_space<hbm>> -> memref<1024xf32, #tpu.memory_space<hbm>>
        %dma_wait3A_545 = tpu.memref_slice %arg6[%add3A_479] : memref<524288xf32, #tpu.memory_space<hbm>> -> memref<1024xf32, #tpu.memory_space<hbm>>
        tpu.wait_dma2 semaphore(%run_scoped3A : memref<!tpu.dma_semaphore, #tpu.memory_space<semaphore_mem>>) src(%arg15 : memref<1024xf32, #tpu.memory_space<vmem>>) dst(%dma_wait3A_545 : memref<1024xf32, #tpu.memory_space<hbm>>)
        tpu.yield
      }) : () -> ()
      "tpu.region"() ({
        %run_scoped3A = tpu.sem_alloc : memref<!tpu.dma_semaphore, #tpu.memory_space<semaphore_mem>>
        %dma_start3A_542 = tpu.memref_slice %arg7[%add3A_479] : memref<524288xf32, #tpu.memory_space<hbm>> -> memref<1024xf32, #tpu.memory_space<hbm>>
        %dma_start3A_543 = tpu.memref_slice %arg7[%add3A_479] : memref<524288xf32, #tpu.memory_space<hbm>> -> memref<1024xf32, #tpu.memory_space<hbm>>
        tpu.enqueue_dma source(%arg16 : memref<1024xf32, #tpu.memory_space<vmem>>) target(%dma_start3A_543 : memref<1024xf32, #tpu.memory_space<hbm>>) target_semaphore(%run_scoped3A : memref<!tpu.dma_semaphore, #tpu.memory_space<semaphore_mem>>)
        %dma_wait3A_544 = tpu.memref_slice %arg7[%add3A_479] : memref<524288xf32, #tpu.memory_space<hbm>> -> memref<1024xf32, #tpu.memory_space<hbm>>
        %dma_wait3A_545 = tpu.memref_slice %arg7[%add3A_479] : memref<524288xf32, #tpu.memory_space<hbm>> -> memref<1024xf32, #tpu.memory_space<hbm>>
        tpu.wait_dma2 semaphore(%run_scoped3A : memref<!tpu.dma_semaphore, #tpu.memory_space<semaphore_mem>>) src(%arg16 : memref<1024xf32, #tpu.memory_space<vmem>>) dst(%dma_wait3A_545 : memref<1024xf32, #tpu.memory_space<hbm>>)
        tpu.yield
      }) : () -> ()
      "tpu.region"() ({
        %run_scoped3A = tpu.sem_alloc : memref<!tpu.dma_semaphore, #tpu.memory_space<semaphore_mem>>
        %dma_start3A_542 = tpu.memref_slice %arg8[%add3A_479] : memref<524288xf32, #tpu.memory_space<hbm>> -> memref<1024xf32, #tpu.memory_space<hbm>>
        %dma_start3A_543 = tpu.memref_slice %arg8[%add3A_479] : memref<524288xf32, #tpu.memory_space<hbm>> -> memref<1024xf32, #tpu.memory_space<hbm>>
        tpu.enqueue_dma source(%arg17 : memref<1024xf32, #tpu.memory_space<vmem>>) target(%dma_start3A_543 : memref<1024xf32, #tpu.memory_space<hbm>>) target_semaphore(%run_scoped3A : memref<!tpu.dma_semaphore, #tpu.memory_space<semaphore_mem>>)
        %dma_wait3A_544 = tpu.memref_slice %arg8[%add3A_479] : memref<524288xf32, #tpu.memory_space<hbm>> -> memref<1024xf32, #tpu.memory_space<hbm>>
        %dma_wait3A_545 = tpu.memref_slice %arg8[%add3A_479] : memref<524288xf32, #tpu.memory_space<hbm>> -> memref<1024xf32, #tpu.memory_space<hbm>>
        tpu.wait_dma2 semaphore(%run_scoped3A : memref<!tpu.dma_semaphore, #tpu.memory_space<semaphore_mem>>) src(%arg17 : memref<1024xf32, #tpu.memory_space<vmem>>) dst(%dma_wait3A_545 : memref<1024xf32, #tpu.memory_space<hbm>>)
        tpu.yield
      }) : () -> ()
      %convert_element_type3A_539 = arith.extui %lt3A_476 : i1 to i32
      %cond3A_540 = arith.constant 0 : i32
      %cond3A_541 = arith.cmpi ne, %convert_element_type3A_539, %cond3A_540 : i32
      scf.if %cond3A_541 {
        %add3A_542 = arith.constant 2 : i32
        %add3A_543 = arith.addi %add3A_468, %add3A_542 : i32
        %mul3A_544 = arith.constant 1024 : i32
        %mul3A_545 = arith.muli %add3A_543, %mul3A_544 : i32
        %add3A_546 = arith.addi %mul3A_2, %mul3A_545 : i32
        %jit3A_547 = arith.constant 262144 : i32
        %div3A_548 = arith.divsi %add3A_546, %jit3A_547 : i32
        %sign3A_549 = arith.constant 0 : i32
        %sign3A_550 = arith.cmpi sgt, %add3A_546, %sign3A_549 : i32
        %sign3A_551 = arith.extui %sign3A_550 : i1 to i32
        %sign3A_552 = arith.constant 0 : i32
        %sign3A_553 = arith.cmpi slt, %add3A_546, %sign3A_552 : i32
        %sign3A_554 = arith.extui %sign3A_553 : i1 to i32
        %sign3A_555 = arith.subi %sign3A_551, %sign3A_554 : i32
        %sign3A_556 = arith.constant 0 : i32
        %sign3A_557 = arith.cmpi sgt, %jit3A_547, %sign3A_556 : i32
        %sign3A_558 = arith.extui %sign3A_557 : i1 to i32
        %sign3A_559 = arith.constant 0 : i32
        %sign3A_560 = arith.cmpi slt, %jit3A_547, %sign3A_559 : i32
        %sign3A_561 = arith.extui %sign3A_560 : i1 to i32
        %sign3A_562 = arith.subi %sign3A_558, %sign3A_561 : i32
        %ne3A_563 = arith.cmpi ne, %sign3A_555, %sign3A_562 : i32
        %rem3A_564 = arith.remsi %add3A_546, %jit3A_547 : i32
        %ne3A_565 = arith.constant 0 : i32
        %ne3A_566 = arith.cmpi ne, %rem3A_564, %ne3A_565 : i32
        %and3A_567 = arith.andi %ne3A_563, %ne3A_566 : i1
        %sub3A_568 = arith.constant 1 : i32
        %sub3A_569 = arith.subi %div3A_548, %sub3A_568 : i32
        %select_n3A_570 = arith.select %and3A_567, %sub3A_569, %div3A_548 : i32
        %mul3A_571 = arith.constant 262144 : i32
        %mul3A_572 = arith.muli %select_n3A_570, %mul3A_571 : i32
        %sub3A_573 = arith.subi %add3A_546, %mul3A_572 : i32
        %mul3A_574 = arith.constant 3 : i32
        %mul3A_575 = arith.muli %select_n3A_570, %mul3A_574 : i32
        %add3A_576 = arith.constant 0 : i32
        %add3A_577 = arith.addi %mul3A_575, %add3A_576 : i32
        %mul3A_578 = arith.constant 262144 : i32
        %mul3A_579 = arith.muli %add3A_577, %mul3A_578 : i32
        %add3A_580 = arith.addi %mul3A_579, %sub3A_573 : i32
        %dma_start3A_581 = arith.constant 0 : i32
        %dma_start3A_582 = tpu.memref_slice %arg10[%dma_start3A_581] : memref<3072xi32, #tpu.memory_space<vmem>> -> memref<1024xi32, #tpu.memory_space<vmem>>
        %dma_start3A_583 = tpu.memref_slice %arg3[%add3A_580] : memref<1572864xi32, #tpu.memory_space<hbm>> -> memref<1024xi32, #tpu.memory_space<hbm>>
        %dma_start3A_584 = arith.constant 0 : i32
        %dma_start3A_585 = tpu.memref_slice %arg10[%dma_start3A_584] : memref<3072xi32, #tpu.memory_space<vmem>> -> memref<1024xi32, #tpu.memory_space<vmem>>
        %dma_start3A_586 = tpu.memref_slice %arg3[%add3A_580] : memref<1572864xi32, #tpu.memory_space<hbm>> -> memref<1024xi32, #tpu.memory_space<hbm>>
        tpu.enqueue_dma source(%dma_start3A_586 : memref<1024xi32, #tpu.memory_space<hbm>>) target(%dma_start3A_585 : memref<1024xi32, #tpu.memory_space<vmem>>) target_semaphore(%arg20 : memref<!tpu.dma_semaphore, #tpu.memory_space<semaphore_mem>>)
        %mul3A_587 = arith.constant 3 : i32
        %mul3A_588 = arith.muli %select_n3A_570, %mul3A_587 : i32
        %add3A_589 = arith.constant 1 : i32
        %add3A_590 = arith.addi %mul3A_588, %add3A_589 : i32
        %mul3A_591 = arith.constant 262144 : i32
        %mul3A_592 = arith.muli %add3A_590, %mul3A_591 : i32
        %add3A_593 = arith.addi %mul3A_592, %sub3A_573 : i32
        %dma_start3A_594 = arith.constant 1024 : i32
        %dma_start3A_595 = tpu.memref_slice %arg10[%dma_start3A_594] : memref<3072xi32, #tpu.memory_space<vmem>> -> memref<1024xi32, #tpu.memory_space<vmem>>
        %dma_start3A_596 = tpu.memref_slice %arg3[%add3A_593] : memref<1572864xi32, #tpu.memory_space<hbm>> -> memref<1024xi32, #tpu.memory_space<hbm>>
        %dma_start3A_597 = arith.constant 1024 : i32
        %dma_start3A_598 = tpu.memref_slice %arg10[%dma_start3A_597] : memref<3072xi32, #tpu.memory_space<vmem>> -> memref<1024xi32, #tpu.memory_space<vmem>>
        %dma_start3A_599 = tpu.memref_slice %arg3[%add3A_593] : memref<1572864xi32, #tpu.memory_space<hbm>> -> memref<1024xi32, #tpu.memory_space<hbm>>
        tpu.enqueue_dma source(%dma_start3A_599 : memref<1024xi32, #tpu.memory_space<hbm>>) target(%dma_start3A_598 : memref<1024xi32, #tpu.memory_space<vmem>>) target_semaphore(%arg20 : memref<!tpu.dma_semaphore, #tpu.memory_space<semaphore_mem>>)
        %mul3A_600 = arith.constant 3 : i32
        %mul3A_601 = arith.muli %select_n3A_570, %mul3A_600 : i32
        %add3A_602 = arith.constant 2 : i32
        %add3A_603 = arith.addi %mul3A_601, %add3A_602 : i32
        %mul3A_604 = arith.constant 262144 : i32
        %mul3A_605 = arith.muli %add3A_603, %mul3A_604 : i32
        %add3A_606 = arith.addi %mul3A_605, %sub3A_573 : i32
        %dma_start3A_607 = arith.constant 2048 : i32
        %dma_start3A_608 = tpu.memref_slice %arg10[%dma_start3A_607] : memref<3072xi32, #tpu.memory_space<vmem>> -> memref<1024xi32, #tpu.memory_space<vmem>>
        %dma_start3A_609 = tpu.memref_slice %arg3[%add3A_606] : memref<1572864xi32, #tpu.memory_space<hbm>> -> memref<1024xi32, #tpu.memory_space<hbm>>
        %dma_start3A_610 = arith.constant 2048 : i32
        %dma_start3A_611 = tpu.memref_slice %arg10[%dma_start3A_610] : memref<3072xi32, #tpu.memory_space<vmem>> -> memref<1024xi32, #tpu.memory_space<vmem>>
        %dma_start3A_612 = tpu.memref_slice %arg3[%add3A_606] : memref<1572864xi32, #tpu.memory_space<hbm>> -> memref<1024xi32, #tpu.memory_space<hbm>>
        tpu.enqueue_dma source(%dma_start3A_612 : memref<1024xi32, #tpu.memory_space<hbm>>) target(%dma_start3A_611 : memref<1024xi32, #tpu.memory_space<vmem>>) target_semaphore(%arg20 : memref<!tpu.dma_semaphore, #tpu.memory_space<semaphore_mem>>)
        %mul3A_613 = arith.constant 9 : i32
        %mul3A_614 = arith.muli %select_n3A_570, %mul3A_613 : i32
        %add3A_615 = arith.constant 0 : i32
        %add3A_616 = arith.addi %mul3A_614, %add3A_615 : i32
        %mul3A_617 = arith.constant 262144 : i32
        %mul3A_618 = arith.muli %add3A_616, %mul3A_617 : i32
        %add3A_619 = arith.addi %mul3A_618, %sub3A_573 : i32
        %dma_start3A_620 = arith.constant 0 : i32
        %dma_start3A_621 = tpu.memref_slice %arg12[%dma_start3A_620] : memref<9216xf32, #tpu.memory_space<vmem>> -> memref<1024xf32, #tpu.memory_space<vmem>>
        %dma_start3A_622 = tpu.memref_slice %arg4[%add3A_619] : memref<4718592xf32, #tpu.memory_space<hbm>> -> memref<1024xf32, #tpu.memory_space<hbm>>
        %dma_start3A_623 = arith.constant 0 : i32
        %dma_start3A_624 = tpu.memref_slice %arg12[%dma_start3A_623] : memref<9216xf32, #tpu.memory_space<vmem>> -> memref<1024xf32, #tpu.memory_space<vmem>>
        %dma_start3A_625 = tpu.memref_slice %arg4[%add3A_619] : memref<4718592xf32, #tpu.memory_space<hbm>> -> memref<1024xf32, #tpu.memory_space<hbm>>
        tpu.enqueue_dma source(%dma_start3A_625 : memref<1024xf32, #tpu.memory_space<hbm>>) target(%dma_start3A_624 : memref<1024xf32, #tpu.memory_space<vmem>>) target_semaphore(%arg20 : memref<!tpu.dma_semaphore, #tpu.memory_space<semaphore_mem>>)
        %mul3A_626 = arith.constant 9 : i32
        %mul3A_627 = arith.muli %select_n3A_570, %mul3A_626 : i32
        %add3A_628 = arith.constant 1 : i32
        %add3A_629 = arith.addi %mul3A_627, %add3A_628 : i32
        %mul3A_630 = arith.constant 262144 : i32
        %mul3A_631 = arith.muli %add3A_629, %mul3A_630 : i32
        %add3A_632 = arith.addi %mul3A_631, %sub3A_573 : i32
        %dma_start3A_633 = arith.constant 1024 : i32
        %dma_start3A_634 = tpu.memref_slice %arg12[%dma_start3A_633] : memref<9216xf32, #tpu.memory_space<vmem>> -> memref<1024xf32, #tpu.memory_space<vmem>>
        %dma_start3A_635 = tpu.memref_slice %arg4[%add3A_632] : memref<4718592xf32, #tpu.memory_space<hbm>> -> memref<1024xf32, #tpu.memory_space<hbm>>
        %dma_start3A_636 = arith.constant 1024 : i32
        %dma_start3A_637 = tpu.memref_slice %arg12[%dma_start3A_636] : memref<9216xf32, #tpu.memory_space<vmem>> -> memref<1024xf32, #tpu.memory_space<vmem>>
        %dma_start3A_638 = tpu.memref_slice %arg4[%add3A_632] : memref<4718592xf32, #tpu.memory_space<hbm>> -> memref<1024xf32, #tpu.memory_space<hbm>>
        tpu.enqueue_dma source(%dma_start3A_638 : memref<1024xf32, #tpu.memory_space<hbm>>) target(%dma_start3A_637 : memref<1024xf32, #tpu.memory_space<vmem>>) target_semaphore(%arg20 : memref<!tpu.dma_semaphore, #tpu.memory_space<semaphore_mem>>)
        %mul3A_639 = arith.constant 9 : i32
        %mul3A_640 = arith.muli %select_n3A_570, %mul3A_639 : i32
        %add3A_641 = arith.constant 2 : i32
        %add3A_642 = arith.addi %mul3A_640, %add3A_641 : i32
        %mul3A_643 = arith.constant 262144 : i32
        %mul3A_644 = arith.muli %add3A_642, %mul3A_643 : i32
        %add3A_645 = arith.addi %mul3A_644, %sub3A_573 : i32
        %dma_start3A_646 = arith.constant 2048 : i32
        %dma_start3A_647 = tpu.memref_slice %arg12[%dma_start3A_646] : memref<9216xf32, #tpu.memory_space<vmem>> -> memref<1024xf32, #tpu.memory_space<vmem>>
        %dma_start3A_648 = tpu.memref_slice %arg4[%add3A_645] : memref<4718592xf32, #tpu.memory_space<hbm>> -> memref<1024xf32, #tpu.memory_space<hbm>>
        %dma_start3A_649 = arith.constant 2048 : i32
        %dma_start3A_650 = tpu.memref_slice %arg12[%dma_start3A_649] : memref<9216xf32, #tpu.memory_space<vmem>> -> memref<1024xf32, #tpu.memory_space<vmem>>
        %dma_start3A_651 = tpu.memref_slice %arg4[%add3A_645] : memref<4718592xf32, #tpu.memory_space<hbm>> -> memref<1024xf32, #tpu.memory_space<hbm>>
        tpu.enqueue_dma source(%dma_start3A_651 : memref<1024xf32, #tpu.memory_space<hbm>>) target(%dma_start3A_650 : memref<1024xf32, #tpu.memory_space<vmem>>) target_semaphore(%arg20 : memref<!tpu.dma_semaphore, #tpu.memory_space<semaphore_mem>>)
        %mul3A_652 = arith.constant 9 : i32
        %mul3A_653 = arith.muli %select_n3A_570, %mul3A_652 : i32
        %add3A_654 = arith.constant 3 : i32
        %add3A_655 = arith.addi %mul3A_653, %add3A_654 : i32
        %mul3A_656 = arith.constant 262144 : i32
        %mul3A_657 = arith.muli %add3A_655, %mul3A_656 : i32
        %add3A_658 = arith.addi %mul3A_657, %sub3A_573 : i32
        %dma_start3A_659 = arith.constant 3072 : i32
        %dma_start3A_660 = tpu.memref_slice %arg12[%dma_start3A_659] : memref<9216xf32, #tpu.memory_space<vmem>> -> memref<1024xf32, #tpu.memory_space<vmem>>
        %dma_start3A_661 = tpu.memref_slice %arg4[%add3A_658] : memref<4718592xf32, #tpu.memory_space<hbm>> -> memref<1024xf32, #tpu.memory_space<hbm>>
        %dma_start3A_662 = arith.constant 3072 : i32
        %dma_start3A_663 = tpu.memref_slice %arg12[%dma_start3A_662] : memref<9216xf32, #tpu.memory_space<vmem>> -> memref<1024xf32, #tpu.memory_space<vmem>>
        %dma_start3A_664 = tpu.memref_slice %arg4[%add3A_658] : memref<4718592xf32, #tpu.memory_space<hbm>> -> memref<1024xf32, #tpu.memory_space<hbm>>
        tpu.enqueue_dma source(%dma_start3A_664 : memref<1024xf32, #tpu.memory_space<hbm>>) target(%dma_start3A_663 : memref<1024xf32, #tpu.memory_space<vmem>>) target_semaphore(%arg20 : memref<!tpu.dma_semaphore, #tpu.memory_space<semaphore_mem>>)
        %mul3A_665 = arith.constant 9 : i32
        %mul3A_666 = arith.muli %select_n3A_570, %mul3A_665 : i32
        %add3A_667 = arith.constant 4 : i32
        %add3A_668 = arith.addi %mul3A_666, %add3A_667 : i32
        %mul3A_669 = arith.constant 262144 : i32
        %mul3A_670 = arith.muli %add3A_668, %mul3A_669 : i32
        %add3A_671 = arith.addi %mul3A_670, %sub3A_573 : i32
        %dma_start3A_672 = arith.constant 4096 : i32
        %dma_start3A_673 = tpu.memref_slice %arg12[%dma_start3A_672] : memref<9216xf32, #tpu.memory_space<vmem>> -> memref<1024xf32, #tpu.memory_space<vmem>>
        %dma_start3A_674 = tpu.memref_slice %arg4[%add3A_671] : memref<4718592xf32, #tpu.memory_space<hbm>> -> memref<1024xf32, #tpu.memory_space<hbm>>
        %dma_start3A_675 = arith.constant 4096 : i32
        %dma_start3A_676 = tpu.memref_slice %arg12[%dma_start3A_675] : memref<9216xf32, #tpu.memory_space<vmem>> -> memref<1024xf32, #tpu.memory_space<vmem>>
        %dma_start3A_677 = tpu.memref_slice %arg4[%add3A_671] : memref<4718592xf32, #tpu.memory_space<hbm>> -> memref<1024xf32, #tpu.memory_space<hbm>>
        tpu.enqueue_dma source(%dma_start3A_677 : memref<1024xf32, #tpu.memory_space<hbm>>) target(%dma_start3A_676 : memref<1024xf32, #tpu.memory_space<vmem>>) target_semaphore(%arg20 : memref<!tpu.dma_semaphore, #tpu.memory_space<semaphore_mem>>)
        %mul3A_678 = arith.constant 9 : i32
        %mul3A_679 = arith.muli %select_n3A_570, %mul3A_678 : i32
        %add3A_680 = arith.constant 5 : i32
        %add3A_681 = arith.addi %mul3A_679, %add3A_680 : i32
        %mul3A_682 = arith.constant 262144 : i32
        %mul3A_683 = arith.muli %add3A_681, %mul3A_682 : i32
        %add3A_684 = arith.addi %mul3A_683, %sub3A_573 : i32
        %dma_start3A_685 = arith.constant 5120 : i32
        %dma_start3A_686 = tpu.memref_slice %arg12[%dma_start3A_685] : memref<9216xf32, #tpu.memory_space<vmem>> -> memref<1024xf32, #tpu.memory_space<vmem>>
        %dma_start3A_687 = tpu.memref_slice %arg4[%add3A_684] : memref<4718592xf32, #tpu.memory_space<hbm>> -> memref<1024xf32, #tpu.memory_space<hbm>>
        %dma_start3A_688 = arith.constant 5120 : i32
        %dma_start3A_689 = tpu.memref_slice %arg12[%dma_start3A_688] : memref<9216xf32, #tpu.memory_space<vmem>> -> memref<1024xf32, #tpu.memory_space<vmem>>
        %dma_start3A_690 = tpu.memref_slice %arg4[%add3A_684] : memref<4718592xf32, #tpu.memory_space<hbm>> -> memref<1024xf32, #tpu.memory_space<hbm>>
        tpu.enqueue_dma source(%dma_start3A_690 : memref<1024xf32, #tpu.memory_space<hbm>>) target(%dma_start3A_689 : memref<1024xf32, #tpu.memory_space<vmem>>) target_semaphore(%arg20 : memref<!tpu.dma_semaphore, #tpu.memory_space<semaphore_mem>>)
        %mul3A_691 = arith.constant 9 : i32
        %mul3A_692 = arith.muli %select_n3A_570, %mul3A_691 : i32
        %add3A_693 = arith.constant 6 : i32
        %add3A_694 = arith.addi %mul3A_692, %add3A_693 : i32
        %mul3A_695 = arith.constant 262144 : i32
        %mul3A_696 = arith.muli %add3A_694, %mul3A_695 : i32
        %add3A_697 = arith.addi %mul3A_696, %sub3A_573 : i32
        %dma_start3A_698 = arith.constant 6144 : i32
        %dma_start3A_699 = tpu.memref_slice %arg12[%dma_start3A_698] : memref<9216xf32, #tpu.memory_space<vmem>> -> memref<1024xf32, #tpu.memory_space<vmem>>
        %dma_start3A_700 = tpu.memref_slice %arg4[%add3A_697] : memref<4718592xf32, #tpu.memory_space<hbm>> -> memref<1024xf32, #tpu.memory_space<hbm>>
        %dma_start3A_701 = arith.constant 6144 : i32
        %dma_start3A_702 = tpu.memref_slice %arg12[%dma_start3A_701] : memref<9216xf32, #tpu.memory_space<vmem>> -> memref<1024xf32, #tpu.memory_space<vmem>>
        %dma_start3A_703 = tpu.memref_slice %arg4[%add3A_697] : memref<4718592xf32, #tpu.memory_space<hbm>> -> memref<1024xf32, #tpu.memory_space<hbm>>
        tpu.enqueue_dma source(%dma_start3A_703 : memref<1024xf32, #tpu.memory_space<hbm>>) target(%dma_start3A_702 : memref<1024xf32, #tpu.memory_space<vmem>>) target_semaphore(%arg20 : memref<!tpu.dma_semaphore, #tpu.memory_space<semaphore_mem>>)
        %mul3A_704 = arith.constant 9 : i32
        %mul3A_705 = arith.muli %select_n3A_570, %mul3A_704 : i32
        %add3A_706 = arith.constant 7 : i32
        %add3A_707 = arith.addi %mul3A_705, %add3A_706 : i32
        %mul3A_708 = arith.constant 262144 : i32
        %mul3A_709 = arith.muli %add3A_707, %mul3A_708 : i32
        %add3A_710 = arith.addi %mul3A_709, %sub3A_573 : i32
        %dma_start3A_711 = arith.constant 7168 : i32
        %dma_start3A_712 = tpu.memref_slice %arg12[%dma_start3A_711] : memref<9216xf32, #tpu.memory_space<vmem>> -> memref<1024xf32, #tpu.memory_space<vmem>>
        %dma_start3A_713 = tpu.memref_slice %arg4[%add3A_710] : memref<4718592xf32, #tpu.memory_space<hbm>> -> memref<1024xf32, #tpu.memory_space<hbm>>
        %dma_start3A_714 = arith.constant 7168 : i32
        %dma_start3A_715 = tpu.memref_slice %arg12[%dma_start3A_714] : memref<9216xf32, #tpu.memory_space<vmem>> -> memref<1024xf32, #tpu.memory_space<vmem>>
        %dma_start3A_716 = tpu.memref_slice %arg4[%add3A_710] : memref<4718592xf32, #tpu.memory_space<hbm>> -> memref<1024xf32, #tpu.memory_space<hbm>>
        tpu.enqueue_dma source(%dma_start3A_716 : memref<1024xf32, #tpu.memory_space<hbm>>) target(%dma_start3A_715 : memref<1024xf32, #tpu.memory_space<vmem>>) target_semaphore(%arg20 : memref<!tpu.dma_semaphore, #tpu.memory_space<semaphore_mem>>)
        %mul3A_717 = arith.constant 9 : i32
        %mul3A_718 = arith.muli %select_n3A_570, %mul3A_717 : i32
        %add3A_719 = arith.constant 8 : i32
        %add3A_720 = arith.addi %mul3A_718, %add3A_719 : i32
        %mul3A_721 = arith.constant 262144 : i32
        %mul3A_722 = arith.muli %add3A_720, %mul3A_721 : i32
        %add3A_723 = arith.addi %mul3A_722, %sub3A_573 : i32
        %dma_start3A_724 = arith.constant 8192 : i32
        %dma_start3A_725 = tpu.memref_slice %arg12[%dma_start3A_724] : memref<9216xf32, #tpu.memory_space<vmem>> -> memref<1024xf32, #tpu.memory_space<vmem>>
        %dma_start3A_726 = tpu.memref_slice %arg4[%add3A_723] : memref<4718592xf32, #tpu.memory_space<hbm>> -> memref<1024xf32, #tpu.memory_space<hbm>>
        %dma_start3A_727 = arith.constant 8192 : i32
        %dma_start3A_728 = tpu.memref_slice %arg12[%dma_start3A_727] : memref<9216xf32, #tpu.memory_space<vmem>> -> memref<1024xf32, #tpu.memory_space<vmem>>
        %dma_start3A_729 = tpu.memref_slice %arg4[%add3A_723] : memref<4718592xf32, #tpu.memory_space<hbm>> -> memref<1024xf32, #tpu.memory_space<hbm>>
        tpu.enqueue_dma source(%dma_start3A_729 : memref<1024xf32, #tpu.memory_space<hbm>>) target(%dma_start3A_728 : memref<1024xf32, #tpu.memory_space<vmem>>) target_semaphore(%arg20 : memref<!tpu.dma_semaphore, #tpu.memory_space<semaphore_mem>>)
      } else {
      }
    }
    %scan3A_391 = arith.constant 8 : i32
    return
  }
}

</mosaic_0001>

<sc_bundles>
// kernel: kernel.4.cloned.1.call-start
scs
__scs_entry_jumppad:
0x0: {  	(pc) =	sbr.rel $0x88, $3  }
0x1: {  	(tag) =	ssettag $0x0;
	lr =	simm.s32 $0x1  }
0x2: {  	[smem:$0x3F9C] =	sst lr;
	_ =	strace $0xD0000000  }
0x3: {  	_ = 	snop  }
0x4: {  	_ = 	snop  }
0x5: {  	_ = 	snop  }
0x6: {  	_ = 	snop  }
0x7: {  	_ = 	snop  }
__scs_overlays_trampoline_lowered:
0x8: {  	[smem:$0x3FAB] =	sst s0  }
0x9: {  	[smem:$0x3FAC] =	sst s1  }
0xa: {  	[smem:$0x3FAD] =	sst s2  }
0xb: {  	[smem:$0x3FAE] =	sst s3  }
0xc: {  	[smem:$0x3FAF] =	sst s4  }
0xd: {  	[smem:$0x3FB0] =	sst s5  }
0xe: {  	[smem:$0x3FB1] =	sst s6  }
0xf: {  	[smem:$0x3FB2] =	sst s7  }
0x10: {  	[smem:$0x3FB3] =	sst s8  }
0x11: {  	[smem:$0x3FB4] =	sst s9;
	s0 =	simm.s32 @!p0 $0x0  }
0x12: {  	s1 =	sld [smem:$0x3F9A];
	s0 =	simm.s32 @p0 $0x1  }
0x13: {  	[smem:$0x3FB5] =	sst s0;
	s0 =	simm.s32 @!p1 $0x0  }
0x14: {  	s2 =	sld [smem:$0x3F99];
	s0 =	simm.s32 @p1 $0x1  }
0x15: {  	[smem:$0x3FB6] =	sst s0;
	s0 =	simm.s32 @!p2 $0x0  }
0x16: {  	s3 =	sld [smem:$0x3FDB];
	s0 =	simm.s32 @p2 $0x1  }
0x17: {  	s4 =	simm.s32 $0x1BF5;
	[smem:$0x3FB8] =	sst s0  }
0x18: {  	s0 =	sld [smem:$0x3F9B];
	_ =	swait.ge [sflag:s4], $0x0  }
0x19: {  	s7 =	sld [smem:$0x3F9C]  }
0x1a: {  	s8 =	sadd.s32 $0xFFFFE003, lr  }
0x1b: {  	s9 =	sadd.s32 $0xFFFFFEF7, lr;
	s5 =	simm.s32 $0xFFFFFFFF;
	p2 =	slt.u32 s8, $0xFFFFF086  }
0x1c: {  	p1 =	slt.u32 s9, $0xF7A;
	s5 =	simm.s32 @!p2 $0x0  }
0x1d: {  	s5 =	simm.s32 @p1 $0x1;
	p0 =	seq.s32 s7, s2  }
0x1e: {  	s7 =	smul.u32 @!p0 $0xF7A, s2;
	p2 =	seq.s32 @!p0 s5, $0x0  }
0x1f: {  	s9 =	smul.u32 $0xF7A, s1;
	s8 =	simm.s32 @!p0 $0x1BF5;
	p2 =	por !p2, p0  }
0x20: {  	[sflag:s8] =	ssyncset.s32 @!p0 $0xFFFFF086;
	s6 =	sadd.s32 @!p0 s3, s7;
	s7 =	simm.s32 @!p0 $0x108  }
0x21: {  	s3 =	sadd.s32 s3, s9;
	s6 =	sadd.s32 @!p0 $0x88, s6;
	s7 =	simm.s32 @p2 $0x1082  }
0x22: {  	[simem:s7], [sflag:s8] =	dma.local @!p0 [hbm:s6], $0xF7A  }
0x23: {  	s9 =	sor.u32 $0xD0000000, s2;
	s6 =	simm.s32 $0x108;
	_ =	swait.ge @!p0 [sflag:s8], $0x0  }
0x24: {  	s3 =	sadd.s32 $0x88, s3;
	s6 =	simm.s32 @!p1 $0x1082;
	[sflag:s4] =	ssyncset.s32 $0xFFFFF086  }
0x25: {  	[simem:s6], [sflag:s4] =	dma.local [hbm:s3], $0xF7A  }
0x26: {  	[smem:$0x3F9C] =	sst s1;
	(tag) =	ssettag s2;
	_ =	strace s9  }
0x27: {  	s1 =	sld [smem:$0x3FAC]  }
0x28: {  	s2 =	sld [smem:$0x3FAD]  }
0x29: {  	s4 =	sld [smem:$0x3FAF]  }
0x2a: {  	p0 =	seq.s32 s5, $0x0;
	s5 =	sld [smem:$0x3FB0]  }
0x2b: {  	s6 =	sld [smem:$0x3FB1]  }
0x2c: {  	s7 =	sld [smem:$0x3FB2]  }
0x2d: {  	s3 =	simm.s32 $0x108;
	s8 =	sld [smem:$0x3FB3]  }
0x2e: {  	s3 =	simm.s32 @!p0 $0x1082;
	s9 =	sld [smem:$0x3FB4]  }
0x2f: {  	lr =	sadd.s32 s0, s3;
	s0 =	sld [smem:$0x3FAB]  }
0x30: {  	s3 =	sld [smem:$0x3FAE]  }
0x31: {  	[smem:$0x3FB7] =	sst s10  }
0x32: {  	s10 =	sld [smem:$0x3FB5];
	_ =	sdelay $0x3  }
0x33: {  	p0 =	seq.s32 s10, $0x1;
	s10 =	sld [smem:$0x3FB7];
	_ =	sdelay $0x3  }
0x34: {  	[smem:$0x3FB7] =	sst s10  }
0x35: {  	s10 =	sld [smem:$0x3FB6];
	_ =	sdelay $0x3  }
0x36: {  	p1 =	seq.s32 s10, $0x1;
	s10 =	sld [smem:$0x3FB7];
	_ =	sdelay $0x3  }
0x37: {  	[smem:$0x3FB7] =	sst s10  }
0x38: {  	s10 =	sld [smem:$0x3FB8]  }
0x39: {  	_ = 	snop;
	(pc) =	sbr.ind lr, $3  }
0x3a: {  	_ = 	snop  }
0x3b: {  	_ = 	snop  }
0x3c: {  	p2 =	seq.s32 s10, $0x1;
	s10 =	sld [smem:$0x3FB7]  }
0x3d: {  	_ =	shalt  }
0x3e: {  	_ =	shalt  }
0x3f: {  	_ =	shalt  }
0x40: {  	_ =	shalt  }
0x41: {  	_ =	shalt  }
0x42: {  	_ =	shalt  }
0x43: {  	_ =	shalt  }
0x44: {  	_ =	shalt  }
0x45: {  	_ =	shalt  }
0x46: {  	_ =	shalt  }
0x47: {  	_ =	shalt  }
0x48: {  	_ =	shalt  }
0x49: {  	_ =	shalt  }
0x4a: {  	_ =	shalt  }
0x4b: {  	_ =	shalt  }
0x4c: {  	_ =	shalt  }
0x4d: {  	_ =	shalt  }
0x4e: {  	_ =	shalt  }
0x4f: {  	_ =	shalt  }
0x50: {  	_ =	shalt  }
0x51: {  	_ =	shalt  }
0x52: {  	_ =	shalt  }
0x53: {  	_ =	shalt  }
0x54: {  	_ =	shalt  }
0x55: {  	_ =	shalt  }
0x56: {  	_ =	shalt  }
0x57: {  	_ =	shalt  }
0x58: {  	_ =	shalt  }
0x59: {  	_ =	shalt  }
0x5a: {  	_ =	shalt  }
0x5b: {  	_ =	shalt  }
0x5c: {  	_ =	shalt  }
0x5d: {  	_ =	shalt  }
0x5e: {  	_ =	shalt  }
0x5f: {  	_ =	shalt  }
0x60: {  	_ =	shalt  }
0x61: {  	_ =	shalt  }
0x62: {  	_ =	shalt  }
0x63: {  	_ =	shalt  }
0x64: {  	_ =	shalt  }
0x65: {  	_ =	shalt  }
0x66: {  	_ =	shalt  }
0x67: {  	_ =	shalt  }
0x68: {  	_ =	shalt  }
0x69: {  	_ =	shalt  }
0x6a: {  	_ =	shalt  }
0x6b: {  	_ =	shalt  }
0x6c: {  	_ =	shalt  }
0x6d: {  	_ =	shalt  }
0x6e: {  	_ =	shalt  }
0x6f: {  	_ =	shalt  }
0x70: {  	_ =	shalt  }
0x71: {  	_ =	shalt  }
0x72: {  	_ =	shalt  }
0x73: {  	_ =	shalt  }
0x74: {  	_ =	shalt  }
0x75: {  	_ =	shalt  }
0x76: {  	_ =	shalt  }
0x77: {  	_ =	shalt  }
0x78: {  	_ =	shalt  }
0x79: {  	_ =	shalt  }
0x7a: {  	_ =	shalt  }
0x7b: {  	_ =	shalt  }
0x7c: {  	_ =	shalt  }
0x7d: {  	_ =	shalt  }
0x7e: {  	_ =	shalt  }
0x7f: {  	_ =	shalt  }
0x80: {  	_ =	shalt  }
0x81: {  	_ =	shalt  }
0x82: {  	_ =	shalt  }
0x83: {  	_ =	shalt  }
0x84: {  	_ =	shalt  }
0x85: {  	_ =	shalt  }
0x86: {  	_ =	shalt  }
0x87: {  	_ =	shalt  }
.Lfunc_end0:
.L_simem_size_0:
called_computation_lowered:
.L_overlay_start_0:
0x88: {  	s2 =	sld [smem:$0x3FD9]  }
0x89: {  	s3 =	sld [smem:$0x3FFE];
	_ =	sdelay $0x1  }
0x8a: {  	s1 =	srdreg.scid  }
0x8b: {  	s0 =	sand.u32 $0x1, s1  }
0x8c: {  	s16 =	sshll.u32 s0, $0xA;
	s2 =	sadd.s32 s3, s2  }
0x8d: {  	s2 =	sadd.s32 s2, s16  }
0x8e: {  	[smem:$0x3FC3] =	sst s2  }
0x8f: {  	_ = 	snop  }
0x90: {  	(tm) =	ssettm $0x1  }
0x91: {  	s17 =	sld [smem:$0x3FFB];
	_ =	sdelay $0x3  }
0x92: {  	_ =	strace s17  }
0x93: {  	s2 =	sld [smem:$0x3FFC];
	_ =	sdelay $0x3  }
0x94: {  	_ =	strace s2  }
0x95: {  	s2 =	sld [smem:$0x3FFD];
	_ =	sdelay $0x3  }
0x96: {  	_ =	strace s2  }
0x97: {  	_ =	strace $0x8FFFFFFF  }
0x98: {  	s18 =	sld [smem:$0x3FDB];
	_ =	sdelay $0x1  }
0x99: {  	s19 =	simm.s32 $_scs_section_size  }
0x9a: {  	s4 =	simm.s32 $_size__tile_overlayer_lowered;
	s5 =	simm.s32 $_tile_overlayer_lowered  }
0x9b: {  	s22 =	simm.s32 $0x1BFF;
	s21 =	sshll.u32 s5, $0x1;
	s2 =	sadd.s32 s19, s18  }
0x9c: {  	s6 =	simm.s32 $0x0;
	s20 =	sshll.u32 s4, $0x1;
	s4 =	sadd.s32 s21, s2  }
0x9d: {  	[timem:s6], [sflag:s22] =	dma.local [hbm:s4], s20  }
0x9e: {  	_ =	swait.ge [sflag:s22], s20  }
0x9f: {  	s3 =	ssub.s32 $0x0, s20;
	[sflag:s22] =	ssyncset.done $0x0  }
0xa0: {  	[sflag:s22] =	ssyncadd.s32 s3;
	_ =	sdelay $0x1  }
0xa1: {  	s23 =	simm.s32 $0x1B8B  }
0xa2: {  	_ =	swait.ge [sflag:s23], $0x1  }
0xa3: {  	[sflag:s23] =	ssyncset.done $0x0  }
0xa4: {  	s25 =	simm.s32 $0x1B8E;
	s24 =	sld [smem:$0x3FFE];
	[sflag:s23] =	ssyncadd.s32 $0xFFFFFFFF  }
0xa5: {  	s26 =	simm.s32 $execute0_lowered;
	[smem:$0x3FD2] =	sst s25  }
0xa6: {  	s4 =	sshll.u32 s26, $0x1;
	_ =	strace $0x80000046;
	[dreg:$0x1] =	wrdreg $0xFFFFFFFF  }
0xa7: {  	s28 =	simm.s32 $_size_execute0_lowered;
	s2 =	sadd.s32 s2, s4;
	[dreg:$0x0] =	wrdreg $0x0  }
0xa8: {  	s4 =	sshll.u32 s28, $0x1;
	[dreg:$0x2] =	wrdreg s2  }
0xa9: {  	[dreg:$0x3] =	wrdreg s4  }
0xaa: {  	[dreg:$0x4] =	wrdreg $0xC0  }
0xab: {  	_ =	task [dreg:s6], $0x5FFFF  }
0xac: {  	[dreg:$0x1] =	wrdreg $0xFFFFFFFF  }
0xad: {  	[dreg:$0x0] =	wrdreg $0x60  }
0xae: {  	[dreg:$0x2] =	wrdreg s24  }
0xaf: {  	[dreg:$0x3] =	wrdreg $0x9  }
0xb0: {  	_ =	task.clear_ibuf [dreg:s6], $0x4FFFF;
	_ =	strace $0x90000046  }
0xb1: {  	s29 =	simm.s32 $0x9;
	_ =	strace $0x80000048  }
0xb2: {  	_ =	swait.ge [sflag:s29], $0x1  }
0xb3: {  	[sflag:s29] =	ssyncadd.s32 $0xFFFFFFFF  }
0xb4: {  	_ =	strace $0x90000048  }
0xb5: {  	_ =	sfence  }
0xb6: {  	s30 =	sld [smem:$0x0];
	_ =	sdelay $0x2  }
0xb7: {  	s31 =	sshll.u32 s1, $0xD;
	s1 =	sshrl.u32 s1, $0x2  }
0xb8: {  	s3 =	sand.u32 $0x4000, s31;
	s1 =	sadd.s32 s1, s30  }
0xb9: {  	s0 =	sor.u32 s3, s0;
	s1 =	sshll.u32 s1, $0x11  }
0xba: {  	s0 =	sor.u32 s1, s0  }
0xbb: {  	s0 =	sadd.s32 $0x8F2B, s0  }
0xbc: {  	[sflag:s0] =	ssyncadd.remote.s32 $0x1  }
0xbd: {  	_ =	sfence.sel $0xFFFF  }
0xbe: {  	[dreg:$0x0] =	wrdreg $0xFFFFFFFF;
	(pc) =	sbr.abs _section_cstart, $3  }
0xbf: {  	[dreg:$0x1] =	wrdreg $0xFFFFFFFF  }
0xc0: {  	_ =	task.clear_ibuf [dreg:s6], $0x2FFFF;
	_ =	strace $0x9FFFFFFF  }
0xc1: {  	(tm) =	ssettm $0x7FFFFFFF  }
tec
execute0_lowered:
.L_overlay_start_1:
0x0: {  	(tag) =	ssettag $0x1  }
0x1: {  	s0 =	rddreg [dreg:$0x0]  }
0x2: {  	s1 =	srdreg.scid;
	s2 =	simm.s32 $0x0;
	s4 =	stileid.u32  }
0x3: {  	s18 =	simm.s32 $0x100;
	s19 =	simm.s32 $0x200;
	s28 =	simm.s32 $0x2  }
0x4: {  	s29 =	simm.s32 $0x1E00;
	s30 =	simm.s32 $0x480;
	s31 =	simm.s32 $0x2A00  }
0x5: {  	s9 =	simm.s32 $0x4;
	s10 =	simm.s32 $0x0;
	s1 =	sand.u32 $0x1, s1  }
0x6: {  	[smem:$0x7FF] =	sst s2;
	s5 =	sadd.s32 $0x2E000, s0;
	s3 =	sshll.u32 s1, $0x4  }
0x7: {  	_ =	strace $0x80000047;
	s1 =	ssub.s32 $0x2, s1;
	s6 =	sor.u32 s4, s3  }
0x8: {  	s3 =	sadd.s32 $0x2C00, s0;
	s20 =	sshrl.u32 s1, $0x1;
	s8 =	smul.u32 $0x1900, s6  }
0x9: {  	s4 =	sadd.s32 $0x1B400, s0;
	s0 =	ssub.s32 s1, s20;
	s20 =	simm.s32 $0x1  }
0xa: {  	s0 =	smax.u32 s0, $0x1;
	s7 =	sshrl.u32 s8, $0x3;
	s13 =	sadd.s32 $0x200, s8  }
0xb: {  	s15 =	sadd.s32 $0x300, s8;
	[dreg:$0x9] =	wrdreg s0;
	s21 =	sadd.s32 s4, s7  }
0xc: {  	s0 =	simm.s32 $0x3;
	s22 =	sadd.s32 $0x6400, s21;
	[dreg:$0x2] =	wrdreg s21  }
0xd: {  	s8 =	simm.s32 $0x5;
	s23 =	sadd.s32 $0xC800, s21;
	[dreg:$0x3] =	wrdreg s22  }
0xe: {  	s7 =	smul.u32 $0xC800, s6;
	s24 =	sadd.s32 $0x20, s21;
	[dreg:$0x4] =	wrdreg s23  }
0xf: {  	v0 =	vlaneseq.u32;
	s25 =	sadd.s32 $0x6420, s21;
	s1 =	sadd.s32 $0xC820, s21;
	[dreg:$0x5] =	wrdreg s24  }
0x10: {  	v0 =	vmul.u32 $0x8, v0;
	s21 =	simm.s32 $0x180;
	[dreg:$0x6] =	wrdreg s25;
	s26 =	sshrl.u32 s7, $0x3  }
0x11: {  	[dreg:$0x7] =	wrdreg s1;
	s14 =	sadd.s32 $0x800, s7;
	s1 =	sadd.s32 s5, s26  }
0x12: {  	v1 =	vor.u32 $0x1, v0;
	v2 =	vor.u32 $0x2, v0;
	s22 =	simm.s32 $0x600;
	s23 =	simm.s32 $0x1200;
	s1 =	sadd.s32 $0x1800, s1  }
0x13: {  	v3 =	vor.u32 $0x3, v0;
	v4 =	vor.u32 $0x4, v0;
	v5 =	vor.u32 $0x5, v0;
	s24 =	simm.s32 $0x300;
	[dreg:$0x8] =	wrdreg s1;
	s1 =	simm.s32 $0x3600  }
.LBB2_1:
0x14: {  	[dreg:$0xa] =	wrdreg s10  }
0x15: {  	s6 =	rddreg [dreg:$0x2]  }
0x16: {  	[tilespmem:s2], [sflag:$0x1] =	stream.linear.gather [hbm4b:s6+s2], $0x100, $0x38;
	[tilespmem:$0x3E00] =	vst v63  }
0x17: {  	s10 =	rddreg [dreg:$0x3]  }
0x18: {  	[tilespmem:s18], [sflag:$0x1] =	stream.linear.gather [hbm4b:s10+s2], $0x100, $0x38;
	[tilespmem:$0x3E00] =	vst v63  }
0x19: {  	s11 =	rddreg [dreg:$0x4]  }
0x1a: {  	[tilespmem:s19], [sflag:$0x1] =	stream.linear.gather [hbm4b:s11+s2], $0x100, $0x38;
	[tilespmem:$0x3E00] =	vst v63  }
0x1b: {  	_ =	swait.ge [sflag:s20], $0x300  }
0x1c: {  	[sflag:s20] =	ssyncset.done $0x0  }
0x1d: {  	[sflag:s20] =	ssyncadd.s32 $0xFFFFFD00  }
0x1e: {  	[tilespmem:s22], [sflag:$0x3] =	stream.indirect.gather [hbm4b:s3+s21], $0x8, s2, s21, $0xb8;
	[tilespmem:$0x3E00] =	vst v63  }
0x1f: {  	_ = 	snop  }
0x20: {  	[tilespmem:s23], [sflag:$0x3] =	stream.indirect.gather [hbm4b:s3+s21], $0x8, s21, s21, $0xb8;
	[tilespmem:$0x3E00] =	vst v63  }
0x21: {  	s12 =	rddreg [dreg:$0x5]  }
0x22: {  	[tilespmem:s24], [sflag:$0x2] =	stream.linear.gather [hbm4b:s12+s2], $0x100, $0x38;
	[tilespmem:$0x3E00] =	vst v63  }
0x23: {  	s17 =	simm.s32 $0x400;
	s16 =	rddreg [dreg:$0x6]  }
0x24: {  	[tilespmem:s17], [sflag:$0x2] =	stream.linear.gather [hbm4b:s16+s2], $0x100, $0x38;
	[tilespmem:$0x3E00] =	vst v63  }
0x25: {  	s26 =	simm.s32 $0x500;
	s11 =	simm.s32 $0x0;
	s25 =	rddreg [dreg:$0x7]  }
0x26: {  	[tilespmem:s26], [sflag:$0x2] =	stream.linear.gather [hbm4b:s25+s2], $0x100, $0x38;
	[tilespmem:$0x3E00] =	vst v63  }
.LBB2_2:
0x27: {  	_ =	swait.ge [sflag:s28], $0x300  }
0x28: {  	s6 =	simm.s32 $0x100;
	[sflag:s28] =	ssyncset.done $0x0  }
0x29: {  	s12 =	simm.s32 $0x0;
	s26 =	simm.s32 $0x200;
	v6 =	vmov s6;
	[sflag:s28] =	ssyncadd.s32 $0xFFFFFD00  }
0x2a: {  	v7 =	vmov s12;
	v6 =	vshll.u32 v6, $0x3;
	[tilespmem:s29], [sflag:$0x4] =	stream.indirect.gather [hbm4b:s3+s21], $0x8, s24, s21, $0xb8;
	[tilespmem:$0x3E00] =	vst v63  }
0x2b: {  	v8 =	vmov s26;
	v7 =	vshll.u32 v7, $0x3;
	v6 =	vor.u32 v0, v6  }
0x2c: {  	v8 =	vshll.u32 v8, $0x3;
	v7 =	vor.u32 v0, v7;
	[tilespmem:s31], [sflag:$0x4] =	stream.indirect.gather [hbm4b:s3+s21], $0x8, s30, s21, $0xb8;
	[tilespmem:$0x3E00] =	vst v63  }
0x2d: {  	v8 =	vor.u32 v0, v8;
	_ =	swait.ge [sflag:s0], $0x1800  }
0x2e: {  	v9 =	vor.u32 $0x1, v6;
	[sflag:s0] =	ssyncset.done $0x0  }
0x2f: {  	v10 =	vor.u32 $0x2, v7;
	[sflag:s0] =	ssyncadd.s32 $0xFFFFE800  }
0x30: {  	v11 =	vor.u32 $0x2, v8;
	v12 =	vld.idx.msk [tilespmem:v6+s22+$0x0], $0xffff  }
0x31: {  	v6 =	vor.u32 $0x2, v6;
	v13 =	vld.idx.msk [tilespmem:v7+s22+$0x0], $0xffff  }
0x32: {  	v7 =	vor.u32 $0x1, v7;
	v14 =	vld.idx.msk [tilespmem:v8+s22+$0x0], $0xffff  }
0x33: {  	v8 =	vor.u32 $0x1, v8;
	v9 =	vld.idx.msk [tilespmem:v9+s22+$0x0], $0xffff  }
0x34: {  	v10 =	vld.idx.msk [tilespmem:v10+s22+$0x0], $0xffff  }
0x35: {  	v15 =	vld.idx.msk [tilespmem:v11+s22+$0x0], $0xffff  }
0x36: {  	v11 =	vld.idx.msk [tilespmem:v6+s22+$0x0], $0xffff  }
0x37: {  	v16 =	vld.idx.msk [tilespmem:v7+s22+$0x0], $0xffff  }
0x38: {  	v17 =	vld.idx.msk [tilespmem:v8+s22+$0x0], $0xffff;
	_ =	sdelay $0x2  }
0x39: {  	v18 =	vor.u32 s12, v2;
	v7 =	vsub.f32 v15, v10;
	v19 =	vsub.f32 v12, v13  }
0x3a: {  	v21 =	vor.u32 s12, v3;
	v20 =	vsub.f32 v14, v13;
	v8 =	vsub.f32 v11, v10  }
0x3b: {  	v28 =	vor.u32 s12, v1;
	v22 =	vsub.f32 v9, v16;
	v23 =	vsub.f32 v17, v16  }
0x3c: {  	v44 =	vor.u32 s12, v0;
	v26 =	vmul.f32 v7, v19;
	v25 =	vmul.f32 v20, v8  }
0x3d: {  	v6 =	vshrl.u32 v12, $0x10;
	v7 =	vmul.f32 v7, v22;
	v8 =	vmul.f32 v23, v8  }
0x3e: {  	v24 =	vshrl.u32 v13, $0x10;
	v27 =	vand.u32 $0x1, v6;
	v19 =	vmul.f32 v23, v19  }
0x3f: {  	v6 =	vsub.f32 v25, v26;
	v7 =	vsub.f32 v7, v8;
	v8 =	vmul.f32 v20, v22  }
0x40: {  	v47 =	vshrl.u32 v9, $0x10;
	v48 =	vshrl.u32 v14, $0x10;
	v50 =	vshrl.u32 v10, $0x10  }
0x41: {  	v45 =	vmul.f32 v7, v7;
	v46 =	vmul.f32 v6, v6;
	v8 =	vsub.f32 v19, v8  }
0x42: {  	v24 =	vand.u32 $0x1, v24;
	v51 =	vand.u32 $0x1, v50;
	v12 =	vadd.s32 v27, v12  }
0x43: {  	v13 =	vadd.s32 v24, v13;
	v22 =	vadd.f32 v46, v45;
	v49 =	vmul.f32 v8, v8  }
0x44: {  	v24 =	vand.u32 $0x1, v48;
	v54 =	vadd.s32 v51, v10;
	v13 =	vadd.s32 $0x7FFF, v13  }
0x45: {  	v14 =	vadd.s32 v24, v14;
	v12 =	vadd.s32 $0x7FFF, v12;
	v52 =	vadd.f32 v22, v49  }
0x46: {  	v13 =	vand.u32 $0xFFFF0000, v13;
	v14 =	vadd.s32 $0x7FFF, v14;
	v12 =	vshrl.u32 v12, $0x10  }
0x47: {  	v53 =	vshrl.u32 v11, $0x10;
	v19 =	vand.u32 $0x1, v47;
	v10 =	vmax.f32 v52, $1.000000020e-24  }
0x48: {  	v9 =	vadd.s32 v19, v9;
	v19 =	vshra.s32 v10, $0x1;
	v10 =	vmul.f32 $5.000000000e-01, v10  }
0x49: {  	v55 =	vshrl.u32 v17, $0x10;
	v56 =	vshrl.u32 v16, $0x10;
	v19 =	vsub.s32 $0x5F3759DF, v19  }
0x4a: {  	v58 =	vand.u32 $0x1, v55;
	v23 =	vadd.s32 $0x7FFF, v54;
	v57 =	vmul.f32 v19, v10  }
0x4b: {  	v14 =	vand.u32 $0xFFFF0000, v14;
	v17 =	vadd.s32 v58, v17;
	v60 =	vand.u32 $0xFFFF0000, v23  }
0x4c: {  	v63 =	vadd.s32 $0x7FFF, v17;
	v25 =	vand.u32 $0x1, v56;
	v59 =	vmul.f32 v19, v57  }
0x4d: {  	v12 =	vor.u32 v60, v12;
	v16 =	vadd.s32 v25, v16;
	v22 =	vand.u32 $0x1, v53  }
0x4e: {  	v16 =	vadd.s32 $0x7FFF, v16;
	v11 =	vadd.s32 v22, v11;
	v61 =	vsub.f32 $1.500000000e+00, v59  }
0x4f: {  	v16 =	vshrl.u32 v16, $0x10;
	v9 =	vadd.s32 $0x7FFF, v9;
	v11 =	vadd.s32 $0x7FFF, v11  }
0x50: {  	v13 =	vor.u32 v13, v16;
	v62 =	vshrl.u32 v11, $0x10;
	v11 =	vmul.f32 v19, v61  }
0x51: {  	v16 =	vshrl.u32 v63, $0x10;
	v9 =	vand.u32 $0xFFFF0000, v9;
	[tilespmem:v44+s1+$0x0] =	vst.idx.msk $0xffff, v13;
	v13 =	vshrl.u32 v15, $0x10  }
0x52: {  	[tilespmem:v28+s1+$0x0] =	vst.idx.msk $0xffff, v12;
	v12 =	vand.u32 $0x1, v13;
	v9 =	vor.u32 v9, v62;
	v13 =	vmul.f32 v11, v10  }
0x53: {  	v14 =	vor.u32 v14, v16;
	[tilespmem:v18+s1+$0x0] =	vst.idx.msk $0xffff, v9;
	v9 =	vadd.s32 v12, v15  }
0x54: {  	s16 =	simm.s32 $0x0;
	s6 =	simm.s32 $0x10;
	[tilespmem:v21+s1+$0x0] =	vst.idx.msk $0xffff, v14;
	v9 =	vadd.s32 $0x7FFF, v9;
	v12 =	vmul.f32 v13, v11  }
.LBB2_3:
0x55: {  	p0 =	sne.s32 s6, $0xF0  }
0x56: {  	s12 =	sadd.s32 $0x80, s12;
	s10 =	smov.u32 s6;
	s6 =	sadd.s32 $0x10, s6;
	v12 =	vsub.f32 $1.500000000e+00, v12  }
0x57: {  	v13 =	vmov s10;
	s17 =	sadd.s32 $0x100, s10;
	s10 =	sadd.s32 $0x200, s10  }
0x58: {  	v14 =	vmov s17;
	v15 =	vmov s10;
	v11 =	vmul.f32 v12, v11  }
0x59: {  	v12 =	vshll.u32 v14, $0x3;
	v14 =	vshll.u32 v15, $0x3  }
0x5a: {  	v12 =	vor.u32 v0, v12;
	v14 =	vor.u32 v0, v14;
	v10 =	vmul.f32 v11, v10  }
0x5b: {  	v15 =	vor.u32 $0x1, v12;
	v16 =	vor.u32 $0x1, v14  }
0x5c: {  	v13 =	vshll.u32 v13, $0x3;
	v17 =	vor.u32 $0x2, v12;
	v10 =	vmul.f32 v10, v11  }
0x5d: {  	v13 =	vor.u32 v0, v13;
	v18 =	vor.u32 $0x2, v14  }
0x5e: {  	v19 =	vor.u32 $0x1, v13;
	v20 =	vor.u32 $0x2, v13;
	v10 =	vsub.f32 $1.500000000e+00, v10;
	_ =	sdelay $0x1  }
0x5f: {  	v10 =	vmul.f32 v10, v11;
	_ =	sdelay $0x1  }
0x60: {  	v7 =	vmul.f32 v10, v7;
	v6 =	vmul.f32 v10, v6  }
0x61: {  	v8 =	vmul.f32 v10, v8;
	v10 =	vor.u32 s16, v5  }
0x62: {  	v22 =	vor.u32 s16, v4;
	s16 =	smov.u32 s12;
	v11 =	vshrl.u32 v7, $0x10;
	v21 =	vshrl.u32 v6, $0x10  }
0x63: {  	v23 =	vshrl.u32 v8, $0x10;
	v11 =	vand.u32 $0x1, v11;
	v21 =	vand.u32 $0x1, v21  }
0x64: {  	v7 =	vadd.s32 v11, v7;
	v6 =	vadd.s32 v21, v6;
	v11 =	vand.u32 $0x1, v23  }
0x65: {  	v7 =	vadd.s32 $0x7FFF, v7;
	v6 =	vadd.s32 $0x7FFF, v6;
	v8 =	vadd.s32 v11, v8  }
0x66: {  	v9 =	vand.u32 $0xFFFF0000, v9;
	v7 =	vshrl.u32 v7, $0x10;
	v8 =	vadd.s32 $0x7FFF, v8  }
0x67: {  	v6 =	vand.u32 $0xFFFF0000, v6;
	v7 =	vor.u32 v9, v7;
	v8 =	vshrl.u32 v8, $0x10  }
0x68: {  	v6 =	vor.u32 v8, v6;
	[tilespmem:v22+s1+$0x0] =	vst.idx.msk $0xffff, v7  }
0x69: {  	[tilespmem:v10+s1+$0x0] =	vst.idx.msk $0xffff, v6  }
0x6a: {  	v6 =	vld.idx.msk [tilespmem:v12+s22+$0x0], $0xffff  }
0x6b: {  	v7 =	vld.idx.msk [tilespmem:v13+s22+$0x0], $0xffff  }
0x6c: {  	v8 =	vld.idx.msk [tilespmem:v14+s22+$0x0], $0xffff  }
0x6d: {  	v9 =	vld.idx.msk [tilespmem:v15+s22+$0x0], $0xffff  }
0x6e: {  	v10 =	vld.idx.msk [tilespmem:v20+s22+$0x0], $0xffff  }
0x6f: {  	v11 =	vld.idx.msk [tilespmem:v18+s22+$0x0], $0xffff  }
0x70: {  	v14 =	vor.u32 s12, v2;
	v15 =	vor.u32 s12, v3;
	v13 =	vshrl.u32 v6, $0x10;
	v12 =	vld.idx.msk [tilespmem:v17+s22+$0x0], $0xffff  }
0x71: {  	v18 =	vshrl.u32 v7, $0x10;
	v13 =	vand.u32 $0x1, v13;
	v17 =	vld.idx.msk [tilespmem:v19+s22+$0x0], $0xffff;
	v19 =	vor.u32 s12, v1  }
0x72: {  	v20 =	vor.u32 s12, v0;
	v18 =	vand.u32 $0x1, v18;
	v13 =	vadd.s32 v13, v6;
	v16 =	vld.idx.msk [tilespmem:v16+s22+$0x0], $0xffff  }
0x73: {  	v22 =	vshrl.u32 v8, $0x10;
	v18 =	vadd.s32 v18, v7;
	v21 =	vshrl.u32 v9, $0x10  }
0x74: {  	v22 =	vand.u32 $0x1, v22;
	v18 =	vadd.s32 $0x7FFF, v18;
	v21 =	vand.u32 $0x1, v21  }
0x75: {  	v24 =	vshrl.u32 v10, $0x10;
	v22 =	vadd.s32 v22, v8;
	v23 =	vsub.f32 v11, v10  }
0x76: {  	v24 =	vand.u32 $0x1, v24;
	v25 =	vsub.f32 v12, v10;
	v26 =	vshrl.u32 v12, $0x10  }
0x77: {  	v27 =	vsub.f32 v6, v7;
	v8 =	vsub.f32 v8, v7;
	v6 =	vadd.s32 v21, v9  }
0x78: {  	v21 =	vadd.s32 $0x7FFF, v6;
	v9 =	vsub.f32 v9, v17;
	v7 =	vsub.f32 v16, v17  }
0x79: {  	v10 =	vadd.s32 v24, v10;
	v28 =	vmul.f32 v23, v27;
	v6 =	vmul.f32 v8, v25  }
0x7a: {  	v23 =	vmul.f32 v23, v9;
	v24 =	vmul.f32 v7, v25;
	v25 =	vshrl.u32 v16, $0x10  }
0x7b: {  	v6 =	vsub.f32 v6, v28;
	v27 =	vmul.f32 v7, v27;
	v28 =	vshrl.u32 v17, $0x10  }
0x7c: {  	v13 =	vadd.s32 $0x7FFF, v13;
	v18 =	vand.u32 $0xFFFF0000, v18;
	v7 =	vsub.f32 v23, v24  }
0x7d: {  	v8 =	vmul.f32 v8, v9;
	v9 =	vand.u32 $0x1, v28;
	v23 =	vand.u32 $0x1, v26  }
0x7e: {  	v26 =	vmul.f32 v6, v6;
	v9 =	vadd.s32 v9, v17;
	v24 =	vmul.f32 v7, v7  }
0x7f: {  	v8 =	vsub.f32 v27, v8;
	v9 =	vadd.s32 $0x7FFF, v9;
	v12 =	vadd.s32 v23, v12  }
0x80: {  	v22 =	vadd.s32 $0x7FFF, v22;
	v23 =	vand.u32 $0x1, v25;
	v17 =	vadd.f32 v26, v24  }
0x81: {  	v10 =	vadd.s32 $0x7FFF, v10;
	v16 =	vadd.s32 v23, v16;
	v24 =	vmul.f32 v8, v8  }
0x82: {  	v22 =	vand.u32 $0xFFFF0000, v22;
	v10 =	vand.u32 $0xFFFF0000, v10;
	v9 =	vshrl.u32 v9, $0x10  }
0x83: {  	v13 =	vshrl.u32 v13, $0x10;
	v12 =	vadd.s32 $0x7FFF, v12;
	v17 =	vadd.f32 v17, v24  }
0x84: {  	v13 =	vor.u32 v10, v13;
	v10 =	vand.u32 $0xFFFF0000, v21;
	v12 =	vshrl.u32 v12, $0x10  }
0x85: {  	v9 =	vor.u32 v18, v9;
	v12 =	vor.u32 v10, v12;
	v17 =	vmax.f32 v17, $1.000000020e-24  }
0x86: {  	v16 =	vadd.s32 $0x7FFF, v16;
	v18 =	vshra.s32 v17, $0x1;
	v10 =	vmul.f32 $5.000000000e-01, v17;
	[tilespmem:v20+s1+$0x0] =	vst.idx.msk $0xffff, v9  }
0x87: {  	v17 =	vsub.s32 $0x5F3759DF, v18;
	v9 =	vshrl.u32 v16, $0x10;
	v16 =	vshrl.u32 v11, $0x10;
	[tilespmem:v19+s1+$0x0] =	vst.idx.msk $0xffff, v13  }
0x88: {  	v13 =	vmul.f32 v17, v10;
	v9 =	vor.u32 v22, v9;
	v16 =	vand.u32 $0x1, v16;
	[tilespmem:v14+s1+$0x0] =	vst.idx.msk $0xffff, v12  }
0x89: {  	v11 =	vadd.s32 v16, v11;
	[tilespmem:v15+s1+$0x0] =	vst.idx.msk $0xffff, v9  }
0x8a: {  	v12 =	vmul.f32 v17, v13;
	v9 =	vadd.s32 $0x7FFF, v11;
	_ =	sdelay $0x1  }
0x8b: {  	v11 =	vsub.f32 $1.500000000e+00, v12;
	_ =	sdelay $0x1  }
.Ltmp0:
0x8c: {  	v11 =	vmul.f32 v17, v11;
	(pc) =	sbr.rel @p0 .LBB2_3-.Ltmp0, $3  }
0x8d: {  	_ = 	snop  }
0x8e: {  	v12 =	vmul.f32 v11, v10;
	_ =	sdelay $0x1  }
0x8f: {  	v12 =	vmul.f32 v12, v11  }
0x90: {  	_ = 	snop  }
0x91: {  	v12 =	vsub.f32 $1.500000000e+00, v12;
	_ =	sdelay $0x1  }
0x92: {  	v11 =	vmul.f32 v12, v11;
	_ =	sdelay $0x1  }
0x93: {  	v10 =	vmul.f32 v11, v10;
	_ =	sdelay $0x1  }
0x94: {  	v10 =	vmul.f32 v10, v11;
	_ =	sdelay $0x1  }
0x95: {  	v10 =	vsub.f32 $1.500000000e+00, v10;
	_ =	sdelay $0x1  }
0x96: {  	v10 =	vmul.f32 v10, v11;
	_ =	sdelay $0x1  }
0x97: {  	v7 =	vmul.f32 v10, v7  }
0x98: {  	v13 =	vor.u32 s16, v4;
	v6 =	vmul.f32 v10, v6;
	v8 =	vmul.f32 v10, v8  }
0x99: {  	v9 =	vand.u32 $0xFFFF0000, v9;
	v10 =	vor.u32 s16, v5;
	v11 =	vshrl.u32 v7, $0x10  }
0x9a: {  	v12 =	vshrl.u32 v6, $0x10;
	v14 =	vshrl.u32 v8, $0x10;
	v11 =	vand.u32 $0x1, v11  }
0x9b: {  	v12 =	vand.u32 $0x1, v12;
	v7 =	vadd.s32 v11, v7;
	v11 =	vand.u32 $0x1, v14  }
0x9c: {  	v6 =	vadd.s32 v12, v6;
	v7 =	vadd.s32 $0x7FFF, v7;
	v8 =	vadd.s32 v11, v8  }
0x9d: {  	s16 =	sshll.u32 s11, $0xC;
	v6 =	vadd.s32 $0x7FFF, v6;
	v7 =	vshrl.u32 v7, $0x10;
	v8 =	vadd.s32 $0x7FFF, v8  }
0x9e: {  	s6 =	sadd.s32 s7, s16;
	v6 =	vand.u32 $0xFFFF0000, v6;
	v7 =	vor.u32 v9, v7;
	v8 =	vshrl.u32 v8, $0x10  }
0x9f: {  	s6 =	sshrl.u32 s6, $0x3;
	v6 =	vor.u32 v8, v6;
	[tilespmem:v13+s1+$0x0] =	vst.idx.msk $0xffff, v7  }
0xa0: {  	s17 =	simm.s32 $0x0;
	s12 =	sshll.u32 s11, $0x9;
	s6 =	sadd.s32 s5, s6;
	[tilespmem:v10+s1+$0x0] =	vst.idx.msk $0xffff, v6  }
0xa1: {  	[hbm4b:s6+s17] =	stream.linear.scatter [tilespmem:s1], [sflag:$0x5], $0x800, $0x38;
	[tilespmem:$0x3E00] =	vst v63  }
0xa2: {  	s10 =	sadd.s32 s12, s13;
	_ =	swait.ge [sflag:s8], $0x800  }
0xa3: {  	s6 =	sshrl.u32 s10, $0x3;
	[sflag:s8] =	ssyncset.done $0x0  }
0xa4: {  	s6 =	sadd.s32 s4, s6;
	[sflag:s8] =	ssyncadd.s32 $0xFFFFF800  }
0xa5: {  	[tilespmem:s17], [sflag:$0x1] =	stream.linear.gather [hbm4b:s6+s17], $0x100, $0x38;
	[tilespmem:$0x3E00] =	vst v63  }
0xa6: {  	s10 =	sadd.s32 $0x6400, s6  }
0xa7: {  	[tilespmem:s18], [sflag:$0x1] =	stream.linear.gather [hbm4b:s10+s17], $0x100, $0x38;
	[tilespmem:$0x3E00] =	vst v63  }
0xa8: {  	s6 =	sadd.s32 $0xC800, s6  }
0xa9: {  	[tilespmem:s19], [sflag:$0x1] =	stream.linear.gather [hbm4b:s6+s17], $0x100, $0x38;
	[tilespmem:$0x3E00] =	vst v63  }
0xaa: {  	_ =	swait.ge [sflag:s20], $0x300  }
0xab: {  	s25 =	simm.s32 $0x100;
	[sflag:s20] =	ssyncset.done $0x0  }
0xac: {  	s26 =	simm.s32 $0x200;
	v6 =	vmov s25;
	[sflag:s20] =	ssyncadd.s32 $0xFFFFFD00  }
0xad: {  	v7 =	vmov s17;
	v6 =	vshll.u32 v6, $0x3;
	[tilespmem:s22], [sflag:$0x3] =	stream.indirect.gather [hbm4b:s3+s21], $0x8, s17, s21, $0xb8;
	[tilespmem:$0x3E00] =	vst v63  }
0xae: {  	v8 =	vmov s26;
	v7 =	vshll.u32 v7, $0x3;
	v6 =	vor.u32 v0, v6  }
0xaf: {  	v8 =	vshll.u32 v8, $0x3;
	v7 =	vor.u32 v0, v7;
	[tilespmem:s23], [sflag:$0x3] =	stream.indirect.gather [hbm4b:s3+s21], $0x8, s21, s21, $0xb8;
	[tilespmem:$0x3E00] =	vst v63  }
0xb0: {  	v8 =	vor.u32 v0, v8;
	_ =	swait.ge [sflag:s9], $0x1800  }
0xb1: {  	v9 =	vor.u32 $0x1, v6;
	[sflag:s9] =	ssyncset.done $0x0  }
0xb2: {  	v10 =	vor.u32 $0x2, v7;
	[sflag:s9] =	ssyncadd.s32 $0xFFFFE800  }
0xb3: {  	v11 =	vor.u32 $0x2, v8;
	v12 =	vld.idx.msk [tilespmem:v6+s29+$0x0], $0xffff  }
0xb4: {  	v6 =	vor.u32 $0x2, v6;
	v13 =	vld.idx.msk [tilespmem:v7+s29+$0x0], $0xffff  }
0xb5: {  	v7 =	vor.u32 $0x1, v7;
	v14 =	vld.idx.msk [tilespmem:v8+s29+$0x0], $0xffff  }
0xb6: {  	v8 =	vor.u32 $0x1, v8;
	v9 =	vld.idx.msk [tilespmem:v9+s29+$0x0], $0xffff  }
0xb7: {  	v10 =	vld.idx.msk [tilespmem:v10+s29+$0x0], $0xffff  }
0xb8: {  	v15 =	vld.idx.msk [tilespmem:v11+s29+$0x0], $0xffff  }
0xb9: {  	v11 =	vld.idx.msk [tilespmem:v6+s29+$0x0], $0xffff  }
0xba: {  	v16 =	vld.idx.msk [tilespmem:v7+s29+$0x0], $0xffff  }
0xbb: {  	v17 =	vld.idx.msk [tilespmem:v8+s29+$0x0], $0xffff;
	_ =	sdelay $0x2  }
0xbc: {  	v18 =	vor.u32 s17, v2;
	v7 =	vsub.f32 v15, v10;
	v19 =	vsub.f32 v12, v13  }
0xbd: {  	v21 =	vor.u32 s17, v3;
	v20 =	vsub.f32 v14, v13;
	v8 =	vsub.f32 v11, v10  }
0xbe: {  	v28 =	vor.u32 s17, v1;
	v22 =	vsub.f32 v9, v16;
	v23 =	vsub.f32 v17, v16  }
0xbf: {  	v44 =	vor.u32 s17, v0;
	v26 =	vmul.f32 v7, v19;
	v25 =	vmul.f32 v20, v8  }
0xc0: {  	v6 =	vshrl.u32 v12, $0x10;
	v7 =	vmul.f32 v7, v22;
	v8 =	vmul.f32 v23, v8  }
0xc1: {  	v24 =	vshrl.u32 v13, $0x10;
	v27 =	vand.u32 $0x1, v6;
	v19 =	vmul.f32 v23, v19  }
0xc2: {  	v6 =	vsub.f32 v25, v26;
	v7 =	vsub.f32 v7, v8;
	v8 =	vmul.f32 v20, v22  }
0xc3: {  	v47 =	vshrl.u32 v9, $0x10;
	v48 =	vshrl.u32 v14, $0x10;
	v50 =	vshrl.u32 v10, $0x10  }
0xc4: {  	v45 =	vmul.f32 v7, v7;
	v46 =	vmul.f32 v6, v6;
	v8 =	vsub.f32 v19, v8  }
0xc5: {  	v24 =	vand.u32 $0x1, v24;
	v51 =	vand.u32 $0x1, v50;
	v12 =	vadd.s32 v27, v12  }
0xc6: {  	v13 =	vadd.s32 v24, v13;
	v22 =	vadd.f32 v46, v45;
	v49 =	vmul.f32 v8, v8  }
0xc7: {  	v24 =	vand.u32 $0x1, v48;
	v54 =	vadd.s32 v51, v10;
	v13 =	vadd.s32 $0x7FFF, v13  }
0xc8: {  	v14 =	vadd.s32 v24, v14;
	v12 =	vadd.s32 $0x7FFF, v12;
	v52 =	vadd.f32 v22, v49  }
0xc9: {  	v13 =	vand.u32 $0xFFFF0000, v13;
	v14 =	vadd.s32 $0x7FFF, v14;
	v12 =	vshrl.u32 v12, $0x10  }
0xca: {  	v53 =	vshrl.u32 v11, $0x10;
	v19 =	vand.u32 $0x1, v47;
	v10 =	vmax.f32 v52, $1.000000020e-24  }
0xcb: {  	v9 =	vadd.s32 v19, v9;
	v19 =	vshra.s32 v10, $0x1;
	v10 =	vmul.f32 $5.000000000e-01, v10  }
0xcc: {  	v55 =	vshrl.u32 v17, $0x10;
	v56 =	vshrl.u32 v16, $0x10;
	v19 =	vsub.s32 $0x5F3759DF, v19  }
0xcd: {  	v58 =	vand.u32 $0x1, v55;
	v23 =	vadd.s32 $0x7FFF, v54;
	v57 =	vmul.f32 v19, v10  }
0xce: {  	v14 =	vand.u32 $0xFFFF0000, v14;
	v17 =	vadd.s32 v58, v17;
	v60 =	vand.u32 $0xFFFF0000, v23  }
0xcf: {  	v63 =	vadd.s32 $0x7FFF, v17;
	v25 =	vand.u32 $0x1, v56;
	v59 =	vmul.f32 v19, v57  }
0xd0: {  	v12 =	vor.u32 v60, v12;
	v16 =	vadd.s32 v25, v16;
	v22 =	vand.u32 $0x1, v53  }
0xd1: {  	v16 =	vadd.s32 $0x7FFF, v16;
	v11 =	vadd.s32 v22, v11;
	v61 =	vsub.f32 $1.500000000e+00, v59  }
0xd2: {  	v16 =	vshrl.u32 v16, $0x10;
	v9 =	vadd.s32 $0x7FFF, v9;
	v11 =	vadd.s32 $0x7FFF, v11  }
0xd3: {  	v13 =	vor.u32 v13, v16;
	v62 =	vshrl.u32 v11, $0x10;
	v11 =	vmul.f32 v19, v61  }
0xd4: {  	v16 =	vshrl.u32 v63, $0x10;
	v9 =	vand.u32 $0xFFFF0000, v9;
	[tilespmem:v44+s1+$0x0] =	vst.idx.msk $0xffff, v13;
	v13 =	vshrl.u32 v15, $0x10  }
0xd5: {  	[tilespmem:v28+s1+$0x0] =	vst.idx.msk $0xffff, v12;
	v12 =	vand.u32 $0x1, v13;
	v9 =	vor.u32 v9, v62;
	v13 =	vmul.f32 v11, v10  }
0xd6: {  	v14 =	vor.u32 v14, v16;
	[tilespmem:v18+s1+$0x0] =	vst.idx.msk $0xffff, v9;
	v9 =	vadd.s32 v12, v15  }
0xd7: {  	s10 =	simm.s32 $0x10;
	s6 =	simm.s32 $0x0;
	[tilespmem:v21+s1+$0x0] =	vst.idx.msk $0xffff, v14;
	v9 =	vadd.s32 $0x7FFF, v9;
	v12 =	vmul.f32 v13, v11  }
.LBB2_5:
0xd8: {  	p0 =	sne.s32 s10, $0xF0  }
0xd9: {  	s17 =	sadd.s32 $0x80, s17;
	s25 =	smov.u32 s10;
	s10 =	sadd.s32 $0x10, s10;
	v12 =	vsub.f32 $1.500000000e+00, v12  }
0xda: {  	v13 =	vmov s25;
	s26 =	sadd.s32 $0x100, s25;
	s25 =	sadd.s32 $0x200, s25  }
0xdb: {  	v14 =	vmov s26;
	v15 =	vmov s25;
	v11 =	vmul.f32 v12, v11  }
0xdc: {  	v12 =	vshll.u32 v14, $0x3;
	v14 =	vshll.u32 v15, $0x3  }
0xdd: {  	v12 =	vor.u32 v0, v12;
	v14 =	vor.u32 v0, v14;
	v10 =	vmul.f32 v11, v10  }
0xde: {  	v15 =	vor.u32 $0x1, v12;
	v16 =	vor.u32 $0x1, v14  }
0xdf: {  	v13 =	vshll.u32 v13, $0x3;
	v17 =	vor.u32 $0x2, v12;
	v10 =	vmul.f32 v10, v11  }
0xe0: {  	v13 =	vor.u32 v0, v13;
	v18 =	vor.u32 $0x2, v14  }
0xe1: {  	v19 =	vor.u32 $0x1, v13;
	v20 =	vor.u32 $0x2, v13;
	v10 =	vsub.f32 $1.500000000e+00, v10;
	_ =	sdelay $0x1  }
0xe2: {  	v10 =	vmul.f32 v10, v11;
	_ =	sdelay $0x1  }
0xe3: {  	v7 =	vmul.f32 v10, v7;
	v6 =	vmul.f32 v10, v6  }
0xe4: {  	v8 =	vmul.f32 v10, v8;
	v10 =	vor.u32 s6, v5  }
0xe5: {  	v22 =	vor.u32 s6, v4;
	s6 =	smov.u32 s17;
	v11 =	vshrl.u32 v7, $0x10;
	v21 =	vshrl.u32 v6, $0x10  }
0xe6: {  	v23 =	vshrl.u32 v8, $0x10;
	v11 =	vand.u32 $0x1, v11;
	v21 =	vand.u32 $0x1, v21  }
0xe7: {  	v7 =	vadd.s32 v11, v7;
	v6 =	vadd.s32 v21, v6;
	v11 =	vand.u32 $0x1, v23  }
0xe8: {  	v7 =	vadd.s32 $0x7FFF, v7;
	v6 =	vadd.s32 $0x7FFF, v6;
	v8 =	vadd.s32 v11, v8  }
0xe9: {  	v9 =	vand.u32 $0xFFFF0000, v9;
	v7 =	vshrl.u32 v7, $0x10;
	v8 =	vadd.s32 $0x7FFF, v8  }
0xea: {  	v6 =	vand.u32 $0xFFFF0000, v6;
	v7 =	vor.u32 v9, v7;
	v8 =	vshrl.u32 v8, $0x10  }
0xeb: {  	v6 =	vor.u32 v8, v6;
	[tilespmem:v22+s1+$0x0] =	vst.idx.msk $0xffff, v7  }
0xec: {  	[tilespmem:v10+s1+$0x0] =	vst.idx.msk $0xffff, v6  }
0xed: {  	v6 =	vld.idx.msk [tilespmem:v12+s29+$0x0], $0xffff  }
0xee: {  	v7 =	vld.idx.msk [tilespmem:v13+s29+$0x0], $0xffff  }
0xef: {  	v8 =	vld.idx.msk [tilespmem:v14+s29+$0x0], $0xffff  }
0xf0: {  	v9 =	vld.idx.msk [tilespmem:v15+s29+$0x0], $0xffff  }
0xf1: {  	v10 =	vld.idx.msk [tilespmem:v20+s29+$0x0], $0xffff  }
0xf2: {  	v11 =	vld.idx.msk [tilespmem:v18+s29+$0x0], $0xffff  }
0xf3: {  	v14 =	vor.u32 s17, v2;
	v15 =	vor.u32 s17, v3;
	v13 =	vshrl.u32 v6, $0x10;
	v12 =	vld.idx.msk [tilespmem:v17+s29+$0x0], $0xffff  }
0xf4: {  	v18 =	vshrl.u32 v7, $0x10;
	v13 =	vand.u32 $0x1, v13;
	v17 =	vld.idx.msk [tilespmem:v19+s29+$0x0], $0xffff;
	v19 =	vor.u32 s17, v1  }
0xf5: {  	v20 =	vor.u32 s17, v0;
	v18 =	vand.u32 $0x1, v18;
	v13 =	vadd.s32 v13, v6;
	v16 =	vld.idx.msk [tilespmem:v16+s29+$0x0], $0xffff  }
0xf6: {  	v22 =	vshrl.u32 v8, $0x10;
	v18 =	vadd.s32 v18, v7;
	v21 =	vshrl.u32 v9, $0x10  }
0xf7: {  	v22 =	vand.u32 $0x1, v22;
	v18 =	vadd.s32 $0x7FFF, v18;
	v21 =	vand.u32 $0x1, v21  }
0xf8: {  	v24 =	vshrl.u32 v10, $0x10;
	v22 =	vadd.s32 v22, v8;
	v23 =	vsub.f32 v11, v10  }
0xf9: {  	v24 =	vand.u32 $0x1, v24;
	v25 =	vsub.f32 v12, v10;
	v26 =	vshrl.u32 v12, $0x10  }
0xfa: {  	v27 =	vsub.f32 v6, v7;
	v8 =	vsub.f32 v8, v7;
	v6 =	vadd.s32 v21, v9  }
0xfb: {  	v21 =	vadd.s32 $0x7FFF, v6;
	v9 =	vsub.f32 v9, v17;
	v7 =	vsub.f32 v16, v17  }
0xfc: {  	v10 =	vadd.s32 v24, v10;
	v28 =	vmul.f32 v23, v27;
	v6 =	vmul.f32 v8, v25  }
0xfd: {  	v23 =	vmul.f32 v23, v9;
	v24 =	vmul.f32 v7, v25;
	v25 =	vshrl.u32 v16, $0x10  }
0xfe: {  	v6 =	vsub.f32 v6, v28;
	v27 =	vmul.f32 v7, v27;
	v28 =	vshrl.u32 v17, $0x10  }
0xff: {  	v13 =	vadd.s32 $0x7FFF, v13;
	v18 =	vand.u32 $0xFFFF0000, v18;
	v7 =	vsub.f32 v23, v24  }
0x100: {  	v8 =	vmul.f32 v8, v9;
	v9 =	vand.u32 $0x1, v28;
	v23 =	vand.u32 $0x1, v26  }
0x101: {  	v26 =	vmul.f32 v6, v6;
	v9 =	vadd.s32 v9, v17;
	v24 =	vmul.f32 v7, v7  }
0x102: {  	v8 =	vsub.f32 v27, v8;
	v9 =	vadd.s32 $0x7FFF, v9;
	v12 =	vadd.s32 v23, v12  }
0x103: {  	v22 =	vadd.s32 $0x7FFF, v22;
	v23 =	vand.u32 $0x1, v25;
	v17 =	vadd.f32 v26, v24  }
0x104: {  	v10 =	vadd.s32 $0x7FFF, v10;
	v16 =	vadd.s32 v23, v16;
	v24 =	vmul.f32 v8, v8  }
0x105: {  	v22 =	vand.u32 $0xFFFF0000, v22;
	v10 =	vand.u32 $0xFFFF0000, v10;
	v9 =	vshrl.u32 v9, $0x10  }
0x106: {  	v13 =	vshrl.u32 v13, $0x10;
	v12 =	vadd.s32 $0x7FFF, v12;
	v17 =	vadd.f32 v17, v24  }
0x107: {  	v13 =	vor.u32 v10, v13;
	v10 =	vand.u32 $0xFFFF0000, v21;
	v12 =	vshrl.u32 v12, $0x10  }
0x108: {  	v9 =	vor.u32 v18, v9;
	v12 =	vor.u32 v10, v12;
	v17 =	vmax.f32 v17, $1.000000020e-24  }
0x109: {  	v16 =	vadd.s32 $0x7FFF, v16;
	v18 =	vshra.s32 v17, $0x1;
	v10 =	vmul.f32 $5.000000000e-01, v17;
	[tilespmem:v20+s1+$0x0] =	vst.idx.msk $0xffff, v9  }
0x10a: {  	v17 =	vsub.s32 $0x5F3759DF, v18;
	v9 =	vshrl.u32 v16, $0x10;
	v16 =	vshrl.u32 v11, $0x10;
	[tilespmem:v19+s1+$0x0] =	vst.idx.msk $0xffff, v13  }
0x10b: {  	v13 =	vmul.f32 v17, v10;
	v9 =	vor.u32 v22, v9;
	v16 =	vand.u32 $0x1, v16;
	[tilespmem:v14+s1+$0x0] =	vst.idx.msk $0xffff, v12  }
0x10c: {  	v11 =	vadd.s32 v16, v11;
	[tilespmem:v15+s1+$0x0] =	vst.idx.msk $0xffff, v9  }
0x10d: {  	v12 =	vmul.f32 v17, v13;
	v9 =	vadd.s32 $0x7FFF, v11;
	_ =	sdelay $0x1  }
0x10e: {  	v11 =	vsub.f32 $1.500000000e+00, v12;
	_ =	sdelay $0x1  }
.Ltmp1:
0x10f: {  	v11 =	vmul.f32 v17, v11;
	(pc) =	sbr.rel @p0 .LBB2_5-.Ltmp1, $3  }
0x110: {  	_ = 	snop  }
0x111: {  	v12 =	vmul.f32 v11, v10;
	_ =	sdelay $0x1  }
0x112: {  	v12 =	vmul.f32 v12, v11  }
0x113: {  	_ = 	snop  }
0x114: {  	v12 =	vsub.f32 $1.500000000e+00, v12;
	_ =	sdelay $0x1  }
0x115: {  	v11 =	vmul.f32 v12, v11;
	_ =	sdelay $0x1  }
0x116: {  	v10 =	vmul.f32 v11, v10;
	_ =	sdelay $0x1  }
0x117: {  	v10 =	vmul.f32 v10, v11;
	_ =	sdelay $0x1  }
0x118: {  	v10 =	vsub.f32 $1.500000000e+00, v10;
	_ =	sdelay $0x1  }
0x119: {  	v10 =	vmul.f32 v10, v11;
	_ =	sdelay $0x1  }
0x11a: {  	v7 =	vmul.f32 v10, v7  }
0x11b: {  	v60 =	vor.u32 s6, v5;
	v6 =	vmul.f32 v10, v6;
	v8 =	vmul.f32 v10, v8  }
0x11c: {  	v13 =	vor.u32 s6, v4;
	v9 =	vand.u32 $0xFFFF0000, v9;
	v61 =	vshrl.u32 v7, $0x10  }
0x11d: {  	v62 =	vshrl.u32 v6, $0x10;
	v14 =	vshrl.u32 v8, $0x10;
	v11 =	vand.u32 $0x1, v61  }
0x11e: {  	v12 =	vand.u32 $0x1, v62;
	v63 =	vand.u32 $0x1, v14;
	v7 =	vadd.s32 v11, v7  }
0x11f: {  	v6 =	vadd.s32 v12, v6;
	v8 =	vadd.s32 v63, v8;
	v7 =	vadd.s32 $0x7FFF, v7  }
0x120: {  	v6 =	vadd.s32 $0x7FFF, v6;
	v8 =	vadd.s32 $0x7FFF, v8;
	v7 =	vshrl.u32 v7, $0x10  }
0x121: {  	s26 =	sadd.s32 s16, s14;
	v6 =	vand.u32 $0xFFFF0000, v6;
	v8 =	vshrl.u32 v8, $0x10;
	v7 =	vor.u32 v9, v7  }
0x122: {  	p0 =	seq.s32 s11, $0xB;
	s6 =	sshrl.u32 s26, $0x3;
	v6 =	vor.u32 v8, v6;
	[tilespmem:v13+s1+$0x0] =	vst.idx.msk $0xffff, v7  }
.Ltmp2:
0x123: {  	s6 =	sadd.s32 s5, s6;
	[tilespmem:v60+s1+$0x0] =	vst.idx.msk $0xffff, v6;
	(pc) =	sbr.rel @p0 .LBB2_8-.Ltmp2, $4  }
0x124: {  	[hbm4b:s6+s2] =	stream.linear.scatter [tilespmem:s1], [sflag:$0x5], $0x800, $0x38;
	[tilespmem:$0x3E00] =	vst v63  }
0x125: {  	_ =	swait.ge [sflag:s8], $0x800  }
0x126: {  	[sflag:s8] =	ssyncset.done $0x0  }
0x127: {  	[sflag:s8] =	ssyncadd.s32 $0xFFFFF800  }
0x128: {  	s6 =	sadd.s32 s12, s15  }
0x129: {  	s6 =	sshrl.u32 s6, $0x3  }
0x12a: {  	s6 =	sadd.s32 s4, s6  }
0x12b: {  	[tilespmem:s24], [sflag:$0x2] =	stream.linear.gather [hbm4b:s6+s2], $0x100, $0x38;
	[tilespmem:$0x3E00] =	vst v63  }
.Ltmp3:
0x12c: {  	_ = 	snop;
	(pc) =	sbr.rel .LBB2_2-.Ltmp3, $4  }
0x12d: {  	s25 =	simm.s32 $0x400;
	s10 =	sadd.s32 $0x6400, s6  }
0x12e: {  	[tilespmem:s25], [sflag:$0x2] =	stream.linear.gather [hbm4b:s10+s2], $0x100, $0x38;
	[tilespmem:$0x3E00] =	vst v63  }
0x12f: {  	s26 =	simm.s32 $0x500;
	s11 =	sadd.s32 $0x1, s11;
	s6 =	sadd.s32 $0xC800, s6  }
0x130: {  	[tilespmem:s26], [sflag:$0x2] =	stream.linear.gather [hbm4b:s6+s2], $0x100, $0x38;
	[tilespmem:$0x3E00] =	vst v63  }
.LBB2_8:
0x131: {  	s6 =	simm.s32 $0x100  }
0x132: {  	s11 =	simm.s32 $0x0;
	v6 =	vmov s6  }
0x133: {  	s26 =	simm.s32 $0x200;
	v7 =	vmov s11;
	v6 =	vshll.u32 v6, $0x3  }
0x134: {  	v8 =	vmov s26;
	v7 =	vshll.u32 v7, $0x3;
	v6 =	vor.u32 v0, v6  }
0x135: {  	v8 =	vshll.u32 v8, $0x3;
	v7 =	vor.u32 v0, v7  }
0x136: {  	_ =	swait.ge [sflag:s0], $0x1800;
	v8 =	vor.u32 v0, v8  }
0x137: {  	[sflag:s0] =	ssyncset.done $0x0;
	v9 =	vor.u32 $0x1, v6  }
0x138: {  	[sflag:s0] =	ssyncadd.s32 $0xFFFFE800;
	v10 =	vor.u32 $0x2, v7  }
0x139: {  	v11 =	vor.u32 $0x2, v8;
	v12 =	vld.idx.msk [tilespmem:v6+s22+$0x0], $0xffff  }
0x13a: {  	v6 =	vor.u32 $0x2, v6;
	v13 =	vld.idx.msk [tilespmem:v7+s22+$0x0], $0xffff  }
0x13b: {  	v7 =	vor.u32 $0x1, v7;
	v14 =	vld.idx.msk [tilespmem:v8+s22+$0x0], $0xffff  }
0x13c: {  	v8 =	vor.u32 $0x1, v8;
	v9 =	vld.idx.msk [tilespmem:v9+s22+$0x0], $0xffff  }
0x13d: {  	v10 =	vld.idx.msk [tilespmem:v10+s22+$0x0], $0xffff  }
0x13e: {  	v15 =	vld.idx.msk [tilespmem:v11+s22+$0x0], $0xffff  }
0x13f: {  	v11 =	vld.idx.msk [tilespmem:v6+s22+$0x0], $0xffff  }
0x140: {  	v16 =	vld.idx.msk [tilespmem:v7+s22+$0x0], $0xffff  }
0x141: {  	v17 =	vld.idx.msk [tilespmem:v8+s22+$0x0], $0xffff;
	_ =	sdelay $0x2  }
0x142: {  	v18 =	vor.u32 s11, v2;
	v19 =	vsub.f32 v12, v13;
	v20 =	vsub.f32 v14, v13  }
0x143: {  	v21 =	vor.u32 s11, v3;
	v7 =	vsub.f32 v15, v10;
	v8 =	vsub.f32 v11, v10  }
0x144: {  	v28 =	vor.u32 s11, v1;
	v22 =	vsub.f32 v9, v16;
	v23 =	vsub.f32 v17, v16  }
0x145: {  	v44 =	vor.u32 s11, v0;
	v26 =	vmul.f32 v7, v19;
	v25 =	vmul.f32 v20, v8  }
0x146: {  	v6 =	vshrl.u32 v12, $0x10;
	v7 =	vmul.f32 v7, v22;
	v8 =	vmul.f32 v23, v8  }
0x147: {  	v24 =	vshrl.u32 v13, $0x10;
	v27 =	vand.u32 $0x1, v6;
	v19 =	vmul.f32 v23, v19  }
0x148: {  	v6 =	vsub.f32 v25, v26;
	v7 =	vsub.f32 v7, v8;
	v8 =	vmul.f32 v20, v22  }
0x149: {  	v48 =	vshrl.u32 v14, $0x10;
	v24 =	vand.u32 $0x1, v24;
	v47 =	vshrl.u32 v9, $0x10  }
0x14a: {  	v45 =	vmul.f32 v7, v7;
	v46 =	vmul.f32 v6, v6;
	v8 =	vsub.f32 v19, v8  }
0x14b: {  	v50 =	vshrl.u32 v10, $0x10;
	v12 =	vadd.s32 v27, v12;
	v13 =	vadd.s32 v24, v13  }
0x14c: {  	v24 =	vand.u32 $0x1, v48;
	v22 =	vadd.f32 v46, v45;
	v49 =	vmul.f32 v8, v8  }
0x14d: {  	v51 =	vand.u32 $0x1, v50;
	v13 =	vadd.s32 $0x7FFF, v13;
	v14 =	vadd.s32 v24, v14  }
0x14e: {  	v54 =	vadd.s32 v51, v10;
	v12 =	vadd.s32 $0x7FFF, v12;
	v52 =	vadd.f32 v22, v49  }
0x14f: {  	v13 =	vand.u32 $0xFFFF0000, v13;
	v14 =	vadd.s32 $0x7FFF, v14;
	v12 =	vshrl.u32 v12, $0x10  }
0x150: {  	v53 =	vshrl.u32 v11, $0x10;
	v19 =	vand.u32 $0x1, v47;
	v10 =	vmax.f32 v52, $1.000000020e-24  }
0x151: {  	v9 =	vadd.s32 v19, v9;
	v19 =	vshra.s32 v10, $0x1;
	v10 =	vmul.f32 $5.000000000e-01, v10  }
0x152: {  	v55 =	vshrl.u32 v17, $0x10;
	v56 =	vshrl.u32 v16, $0x10;
	v19 =	vsub.s32 $0x5F3759DF, v19  }
0x153: {  	v58 =	vand.u32 $0x1, v55;
	v23 =	vadd.s32 $0x7FFF, v54;
	v57 =	vmul.f32 v19, v10  }
0x154: {  	v14 =	vand.u32 $0xFFFF0000, v14;
	v17 =	vadd.s32 v58, v17;
	v60 =	vand.u32 $0xFFFF0000, v23  }
0x155: {  	v63 =	vadd.s32 $0x7FFF, v17;
	v25 =	vand.u32 $0x1, v56;
	v59 =	vmul.f32 v19, v57  }
0x156: {  	v12 =	vor.u32 v60, v12;
	v16 =	vadd.s32 v25, v16;
	v22 =	vand.u32 $0x1, v53  }
0x157: {  	v16 =	vadd.s32 $0x7FFF, v16;
	v11 =	vadd.s32 v22, v11;
	v61 =	vsub.f32 $1.500000000e+00, v59  }
0x158: {  	v16 =	vshrl.u32 v16, $0x10;
	v9 =	vadd.s32 $0x7FFF, v9;
	v11 =	vadd.s32 $0x7FFF, v11  }
0x159: {  	v13 =	vor.u32 v13, v16;
	v62 =	vshrl.u32 v11, $0x10;
	v11 =	vmul.f32 v19, v61  }
0x15a: {  	v16 =	vshrl.u32 v63, $0x10;
	v9 =	vand.u32 $0xFFFF0000, v9;
	[tilespmem:v44+s1+$0x0] =	vst.idx.msk $0xffff, v13;
	v13 =	vshrl.u32 v15, $0x10  }
0x15b: {  	[tilespmem:v28+s1+$0x0] =	vst.idx.msk $0xffff, v12;
	v12 =	vand.u32 $0x1, v13;
	v9 =	vor.u32 v9, v62;
	v13 =	vmul.f32 v11, v10  }
0x15c: {  	v14 =	vor.u32 v14, v16;
	[tilespmem:v18+s1+$0x0] =	vst.idx.msk $0xffff, v9;
	v9 =	vadd.s32 v12, v15  }
0x15d: {  	s10 =	simm.s32 $0x10;
	s6 =	simm.s32 $0x0;
	[tilespmem:v21+s1+$0x0] =	vst.idx.msk $0xffff, v14;
	v9 =	vadd.s32 $0x7FFF, v9;
	v12 =	vmul.f32 v13, v11  }
.LBB2_9:
0x15e: {  	p0 =	sne.s32 s10, $0xF0  }
0x15f: {  	s11 =	sadd.s32 $0x80, s11;
	s12 =	smov.u32 s10;
	s10 =	sadd.s32 $0x10, s10;
	v12 =	vsub.f32 $1.500000000e+00, v12  }
0x160: {  	v13 =	vmov s12;
	s16 =	sadd.s32 $0x100, s12;
	s12 =	sadd.s32 $0x200, s12  }
0x161: {  	v14 =	vmov s16;
	v15 =	vmov s12;
	v11 =	vmul.f32 v12, v11  }
0x162: {  	v12 =	vshll.u32 v14, $0x3;
	v14 =	vshll.u32 v15, $0x3  }
0x163: {  	v12 =	vor.u32 v0, v12;
	v14 =	vor.u32 v0, v14;
	v10 =	vmul.f32 v11, v10  }
0x164: {  	v15 =	vor.u32 $0x1, v12;
	v16 =	vor.u32 $0x1, v14  }
0x165: {  	v13 =	vshll.u32 v13, $0x3;
	v17 =	vor.u32 $0x2, v12;
	v10 =	vmul.f32 v10, v11  }
0x166: {  	v13 =	vor.u32 v0, v13;
	v18 =	vor.u32 $0x2, v14  }
0x167: {  	v19 =	vor.u32 $0x1, v13;
	v20 =	vor.u32 $0x2, v13;
	v10 =	vsub.f32 $1.500000000e+00, v10;
	_ =	sdelay $0x1  }
0x168: {  	v10 =	vmul.f32 v10, v11;
	_ =	sdelay $0x1  }
0x169: {  	v7 =	vmul.f32 v10, v7;
	v6 =	vmul.f32 v10, v6  }
0x16a: {  	v8 =	vmul.f32 v10, v8;
	v10 =	vor.u32 s6, v5  }
0x16b: {  	v22 =	vor.u32 s6, v4;
	s6 =	smov.u32 s11;
	v11 =	vshrl.u32 v7, $0x10;
	v21 =	vshrl.u32 v6, $0x10  }
0x16c: {  	v23 =	vshrl.u32 v8, $0x10;
	v11 =	vand.u32 $0x1, v11;
	v21 =	vand.u32 $0x1, v21  }
0x16d: {  	v7 =	vadd.s32 v11, v7;
	v6 =	vadd.s32 v21, v6;
	v11 =	vand.u32 $0x1, v23  }
0x16e: {  	v7 =	vadd.s32 $0x7FFF, v7;
	v6 =	vadd.s32 $0x7FFF, v6;
	v8 =	vadd.s32 v11, v8  }
0x16f: {  	v9 =	vand.u32 $0xFFFF0000, v9;
	v7 =	vshrl.u32 v7, $0x10;
	v8 =	vadd.s32 $0x7FFF, v8  }
0x170: {  	v6 =	vand.u32 $0xFFFF0000, v6;
	v7 =	vor.u32 v9, v7;
	v8 =	vshrl.u32 v8, $0x10  }
0x171: {  	v6 =	vor.u32 v8, v6;
	[tilespmem:v22+s1+$0x0] =	vst.idx.msk $0xffff, v7  }
0x172: {  	[tilespmem:v10+s1+$0x0] =	vst.idx.msk $0xffff, v6  }
0x173: {  	v6 =	vld.idx.msk [tilespmem:v12+s22+$0x0], $0xffff  }
0x174: {  	v7 =	vld.idx.msk [tilespmem:v13+s22+$0x0], $0xffff  }
0x175: {  	v8 =	vld.idx.msk [tilespmem:v14+s22+$0x0], $0xffff  }
0x176: {  	v9 =	vld.idx.msk [tilespmem:v15+s22+$0x0], $0xffff  }
0x177: {  	v10 =	vld.idx.msk [tilespmem:v20+s22+$0x0], $0xffff  }
0x178: {  	v11 =	vld.idx.msk [tilespmem:v18+s22+$0x0], $0xffff  }
0x179: {  	v14 =	vor.u32 s11, v2;
	v15 =	vor.u32 s11, v3;
	v13 =	vshrl.u32 v6, $0x10;
	v12 =	vld.idx.msk [tilespmem:v17+s22+$0x0], $0xffff  }
0x17a: {  	v18 =	vshrl.u32 v7, $0x10;
	v13 =	vand.u32 $0x1, v13;
	v17 =	vld.idx.msk [tilespmem:v19+s22+$0x0], $0xffff;
	v19 =	vor.u32 s11, v1  }
0x17b: {  	v20 =	vor.u32 s11, v0;
	v18 =	vand.u32 $0x1, v18;
	v13 =	vadd.s32 v13, v6;
	v16 =	vld.idx.msk [tilespmem:v16+s22+$0x0], $0xffff  }
0x17c: {  	v22 =	vshrl.u32 v8, $0x10;
	v18 =	vadd.s32 v18, v7;
	v21 =	vshrl.u32 v9, $0x10  }
0x17d: {  	v22 =	vand.u32 $0x1, v22;
	v18 =	vadd.s32 $0x7FFF, v18;
	v21 =	vand.u32 $0x1, v21  }
0x17e: {  	v24 =	vshrl.u32 v10, $0x10;
	v22 =	vadd.s32 v22, v8;
	v23 =	vsub.f32 v11, v10  }
0x17f: {  	v24 =	vand.u32 $0x1, v24;
	v25 =	vsub.f32 v12, v10;
	v26 =	vshrl.u32 v12, $0x10  }
0x180: {  	v27 =	vsub.f32 v6, v7;
	v8 =	vsub.f32 v8, v7;
	v6 =	vadd.s32 v21, v9  }
0x181: {  	v21 =	vadd.s32 $0x7FFF, v6;
	v9 =	vsub.f32 v9, v17;
	v7 =	vsub.f32 v16, v17  }
0x182: {  	v10 =	vadd.s32 v24, v10;
	v28 =	vmul.f32 v23, v27;
	v6 =	vmul.f32 v8, v25  }
0x183: {  	v23 =	vmul.f32 v23, v9;
	v24 =	vmul.f32 v7, v25;
	v25 =	vshrl.u32 v16, $0x10  }
0x184: {  	v6 =	vsub.f32 v6, v28;
	v27 =	vmul.f32 v7, v27;
	v28 =	vshrl.u32 v17, $0x10  }
0x185: {  	v13 =	vadd.s32 $0x7FFF, v13;
	v18 =	vand.u32 $0xFFFF0000, v18;
	v7 =	vsub.f32 v23, v24  }
0x186: {  	v8 =	vmul.f32 v8, v9;
	v9 =	vand.u32 $0x1, v28;
	v23 =	vand.u32 $0x1, v26  }
0x187: {  	v26 =	vmul.f32 v6, v6;
	v9 =	vadd.s32 v9, v17;
	v24 =	vmul.f32 v7, v7  }
0x188: {  	v8 =	vsub.f32 v27, v8;
	v9 =	vadd.s32 $0x7FFF, v9;
	v12 =	vadd.s32 v23, v12  }
0x189: {  	v22 =	vadd.s32 $0x7FFF, v22;
	v23 =	vand.u32 $0x1, v25;
	v17 =	vadd.f32 v26, v24  }
0x18a: {  	v10 =	vadd.s32 $0x7FFF, v10;
	v16 =	vadd.s32 v23, v16;
	v24 =	vmul.f32 v8, v8  }
0x18b: {  	v22 =	vand.u32 $0xFFFF0000, v22;
	v10 =	vand.u32 $0xFFFF0000, v10;
	v9 =	vshrl.u32 v9, $0x10  }
0x18c: {  	v13 =	vshrl.u32 v13, $0x10;
	v12 =	vadd.s32 $0x7FFF, v12;
	v17 =	vadd.f32 v17, v24  }
0x18d: {  	v13 =	vor.u32 v10, v13;
	v10 =	vand.u32 $0xFFFF0000, v21;
	v12 =	vshrl.u32 v12, $0x10  }
0x18e: {  	v9 =	vor.u32 v18, v9;
	v12 =	vor.u32 v10, v12;
	v17 =	vmax.f32 v17, $1.000000020e-24  }
0x18f: {  	v16 =	vadd.s32 $0x7FFF, v16;
	v18 =	vshra.s32 v17, $0x1;
	v10 =	vmul.f32 $5.000000000e-01, v17;
	[tilespmem:v20+s1+$0x0] =	vst.idx.msk $0xffff, v9  }
0x190: {  	v17 =	vsub.s32 $0x5F3759DF, v18;
	v9 =	vshrl.u32 v16, $0x10;
	v16 =	vshrl.u32 v11, $0x10;
	[tilespmem:v19+s1+$0x0] =	vst.idx.msk $0xffff, v13  }
0x191: {  	v13 =	vmul.f32 v17, v10;
	v9 =	vor.u32 v22, v9;
	v16 =	vand.u32 $0x1, v16;
	[tilespmem:v14+s1+$0x0] =	vst.idx.msk $0xffff, v12  }
0x192: {  	v11 =	vadd.s32 v16, v11;
	[tilespmem:v15+s1+$0x0] =	vst.idx.msk $0xffff, v9  }
0x193: {  	v12 =	vmul.f32 v17, v13;
	v9 =	vadd.s32 $0x7FFF, v11;
	_ =	sdelay $0x1  }
0x194: {  	v11 =	vsub.f32 $1.500000000e+00, v12;
	_ =	sdelay $0x1  }
.Ltmp4:
0x195: {  	v11 =	vmul.f32 v17, v11;
	(pc) =	sbr.rel @p0 .LBB2_9-.Ltmp4, $3  }
0x196: {  	_ = 	snop  }
0x197: {  	v12 =	vmul.f32 v11, v10;
	_ =	sdelay $0x1  }
0x198: {  	v12 =	vmul.f32 v12, v11  }
0x199: {  	_ = 	snop  }
0x19a: {  	v12 =	vsub.f32 $1.500000000e+00, v12;
	_ =	sdelay $0x1  }
0x19b: {  	v11 =	vmul.f32 v12, v11;
	_ =	sdelay $0x1  }
0x19c: {  	v10 =	vmul.f32 v11, v10;
	_ =	sdelay $0x1  }
0x19d: {  	v10 =	vmul.f32 v10, v11;
	_ =	sdelay $0x1  }
0x19e: {  	v10 =	vsub.f32 $1.500000000e+00, v10;
	_ =	sdelay $0x1  }
0x19f: {  	v10 =	vmul.f32 v10, v11;
	_ =	sdelay $0x1  }
0x1a0: {  	v7 =	vmul.f32 v10, v7  }
0x1a1: {  	v60 =	vor.u32 s6, v5;
	v6 =	vmul.f32 v10, v6;
	v8 =	vmul.f32 v10, v8  }
0x1a2: {  	v13 =	vor.u32 s6, v4;
	v9 =	vand.u32 $0xFFFF0000, v9;
	v61 =	vshrl.u32 v7, $0x10  }
0x1a3: {  	v62 =	vshrl.u32 v6, $0x10;
	v14 =	vshrl.u32 v8, $0x10;
	v11 =	vand.u32 $0x1, v61  }
0x1a4: {  	v12 =	vand.u32 $0x1, v62;
	v63 =	vand.u32 $0x1, v14;
	v7 =	vadd.s32 v11, v7  }
0x1a5: {  	v6 =	vadd.s32 v12, v6;
	v8 =	vadd.s32 v63, v8;
	v7 =	vadd.s32 $0x7FFF, v7  }
0x1a6: {  	v6 =	vadd.s32 $0x7FFF, v6;
	v8 =	vadd.s32 $0x7FFF, v8;
	v7 =	vshrl.u32 v7, $0x10  }
0x1a7: {  	v6 =	vand.u32 $0xFFFF0000, v6;
	v8 =	vshrl.u32 v8, $0x10;
	v7 =	vor.u32 v9, v7  }
0x1a8: {  	v6 =	vor.u32 v8, v6;
	[tilespmem:v13+s1+$0x0] =	vst.idx.msk $0xffff, v7  }
0x1a9: {  	s25 =	rddreg [dreg:$0x8];
	[tilespmem:v60+s1+$0x0] =	vst.idx.msk $0xffff, v6  }
0x1aa: {  	[hbm4b:s25+s2] =	stream.linear.scatter [tilespmem:s1], [sflag:$0x5], $0x800, $0x38;
	[tilespmem:$0x3E00] =	vst v63  }
0x1ab: {  	_ =	swait.ge [sflag:s8], $0x800  }
0x1ac: {  	s10 =	rddreg [dreg:$0xa]  }
0x1ad: {  	s26 =	rddreg [dreg:$0x9];
	s10 =	sadd.s32 $0x1, s10  }
0x1ae: {  	p0 =	sne.s32 s10, s26  }
.Ltmp5:
0x1af: {  	_ = 	snop;
	(pc) =	sbr.rel @p0 .LBB2_1-.Ltmp5, $3  }
0x1b0: {  	_ =	sdelay $0x1  }
0x1b1: {  	[sflag:s8] =	ssyncset.done $0x0  }
0x1b2: {  	[sflag:s8] =	ssyncadd.s32 $0xFFFFF800  }
0x1b3: {  	_ =	sfence.sel $0x180000  }
0x1b4: {  	[bflag:$0x0] =	sbarrier.arrive $0xFFFF  }
0x1b5: {  	_ =	strace $0x90000047  }
0x1b6: {  	s0 =	stileid.u32;
	[bflag:$0x2] =	sbarrier.arrive $0xFFFF  }
0x1b7: {  	p0 =	sne.s32 s0, $0x0;
	s0 =	rddreg [dreg:$0x1]  }
0x1b8: {  	s0 =	sadd.s32 @!p0 $0x100000, s0  }
0x1b9: {  	[sflag:s0] =	ssyncadd.tile.s32 @!p0 $0x1;
	_ =	shalt  }
.Lfunc_end2:
_tile_overlayer_lowered:
.L_overlay_start_2:
0x1ba: {  	(tag) =	ssettag $0x2  }
0x1bb: {  	s0 =	rddreg [dreg:$0x0];
	s2 =	stileid.u32  }
0x1bc: {  	s1 =	rddreg [dreg:$0x1];
	p0 =	sne.s32 s2, $0x0  }
0x1bd: {  	s3 =	rddreg [dreg:$0x2];
	[bflag:$0x3] =	sbarrier.arrive $0xFFFF;
	s2 =	simm.s32 @!p0 $0x1C05  }
0x1be: {  	[timem:s3], [sflag:s2] =	dma.local @!p0 [hbm:s0], s1  }
0x1bf: {  	s0 =	simm.s32 @!p0 $0x5  }
0x1c0: {  	_ =	swait.ge @!p0 [sflag:s0], s1  }
0x1c1: {  	s1 =	ssub.s32 @!p0 $0x0, s1;
	[sflag:s0] =	ssyncset.done @!p0 $0x0  }
0x1c2: {  	[sflag:s0] =	ssyncadd.s32 @!p0 s1  }
0x1c3: {  	[bflag:$0x3] =	sbarrier.arrive $0xFFFF  }
0x1c4: {  	_ =	shalt  }

// kernel: kernel.7.cloned.1.call-start
scs
__scs_entry_jumppad:
0x0: {  	(pc) =	sbr.rel $0x88, $3  }
0x1: {  	(tag) =	ssettag $0x0;
	lr =	simm.s32 $0x1  }
0x2: {  	[smem:$0x3F9C] =	sst lr;
	_ =	strace $0xD0000000  }
0x3: {  	_ = 	snop  }
0x4: {  	_ = 	snop  }
0x5: {  	_ = 	snop  }
0x6: {  	_ = 	snop  }
0x7: {  	_ = 	snop  }
__scs_overlays_trampoline_lowered:
0x8: {  	[smem:$0x3FAB] =	sst s0  }
0x9: {  	[smem:$0x3FAC] =	sst s1  }
0xa: {  	[smem:$0x3FAD] =	sst s2  }
0xb: {  	[smem:$0x3FAE] =	sst s3  }
0xc: {  	[smem:$0x3FAF] =	sst s4  }
0xd: {  	[smem:$0x3FB0] =	sst s5  }
0xe: {  	[smem:$0x3FB1] =	sst s6  }
0xf: {  	[smem:$0x3FB2] =	sst s7  }
0x10: {  	[smem:$0x3FB3] =	sst s8  }
0x11: {  	[smem:$0x3FB4] =	sst s9;
	s0 =	simm.s32 @!p0 $0x0  }
0x12: {  	s1 =	sld [smem:$0x3F9A];
	s0 =	simm.s32 @p0 $0x1  }
0x13: {  	[smem:$0x3FB5] =	sst s0;
	s0 =	simm.s32 @!p1 $0x0  }
0x14: {  	s2 =	sld [smem:$0x3F99];
	s0 =	simm.s32 @p1 $0x1  }
0x15: {  	[smem:$0x3FB6] =	sst s0;
	s0 =	simm.s32 @!p2 $0x0  }
0x16: {  	s3 =	sld [smem:$0x3FDB];
	s0 =	simm.s32 @p2 $0x1  }
0x17: {  	s4 =	simm.s32 $0x1BF5;
	[smem:$0x3FB8] =	sst s0  }
0x18: {  	s0 =	sld [smem:$0x3F9B];
	_ =	swait.ge [sflag:s4], $0x0  }
0x19: {  	s7 =	sld [smem:$0x3F9C]  }
0x1a: {  	s8 =	sadd.s32 $0xFFFFE003, lr  }
0x1b: {  	s9 =	sadd.s32 $0xFFFFFEF7, lr;
	s5 =	simm.s32 $0xFFFFFFFF;
	p2 =	slt.u32 s8, $0xFFFFF086  }
0x1c: {  	p1 =	slt.u32 s9, $0xF7A;
	s5 =	simm.s32 @!p2 $0x0  }
0x1d: {  	s5 =	simm.s32 @p1 $0x1;
	p0 =	seq.s32 s7, s2  }
0x1e: {  	s7 =	smul.u32 @!p0 $0xF7A, s2;
	p2 =	seq.s32 @!p0 s5, $0x0  }
0x1f: {  	s9 =	smul.u32 $0xF7A, s1;
	s8 =	simm.s32 @!p0 $0x1BF5;
	p2 =	por !p2, p0  }
0x20: {  	[sflag:s8] =	ssyncset.s32 @!p0 $0xFFFFF086;
	s6 =	sadd.s32 @!p0 s3, s7;
	s7 =	simm.s32 @!p0 $0x108  }
0x21: {  	s3 =	sadd.s32 s3, s9;
	s6 =	sadd.s32 @!p0 $0x88, s6;
	s7 =	simm.s32 @p2 $0x1082  }
0x22: {  	[simem:s7], [sflag:s8] =	dma.local @!p0 [hbm:s6], $0xF7A  }
0x23: {  	s9 =	sor.u32 $0xD0000000, s2;
	s6 =	simm.s32 $0x108;
	_ =	swait.ge @!p0 [sflag:s8], $0x0  }
0x24: {  	s3 =	sadd.s32 $0x88, s3;
	s6 =	simm.s32 @!p1 $0x1082;
	[sflag:s4] =	ssyncset.s32 $0xFFFFF086  }
0x25: {  	[simem:s6], [sflag:s4] =	dma.local [hbm:s3], $0xF7A  }
0x26: {  	[smem:$0x3F9C] =	sst s1;
	(tag) =	ssettag s2;
	_ =	strace s9  }
0x27: {  	s1 =	sld [smem:$0x3FAC]  }
0x28: {  	s2 =	sld [smem:$0x3FAD]  }
0x29: {  	s4 =	sld [smem:$0x3FAF]  }
0x2a: {  	p0 =	seq.s32 s5, $0x0;
	s5 =	sld [smem:$0x3FB0]  }
0x2b: {  	s6 =	sld [smem:$0x3FB1]  }
0x2c: {  	s7 =	sld [smem:$0x3FB2]  }
0x2d: {  	s3 =	simm.s32 $0x108;
	s8 =	sld [smem:$0x3FB3]  }
0x2e: {  	s3 =	simm.s32 @!p0 $0x1082;
	s9 =	sld [smem:$0x3FB4]  }
0x2f: {  	lr =	sadd.s32 s0, s3;
	s0 =	sld [smem:$0x3FAB]  }
0x30: {  	s3 =	sld [smem:$0x3FAE]  }
0x31: {  	[smem:$0x3FB7] =	sst s10  }
0x32: {  	s10 =	sld [smem:$0x3FB5];
	_ =	sdelay $0x3  }
0x33: {  	p0 =	seq.s32 s10, $0x1;
	s10 =	sld [smem:$0x3FB7];
	_ =	sdelay $0x3  }
0x34: {  	[smem:$0x3FB7] =	sst s10  }
0x35: {  	s10 =	sld [smem:$0x3FB6];
	_ =	sdelay $0x3  }
0x36: {  	p1 =	seq.s32 s10, $0x1;
	s10 =	sld [smem:$0x3FB7];
	_ =	sdelay $0x3  }
0x37: {  	[smem:$0x3FB7] =	sst s10  }
0x38: {  	s10 =	sld [smem:$0x3FB8]  }
0x39: {  	_ = 	snop;
	(pc) =	sbr.ind lr, $3  }
0x3a: {  	_ = 	snop  }
0x3b: {  	_ = 	snop  }
0x3c: {  	p2 =	seq.s32 s10, $0x1;
	s10 =	sld [smem:$0x3FB7]  }
0x3d: {  	_ =	shalt  }
0x3e: {  	_ =	shalt  }
0x3f: {  	_ =	shalt  }
0x40: {  	_ =	shalt  }
0x41: {  	_ =	shalt  }
0x42: {  	_ =	shalt  }
0x43: {  	_ =	shalt  }
0x44: {  	_ =	shalt  }
0x45: {  	_ =	shalt  }
0x46: {  	_ =	shalt  }
0x47: {  	_ =	shalt  }
0x48: {  	_ =	shalt  }
0x49: {  	_ =	shalt  }
0x4a: {  	_ =	shalt  }
0x4b: {  	_ =	shalt  }
0x4c: {  	_ =	shalt  }
0x4d: {  	_ =	shalt  }
0x4e: {  	_ =	shalt  }
0x4f: {  	_ =	shalt  }
0x50: {  	_ =	shalt  }
0x51: {  	_ =	shalt  }
0x52: {  	_ =	shalt  }
0x53: {  	_ =	shalt  }
0x54: {  	_ =	shalt  }
0x55: {  	_ =	shalt  }
0x56: {  	_ =	shalt  }
0x57: {  	_ =	shalt  }
0x58: {  	_ =	shalt  }
0x59: {  	_ =	shalt  }
0x5a: {  	_ =	shalt  }
0x5b: {  	_ =	shalt  }
0x5c: {  	_ =	shalt  }
0x5d: {  	_ =	shalt  }
0x5e: {  	_ =	shalt  }
0x5f: {  	_ =	shalt  }
0x60: {  	_ =	shalt  }
0x61: {  	_ =	shalt  }
0x62: {  	_ =	shalt  }
0x63: {  	_ =	shalt  }
0x64: {  	_ =	shalt  }
0x65: {  	_ =	shalt  }
0x66: {  	_ =	shalt  }
0x67: {  	_ =	shalt  }
0x68: {  	_ =	shalt  }
0x69: {  	_ =	shalt  }
0x6a: {  	_ =	shalt  }
0x6b: {  	_ =	shalt  }
0x6c: {  	_ =	shalt  }
0x6d: {  	_ =	shalt  }
0x6e: {  	_ =	shalt  }
0x6f: {  	_ =	shalt  }
0x70: {  	_ =	shalt  }
0x71: {  	_ =	shalt  }
0x72: {  	_ =	shalt  }
0x73: {  	_ =	shalt  }
0x74: {  	_ =	shalt  }
0x75: {  	_ =	shalt  }
0x76: {  	_ =	shalt  }
0x77: {  	_ =	shalt  }
0x78: {  	_ =	shalt  }
0x79: {  	_ =	shalt  }
0x7a: {  	_ =	shalt  }
0x7b: {  	_ =	shalt  }
0x7c: {  	_ =	shalt  }
0x7d: {  	_ =	shalt  }
0x7e: {  	_ =	shalt  }
0x7f: {  	_ =	shalt  }
0x80: {  	_ =	shalt  }
0x81: {  	_ =	shalt  }
0x82: {  	_ =	shalt  }
0x83: {  	_ =	shalt  }
0x84: {  	_ =	shalt  }
0x85: {  	_ =	shalt  }
0x86: {  	_ =	shalt  }
0x87: {  	_ =	shalt  }
.Lfunc_end0:
.L_simem_size_0:
called_computation.1_lowered:
.L_overlay_start_0:
0x88: {  	s2 =	sld [smem:$0x3FD9]  }
0x89: {  	s3 =	sld [smem:$0x3FFE];
	_ =	sdelay $0x1  }
0x8a: {  	s1 =	srdreg.scid  }
0x8b: {  	s0 =	sand.u32 $0x1, s1  }
0x8c: {  	s14 =	sshll.u32 s0, $0xA;
	s2 =	sadd.s32 s3, s2  }
0x8d: {  	s2 =	sadd.s32 s2, s14  }
0x8e: {  	[smem:$0x3FC3] =	sst s2  }
0x8f: {  	_ = 	snop  }
0x90: {  	s2 =	sld [smem:$0x3FD0];
	_ =	sdelay $0x2  }
0x91: {  	s15 =	simm.s32 $0xA;
	s4 =	simm.s32 $0x10  }
0x92: {  	[smem:s4], [sflag:s15] =	dma.local [hbm:s2], $0x1  }
0x93: {  	_ =	swait.eq [sflag:s15], $0x1  }
0x94: {  	s16 =	sld [smem:$0x10];
	[sflag:s15] =	ssyncset.done $0x0  }
0x95: {  	s17 =	sld [smem:$0x11];
	[sflag:s15] =	ssyncadd.s32 $0xFFFFFFFF  }
0x96: {  	s18 =	sld [smem:$0x12];
	(tm) =	ssettm $0x1  }
0x97: {  	s5 =	sld [smem:$0x3FFB];
	_ =	sdelay $0x3  }
0x98: {  	_ =	strace s5  }
0x99: {  	s5 =	sld [smem:$0x3FFC];
	_ =	sdelay $0x3  }
0x9a: {  	_ =	strace s5  }
0x9b: {  	s5 =	sld [smem:$0x3FFD];
	_ =	sdelay $0x3  }
0x9c: {  	_ =	strace s5  }
0x9d: {  	_ =	strace $0x8FFFFFFF  }
0x9e: {  	s19 =	sld [smem:$0x3FDB];
	_ =	sdelay $0x1  }
0x9f: {  	s6 =	simm.s32 $_scs_section_size  }
0xa0: {  	s7 =	simm.s32 $_size__tile_overlayer_lowered;
	s8 =	simm.s32 $_tile_overlayer_lowered  }
0xa1: {  	s22 =	simm.s32 $0x1BFF;
	s21 =	sshll.u32 s8, $0x1;
	s5 =	sadd.s32 s6, s19  }
0xa2: {  	s9 =	simm.s32 $0x0;
	s20 =	sshll.u32 s7, $0x1;
	s7 =	sadd.s32 s21, s5  }
0xa3: {  	[timem:s9], [sflag:s22] =	dma.local [hbm:s7], s20  }
0xa4: {  	_ =	swait.ge [sflag:s22], s20  }
0xa5: {  	s6 =	ssub.s32 $0x0, s20;
	[sflag:s22] =	ssyncset.done $0x0  }
0xa6: {  	[sflag:s22] =	ssyncadd.s32 s6;
	_ =	sdelay $0x1  }
0xa7: {  	s23 =	simm.s32 $0x1B8B  }
0xa8: {  	_ =	swait.ge [sflag:s23], $0x1  }
0xa9: {  	[sflag:s23] =	ssyncset.done $0x0  }
0xaa: {  	s25 =	simm.s32 $0x1B8E;
	s24 =	sld [smem:$0x3FFE];
	[sflag:s23] =	ssyncadd.s32 $0xFFFFFFFF  }
0xab: {  	s26 =	simm.s32 $execute0_lowered;
	[smem:$0x3FD2] =	sst s25  }
0xac: {  	s7 =	sshll.u32 s26, $0x1;
	_ =	strace $0x80000049;
	[dreg:$0x1] =	wrdreg $0xFFFFFFFF  }
0xad: {  	s28 =	simm.s32 $_size_execute0_lowered;
	s5 =	sadd.s32 s5, s7;
	[dreg:$0x0] =	wrdreg $0x0  }
0xae: {  	s7 =	sshll.u32 s28, $0x1;
	[dreg:$0x2] =	wrdreg s5  }
0xaf: {  	[dreg:$0x3] =	wrdreg s7  }
0xb0: {  	[dreg:$0x4] =	wrdreg $0xC0  }
0xb1: {  	_ =	task [dreg:s9], $0x5FFFF  }
0xb2: {  	[dreg:$0x1] =	wrdreg $0xFFFFFFFF  }
0xb3: {  	[dreg:$0x0] =	wrdreg $0x60  }
0xb4: {  	[dreg:$0x2] =	wrdreg s24  }
0xb5: {  	[dreg:$0x3] =	wrdreg s16  }
0xb6: {  	[dreg:$0x4] =	wrdreg s17  }
0xb7: {  	[dreg:$0x5] =	wrdreg s18  }
0xb8: {  	[dreg:$0x6] =	wrdreg $0x9  }
0xb9: {  	_ =	task.clear_ibuf [dreg:s9], $0x7FFFF;
	_ =	strace $0x90000049  }
0xba: {  	s29 =	simm.s32 $0x9;
	_ =	strace $0x8000004B  }
0xbb: {  	_ =	swait.ge [sflag:s29], $0x1  }
0xbc: {  	[sflag:s29] =	ssyncadd.s32 $0xFFFFFFFF  }
0xbd: {  	_ =	strace $0x9000004B  }
0xbe: {  	_ =	sfence  }
0xbf: {  	s30 =	sld [smem:$0x0];
	_ =	sdelay $0x2  }
0xc0: {  	s31 =	sshll.u32 s1, $0xD;
	s1 =	sshrl.u32 s1, $0x2  }
0xc1: {  	s3 =	sand.u32 $0x4000, s31;
	s1 =	sadd.s32 s1, s30  }
0xc2: {  	s0 =	sor.u32 s3, s0;
	s1 =	sshll.u32 s1, $0x11  }
0xc3: {  	s0 =	sor.u32 s1, s0  }
0xc4: {  	s0 =	sadd.s32 $0x8F2B, s0  }
0xc5: {  	[sflag:s0] =	ssyncadd.remote.s32 $0x1  }
0xc6: {  	_ =	sfence.sel $0xFFFF  }
0xc7: {  	[dreg:$0x0] =	wrdreg $0xFFFFFFFF;
	(pc) =	sbr.abs _section_cstart, $3  }
0xc8: {  	[dreg:$0x1] =	wrdreg $0xFFFFFFFF  }
0xc9: {  	_ =	task.clear_ibuf [dreg:s9], $0x2FFFF;
	_ =	strace $0x9FFFFFFF  }
0xca: {  	(tm) =	ssettm $0x7FFFFFFF  }
0xcb: {  	_ =	shalt  }
tec
execute0_lowered:
.L_overlay_start_1:
0x0: {  	(tag) =	ssettag $0x1  }
0x1: {  	s4 =	rddreg [dreg:$0x0]  }
0x2: {  	s1 =	rddreg [dreg:$0x1]  }
0x3: {  	s2 =	rddreg [dreg:$0x2]  }
0x4: {  	s3 =	rddreg [dreg:$0x3]  }
0x5: {  	s5 =	simm.s32 $0x0;
	s0 =	srdreg.scid;
	s7 =	stileid.u32  }
0x6: {  	s29 =	simm.s32 $0x1;
	s30 =	simm.s32 $0x600;
	s31 =	simm.s32 $0x6000  }
0x7: {  	s28 =	simm.s32 $0x1200;
	[smem:$0x7FF] =	sst s5;
	s0 =	sand.u32 $0x1, s0  }
0x8: {  	s6 =	sadd.s32 $0x2E000, s4;
	s8 =	sshll.u32 s7, $0xE;
	s7 =	sadd.s32 $0xF0000, s4  }
0x9: {  	s9 =	sadd.s32 $0x60000, s4;
	s4 =	sadd.s32 $0x120000, s4;
	_ =	strace $0x8000004A  }
0xa: {  	s10 =	sshll.u32 s0, $0x12;
	s11 =	smul.u32 $0xC0000, s0;
	s12 =	ssub.s32 $0x2, s0  }
0xb: {  	s15 =	smul.u32 $0x240000, s0;
	s8 =	sor.u32 s8, s10;
	s24 =	sshrl.u32 s12, $0x1  }
0xc: {  	[dreg:$0x5] =	wrdreg s4;
	s13 =	ssub.s32 s8, s10;
	s4 =	ssub.s32 s12, s24  }
0xd: {  	s20 =	sor.u32 $0x400, s8;
	s14 =	sadd.s32 s11, s13;
	s13 =	sadd.s32 s15, s13  }
0xe: {  	s10 =	ssub.s32 s20, s10;
	s25 =	sshrl.u32 s14, $0x3;
	s26 =	sadd.s32 $0x40000, s14  }
0xf: {  	s14 =	sadd.s32 $0x80000, s14;
	s16 =	sadd.s32 $0x40000, s13;
	s17 =	sshrl.u32 s13, $0x3  }
0x10: {  	s19 =	sadd.s32 $0xC0000, s13;
	s21 =	sadd.s32 $0x100000, s13;
	s22 =	sadd.s32 $0x140000, s13  }
0x11: {  	s11 =	sadd.s32 s11, s10;
	s10 =	sadd.s32 s15, s10;
	s12 =	sadd.s32 s7, s25  }
0x12: {  	s14 =	sshrl.u32 s14, $0x3;
	s25 =	sadd.s32 $0x180000, s13;
	s20 =	sadd.s32 $0x40000, s10  }
0x13: {  	[dreg:$0x6] =	wrdreg s12;
	s12 =	sshrl.u32 s26, $0x3;
	s14 =	sadd.s32 s7, s14  }
0x14: {  	s26 =	sadd.s32 $0x1C0000, s13;
	s12 =	sadd.s32 s7, s12;
	[dreg:$0x8] =	wrdreg s14  }
0x15: {  	s14 =	sadd.s32 s9, s17;
	s15 =	sshrl.u32 s26, $0x3;
	s17 =	sadd.s32 $0x40000, s11  }
0x16: {  	s26 =	sadd.s32 $0x100000, s10;
	[dreg:$0x7] =	wrdreg s12;
	s12 =	sshrl.u32 s16, $0x3  }
0x17: {  	s16 =	sadd.s32 $0x80000, s13;
	[dreg:$0x9] =	wrdreg s14;
	s14 =	sshrl.u32 s22, $0x3  }
0x18: {  	s13 =	sadd.s32 $0x200000, s13;
	s22 =	sadd.s32 $0x80000, s10;
	s12 =	sadd.s32 s9, s12  }
0x19: {  	s18 =	sshrl.u32 s16, $0x3;
	s16 =	sshrl.u32 s21, $0x3;
	s24 =	sadd.s32 s9, s14  }
0x1a: {  	s13 =	sshrl.u32 s13, $0x3;
	s21 =	sshrl.u32 s20, $0x3;
	[dreg:$0xa] =	wrdreg s12  }
0x1b: {  	s12 =	sadd.s32 s9, s18;
	s23 =	sadd.s32 s9, s16;
	[dreg:$0xe] =	wrdreg s24  }
0x1c: {  	s16 =	sadd.s32 s9, s13;
	s18 =	sshrl.u32 s11, $0x3;
	[dreg:$0xb] =	wrdreg s12  }
0x1d: {  	s11 =	sadd.s32 $0x80000, s11;
	s24 =	sadd.s32 $0xC0000, s10;
	[dreg:$0xd] =	wrdreg s23  }
0x1e: {  	s12 =	sshrl.u32 s19, $0x3;
	[dreg:$0x11] =	wrdreg s16;
	s13 =	sadd.s32 s7, s18  }
0x1f: {  	s11 =	sshrl.u32 s11, $0x3;
	s19 =	sshrl.u32 s10, $0x3;
	s23 =	sshrl.u32 s22, $0x3  }
0x20: {  	s18 =	smul.u32 $0x3, s0;
	s22 =	smax.u32 s4, $0x1;
	[dreg:$0x12] =	wrdreg s13  }
0x21: {  	s4 =	simm.s32 $0xC00;
	s12 =	sadd.s32 s9, s12;
	[dreg:$0x1e] =	wrdreg s22  }
0x22: {  	s11 =	sadd.s32 s7, s11;
	s13 =	sadd.s32 $0x140000, s10;
	[dreg:$0xc] =	wrdreg s12  }
0x23: {  	s12 =	sshrl.u32 s25, $0x3;
	[dreg:$0x14] =	wrdreg s11;
	s11 =	sadd.s32 s9, s19  }
0x24: {  	s25 =	sshrl.u32 s24, $0x3;
	s14 =	sshrl.u32 s13, $0x3;
	s24 =	sadd.s32 $0x2, s18  }
0x25: {  	s13 =	simm.s32 $0x3;
	s12 =	sadd.s32 s9, s12;
	[dreg:$0x15] =	wrdreg s11  }
0x26: {  	s11 =	sadd.s32 s9, s21;
	[dreg:$0xf] =	wrdreg s12;
	s12 =	sadd.s32 s9, s15  }
0x27: {  	[dreg:$0x16] =	wrdreg s11;
	s11 =	sadd.s32 s9, s23;
	s15 =	sadd.s32 $0x180000, s10  }
0x28: {  	v0 =	vmov s18;
	s23 =	sadd.s32 $0x1, s18;
	s18 =	simm.s32 $0x0;
	[dreg:$0x10] =	wrdreg s12  }
0x29: {  	s12 =	sshrl.u32 s17, $0x3;
	[dreg:$0x17] =	wrdreg s11;
	s11 =	sadd.s32 s9, s25  }
0x2a: {  	s16 =	sshrl.u32 s15, $0x3;
	s17 =	sadd.s32 $0x1C0000, s10;
	s10 =	sadd.s32 $0x200000, s10  }
0x2b: {  	s25 =	sor.u32 $0x800, s8;
	s15 =	simm.s32 $0x12C00;
	s12 =	sadd.s32 s7, s12  }
0x2c: {  	[dreg:$0x18] =	wrdreg s11;
	s19 =	sadd.s32 s9, s16;
	s21 =	sshrl.u32 s10, $0x3  }
0x2d: {  	[dreg:$0x1f] =	wrdreg s25;
	s16 =	simm.s32 $0x5;
	s25 =	simm.s32 $0x2  }
0x2e: {  	s10 =	simm.s32 $0x12400;
	[dreg:$0x13] =	wrdreg s12;
	s12 =	sshrl.u32 s26, $0x3  }
0x2f: {  	[dreg:$0x1b] =	wrdreg s19;
	s0 =	sadd.s32 s9, s21;
	s26 =	sor.u32 $0x3C00, s8  }
.Ltmp0:
0x30: {  	s11 =	sadd.s32 s9, s12;
	[dreg:$0x1d] =	wrdreg s0;
	(pc) =	sbr.rel .LBB2_1-.Ltmp0, $4  }
0x31: {  	s12 =	sshrl.u32 s17, $0x3;
	[smem:$0x7FD] =	sst s26;
	s26 =	simm.s32 $0xC000  }
0x32: {  	s0 =	simm.s32 $0xF000;
	[dreg:$0x19] =	wrdreg s11;
	s11 =	sadd.s32 s9, s14  }
0x33: {  	v3 =	vlaneseq.u32;
	s20 =	sadd.s32 s9, s12;
	s14 =	simm.s32 $0x12000;
	[dreg:$0x1a] =	wrdreg s11  }
0x34: {  	v3 =	vmul.u32 $0x8, v3;
	v2 =	vmov s24;
	v1 =	vmov s23;
	s12 =	simm.s32 $0x4;
	[dreg:$0x1c] =	wrdreg s20;
	s11 =	simm.s32 $0x12800  }
.LBB2_11:
0x35: {  	s18 =	sld [smem:$0x7FC];
	_ =	sdelay $0x2  }
0x36: {  	s17 =	rddreg [dreg:$0x1e];
	s18 =	sadd.s32 $0x1, s18  }
0x37: {  	p0 =	sne.s32 s18, s17  }
.Ltmp1:
0x38: {  	_ = 	snop;
	(pc) =	sbr.rel @!p0 .LBB2_12-.Ltmp1, $1  }
0x39: {  	_ =	sdelay $0x3  }
.LBB2_1:
0x3a: {  	[smem:$0x7FC] =	sst s18  }
0x3b: {  	s17 =	rddreg [dreg:$0x5]  }
0x3c: {  	[tilespmem:s15], [sflag:$0x5] =	stream.linear.gather [hbm4b:s17+s5], $0x10, $0x38;
	[tilespmem:$0x12C10] =	vst v63  }
0x3d: {  	_ =	swait.ge [sflag:s16], $0x10  }
0x3e: {  	[sflag:s16] =	ssyncset.done $0x0  }
0x3f: {  	s20 =	rddreg [dreg:$0x6];
	[sflag:s16] =	ssyncadd.s32 $0xFFFFFFF0  }
0x40: {  	[tilespmem:s5], [sflag:$0x1] =	stream.linear.gather [hbm4b:s20+s5], $0x400, $0x38;
	[tilespmem:$0x12C10] =	vst v63  }
0x41: {  	s22 =	simm.s32 $0x400;
	s21 =	rddreg [dreg:$0x7]  }
0x42: {  	[tilespmem:s22], [sflag:$0x1] =	stream.linear.gather [hbm4b:s21+s5], $0x400, $0x38;
	[tilespmem:$0x12C10] =	vst v63  }
0x43: {  	s24 =	simm.s32 $0x800;
	s23 =	rddreg [dreg:$0x8]  }
0x44: {  	[tilespmem:s24], [sflag:$0x1] =	stream.linear.gather [hbm4b:s23+s5], $0x400, $0x38;
	[tilespmem:$0x12C10] =	vst v63  }
0x45: {  	s19 =	rddreg [dreg:$0x9];
	s20 =	simm.s32 $0x1800  }
0x46: {  	[tilespmem:s20], [sflag:$0x1] =	stream.linear.gather [hbm4b:s19+s5], $0x400, $0x38;
	[tilespmem:$0x12C10] =	vst v63  }
0x47: {  	s21 =	rddreg [dreg:$0xa];
	s22 =	simm.s32 $0x1C00  }
0x48: {  	[tilespmem:s22], [sflag:$0x1] =	stream.linear.gather [hbm4b:s21+s5], $0x400, $0x38;
	[tilespmem:$0x12C10] =	vst v63  }
0x49: {  	s23 =	rddreg [dreg:$0xb];
	s24 =	simm.s32 $0x2000  }
0x4a: {  	[tilespmem:s24], [sflag:$0x1] =	stream.linear.gather [hbm4b:s23+s5], $0x400, $0x38;
	[tilespmem:$0x12C10] =	vst v63  }
0x4b: {  	s19 =	rddreg [dreg:$0xc];
	s20 =	simm.s32 $0x2400  }
0x4c: {  	[tilespmem:s20], [sflag:$0x1] =	stream.linear.gather [hbm4b:s19+s5], $0x400, $0x38;
	[tilespmem:$0x12C10] =	vst v63  }
0x4d: {  	s21 =	rddreg [dreg:$0xd];
	s22 =	simm.s32 $0x2800  }
0x4e: {  	[tilespmem:s22], [sflag:$0x1] =	stream.linear.gather [hbm4b:s21+s5], $0x400, $0x38;
	[tilespmem:$0x12C10] =	vst v63  }
0x4f: {  	s23 =	rddreg [dreg:$0xe];
	s24 =	simm.s32 $0x2C00  }
0x50: {  	[tilespmem:s24], [sflag:$0x1] =	stream.linear.gather [hbm4b:s23+s5], $0x400, $0x38;
	[tilespmem:$0x12C10] =	vst v63  }
0x51: {  	s19 =	rddreg [dreg:$0xf];
	s20 =	simm.s32 $0x3000  }
0x52: {  	[tilespmem:s20], [sflag:$0x1] =	stream.linear.gather [hbm4b:s19+s5], $0x400, $0x38;
	[tilespmem:$0x12C10] =	vst v63  }
0x53: {  	s21 =	rddreg [dreg:$0x10];
	s22 =	simm.s32 $0x3400  }
0x54: {  	[tilespmem:s22], [sflag:$0x1] =	stream.linear.gather [hbm4b:s21+s5], $0x400, $0x38;
	[tilespmem:$0x12C10] =	vst v63  }
0x55: {  	s23 =	rddreg [dreg:$0x11];
	s24 =	simm.s32 $0x3800  }
0x56: {  	[tilespmem:s24], [sflag:$0x1] =	stream.linear.gather [hbm4b:s23+s5], $0x400, $0x38;
	[tilespmem:$0x12C10] =	vst v63  }
0x57: {  	_ =	swait.ge [sflag:s29], $0xC00  }
0x58: {  	[sflag:s29] =	ssyncset.done $0x0  }
0x59: {  	[sflag:s29] =	ssyncadd.s32 $0xFFFFF400  }
0x5a: {  	_ =	swait.ge [sflag:s29], $0x2400  }
0x5b: {  	[sflag:s29] =	ssyncset.done $0x0  }
0x5c: {  	[sflag:s29] =	ssyncadd.s32 $0xFFFFDC00  }
0x5d: {  	[tilespmem:s31], [sflag:$0x3] =	stream.indirect.gather [hbm4b:s6+s30], $0x8, s5, s30, $0xb8;
	[tilespmem:$0x12C10] =	vst v63  }
0x5e: {  	s19 =	simm.s32 $0x9000  }
0x5f: {  	[tilespmem:s19], [sflag:$0x3] =	stream.indirect.gather [hbm4b:s6+s30], $0x8, s30, s30, $0xb8;
	[tilespmem:$0x12C10] =	vst v63  }
0x60: {  	s20 =	rddreg [dreg:$0x12]  }
0x61: {  	[tilespmem:s4], [sflag:$0x2] =	stream.linear.gather [hbm4b:s20+s5], $0x400, $0x38;
	[tilespmem:$0x12C10] =	vst v63  }
0x62: {  	s22 =	simm.s32 $0x1000;
	s21 =	rddreg [dreg:$0x13]  }
0x63: {  	[tilespmem:s22], [sflag:$0x2] =	stream.linear.gather [hbm4b:s21+s5], $0x400, $0x38;
	[tilespmem:$0x12C10] =	vst v63  }
0x64: {  	s24 =	simm.s32 $0x1400;
	s23 =	rddreg [dreg:$0x14]  }
0x65: {  	[tilespmem:s24], [sflag:$0x2] =	stream.linear.gather [hbm4b:s23+s5], $0x400, $0x38;
	[tilespmem:$0x12C10] =	vst v63  }
0x66: {  	s19 =	rddreg [dreg:$0x15];
	s20 =	simm.s32 $0x3C00  }
0x67: {  	[tilespmem:s20], [sflag:$0x2] =	stream.linear.gather [hbm4b:s19+s5], $0x400, $0x38;
	[tilespmem:$0x12C10] =	vst v63  }
0x68: {  	s21 =	rddreg [dreg:$0x16];
	s22 =	simm.s32 $0x4000  }
0x69: {  	[tilespmem:s22], [sflag:$0x2] =	stream.linear.gather [hbm4b:s21+s5], $0x400, $0x38;
	[tilespmem:$0x12C10] =	vst v63  }
0x6a: {  	s23 =	rddreg [dreg:$0x17];
	s24 =	simm.s32 $0x4400  }
0x6b: {  	[tilespmem:s24], [sflag:$0x2] =	stream.linear.gather [hbm4b:s23+s5], $0x400, $0x38;
	[tilespmem:$0x12C10] =	vst v63  }
0x6c: {  	s19 =	rddreg [dreg:$0x18];
	s20 =	simm.s32 $0x4800  }
0x6d: {  	[tilespmem:s20], [sflag:$0x2] =	stream.linear.gather [hbm4b:s19+s5], $0x400, $0x38;
	[tilespmem:$0x12C10] =	vst v63  }
0x6e: {  	s21 =	rddreg [dreg:$0x19];
	s22 =	simm.s32 $0x4C00  }
0x6f: {  	[tilespmem:s22], [sflag:$0x2] =	stream.linear.gather [hbm4b:s21+s5], $0x400, $0x38;
	[tilespmem:$0x12C10] =	vst v63  }
0x70: {  	s23 =	rddreg [dreg:$0x1a];
	s24 =	simm.s32 $0x5000  }
0x71: {  	[tilespmem:s24], [sflag:$0x2] =	stream.linear.gather [hbm4b:s23+s5], $0x400, $0x38;
	[tilespmem:$0x12C10] =	vst v63  }
0x72: {  	s19 =	rddreg [dreg:$0x1b];
	s20 =	simm.s32 $0x5400  }
0x73: {  	[tilespmem:s20], [sflag:$0x2] =	stream.linear.gather [hbm4b:s19+s5], $0x400, $0x38;
	[tilespmem:$0x12C10] =	vst v63  }
0x74: {  	s21 =	rddreg [dreg:$0x1c];
	s22 =	simm.s32 $0x5800  }
0x75: {  	[tilespmem:s22], [sflag:$0x2] =	stream.linear.gather [hbm4b:s21+s5], $0x400, $0x38;
	[tilespmem:$0x12C10] =	vst v63  }
0x76: {  	s17 =	simm.s32 $0x0;
	s23 =	rddreg [dreg:$0x1d];
	s24 =	simm.s32 $0x5C00  }
0x77: {  	[tilespmem:s24], [sflag:$0x2] =	stream.linear.gather [hbm4b:s23+s5], $0x400, $0x38;
	[tilespmem:$0x12C10] =	vst v63  }
.LBB2_2:
0x78: {  	_ =	sdelay $0x3  }
0x79: {  	v4 =	vld.idx.msk [tilespmem:v0+s15+$0x0], $0xffff  }
0x7a: {  	v5 =	vld.idx.msk [tilespmem:v1+s15+$0x0], $0xffff  }
0x7b: {  	v6 =	vld.idx.msk [tilespmem:v2+s15+$0x0], $0xffff;
	_ =	swait.ge [sflag:s25], $0xC00  }
0x7c: {  	[sflag:s25] =	ssyncset.done $0x0  }
0x7d: {  	[sflag:s25] =	ssyncadd.s32 $0xFFFFF400  }
0x7e: {  	_ =	swait.ge [sflag:s25], $0x2400  }
0x7f: {  	[sflag:s25] =	ssyncset.done $0x0  }
0x80: {  	s18 =	simm.s32 $0x0;
	[sflag:s25] =	ssyncadd.s32 $0xFFFFDC00  }
0x81: {  	v7 =	vmov s18;
	[tilespmem:s26], [sflag:$0x4] =	stream.indirect.gather [hbm4b:s6+s30], $0x8, s4, s30, $0xb8;
	[tilespmem:$0x12C10] =	vst v63  }
0x82: {  	v7 =	vshll.u32 v7, $0x3  }
0x83: {  	v7 =	vor.u32 v3, v7;
	[tilespmem:s0], [sflag:$0x4] =	stream.indirect.gather [hbm4b:s6+s30], $0x8, s28, s30, $0xb8;
	[tilespmem:$0x12C10] =	vst v63  }
0x84: {  	v8 =	vor.u32 $0x3, v7;
	_ =	swait.ge [sflag:s13], $0x6000  }
0x85: {  	v9 =	vor.u32 $0x1, v7;
	[sflag:s13] =	ssyncset.done $0x0  }
0x86: {  	s18 =	simm.s32 $0x0;
	v10 =	vor.u32 $0x2, v7;
	[sflag:s13] =	ssyncadd.s32 $0xFFFFA000  }
0x87: {  	v12 =	vld [tilespmem:s18+$0x1800]  }
0x88: {  	v13 =	vld.idx.msk [tilespmem:v7+s31+$0x0], $0xffff  }
0x89: {  	v8 =	vld.idx.msk [tilespmem:v8+s31+$0x0], $0xffff  }
0x8a: {  	v14 =	vor.u32 $0x4, v7;
	v9 =	vld.idx.msk [tilespmem:v9+s31+$0x0], $0xffff  }
0x8b: {  	v10 =	vld.idx.msk [tilespmem:v10+s31+$0x0], $0xffff  }
0x8c: {  	v11 =	vld [tilespmem:s18+$0x1C00]  }
0x8d: {  	v15 =	vld [tilespmem:s18+$0x2000]  }
0x8e: {  	v16 =	vand.u32 $0xFFFF0000, v13;
	v13 =	vshll.u32 v13, $0x10  }
0x8f: {  	v14 =	vld.idx.msk [tilespmem:v14+s31+$0x0], $0xffff;
	v17 =	vand.u32 $0xFFFF0000, v9;
	v9 =	vshll.u32 v9, $0x10;
	v18 =	vand.u32 $0xFFFF0000, v8  }
0x90: {  	v19 =	vand.u32 $0xFFFF0000, v10;
	v16 =	vmul.f32 v16, v12;
	v13 =	vmul.f32 v13, v12  }
0x91: {  	v8 =	vshll.u32 v8, $0x10;
	v9 =	vmul.f32 v9, v11;
	v19 =	vmul.f32 v19, v11  }
0x92: {  	v10 =	vshll.u32 v10, $0x10;
	v18 =	vmul.f32 v18, v15;
	v8 =	vmul.f32 v8, v15  }
0x93: {  	v10 =	vmul.f32 v10, v11;
	v12 =	vmul.f32 v17, v12  }
0x94: {  	v9 =	vadd.f32 v9, v16;
	v11 =	vadd.f32 v19, v13;
	v13 =	vand.u32 $0xFFFF0000, v14  }
0x95: {  	v10 =	vadd.f32 v10, v12;
	v13 =	vmul.f32 v13, v15  }
0x96: {  	v9 =	vadd.f32 v18, v9;
	v8 =	vadd.f32 v8, v11  }
0x97: {  	v10 =	vadd.f32 v13, v10  }
0x98: {  	v9 =	vsub.f32 v9, v4;
	v8 =	vsub.f32 v8, v5;
	_ =	sdelay $0x1  }
0x99: {  	v10 =	vsub.f32 v10, v6;
	v11 =	vmul.f32 v9, v9;
	v12 =	vmul.f32 v8, v8;
	_ =	sdelay $0x1  }
0x9a: {  	v11 =	vadd.f32 v12, v11;
	v12 =	vmul.f32 v10, v10;
	_ =	sdelay $0x1  }
0x9b: {  	v11 =	vadd.f32 v11, v12;
	_ =	sdelay $0x1  }
0x9c: {  	v11 =	vmax.f32 v11, $1.000000020e-24  }
0x9d: {  	v12 =	vshra.s32 v11, $0x1;
	v11 =	vmul.f32 $5.000000000e-01, v11  }
0x9e: {  	v7 =	vor.u32 $0x5, v7;
	v12 =	vsub.s32 $0x5F3759DF, v12  }
0x9f: {  	v13 =	vmul.f32 v12, v11;
	_ =	sdelay $0x1  }
0xa0: {  	v13 =	vmul.f32 v12, v13;
	_ =	sdelay $0x1  }
0xa1: {  	v7 =	vld.idx.msk [tilespmem:v7+s31+$0x0], $0xffff;
	v13 =	vsub.f32 $1.500000000e+00, v13;
	_ =	sdelay $0x1  }
0xa2: {  	v12 =	vmul.f32 v12, v13;
	_ =	sdelay $0x1  }
0xa3: {  	v13 =	vshll.u32 v14, $0x10;
	v11 =	vmul.f32 v12, v11  }
0xa4: {  	v14 =	vand.u32 $0xFFFF0000, v7;
	v9 =	vmul.f32 v13, v9  }
0xa5: {  	v7 =	vshll.u32 v7, $0x10;
	v8 =	vmul.f32 v14, v8;
	v11 =	vmul.f32 v11, v12  }
0xa6: {  	s19 =	simm.s32 $0x400;
	v7 =	vmul.f32 v7, v10  }
0xa7: {  	v10 =	vmov s19;
	v8 =	vadd.f32 v8, v9;
	v9 =	vsub.f32 $1.500000000e+00, v11  }
0xa8: {  	v10 =	vshll.u32 v10, $0x3  }
0xa9: {  	v7 =	vadd.f32 v8, v7;
	v8 =	vor.u32 v3, v10;
	v9 =	vmul.f32 v9, v12  }
0xaa: {  	v10 =	vor.u32 $0x1, v8  }
0xab: {  	v12 =	vor.u32 $0x3, v8;
	v7 =	vmul.f32 v9, v7  }
0xac: {  	v11 =	vld [tilespmem:s18+$0x2800];
	v9 =	vor.u32 $0x2, v8  }
0xad: {  	[tilespmem:s18+$0x12000] =	vst v7;
	v7 =	vld [tilespmem:s18+$0x2400]  }
0xae: {  	v13 =	vld.idx.msk [tilespmem:v8+s31+$0x0], $0xffff  }
0xaf: {  	v10 =	vld.idx.msk [tilespmem:v10+s31+$0x0], $0xffff  }
0xb0: {  	v14 =	vor.u32 $0x4, v8;
	v12 =	vld.idx.msk [tilespmem:v12+s31+$0x0], $0xffff  }
0xb1: {  	v9 =	vld.idx.msk [tilespmem:v9+s31+$0x0], $0xffff  }
0xb2: {  	v15 =	vld [tilespmem:s18+$0x2C00];
	_ =	sdelay $0x1  }
0xb3: {  	v54 =	vand.u32 $0xFFFF0000, v13;
	v13 =	vshll.u32 v13, $0x10;
	v55 =	vshll.u32 v10, $0x10  }
0xb4: {  	v14 =	vld.idx.msk [tilespmem:v14+s31+$0x0], $0xffff;
	v57 =	vand.u32 $0xFFFF0000, v12;
	v12 =	vshll.u32 v12, $0x10;
	v16 =	vmul.f32 v54, v7  }
0xb5: {  	v17 =	vmul.f32 v55, v11;
	v13 =	vmul.f32 v13, v7;
	v56 =	vand.u32 $0xFFFF0000, v9  }
0xb6: {  	v10 =	vand.u32 $0xFFFF0000, v10;
	v58 =	vmul.f32 v57, v15;
	v18 =	vmul.f32 v56, v11  }
0xb7: {  	v12 =	vmul.f32 v12, v15;
	v9 =	vshll.u32 v9, $0x10;
	v16 =	vadd.f32 v17, v16  }
0xb8: {  	v7 =	vmul.f32 v10, v7;
	v9 =	vmul.f32 v9, v11;
	v13 =	vadd.f32 v18, v13  }
0xb9: {  	v11 =	vand.u32 $0xFFFF0000, v14;
	v10 =	vadd.f32 v58, v16  }
0xba: {  	v7 =	vadd.f32 v9, v7;
	v9 =	vmul.f32 v11, v15;
	v12 =	vadd.f32 v12, v13  }
0xbb: {  	v10 =	vsub.f32 v10, v4  }
0xbc: {  	v7 =	vadd.f32 v9, v7;
	v11 =	vsub.f32 v12, v5;
	_ =	sdelay $0x1  }
0xbd: {  	v9 =	vmul.f32 v10, v10;
	v7 =	vsub.f32 v7, v6;
	v12 =	vmul.f32 v11, v11;
	_ =	sdelay $0x1  }
0xbe: {  	v9 =	vadd.f32 v12, v9;
	v12 =	vmul.f32 v7, v7;
	_ =	sdelay $0x1  }
0xbf: {  	v9 =	vadd.f32 v9, v12;
	_ =	sdelay $0x1  }
0xc0: {  	v9 =	vmax.f32 v9, $1.000000020e-24  }
0xc1: {  	v8 =	vor.u32 $0x5, v8;
	v12 =	vshra.s32 v9, $0x1;
	v9 =	vmul.f32 $5.000000000e-01, v9  }
0xc2: {  	v12 =	vsub.s32 $0x5F3759DF, v12  }
0xc3: {  	v13 =	vmul.f32 v12, v9;
	_ =	sdelay $0x1  }
0xc4: {  	v13 =	vmul.f32 v12, v13  }
0xc5: {  	v8 =	vld.idx.msk [tilespmem:v8+s31+$0x0], $0xffff  }
0xc6: {  	v13 =	vsub.f32 $1.500000000e+00, v13;
	_ =	sdelay $0x1  }
0xc7: {  	v12 =	vmul.f32 v12, v13;
	_ =	sdelay $0x1  }
0xc8: {  	v13 =	vand.u32 $0xFFFF0000, v8;
	v9 =	vmul.f32 v12, v9  }
0xc9: {  	v11 =	vmul.f32 v13, v11;
	v13 =	vshll.u32 v14, $0x10  }
0xca: {  	v8 =	vshll.u32 v8, $0x10;
	v10 =	vmul.f32 v13, v10;
	v9 =	vmul.f32 v9, v12  }
0xcb: {  	s19 =	simm.s32 $0x800;
	v7 =	vmul.f32 v8, v7  }
0xcc: {  	v8 =	vsub.f32 $1.500000000e+00, v9;
	v9 =	vadd.f32 v11, v10;
	v10 =	vmov s19  }
0xcd: {  	v10 =	vshll.u32 v10, $0x3  }
0xce: {  	v8 =	vmul.f32 v8, v12;
	v7 =	vadd.f32 v9, v7;
	v9 =	vor.u32 v3, v10  }
0xcf: {  	v10 =	vor.u32 $0x1, v9  }
0xd0: {  	v7 =	vmul.f32 v8, v7;
	v8 =	vor.u32 $0x2, v9  }
0xd1: {  	v11 =	vld [tilespmem:s18+$0x3400]  }
0xd2: {  	v12 =	vld [tilespmem:s18+$0x3000];
	v14 =	vor.u32 $0x4, v9;
	[tilespmem:s18+$0x12400] =	vst v7  }
0xd3: {  	v7 =	vor.u32 $0x3, v9;
	v13 =	vld.idx.msk [tilespmem:v9+s31+$0x0], $0xffff  }
0xd4: {  	v10 =	vld.idx.msk [tilespmem:v10+s31+$0x0], $0xffff  }
0xd5: {  	v8 =	vld.idx.msk [tilespmem:v8+s31+$0x0], $0xffff;
	_ =	sdelay $0x1  }
0xd6: {  	v14 =	vld.idx.msk [tilespmem:v14+s31+$0x0], $0xffff  }
0xd7: {  	v7 =	vld.idx.msk [tilespmem:v7+s31+$0x0], $0xffff;
	v59 =	vand.u32 $0xFFFF0000, v13  }
0xd8: {  	v15 =	vld [tilespmem:s18+$0x3800];
	v60 =	vand.u32 $0xFFFF0000, v10;
	v10 =	vshll.u32 v10, $0x10;
	v16 =	vmul.f32 v59, v12  }
0xd9: {  	v61 =	vand.u32 $0xFFFF0000, v8;
	v8 =	vshll.u32 v8, $0x10;
	v10 =	vmul.f32 v10, v11  }
0xda: {  	v13 =	vshll.u32 v13, $0x10;
	v18 =	vmul.f32 v61, v11;
	v8 =	vmul.f32 v8, v11  }
0xdb: {  	v63 =	vand.u32 $0xFFFF0000, v14;
	v11 =	vmul.f32 v13, v12;
	v12 =	vmul.f32 v60, v12  }
0xdc: {  	v62 =	vand.u32 $0xFFFF0000, v7;
	v10 =	vadd.f32 v10, v16;
	v7 =	vshll.u32 v7, $0x10  }
0xdd: {  	v13 =	vmul.f32 v62, v15;
	v11 =	vadd.f32 v18, v11;
	v7 =	vmul.f32 v7, v15  }
0xde: {  	v8 =	vadd.f32 v8, v12;
	v12 =	vmul.f32 v63, v15  }
0xdf: {  	v10 =	vadd.f32 v13, v10;
	v7 =	vadd.f32 v7, v11  }
0xe0: {  	v8 =	vadd.f32 v12, v8  }
0xe1: {  	v9 =	vor.u32 $0x5, v9;
	v11 =	vsub.f32 v10, v4;
	v12 =	vsub.f32 v7, v5;
	_ =	sdelay $0x1  }
0xe2: {  	v8 =	vsub.f32 v8, v6;
	v7 =	vmul.f32 v11, v11;
	v10 =	vmul.f32 v12, v12;
	_ =	sdelay $0x1  }
0xe3: {  	v13 =	vmul.f32 v8, v8;
	v10 =	vadd.f32 v10, v7  }
0xe4: {  	v7 =	vld.idx.msk [tilespmem:v9+s31+$0x0], $0xffff  }
0xe5: {  	v9 =	vadd.f32 v10, v13;
	_ =	sdelay $0x1  }
0xe6: {  	v9 =	vmax.f32 v9, $1.000000020e-24  }
0xe7: {  	v13 =	vshll.u32 v14, $0x10;
	v14 =	vshra.s32 v9, $0x1;
	v10 =	vmul.f32 $5.000000000e-01, v9  }
0xe8: {  	v13 =	vmul.f32 v13, v11;
	v9 =	vand.u32 $0xFFFF0000, v7;
	v11 =	vsub.s32 $0x5F3759DF, v14  }
0xe9: {  	v9 =	vmul.f32 v9, v12;
	v12 =	vmul.f32 v11, v10;
	_ =	sdelay $0x1  }
0xea: {  	s20 =	simm.s32 $0x40;
	v9 =	vadd.f32 v9, v13;
	v12 =	vmul.f32 v11, v12  }
.LBB2_3:
0xeb: {  	p0 =	sne.s32 s20, $0xFC0  }
0xec: {  	s19 =	sadd.s32 $0x10, s19;
	s21 =	smov.u32 s20;
	s20 =	sadd.s32 $0x40, s20  }
0xed: {  	v12 =	vsub.f32 $1.500000000e+00, v12;
	_ =	sdelay $0x1  }
0xee: {  	s22 =	sadd.s32 $0xFFFFF800, s19;
	v11 =	vmul.f32 v11, v12  }
0xef: {  	v12 =	vmov s22  }
0xf0: {  	v12 =	vshll.u32 v12, $0x3;
	v10 =	vmul.f32 v11, v10  }
0xf1: {  	v12 =	vor.u32 v3, v12  }
0xf2: {  	v13 =	vor.u32 $0x1, v12;
	v14 =	vor.u32 $0x2, v12;
	v10 =	vmul.f32 v10, v11  }
0xf3: {  	v7 =	vshll.u32 v7, $0x10;
	v15 =	vor.u32 $0x4, v12;
	v16 =	vor.u32 $0x5, v12  }
0xf4: {  	v7 =	vmul.f32 v7, v8;
	v17 =	vor.u32 $0x3, v12;
	v10 =	vsub.f32 $1.500000000e+00, v10;
	_ =	sdelay $0x1  }
0xf5: {  	v7 =	vadd.f32 v9, v7;
	v8 =	vmul.f32 v10, v11;
	_ =	sdelay $0x1  }
0xf6: {  	s21 =	sshra.s32 s21, $0x2;
	v7 =	vmul.f32 v8, v7  }
0xf7: {  	v8 =	vld [tilespmem:s21+$0x1C00]  }
0xf8: {  	v9 =	vld [tilespmem:s21+$0x1800];
	[tilespmem:s18+$0x12800] =	vst v7;
	s18 =	smov.u32 s21  }
0xf9: {  	v7 =	vld.idx.msk [tilespmem:v17+s31+$0x0], $0xffff  }
0xfa: {  	v10 =	vld.idx.msk [tilespmem:v12+s31+$0x0], $0xffff  }
0xfb: {  	v11 =	vld.idx.msk [tilespmem:v15+s31+$0x0], $0xffff  }
0xfc: {  	v12 =	vld.idx.msk [tilespmem:v13+s31+$0x0], $0xffff  }
0xfd: {  	v13 =	vld.idx.msk [tilespmem:v14+s31+$0x0], $0xffff;
	_ =	sdelay $0x1  }
0xfe: {  	v14 =	vld [tilespmem:s18+$0x2000]  }
0xff: {  	v15 =	vand.u32 $0xFFFF0000, v10;
	v10 =	vshll.u32 v10, $0x10  }
0x100: {  	v17 =	vshll.u32 v11, $0x10;
	v15 =	vmul.f32 v15, v9;
	v10 =	vmul.f32 v10, v9  }
0x101: {  	v19 =	vand.u32 $0xFFFF0000, v7;
	v18 =	vand.u32 $0xFFFF0000, v12;
	v12 =	vshll.u32 v12, $0x10  }
0x102: {  	v20 =	vand.u32 $0xFFFF0000, v13;
	v13 =	vshll.u32 v13, $0x10;
	v12 =	vmul.f32 v12, v8  }
0x103: {  	v7 =	vshll.u32 v7, $0x10;
	v20 =	vmul.f32 v20, v8;
	v19 =	vmul.f32 v19, v14  }
0x104: {  	v8 =	vmul.f32 v13, v8;
	v12 =	vadd.f32 v12, v15;
	v7 =	vmul.f32 v7, v14;
	v16 =	vld.idx.msk [tilespmem:v16+s31+$0x0], $0xffff  }
0x105: {  	v11 =	vand.u32 $0xFFFF0000, v11;
	v9 =	vmul.f32 v18, v9;
	v10 =	vadd.f32 v20, v10  }
0x106: {  	v11 =	vmul.f32 v11, v14;
	v12 =	vadd.f32 v19, v12  }
0x107: {  	v8 =	vadd.f32 v8, v9;
	v7 =	vadd.f32 v7, v10  }
0x108: {  	v9 =	vsub.f32 v12, v4  }
0x109: {  	v8 =	vadd.f32 v11, v8;
	v7 =	vsub.f32 v7, v5  }
0x10a: {  	v10 =	vand.u32 $0xFFFF0000, v16;
	v11 =	vmul.f32 v17, v9  }
0x10b: {  	v8 =	vsub.f32 v8, v6;
	v9 =	vmul.f32 v9, v9;
	v12 =	vmul.f32 v7, v7  }
0x10c: {  	v7 =	vmul.f32 v10, v7  }
0x10d: {  	v10 =	vmul.f32 v8, v8;
	v9 =	vadd.f32 v12, v9  }
0x10e: {  	v7 =	vadd.f32 v7, v11  }
0x10f: {  	v9 =	vadd.f32 v9, v10;
	_ =	sdelay $0x1  }
0x110: {  	v9 =	vmax.f32 v9, $1.000000020e-24  }
0x111: {  	v10 =	vshra.s32 v9, $0x1;
	v9 =	vmul.f32 $5.000000000e-01, v9  }
0x112: {  	v10 =	vsub.s32 $0x5F3759DF, v10  }
0x113: {  	v11 =	vmul.f32 v10, v9;
	_ =	sdelay $0x1  }
0x114: {  	v11 =	vmul.f32 v10, v11;
	_ =	sdelay $0x1  }
0x115: {  	v11 =	vsub.f32 $1.500000000e+00, v11;
	_ =	sdelay $0x1  }
0x116: {  	v10 =	vmul.f32 v10, v11;
	_ =	sdelay $0x1  }
0x117: {  	v9 =	vmul.f32 v10, v9;
	_ =	sdelay $0x1  }
0x118: {  	v9 =	vmul.f32 v9, v10  }
0x119: {  	s21 =	sadd.s32 $0xFFFFFC00, s19;
	v11 =	vshll.u32 v16, $0x10  }
0x11a: {  	v8 =	vmul.f32 v11, v8;
	v11 =	vmov s21;
	v9 =	vsub.f32 $1.500000000e+00, v9  }
0x11b: {  	v11 =	vshll.u32 v11, $0x3  }
0x11c: {  	v7 =	vadd.f32 v7, v8;
	v8 =	vor.u32 v3, v11;
	v9 =	vmul.f32 v9, v10  }
0x11d: {  	v10 =	vor.u32 $0x1, v8  }
0x11e: {  	v7 =	vmul.f32 v9, v7;
	v9 =	vor.u32 $0x2, v8  }
0x11f: {  	v11 =	vor.u32 $0x3, v8;
	v12 =	vld [tilespmem:s18+$0x2800]  }
0x120: {  	[tilespmem:s18+$0x12000] =	vst v7;
	v7 =	vld [tilespmem:s18+$0x2400]  }
0x121: {  	v13 =	vld.idx.msk [tilespmem:v8+s31+$0x0], $0xffff  }
0x122: {  	v10 =	vld.idx.msk [tilespmem:v10+s31+$0x0], $0xffff  }
0x123: {  	v9 =	vld.idx.msk [tilespmem:v9+s31+$0x0], $0xffff  }
0x124: {  	v14 =	vor.u32 $0x4, v8;
	v11 =	vld.idx.msk [tilespmem:v11+s31+$0x0], $0xffff;
	_ =	sdelay $0x1  }
0x125: {  	v15 =	vld [tilespmem:s18+$0x2C00]  }
0x126: {  	v16 =	vand.u32 $0xFFFF0000, v13;
	v13 =	vshll.u32 v13, $0x10  }
0x127: {  	v17 =	vshll.u32 v10, $0x10;
	v16 =	vmul.f32 v16, v7;
	v13 =	vmul.f32 v13, v7  }
0x128: {  	v18 =	vand.u32 $0xFFFF0000, v9;
	v17 =	vmul.f32 v17, v12;
	v14 =	vld.idx.msk [tilespmem:v14+s31+$0x0], $0xffff  }
0x129: {  	v8 =	vor.u32 $0x5, v8;
	v19 =	vand.u32 $0xFFFF0000, v11;
	v18 =	vmul.f32 v18, v12  }
0x12a: {  	v11 =	vshll.u32 v11, $0x10;
	v16 =	vadd.f32 v17, v16;
	v17 =	vmul.f32 v19, v15  }
0x12b: {  	v13 =	vadd.f32 v18, v13;
	v11 =	vmul.f32 v11, v15  }
0x12c: {  	v10 =	vand.u32 $0xFFFF0000, v10;
	v9 =	vshll.u32 v9, $0x10;
	v16 =	vadd.f32 v17, v16  }
0x12d: {  	v7 =	vmul.f32 v10, v7;
	v9 =	vmul.f32 v9, v12;
	v11 =	vadd.f32 v11, v13  }
0x12e: {  	v10 =	vand.u32 $0xFFFF0000, v14;
	v8 =	vld.idx.msk [tilespmem:v8+s31+$0x0], $0xffff;
	v12 =	vsub.f32 v16, v4  }
0x12f: {  	v7 =	vadd.f32 v9, v7;
	v9 =	vmul.f32 v10, v15;
	v10 =	vsub.f32 v11, v5;
	_ =	sdelay $0x1  }
0x130: {  	v7 =	vadd.f32 v9, v7;
	v9 =	vmul.f32 v12, v12;
	v11 =	vmul.f32 v10, v10;
	_ =	sdelay $0x1  }
0x131: {  	v7 =	vsub.f32 v7, v6;
	v9 =	vadd.f32 v11, v9  }
0x132: {  	v11 =	vshll.u32 v8, $0x10  }
0x133: {  	v8 =	vand.u32 $0xFFFF0000, v8;
	v13 =	vmul.f32 v7, v7;
	v7 =	vmul.f32 v11, v7  }
0x134: {  	v8 =	vmul.f32 v8, v10  }
0x135: {  	v9 =	vadd.f32 v9, v13;
	_ =	sdelay $0x1  }
0x136: {  	v9 =	vmax.f32 v9, $1.000000020e-24  }
0x137: {  	v10 =	vshra.s32 v9, $0x1;
	v9 =	vmul.f32 $5.000000000e-01, v9  }
0x138: {  	v10 =	vsub.s32 $0x5F3759DF, v10  }
0x139: {  	v11 =	vmul.f32 v10, v9;
	_ =	sdelay $0x1  }
0x13a: {  	v11 =	vmul.f32 v10, v11;
	_ =	sdelay $0x1  }
0x13b: {  	v11 =	vsub.f32 $1.500000000e+00, v11;
	_ =	sdelay $0x1  }
0x13c: {  	v10 =	vmul.f32 v10, v11;
	_ =	sdelay $0x1  }
0x13d: {  	v9 =	vmul.f32 v10, v9  }
0x13e: {  	v11 =	vshll.u32 v14, $0x10  }
0x13f: {  	v11 =	vmul.f32 v11, v12;
	v9 =	vmul.f32 v9, v10;
	_ =	sdelay $0x1  }
0x140: {  	v8 =	vadd.f32 v8, v11;
	v11 =	vmov s19;
	v9 =	vsub.f32 $1.500000000e+00, v9  }
0x141: {  	v11 =	vshll.u32 v11, $0x3  }
0x142: {  	v7 =	vadd.f32 v8, v7;
	v8 =	vor.u32 v3, v11;
	v9 =	vmul.f32 v9, v10  }
0x143: {  	v10 =	vor.u32 $0x1, v8  }
0x144: {  	v7 =	vmul.f32 v9, v7;
	v9 =	vor.u32 $0x2, v8  }
0x145: {  	v11 =	vor.u32 $0x3, v8;
	v12 =	vld [tilespmem:s18+$0x3400]  }
0x146: {  	[tilespmem:s18+$0x12400] =	vst v7;
	v7 =	vor.u32 $0x4, v8;
	v13 =	vld [tilespmem:s18+$0x3000]  }
0x147: {  	v14 =	vld.idx.msk [tilespmem:v8+s31+$0x0], $0xffff  }
0x148: {  	v10 =	vld.idx.msk [tilespmem:v10+s31+$0x0], $0xffff  }
0x149: {  	v9 =	vld.idx.msk [tilespmem:v9+s31+$0x0], $0xffff  }
0x14a: {  	v11 =	vld.idx.msk [tilespmem:v11+s31+$0x0], $0xffff  }
0x14b: {  	v15 =	vld.idx.msk [tilespmem:v7+s31+$0x0], $0xffff  }
0x14c: {  	v16 =	vld [tilespmem:s18+$0x3800]  }
0x14d: {  	v7 =	vor.u32 $0x5, v8;
	v8 =	vand.u32 $0xFFFF0000, v14;
	v14 =	vshll.u32 v14, $0x10  }
0x14e: {  	v17 =	vand.u32 $0xFFFF0000, v10;
	v10 =	vshll.u32 v10, $0x10;
	v8 =	vmul.f32 v8, v13  }
0x14f: {  	v18 =	vand.u32 $0xFFFF0000, v9;
	v9 =	vshll.u32 v9, $0x10;
	v10 =	vmul.f32 v10, v12  }
0x150: {  	v19 =	vand.u32 $0xFFFF0000, v11;
	v18 =	vmul.f32 v18, v12;
	v9 =	vmul.f32 v9, v12  }
0x151: {  	v12 =	vmul.f32 v14, v13;
	v8 =	vadd.f32 v10, v8;
	v10 =	vmul.f32 v19, v16  }
0x152: {  	v11 =	vshll.u32 v11, $0x10;
	v13 =	vmul.f32 v17, v13;
	v14 =	vand.u32 $0xFFFF0000, v15;
	v7 =	vld.idx.msk [tilespmem:v7+s31+$0x0], $0xffff  }
0x153: {  	v11 =	vmul.f32 v11, v16;
	v8 =	vadd.f32 v10, v8;
	v10 =	vadd.f32 v18, v12  }
0x154: {  	v9 =	vadd.f32 v9, v13;
	v12 =	vmul.f32 v14, v16  }
0x155: {  	v10 =	vadd.f32 v11, v10;
	v11 =	vsub.f32 v8, v4  }
0x156: {  	v8 =	vadd.f32 v12, v9  }
0x157: {  	v9 =	vshll.u32 v15, $0x10;
	v10 =	vsub.f32 v10, v5;
	v12 =	vmul.f32 v11, v11  }
0x158: {  	v13 =	vand.u32 $0xFFFF0000, v7;
	v8 =	vsub.f32 v8, v6;
	v9 =	vmul.f32 v9, v11  }
0x159: {  	v11 =	vmul.f32 v10, v10;
	v10 =	vmul.f32 v13, v10  }
0x15a: {  	v13 =	vmul.f32 v8, v8  }
0x15b: {  	v11 =	vadd.f32 v11, v12;
	v9 =	vadd.f32 v10, v9;
	_ =	sdelay $0x1  }
0x15c: {  	v10 =	vadd.f32 v11, v13;
	_ =	sdelay $0x1  }
0x15d: {  	v10 =	vmax.f32 v10, $1.000000020e-24  }
.Ltmp2:
0x15e: {  	v11 =	vshra.s32 v10, $0x1;
	v10 =	vmul.f32 $5.000000000e-01, v10;
	(pc) =	sbr.rel @p0 .LBB2_3-.Ltmp2, $3  }
0x15f: {  	v11 =	vsub.s32 $0x5F3759DF, v11  }
0x160: {  	v12 =	vmul.f32 v11, v10;
	_ =	sdelay $0x1  }
0x161: {  	v12 =	vmul.f32 v11, v12  }
0x162: {  	_ = 	snop  }
0x163: {  	v4 =	vsub.f32 $1.500000000e+00, v12;
	_ =	sdelay $0x1  }
0x164: {  	v4 =	vmul.f32 v11, v4;
	_ =	sdelay $0x1  }
0x165: {  	v5 =	vmul.f32 v4, v10;
	_ =	sdelay $0x1  }
0x166: {  	v5 =	vmul.f32 v5, v4  }
0x167: {  	v6 =	vshll.u32 v7, $0x10  }
0x168: {  	v6 =	vmul.f32 v6, v8;
	v5 =	vsub.f32 $1.500000000e+00, v5;
	_ =	sdelay $0x1  }
0x169: {  	v4 =	vmul.f32 v5, v4;
	v5 =	vadd.f32 v9, v6  }
0x16a: {  	s19 =	sshll.u32 s17, $0xB  }
0x16b: {  	s20 =	sor.u32 s8, s19;
	v4 =	vmul.f32 v4, v5  }
0x16c: {  	s21 =	sshrl.u32 s20, $0x3  }
0x16d: {  	s22 =	sadd.s32 s1, s21;
	[tilespmem:s18+$0x12800] =	vst v4  }
0x16e: {  	[hbm4b:s22+s5] =	stream.linear.scatter [tilespmem:s14], [sflag:$0x5], $0x400, $0x38;
	[tilespmem:$0x12C10] =	vst v63  }
0x16f: {  	_ =	swait.ge [sflag:s16], $0x400  }
0x170: {  	[sflag:s16] =	ssyncset.done $0x0  }
0x171: {  	s23 =	sadd.s32 s2, s21;
	[sflag:s16] =	ssyncadd.s32 $0xFFFFFC00  }
0x172: {  	[hbm4b:s23+s5] =	stream.linear.scatter [tilespmem:s10], [sflag:$0x5], $0x400, $0x38;
	[tilespmem:$0x12C10] =	vst v63  }
0x173: {  	_ =	swait.ge [sflag:s16], $0x400  }
0x174: {  	p0 =	sne.s32 s17, $0x7;
	[sflag:s16] =	ssyncset.done $0x0  }
.Ltmp3:
0x175: {  	s24 =	sadd.s32 s3, s21;
	[sflag:s16] =	ssyncadd.s32 $0xFFFFFC00;
	(pc) =	sbr.rel @p0 .LBB2_6-.Ltmp3, $4  }
0x176: {  	[hbm4b:s24+s5] =	stream.linear.scatter [tilespmem:s11], [sflag:$0x5], $0x400, $0x38;
	[tilespmem:$0x12C10] =	vst v63  }
0x177: {  	_ =	swait.ge [sflag:s16], $0x400  }
0x178: {  	[sflag:s16] =	ssyncset.done $0x0  }
0x179: {  	[sflag:s16] =	ssyncadd.s32 $0xFFFFFC00  }
0x17a: {  	_ =	sdelay $0x1  }
.Ltmp4:
0x17b: {  	_ = 	snop;
	(pc) =	sbr.rel .LBB2_7-.Ltmp4, $4  }
0x17c: {  	_ = 	snop  }
0x17d: {  	v4 =	vld.idx.msk [tilespmem:v0+s15+$0x0], $0xffff  }
0x17e: {  	v5 =	vld.idx.msk [tilespmem:v1+s15+$0x0], $0xffff  }
0x17f: {  	v6 =	vld.idx.msk [tilespmem:v2+s15+$0x0], $0xffff;
	s18 =	simm.s32 $0x4400;
	s19 =	sld [smem:$0x7FD]  }
.LBB2_6:
0x180: {  	s18 =	rddreg [dreg:$0x1f]  }
0x181: {  	s18 =	sadd.s32 s19, s18  }
0x182: {  	s21 =	sshrl.u32 s18, $0x12  }
0x183: {  	s22 =	smul.u32 $0xC0000, s21  }
0x184: {  	s18 =	sand.u32 $0x3F800, s18  }
0x185: {  	s22 =	sor.u32 s18, s22  }
0x186: {  	s23 =	sshrl.u32 s22, $0x3  }
0x187: {  	s21 =	smul.u32 $0x240000, s21;
	s24 =	sadd.s32 $0x40000, s22;
	s23 =	sadd.s32 s7, s23  }
0x188: {  	[tilespmem:s5], [sflag:$0x1] =	stream.linear.gather [hbm4b:s23+s5], $0x400, $0x38;
	[tilespmem:$0x12C10] =	vst v63  }
0x189: {  	s18 =	sor.u32 s18, s21;
	s22 =	sadd.s32 $0x80000, s22;
	s23 =	sshrl.u32 s24, $0x3  }
0x18a: {  	s22 =	sshrl.u32 s22, $0x3;
	s24 =	simm.s32 $0x400;
	s23 =	sadd.s32 s7, s23  }
0x18b: {  	[tilespmem:s24], [sflag:$0x1] =	stream.linear.gather [hbm4b:s23+s5], $0x400, $0x38;
	[tilespmem:$0x12C10] =	vst v63  }
0x18c: {  	s21 =	sshrl.u32 s18, $0x3;
	s22 =	sadd.s32 s7, s22;
	s24 =	simm.s32 $0x800  }
0x18d: {  	[tilespmem:s24], [sflag:$0x1] =	stream.linear.gather [hbm4b:s22+s5], $0x400, $0x38;
	[tilespmem:$0x12C10] =	vst v63  }
0x18e: {  	s21 =	sadd.s32 s9, s21;
	s23 =	sadd.s32 $0x40000, s18;
	s24 =	simm.s32 $0x1800  }
0x18f: {  	[tilespmem:s24], [sflag:$0x1] =	stream.linear.gather [hbm4b:s21+s5], $0x400, $0x38;
	[tilespmem:$0x12C10] =	vst v63  }
0x190: {  	s21 =	sshrl.u32 s23, $0x3  }
0x191: {  	s24 =	simm.s32 $0x1C00;
	s23 =	sadd.s32 $0x80000, s18;
	s21 =	sadd.s32 s9, s21  }
0x192: {  	[tilespmem:s24], [sflag:$0x1] =	stream.linear.gather [hbm4b:s21+s5], $0x400, $0x38;
	[tilespmem:$0x12C10] =	vst v63  }
0x193: {  	s21 =	sshrl.u32 s23, $0x3  }
0x194: {  	s24 =	simm.s32 $0x2000;
	s23 =	sadd.s32 $0xC0000, s18;
	s21 =	sadd.s32 s9, s21  }
0x195: {  	[tilespmem:s24], [sflag:$0x1] =	stream.linear.gather [hbm4b:s21+s5], $0x400, $0x38;
	[tilespmem:$0x12C10] =	vst v63  }
0x196: {  	s21 =	sshrl.u32 s23, $0x3  }
0x197: {  	s24 =	simm.s32 $0x2400;
	s23 =	sadd.s32 $0x100000, s18;
	s21 =	sadd.s32 s9, s21  }
0x198: {  	[tilespmem:s24], [sflag:$0x1] =	stream.linear.gather [hbm4b:s21+s5], $0x400, $0x38;
	[tilespmem:$0x12C10] =	vst v63  }
0x199: {  	s21 =	sshrl.u32 s23, $0x3  }
0x19a: {  	s24 =	simm.s32 $0x2800;
	s23 =	sadd.s32 $0x140000, s18;
	s21 =	sadd.s32 s9, s21  }
0x19b: {  	[tilespmem:s24], [sflag:$0x1] =	stream.linear.gather [hbm4b:s21+s5], $0x400, $0x38;
	[tilespmem:$0x12C10] =	vst v63  }
0x19c: {  	s21 =	sshrl.u32 s23, $0x3  }
0x19d: {  	s24 =	simm.s32 $0x2C00;
	s23 =	sadd.s32 $0x180000, s18;
	s21 =	sadd.s32 s9, s21  }
0x19e: {  	[tilespmem:s24], [sflag:$0x1] =	stream.linear.gather [hbm4b:s21+s5], $0x400, $0x38;
	[tilespmem:$0x12C10] =	vst v63  }
0x19f: {  	s21 =	sshrl.u32 s23, $0x3  }
0x1a0: {  	s24 =	simm.s32 $0x3000;
	s23 =	sadd.s32 $0x1C0000, s18;
	s21 =	sadd.s32 s9, s21  }
0x1a1: {  	[tilespmem:s24], [sflag:$0x1] =	stream.linear.gather [hbm4b:s21+s5], $0x400, $0x38;
	[tilespmem:$0x12C10] =	vst v63  }
0x1a2: {  	s18 =	sadd.s32 $0x200000, s18;
	s21 =	sshrl.u32 s23, $0x3  }
0x1a3: {  	s18 =	sshrl.u32 s18, $0x3;
	s24 =	simm.s32 $0x3400;
	s21 =	sadd.s32 s9, s21  }
0x1a4: {  	[tilespmem:s24], [sflag:$0x1] =	stream.linear.gather [hbm4b:s21+s5], $0x400, $0x38;
	[tilespmem:$0x12C10] =	vst v63  }
0x1a5: {  	s18 =	sadd.s32 s9, s18;
	s23 =	simm.s32 $0x3800  }
0x1a6: {  	[tilespmem:s23], [sflag:$0x1] =	stream.linear.gather [hbm4b:s18+s5], $0x400, $0x38;
	[tilespmem:$0x12C10] =	vst v63  }
0x1a7: {  	v4 =	vld.idx.msk [tilespmem:v0+s15+$0x0], $0xffff  }
0x1a8: {  	v5 =	vld.idx.msk [tilespmem:v1+s15+$0x0], $0xffff  }
0x1a9: {  	v6 =	vld.idx.msk [tilespmem:v2+s15+$0x0], $0xffff;
	_ =	swait.ge [sflag:s29], $0xC00  }
0x1aa: {  	[sflag:s29] =	ssyncset.done $0x0  }
0x1ab: {  	[sflag:s29] =	ssyncadd.s32 $0xFFFFF400  }
0x1ac: {  	_ =	swait.ge [sflag:s29], $0x2400  }
0x1ad: {  	[sflag:s29] =	ssyncset.done $0x0  }
0x1ae: {  	[sflag:s29] =	ssyncadd.s32 $0xFFFFDC00  }
0x1af: {  	[tilespmem:s31], [sflag:$0x3] =	stream.indirect.gather [hbm4b:s6+s30], $0x8, s5, s30, $0xb8;
	[tilespmem:$0x12C10] =	vst v63  }
0x1b0: {  	s24 =	simm.s32 $0x9000;
	s18 =	sadd.s32 $0xC00, s19;
	s19 =	sor.u32 $0x400, s20  }
0x1b1: {  	[tilespmem:s24], [sflag:$0x3] =	stream.indirect.gather [hbm4b:s6+s30], $0x8, s30, s30, $0xb8;
	[tilespmem:$0x12C10] =	vst v63  }
.LBB2_7:
0x1b2: {  	s20 =	simm.s32 $0x0  }
0x1b3: {  	v7 =	vmov s20  }
0x1b4: {  	v7 =	vshll.u32 v7, $0x3  }
0x1b5: {  	v7 =	vor.u32 v3, v7  }
0x1b6: {  	_ =	swait.ge [sflag:s12], $0x6000;
	v8 =	vor.u32 $0x3, v7  }
0x1b7: {  	[sflag:s12] =	ssyncset.done $0x0;
	v9 =	vor.u32 $0x1, v7  }
0x1b8: {  	s20 =	simm.s32 $0x0;
	[sflag:s12] =	ssyncadd.s32 $0xFFFFA000;
	v10 =	vor.u32 $0x2, v7  }
0x1b9: {  	v12 =	vld [tilespmem:s20+$0x3C00]  }
0x1ba: {  	v13 =	vld.idx.msk [tilespmem:v7+s26+$0x0], $0xffff  }
0x1bb: {  	v8 =	vld.idx.msk [tilespmem:v8+s26+$0x0], $0xffff  }
0x1bc: {  	v14 =	vor.u32 $0x4, v7;
	v9 =	vld.idx.msk [tilespmem:v9+s26+$0x0], $0xffff  }
0x1bd: {  	v10 =	vld.idx.msk [tilespmem:v10+s26+$0x0], $0xffff  }
0x1be: {  	v11 =	vld [tilespmem:s20+$0x4000]  }
0x1bf: {  	v15 =	vld [tilespmem:s20+$0x4400]  }
0x1c0: {  	v16 =	vand.u32 $0xFFFF0000, v13;
	v13 =	vshll.u32 v13, $0x10  }
0x1c1: {  	v14 =	vld.idx.msk [tilespmem:v14+s26+$0x0], $0xffff;
	v16 =	vmul.f32 v16, v12;
	v13 =	vmul.f32 v13, v12;
	v17 =	vand.u32 $0xFFFF0000, v9  }
0x1c2: {  	v9 =	vshll.u32 v9, $0x10;
	v18 =	vand.u32 $0xFFFF0000, v8;
	v19 =	vand.u32 $0xFFFF0000, v10  }
0x1c3: {  	v8 =	vshll.u32 v8, $0x10;
	v9 =	vmul.f32 v9, v11;
	v19 =	vmul.f32 v19, v11  }
0x1c4: {  	v10 =	vshll.u32 v10, $0x10;
	v18 =	vmul.f32 v18, v15;
	v8 =	vmul.f32 v8, v15  }
0x1c5: {  	v10 =	vmul.f32 v10, v11;
	v12 =	vmul.f32 v17, v12  }
0x1c6: {  	v9 =	vadd.f32 v9, v16;
	v11 =	vadd.f32 v19, v13;
	v13 =	vand.u32 $0xFFFF0000, v14  }
0x1c7: {  	v10 =	vadd.f32 v10, v12;
	v13 =	vmul.f32 v13, v15  }
0x1c8: {  	v9 =	vadd.f32 v18, v9;
	v8 =	vadd.f32 v8, v11  }
0x1c9: {  	v10 =	vadd.f32 v13, v10  }
0x1ca: {  	v9 =	vsub.f32 v9, v4;
	v8 =	vsub.f32 v8, v5;
	_ =	sdelay $0x1  }
0x1cb: {  	v10 =	vsub.f32 v10, v6;
	v11 =	vmul.f32 v9, v9;
	v12 =	vmul.f32 v8, v8;
	_ =	sdelay $0x1  }
0x1cc: {  	v11 =	vadd.f32 v12, v11;
	v12 =	vmul.f32 v10, v10;
	_ =	sdelay $0x1  }
0x1cd: {  	v11 =	vadd.f32 v11, v12;
	_ =	sdelay $0x1  }
0x1ce: {  	v11 =	vmax.f32 v11, $1.000000020e-24  }
0x1cf: {  	v12 =	vshra.s32 v11, $0x1;
	v11 =	vmul.f32 $5.000000000e-01, v11  }
0x1d0: {  	v7 =	vor.u32 $0x5, v7;
	v12 =	vsub.s32 $0x5F3759DF, v12  }
0x1d1: {  	v13 =	vmul.f32 v12, v11;
	_ =	sdelay $0x1  }
0x1d2: {  	v13 =	vmul.f32 v12, v13;
	_ =	sdelay $0x1  }
0x1d3: {  	v7 =	vld.idx.msk [tilespmem:v7+s26+$0x0], $0xffff;
	v13 =	vsub.f32 $1.500000000e+00, v13;
	_ =	sdelay $0x1  }
0x1d4: {  	v12 =	vmul.f32 v12, v13;
	_ =	sdelay $0x1  }
0x1d5: {  	v13 =	vshll.u32 v14, $0x10;
	v11 =	vmul.f32 v12, v11  }
0x1d6: {  	v14 =	vand.u32 $0xFFFF0000, v7;
	v9 =	vmul.f32 v13, v9  }
0x1d7: {  	v7 =	vshll.u32 v7, $0x10;
	v8 =	vmul.f32 v14, v8;
	v11 =	vmul.f32 v11, v12  }
0x1d8: {  	s21 =	simm.s32 $0x400;
	v7 =	vmul.f32 v7, v10  }
0x1d9: {  	v10 =	vmov s21;
	v8 =	vadd.f32 v8, v9;
	v9 =	vsub.f32 $1.500000000e+00, v11  }
0x1da: {  	v10 =	vshll.u32 v10, $0x3  }
0x1db: {  	v7 =	vadd.f32 v8, v7;
	v8 =	vor.u32 v3, v10;
	v9 =	vmul.f32 v9, v12  }
0x1dc: {  	v10 =	vor.u32 $0x1, v8  }
0x1dd: {  	v12 =	vor.u32 $0x3, v8;
	v7 =	vmul.f32 v9, v7  }
0x1de: {  	v11 =	vld [tilespmem:s20+$0x4C00];
	v9 =	vor.u32 $0x2, v8  }
0x1df: {  	[tilespmem:s20+$0x12000] =	vst v7;
	v7 =	vld [tilespmem:s20+$0x4800]  }
0x1e0: {  	v13 =	vld.idx.msk [tilespmem:v8+s26+$0x0], $0xffff  }
0x1e1: {  	v10 =	vld.idx.msk [tilespmem:v10+s26+$0x0], $0xffff  }
0x1e2: {  	v14 =	vor.u32 $0x4, v8;
	v12 =	vld.idx.msk [tilespmem:v12+s26+$0x0], $0xffff  }
0x1e3: {  	v9 =	vld.idx.msk [tilespmem:v9+s26+$0x0], $0xffff  }
0x1e4: {  	v15 =	vld [tilespmem:s20+$0x5000];
	_ =	sdelay $0x1  }
0x1e5: {  	v54 =	vand.u32 $0xFFFF0000, v13;
	v13 =	vshll.u32 v13, $0x10;
	v55 =	vshll.u32 v10, $0x10  }
0x1e6: {  	v14 =	vld.idx.msk [tilespmem:v14+s26+$0x0], $0xffff;
	v57 =	vand.u32 $0xFFFF0000, v12;
	v12 =	vshll.u32 v12, $0x10;
	v16 =	vmul.f32 v54, v7  }
0x1e7: {  	v17 =	vmul.f32 v55, v11;
	v13 =	vmul.f32 v13, v7;
	v56 =	vand.u32 $0xFFFF0000, v9  }
0x1e8: {  	v10 =	vand.u32 $0xFFFF0000, v10;
	v58 =	vmul.f32 v57, v15;
	v18 =	vmul.f32 v56, v11  }
0x1e9: {  	v12 =	vmul.f32 v12, v15;
	v9 =	vshll.u32 v9, $0x10;
	v16 =	vadd.f32 v17, v16  }
0x1ea: {  	v7 =	vmul.f32 v10, v7;
	v9 =	vmul.f32 v9, v11;
	v13 =	vadd.f32 v18, v13  }
0x1eb: {  	v11 =	vand.u32 $0xFFFF0000, v14;
	v10 =	vadd.f32 v58, v16  }
0x1ec: {  	v7 =	vadd.f32 v9, v7;
	v9 =	vmul.f32 v11, v15;
	v12 =	vadd.f32 v12, v13  }
0x1ed: {  	v10 =	vsub.f32 v10, v4  }
0x1ee: {  	v7 =	vadd.f32 v9, v7;
	v11 =	vsub.f32 v12, v5;
	_ =	sdelay $0x1  }
0x1ef: {  	v9 =	vmul.f32 v10, v10;
	v7 =	vsub.f32 v7, v6;
	v12 =	vmul.f32 v11, v11;
	_ =	sdelay $0x1  }
0x1f0: {  	v9 =	vadd.f32 v12, v9;
	v12 =	vmul.f32 v7, v7;
	_ =	sdelay $0x1  }
0x1f1: {  	v9 =	vadd.f32 v9, v12;
	_ =	sdelay $0x1  }
0x1f2: {  	v9 =	vmax.f32 v9, $1.000000020e-24  }
0x1f3: {  	v8 =	vor.u32 $0x5, v8;
	v12 =	vshra.s32 v9, $0x1;
	v9 =	vmul.f32 $5.000000000e-01, v9  }
0x1f4: {  	v12 =	vsub.s32 $0x5F3759DF, v12  }
0x1f5: {  	v13 =	vmul.f32 v12, v9;
	_ =	sdelay $0x1  }
0x1f6: {  	v13 =	vmul.f32 v12, v13  }
0x1f7: {  	v8 =	vld.idx.msk [tilespmem:v8+s26+$0x0], $0xffff  }
0x1f8: {  	v13 =	vsub.f32 $1.500000000e+00, v13;
	_ =	sdelay $0x1  }
0x1f9: {  	v12 =	vmul.f32 v12, v13;
	_ =	sdelay $0x1  }
0x1fa: {  	v13 =	vand.u32 $0xFFFF0000, v8;
	v9 =	vmul.f32 v12, v9  }
0x1fb: {  	v11 =	vmul.f32 v13, v11;
	v13 =	vshll.u32 v14, $0x10  }
0x1fc: {  	v8 =	vshll.u32 v8, $0x10;
	v10 =	vmul.f32 v13, v10;
	v9 =	vmul.f32 v9, v12  }
0x1fd: {  	s21 =	simm.s32 $0x800;
	v7 =	vmul.f32 v8, v7  }
0x1fe: {  	v8 =	vsub.f32 $1.500000000e+00, v9;
	v9 =	vadd.f32 v11, v10;
	v10 =	vmov s21  }
0x1ff: {  	v10 =	vshll.u32 v10, $0x3  }
0x200: {  	v8 =	vmul.f32 v8, v12;
	v7 =	vadd.f32 v9, v7;
	v9 =	vor.u32 v3, v10  }
0x201: {  	v10 =	vor.u32 $0x1, v9  }
0x202: {  	v7 =	vmul.f32 v8, v7;
	v8 =	vor.u32 $0x2, v9  }
0x203: {  	v11 =	vld [tilespmem:s20+$0x5800]  }
0x204: {  	v12 =	vld [tilespmem:s20+$0x5400];
	v14 =	vor.u32 $0x4, v9;
	[tilespmem:s20+$0x12400] =	vst v7  }
0x205: {  	v7 =	vor.u32 $0x3, v9;
	v13 =	vld.idx.msk [tilespmem:v9+s26+$0x0], $0xffff  }
0x206: {  	v10 =	vld.idx.msk [tilespmem:v10+s26+$0x0], $0xffff  }
0x207: {  	v8 =	vld.idx.msk [tilespmem:v8+s26+$0x0], $0xffff;
	_ =	sdelay $0x1  }
0x208: {  	v14 =	vld.idx.msk [tilespmem:v14+s26+$0x0], $0xffff  }
0x209: {  	v7 =	vld.idx.msk [tilespmem:v7+s26+$0x0], $0xffff;
	v59 =	vand.u32 $0xFFFF0000, v13  }
0x20a: {  	v15 =	vld [tilespmem:s20+$0x5C00];
	v60 =	vand.u32 $0xFFFF0000, v10;
	v10 =	vshll.u32 v10, $0x10;
	v16 =	vmul.f32 v59, v12  }
0x20b: {  	v61 =	vand.u32 $0xFFFF0000, v8;
	v8 =	vshll.u32 v8, $0x10;
	v10 =	vmul.f32 v10, v11  }
0x20c: {  	v13 =	vshll.u32 v13, $0x10;
	v18 =	vmul.f32 v61, v11;
	v8 =	vmul.f32 v8, v11  }
0x20d: {  	v63 =	vand.u32 $0xFFFF0000, v14;
	v11 =	vmul.f32 v13, v12;
	v12 =	vmul.f32 v60, v12  }
0x20e: {  	v62 =	vand.u32 $0xFFFF0000, v7;
	v10 =	vadd.f32 v10, v16;
	v7 =	vshll.u32 v7, $0x10  }
0x20f: {  	v13 =	vmul.f32 v62, v15;
	v11 =	vadd.f32 v18, v11;
	v7 =	vmul.f32 v7, v15  }
0x210: {  	v8 =	vadd.f32 v8, v12;
	v12 =	vmul.f32 v63, v15  }
0x211: {  	v10 =	vadd.f32 v13, v10;
	v7 =	vadd.f32 v7, v11  }
0x212: {  	v8 =	vadd.f32 v12, v8  }
0x213: {  	v9 =	vor.u32 $0x5, v9;
	v11 =	vsub.f32 v10, v4;
	v12 =	vsub.f32 v7, v5;
	_ =	sdelay $0x1  }
0x214: {  	v8 =	vsub.f32 v8, v6;
	v7 =	vmul.f32 v11, v11;
	v10 =	vmul.f32 v12, v12;
	_ =	sdelay $0x1  }
0x215: {  	v13 =	vmul.f32 v8, v8;
	v10 =	vadd.f32 v10, v7  }
0x216: {  	v7 =	vld.idx.msk [tilespmem:v9+s26+$0x0], $0xffff  }
0x217: {  	v9 =	vadd.f32 v10, v13;
	_ =	sdelay $0x1  }
0x218: {  	v9 =	vmax.f32 v9, $1.000000020e-24  }
0x219: {  	v13 =	vshll.u32 v14, $0x10;
	v14 =	vshra.s32 v9, $0x1;
	v10 =	vmul.f32 $5.000000000e-01, v9  }
0x21a: {  	v13 =	vmul.f32 v13, v11;
	v9 =	vand.u32 $0xFFFF0000, v7;
	v11 =	vsub.s32 $0x5F3759DF, v14  }
0x21b: {  	v9 =	vmul.f32 v9, v12;
	v12 =	vmul.f32 v11, v10;
	_ =	sdelay $0x1  }
0x21c: {  	s22 =	simm.s32 $0x40;
	v9 =	vadd.f32 v9, v13;
	v12 =	vmul.f32 v11, v12  }
.LBB2_8:
0x21d: {  	p0 =	sne.s32 s22, $0xFC0  }
0x21e: {  	s21 =	sadd.s32 $0x10, s21;
	s23 =	smov.u32 s22;
	s22 =	sadd.s32 $0x40, s22  }
0x21f: {  	v12 =	vsub.f32 $1.500000000e+00, v12;
	_ =	sdelay $0x1  }
0x220: {  	s24 =	sadd.s32 $0xFFFFF800, s21;
	v11 =	vmul.f32 v11, v12  }
0x221: {  	v12 =	vmov s24  }
0x222: {  	v12 =	vshll.u32 v12, $0x3;
	v10 =	vmul.f32 v11, v10  }
0x223: {  	v12 =	vor.u32 v3, v12  }
0x224: {  	v13 =	vor.u32 $0x1, v12;
	v14 =	vor.u32 $0x2, v12;
	v10 =	vmul.f32 v10, v11  }
0x225: {  	v7 =	vshll.u32 v7, $0x10;
	v15 =	vor.u32 $0x4, v12;
	v16 =	vor.u32 $0x5, v12  }
0x226: {  	v7 =	vmul.f32 v7, v8;
	v17 =	vor.u32 $0x3, v12;
	v10 =	vsub.f32 $1.500000000e+00, v10;
	_ =	sdelay $0x1  }
0x227: {  	v7 =	vadd.f32 v9, v7;
	v8 =	vmul.f32 v10, v11;
	_ =	sdelay $0x1  }
0x228: {  	s23 =	sshra.s32 s23, $0x2;
	v7 =	vmul.f32 v8, v7  }
0x229: {  	v8 =	vld [tilespmem:s23+$0x4000]  }
0x22a: {  	v9 =	vld [tilespmem:s23+$0x3C00];
	[tilespmem:s20+$0x12800] =	vst v7;
	s20 =	smov.u32 s23  }
0x22b: {  	v7 =	vld.idx.msk [tilespmem:v17+s26+$0x0], $0xffff  }
0x22c: {  	v10 =	vld.idx.msk [tilespmem:v12+s26+$0x0], $0xffff  }
0x22d: {  	v11 =	vld.idx.msk [tilespmem:v15+s26+$0x0], $0xffff  }
0x22e: {  	v12 =	vld.idx.msk [tilespmem:v13+s26+$0x0], $0xffff  }
0x22f: {  	v13 =	vld.idx.msk [tilespmem:v14+s26+$0x0], $0xffff;
	_ =	sdelay $0x1  }
0x230: {  	v14 =	vld [tilespmem:s20+$0x4400]  }
0x231: {  	v15 =	vand.u32 $0xFFFF0000, v10;
	v10 =	vshll.u32 v10, $0x10  }
0x232: {  	v17 =	vshll.u32 v11, $0x10;
	v15 =	vmul.f32 v15, v9;
	v10 =	vmul.f32 v10, v9  }
0x233: {  	v19 =	vand.u32 $0xFFFF0000, v7;
	v18 =	vand.u32 $0xFFFF0000, v12;
	v12 =	vshll.u32 v12, $0x10  }
0x234: {  	v20 =	vand.u32 $0xFFFF0000, v13;
	v13 =	vshll.u32 v13, $0x10;
	v12 =	vmul.f32 v12, v8  }
0x235: {  	v7 =	vshll.u32 v7, $0x10;
	v20 =	vmul.f32 v20, v8;
	v19 =	vmul.f32 v19, v14  }
0x236: {  	v8 =	vmul.f32 v13, v8;
	v12 =	vadd.f32 v12, v15;
	v7 =	vmul.f32 v7, v14;
	v16 =	vld.idx.msk [tilespmem:v16+s26+$0x0], $0xffff  }
0x237: {  	v11 =	vand.u32 $0xFFFF0000, v11;
	v9 =	vmul.f32 v18, v9;
	v10 =	vadd.f32 v20, v10  }
0x238: {  	v11 =	vmul.f32 v11, v14;
	v12 =	vadd.f32 v19, v12  }
0x239: {  	v8 =	vadd.f32 v8, v9;
	v7 =	vadd.f32 v7, v10  }
0x23a: {  	v9 =	vsub.f32 v12, v4  }
0x23b: {  	v8 =	vadd.f32 v11, v8;
	v7 =	vsub.f32 v7, v5  }
0x23c: {  	v10 =	vand.u32 $0xFFFF0000, v16;
	v11 =	vmul.f32 v17, v9  }
0x23d: {  	v8 =	vsub.f32 v8, v6;
	v9 =	vmul.f32 v9, v9;
	v12 =	vmul.f32 v7, v7  }
0x23e: {  	v7 =	vmul.f32 v10, v7  }
0x23f: {  	v10 =	vmul.f32 v8, v8;
	v9 =	vadd.f32 v12, v9  }
0x240: {  	v7 =	vadd.f32 v7, v11  }
0x241: {  	v9 =	vadd.f32 v9, v10;
	_ =	sdelay $0x1  }
0x242: {  	v9 =	vmax.f32 v9, $1.000000020e-24  }
0x243: {  	v10 =	vshra.s32 v9, $0x1;
	v9 =	vmul.f32 $5.000000000e-01, v9  }
0x244: {  	v10 =	vsub.s32 $0x5F3759DF, v10  }
0x245: {  	v11 =	vmul.f32 v10, v9;
	_ =	sdelay $0x1  }
0x246: {  	v11 =	vmul.f32 v10, v11;
	_ =	sdelay $0x1  }
0x247: {  	v11 =	vsub.f32 $1.500000000e+00, v11;
	_ =	sdelay $0x1  }
0x248: {  	v10 =	vmul.f32 v10, v11;
	_ =	sdelay $0x1  }
0x249: {  	v9 =	vmul.f32 v10, v9;
	_ =	sdelay $0x1  }
0x24a: {  	v9 =	vmul.f32 v9, v10  }
0x24b: {  	s23 =	sadd.s32 $0xFFFFFC00, s21;
	v11 =	vshll.u32 v16, $0x10  }
0x24c: {  	v8 =	vmul.f32 v11, v8;
	v11 =	vmov s23;
	v9 =	vsub.f32 $1.500000000e+00, v9  }
0x24d: {  	v11 =	vshll.u32 v11, $0x3  }
0x24e: {  	v7 =	vadd.f32 v7, v8;
	v8 =	vor.u32 v3, v11;
	v9 =	vmul.f32 v9, v10  }
0x24f: {  	v10 =	vor.u32 $0x1, v8  }
0x250: {  	v7 =	vmul.f32 v9, v7;
	v9 =	vor.u32 $0x2, v8  }
0x251: {  	v11 =	vor.u32 $0x3, v8;
	v12 =	vld [tilespmem:s20+$0x4C00]  }
0x252: {  	[tilespmem:s20+$0x12000] =	vst v7;
	v7 =	vld [tilespmem:s20+$0x4800]  }
0x253: {  	v13 =	vld.idx.msk [tilespmem:v8+s26+$0x0], $0xffff  }
0x254: {  	v10 =	vld.idx.msk [tilespmem:v10+s26+$0x0], $0xffff  }
0x255: {  	v9 =	vld.idx.msk [tilespmem:v9+s26+$0x0], $0xffff  }
0x256: {  	v14 =	vor.u32 $0x4, v8;
	v11 =	vld.idx.msk [tilespmem:v11+s26+$0x0], $0xffff;
	_ =	sdelay $0x1  }
0x257: {  	v15 =	vld [tilespmem:s20+$0x5000]  }
0x258: {  	v16 =	vand.u32 $0xFFFF0000, v13;
	v13 =	vshll.u32 v13, $0x10  }
0x259: {  	v17 =	vshll.u32 v10, $0x10;
	v16 =	vmul.f32 v16, v7;
	v13 =	vmul.f32 v13, v7  }
0x25a: {  	v18 =	vand.u32 $0xFFFF0000, v9;
	v17 =	vmul.f32 v17, v12;
	v14 =	vld.idx.msk [tilespmem:v14+s26+$0x0], $0xffff  }
0x25b: {  	v8 =	vor.u32 $0x5, v8;
	v19 =	vand.u32 $0xFFFF0000, v11;
	v18 =	vmul.f32 v18, v12  }
0x25c: {  	v11 =	vshll.u32 v11, $0x10;
	v16 =	vadd.f32 v17, v16;
	v17 =	vmul.f32 v19, v15  }
0x25d: {  	v13 =	vadd.f32 v18, v13;
	v11 =	vmul.f32 v11, v15  }
0x25e: {  	v10 =	vand.u32 $0xFFFF0000, v10;
	v9 =	vshll.u32 v9, $0x10;
	v16 =	vadd.f32 v17, v16  }
0x25f: {  	v7 =	vmul.f32 v10, v7;
	v9 =	vmul.f32 v9, v12;
	v11 =	vadd.f32 v11, v13  }
0x260: {  	v10 =	vand.u32 $0xFFFF0000, v14;
	v8 =	vld.idx.msk [tilespmem:v8+s26+$0x0], $0xffff;
	v12 =	vsub.f32 v16, v4  }
0x261: {  	v7 =	vadd.f32 v9, v7;
	v9 =	vmul.f32 v10, v15;
	v10 =	vsub.f32 v11, v5;
	_ =	sdelay $0x1  }
0x262: {  	v7 =	vadd.f32 v9, v7;
	v9 =	vmul.f32 v12, v12;
	v11 =	vmul.f32 v10, v10;
	_ =	sdelay $0x1  }
0x263: {  	v7 =	vsub.f32 v7, v6;
	v9 =	vadd.f32 v11, v9  }
0x264: {  	v11 =	vshll.u32 v8, $0x10  }
0x265: {  	v8 =	vand.u32 $0xFFFF0000, v8;
	v13 =	vmul.f32 v7, v7;
	v7 =	vmul.f32 v11, v7  }
0x266: {  	v8 =	vmul.f32 v8, v10  }
0x267: {  	v9 =	vadd.f32 v9, v13;
	_ =	sdelay $0x1  }
0x268: {  	v9 =	vmax.f32 v9, $1.000000020e-24  }
0x269: {  	v10 =	vshra.s32 v9, $0x1;
	v9 =	vmul.f32 $5.000000000e-01, v9  }
0x26a: {  	v10 =	vsub.s32 $0x5F3759DF, v10  }
0x26b: {  	v11 =	vmul.f32 v10, v9;
	_ =	sdelay $0x1  }
0x26c: {  	v11 =	vmul.f32 v10, v11;
	_ =	sdelay $0x1  }
0x26d: {  	v11 =	vsub.f32 $1.500000000e+00, v11;
	_ =	sdelay $0x1  }
0x26e: {  	v10 =	vmul.f32 v10, v11;
	_ =	sdelay $0x1  }
0x26f: {  	v9 =	vmul.f32 v10, v9  }
0x270: {  	v11 =	vshll.u32 v14, $0x10  }
0x271: {  	v11 =	vmul.f32 v11, v12;
	v9 =	vmul.f32 v9, v10;
	_ =	sdelay $0x1  }
0x272: {  	v8 =	vadd.f32 v8, v11;
	v11 =	vmov s21;
	v9 =	vsub.f32 $1.500000000e+00, v9  }
0x273: {  	v11 =	vshll.u32 v11, $0x3  }
0x274: {  	v7 =	vadd.f32 v8, v7;
	v8 =	vor.u32 v3, v11;
	v9 =	vmul.f32 v9, v10  }
0x275: {  	v10 =	vor.u32 $0x1, v8  }
0x276: {  	v7 =	vmul.f32 v9, v7;
	v9 =	vor.u32 $0x2, v8  }
0x277: {  	v11 =	vor.u32 $0x3, v8;
	v12 =	vld [tilespmem:s20+$0x5800]  }
0x278: {  	[tilespmem:s20+$0x12400] =	vst v7;
	v7 =	vor.u32 $0x4, v8;
	v13 =	vld [tilespmem:s20+$0x5400]  }
0x279: {  	v14 =	vld.idx.msk [tilespmem:v8+s26+$0x0], $0xffff  }
0x27a: {  	v10 =	vld.idx.msk [tilespmem:v10+s26+$0x0], $0xffff  }
0x27b: {  	v9 =	vld.idx.msk [tilespmem:v9+s26+$0x0], $0xffff  }
0x27c: {  	v11 =	vld.idx.msk [tilespmem:v11+s26+$0x0], $0xffff  }
0x27d: {  	v15 =	vld.idx.msk [tilespmem:v7+s26+$0x0], $0xffff  }
0x27e: {  	v16 =	vld [tilespmem:s20+$0x5C00]  }
0x27f: {  	v7 =	vor.u32 $0x5, v8;
	v8 =	vand.u32 $0xFFFF0000, v14;
	v14 =	vshll.u32 v14, $0x10  }
0x280: {  	v17 =	vand.u32 $0xFFFF0000, v10;
	v10 =	vshll.u32 v10, $0x10;
	v8 =	vmul.f32 v8, v13  }
0x281: {  	v18 =	vand.u32 $0xFFFF0000, v9;
	v9 =	vshll.u32 v9, $0x10;
	v10 =	vmul.f32 v10, v12  }
0x282: {  	v19 =	vand.u32 $0xFFFF0000, v11;
	v18 =	vmul.f32 v18, v12;
	v9 =	vmul.f32 v9, v12  }
0x283: {  	v12 =	vmul.f32 v14, v13;
	v8 =	vadd.f32 v10, v8;
	v10 =	vmul.f32 v19, v16  }
0x284: {  	v11 =	vshll.u32 v11, $0x10;
	v13 =	vmul.f32 v17, v13;
	v14 =	vand.u32 $0xFFFF0000, v15;
	v7 =	vld.idx.msk [tilespmem:v7+s26+$0x0], $0xffff  }
0x285: {  	v11 =	vmul.f32 v11, v16;
	v8 =	vadd.f32 v10, v8;
	v10 =	vadd.f32 v18, v12  }
0x286: {  	v9 =	vadd.f32 v9, v13;
	v12 =	vmul.f32 v14, v16  }
0x287: {  	v10 =	vadd.f32 v11, v10;
	v11 =	vsub.f32 v8, v4  }
0x288: {  	v8 =	vadd.f32 v12, v9  }
0x289: {  	v9 =	vshll.u32 v15, $0x10;
	v10 =	vsub.f32 v10, v5;
	v12 =	vmul.f32 v11, v11  }
0x28a: {  	v13 =	vand.u32 $0xFFFF0000, v7;
	v8 =	vsub.f32 v8, v6;
	v9 =	vmul.f32 v9, v11  }
0x28b: {  	v11 =	vmul.f32 v10, v10;
	v10 =	vmul.f32 v13, v10  }
0x28c: {  	v13 =	vmul.f32 v8, v8  }
0x28d: {  	v11 =	vadd.f32 v11, v12;
	v9 =	vadd.f32 v10, v9;
	_ =	sdelay $0x1  }
0x28e: {  	v10 =	vadd.f32 v11, v13;
	_ =	sdelay $0x1  }
0x28f: {  	v10 =	vmax.f32 v10, $1.000000020e-24  }
.Ltmp5:
0x290: {  	v11 =	vshra.s32 v10, $0x1;
	v10 =	vmul.f32 $5.000000000e-01, v10;
	(pc) =	sbr.rel @p0 .LBB2_8-.Ltmp5, $3  }
0x291: {  	v11 =	vsub.s32 $0x5F3759DF, v11  }
0x292: {  	v12 =	vmul.f32 v11, v10;
	_ =	sdelay $0x1  }
0x293: {  	v12 =	vmul.f32 v11, v12  }
0x294: {  	_ = 	snop  }
0x295: {  	v4 =	vsub.f32 $1.500000000e+00, v12;
	_ =	sdelay $0x1  }
0x296: {  	v4 =	vmul.f32 v11, v4;
	_ =	sdelay $0x1  }
0x297: {  	v5 =	vmul.f32 v4, v10;
	_ =	sdelay $0x1  }
0x298: {  	v5 =	vmul.f32 v5, v4  }
0x299: {  	v6 =	vshll.u32 v7, $0x10  }
0x29a: {  	v6 =	vmul.f32 v6, v8;
	v5 =	vsub.f32 $1.500000000e+00, v5;
	_ =	sdelay $0x1  }
0x29b: {  	v4 =	vmul.f32 v5, v4;
	v5 =	vadd.f32 v9, v6;
	_ =	sdelay $0x1  }
0x29c: {  	v4 =	vmul.f32 v4, v5  }
0x29d: {  	s19 =	sshrl.u32 s19, $0x3  }
0x29e: {  	s23 =	sadd.s32 s1, s19;
	[tilespmem:s20+$0x12800] =	vst v4  }
0x29f: {  	[hbm4b:s23+s5] =	stream.linear.scatter [tilespmem:s14], [sflag:$0x5], $0x400, $0x38;
	[tilespmem:$0x12C10] =	vst v63  }
0x2a0: {  	_ =	swait.ge [sflag:s16], $0x400  }
0x2a1: {  	[sflag:s16] =	ssyncset.done $0x0  }
0x2a2: {  	s24 =	sadd.s32 s2, s19;
	[sflag:s16] =	ssyncadd.s32 $0xFFFFFC00  }
0x2a3: {  	[hbm4b:s24+s5] =	stream.linear.scatter [tilespmem:s10], [sflag:$0x5], $0x400, $0x38;
	[tilespmem:$0x12C10] =	vst v63  }
0x2a4: {  	_ =	swait.ge [sflag:s16], $0x400  }
0x2a5: {  	p0 =	seq.s32 s17, $0x7;
	[sflag:s16] =	ssyncset.done $0x0  }
.Ltmp6:
0x2a6: {  	s19 =	sadd.s32 s3, s19;
	[sflag:s16] =	ssyncadd.s32 $0xFFFFFC00;
	(pc) =	sbr.rel @p0 .LBB2_11-.Ltmp6, $4  }
0x2a7: {  	[hbm4b:s19+s5] =	stream.linear.scatter [tilespmem:s11], [sflag:$0x5], $0x400, $0x38;
	[tilespmem:$0x12C10] =	vst v63  }
0x2a8: {  	_ =	swait.ge [sflag:s16], $0x400  }
0x2a9: {  	[sflag:s16] =	ssyncset.done $0x0  }
0x2aa: {  	[sflag:s16] =	ssyncadd.s32 $0xFFFFFC00  }
0x2ab: {  	s18 =	sadd.s32 s8, s18  }
0x2ac: {  	s19 =	sshrl.u32 s18, $0x12  }
0x2ad: {  	s20 =	smul.u32 $0xC0000, s19  }
0x2ae: {  	s18 =	sand.u32 $0x3FC00, s18  }
0x2af: {  	s20 =	sor.u32 s18, s20  }
0x2b0: {  	s21 =	sshrl.u32 s20, $0x3  }
0x2b1: {  	s19 =	smul.u32 $0x240000, s19;
	s23 =	sadd.s32 $0x40000, s20;
	s21 =	sadd.s32 s7, s21  }
0x2b2: {  	[tilespmem:s4], [sflag:$0x2] =	stream.linear.gather [hbm4b:s21+s5], $0x400, $0x38;
	[tilespmem:$0x12C10] =	vst v63  }
0x2b3: {  	s22 =	simm.s32 $0x1000;
	s20 =	sadd.s32 $0x80000, s20;
	s21 =	sshrl.u32 s23, $0x3  }
0x2b4: {  	s18 =	sor.u32 s18, s19;
	s20 =	sshrl.u32 s20, $0x3;
	s21 =	sadd.s32 s7, s21  }
0x2b5: {  	[tilespmem:s22], [sflag:$0x2] =	stream.linear.gather [hbm4b:s21+s5], $0x400, $0x38;
	[tilespmem:$0x12C10] =	vst v63  }
0x2b6: {  	s24 =	simm.s32 $0x1400;
	s19 =	sshrl.u32 s18, $0x3;
	s20 =	sadd.s32 s7, s20  }
0x2b7: {  	[tilespmem:s24], [sflag:$0x2] =	stream.linear.gather [hbm4b:s20+s5], $0x400, $0x38;
	[tilespmem:$0x12C10] =	vst v63  }
0x2b8: {  	s19 =	sadd.s32 s9, s19;
	s23 =	sadd.s32 $0x40000, s18;
	s22 =	simm.s32 $0x3C00  }
0x2b9: {  	[tilespmem:s22], [sflag:$0x2] =	stream.linear.gather [hbm4b:s19+s5], $0x400, $0x38;
	[tilespmem:$0x12C10] =	vst v63  }
0x2ba: {  	s19 =	sshrl.u32 s23, $0x3  }
0x2bb: {  	s21 =	sadd.s32 $0x80000, s18;
	s24 =	simm.s32 $0x4000;
	s19 =	sadd.s32 s9, s19  }
0x2bc: {  	[tilespmem:s24], [sflag:$0x2] =	stream.linear.gather [hbm4b:s19+s5], $0x400, $0x38;
	[tilespmem:$0x12C10] =	vst v63  }
0x2bd: {  	s19 =	sshrl.u32 s21, $0x3  }
0x2be: {  	s22 =	simm.s32 $0x4400;
	s23 =	sadd.s32 $0xC0000, s18;
	s19 =	sadd.s32 s9, s19  }
0x2bf: {  	[tilespmem:s22], [sflag:$0x2] =	stream.linear.gather [hbm4b:s19+s5], $0x400, $0x38;
	[tilespmem:$0x12C10] =	vst v63  }
0x2c0: {  	s19 =	sshrl.u32 s23, $0x3  }
0x2c1: {  	s24 =	simm.s32 $0x4800;
	s21 =	sadd.s32 $0x100000, s18;
	s19 =	sadd.s32 s9, s19  }
0x2c2: {  	[tilespmem:s24], [sflag:$0x2] =	stream.linear.gather [hbm4b:s19+s5], $0x400, $0x38;
	[tilespmem:$0x12C10] =	vst v63  }
0x2c3: {  	s19 =	sshrl.u32 s21, $0x3  }
0x2c4: {  	s22 =	simm.s32 $0x4C00;
	s23 =	sadd.s32 $0x140000, s18;
	s19 =	sadd.s32 s9, s19  }
0x2c5: {  	[tilespmem:s22], [sflag:$0x2] =	stream.linear.gather [hbm4b:s19+s5], $0x400, $0x38;
	[tilespmem:$0x12C10] =	vst v63  }
0x2c6: {  	s19 =	sshrl.u32 s23, $0x3  }
0x2c7: {  	s20 =	sadd.s32 $0x180000, s18;
	s24 =	simm.s32 $0x5000;
	s19 =	sadd.s32 s9, s19  }
0x2c8: {  	[tilespmem:s24], [sflag:$0x2] =	stream.linear.gather [hbm4b:s19+s5], $0x400, $0x38;
	[tilespmem:$0x12C10] =	vst v63  }
0x2c9: {  	s19 =	sshrl.u32 s20, $0x3  }
0x2ca: {  	s21 =	simm.s32 $0x5400;
	s22 =	sadd.s32 $0x1C0000, s18;
	s19 =	sadd.s32 s9, s19  }
0x2cb: {  	[tilespmem:s21], [sflag:$0x2] =	stream.linear.gather [hbm4b:s19+s5], $0x400, $0x38;
	[tilespmem:$0x12C10] =	vst v63  }
.Ltmp7:
0x2cc: {  	s18 =	sadd.s32 $0x200000, s18;
	s19 =	sshrl.u32 s22, $0x3;
	(pc) =	sbr.rel .LBB2_2-.Ltmp7, $4  }
0x2cd: {  	s23 =	simm.s32 $0x5800;
	s18 =	sshrl.u32 s18, $0x3;
	s19 =	sadd.s32 s9, s19  }
0x2ce: {  	[tilespmem:s23], [sflag:$0x2] =	stream.linear.gather [hbm4b:s19+s5], $0x400, $0x38;
	[tilespmem:$0x12C10] =	vst v63  }
0x2cf: {  	s17 =	sadd.s32 $0x1, s17;
	s18 =	sadd.s32 s9, s18;
	s24 =	simm.s32 $0x5C00  }
0x2d0: {  	[tilespmem:s24], [sflag:$0x2] =	stream.linear.gather [hbm4b:s18+s5], $0x400, $0x38;
	[tilespmem:$0x12C10] =	vst v63  }
.LBB2_12:
0x2d1: {  	_ =	sfence.sel $0x180000  }
0x2d2: {  	[bflag:$0x0] =	sbarrier.arrive $0xFFFF  }
0x2d3: {  	_ =	strace $0x9000004A  }
0x2d4: {  	s0 =	stileid.u32;
	[bflag:$0x2] =	sbarrier.arrive $0xFFFF  }
0x2d5: {  	p0 =	sne.s32 s0, $0x0;
	s0 =	rddreg [dreg:$0x4]  }
0x2d6: {  	s0 =	sadd.s32 @!p0 $0x100000, s0  }
0x2d7: {  	[sflag:s0] =	ssyncadd.tile.s32 @!p0 $0x1;
	_ =	shalt  }
.Lfunc_end2:
_tile_overlayer_lowered:
.L_overlay_start_2:
0x2d8: {  	(tag) =	ssettag $0x2  }
0x2d9: {  	s0 =	rddreg [dreg:$0x0];
	s2 =	stileid.u32  }
0x2da: {  	s1 =	rddreg [dreg:$0x1];
	p0 =	sne.s32 s2, $0x0  }
0x2db: {  	s3 =	rddreg [dreg:$0x2];
	[bflag:$0x3] =	sbarrier.arrive $0xFFFF;
	s2 =	simm.s32 @!p0 $0x1C05  }
0x2dc: {  	[timem:s3], [sflag:s2] =	dma.local @!p0 [hbm:s0], s1  }
0x2dd: {  	s0 =	simm.s32 @!p0 $0x5  }
0x2de: {  	_ =	swait.ge @!p0 [sflag:s0], s1  }
0x2df: {  	s1 =	ssub.s32 @!p0 $0x0, s1;
	[sflag:s0] =	ssyncset.done @!p0 $0x0  }
0x2e0: {  	[sflag:s0] =	ssyncadd.s32 @!p0 s1  }
0x2e1: {  	[bflag:$0x3] =	sbarrier.arrive $0xFFFF  }
0x2e2: {  	_ =	shalt  }

</sc_bundles>
